<compile_context>
chip_gen: v7x
topology: tpu7x:2x2x1
jax: 0.10.2.dev20260603
libtpu: 0.0.44.dev20260713+nightly
codegen_flags: <defaults>
</compile_context>

<pallas_src>
import jax
import jax.numpy as jnp
from jax import lax
from jax.experimental import pallas as pl
from jax.experimental.pallas import tpu as pltpu
from jax.experimental.pallas import tpu_sc as plsc

N = 10000
E = 160000
IN = 128
ED = 16
H = 16
OUT = 128
NG = 64
K = 32
CW = 640

_info = plsc.get_sparse_core_info()
_NC = _info.num_cores
_NS = _info.num_subcores
_NW = _NC * _NS
_B = 40
_EW = E // _NW
_ITERS = _EW // _B



def _mm_body(a_ref, w_ref, o_ref):
    o_ref[...] = jnp.dot(a_ref[...], w_ref[...],
                         preferred_element_type=jnp.float32)


def _matmul(a, w, block_rows):
    m, k = a.shape
    _, c = w.shape
    return pl.pallas_call(
        _mm_body,
        grid=(m // block_rows,),
        in_specs=[pl.BlockSpec((block_rows, k), lambda i: (i, 0)),
                  pl.BlockSpec((k, c), lambda i: (0, 0))],
        out_specs=pl.BlockSpec((block_rows, c), lambda i: (i, 0)),
        out_shape=jax.ShapeDtypeStruct((m, c), jnp.float32),
    )(a, w)


def _h_body(ea_ref, w1_ref, b1_ref, w2_ref, b2_ref, h1_ref, h2_ref):
    ea = ea_ref[...]
    h1_ref[...] = jnp.maximum(
        jnp.dot(ea, w1_ref[...], preferred_element_type=jnp.float32)
        + b1_ref[...], 0.0)
    h2_ref[...] = jnp.maximum(
        jnp.dot(ea, w2_ref[...], preferred_element_type=jnp.float32)
        + b2_ref[...], 0.0)


def _edge_mlps(ea, w1, b1, w2, b2):
    br = 4000
    return pl.pallas_call(
        _h_body,
        grid=(E // br,),
        in_specs=[pl.BlockSpec((br, ED), lambda i: (i, 0)),
                  pl.BlockSpec((ED, K), lambda i: (0, 0)),
                  pl.BlockSpec((1, K), lambda i: (0, 0)),
                  pl.BlockSpec((ED, K), lambda i: (0, 0)),
                  pl.BlockSpec((1, K), lambda i: (0, 0))],
        out_specs=[pl.BlockSpec((br, K), lambda i: (i, 0)),
                   pl.BlockSpec((br, K), lambda i: (i, 0))],
        out_shape=[jax.ShapeDtypeStruct((E, K), jnp.float32),
                   jax.ShapeDtypeStruct((E, K), jnp.float32)],
    )(ea, w1, b1.reshape(1, K), w2, b2.reshape(1, K))


def _node_body(sp_ref, xr_ref, bias_ref, g_ref, be_ref, o_ref):
    sp = sp_ref[0] + sp_ref[1]
    s = sp[:, 0:H]
    c = jnp.maximum(sp[:, H:H + 1], 1.0)
    z = xr_ref[...] + s / c + bias_ref[...]
    mu = jnp.mean(z, axis=0, keepdims=True)
    var = jnp.mean((z - mu) * (z - mu), axis=0, keepdims=True)
    o_ref[...] = jnp.maximum(
        (z - mu) * lax.rsqrt(var + 1e-5) * g_ref[...] + be_ref[...], 0.0)


def _node_update(sparts, xr, bias, g, be):
    return pl.pallas_call(
        _node_body,
        in_specs=[pl.BlockSpec((_NC, N, SW), lambda: (0, 0, 0)),
                  pl.BlockSpec((N, H), lambda: (0, 0)),
                  pl.BlockSpec((1, H), lambda: (0, 0)),
                  pl.BlockSpec((1, H), lambda: (0, 0)),
                  pl.BlockSpec((1, H), lambda: (0, 0))],
        out_specs=pl.BlockSpec((N, H), lambda: (0, 0)),
        out_shape=jax.ShapeDtypeStruct((N, H), jnp.float32),
    )(sparts, xr, bias.reshape(1, H), g.reshape(1, H),
      be.reshape(1, H))


def _pool_body(x2_ref, batch_ref, wl_ref, bl_ref, o_ref):
    x2 = x2_ref[...]
    b = batch_ref[...]
    gids = lax.broadcasted_iota(jnp.int32, (1, NG), 1)
    onehot = (b == gids).astype(jnp.float32)
    sums = lax.dot_general(onehot, x2, (((0,), (0,)), ((), ())),
                           preferred_element_type=jnp.float32)
    cnt = jnp.maximum(jnp.sum(onehot, axis=0), 1.0)
    pooled = sums / cnt[:, None]
    o_ref[...] = jnp.dot(pooled, wl_ref[...],
                         preferred_element_type=jnp.float32) + bl_ref[...]


def _pool_project(x2, batch, wl, bl):
    return pl.pallas_call(
        _pool_body,
        in_specs=[pl.BlockSpec((N, H), lambda: (0, 0)),
                  pl.BlockSpec((N, 1), lambda: (0, 0)),
                  pl.BlockSpec((H, OUT), lambda: (0, 0)),
                  pl.BlockSpec((1, OUT), lambda: (0, 0))],
        out_specs=pl.BlockSpec((NG, OUT), lambda: (0, 0)),
        out_shape=jax.ShapeDtypeStruct((NG, OUT), jnp.float32),
    )(x2, batch.reshape(N, 1), wl, bl.reshape(1, OUT))



SW = 128


def _sc_body(pcat_hbm, h_hbm, src_hbm, dst_hbm, zeros_hbm,
             s_out,
             srcA, srcB, dst_v, rowsA, rowsB, h_v, msg_v, s_sh,
             semA, semB):
    cid = lax.axis_index("c")
    sid = lax.axis_index("s")
    wid = sid * _NC + cid

    @pl.when(sid == 0)
    def _():
        pltpu.sync_copy(zeros_hbm, s_sh)
    plsc.subcore_barrier()

    zero16 = jnp.zeros((16,), jnp.float32)
    cnt16 = jnp.where(lax.iota(jnp.int32, 16) == 0, 1.0, 0.0)

    def _init_rows(b, carry):
        msg_v[b, pl.ds(16, 16)] = cnt16
        for j in range(2, 8):
            msg_v[b, pl.ds(j * 16, 16)] = zero16
        return carry
    lax.fori_loop(0, _B, _init_rows, 0)

    base0 = wid * _EW
    _BA = 24
    _BB = 16

    def _compute(rows_s, nb, off):
        @plsc.parallel_loop(0, nb, unroll=4)
        def _edge(b):
            ha = h_v[b + off, pl.ds(0, 16)]
            hb = h_v[b + off, pl.ds(16, 16)]
            acc0 = rows_s[b, pl.ds(512, 16)]
            acc1 = ha[0] * rows_s[b, pl.ds(0, 16)]
            for kk in range(1, 16):
                r = rows_s[b, pl.ds(kk * 16, 16)]
                if kk % 2 == 0:
                    acc1 = acc1 + ha[kk] * r
                else:
                    acc0 = acc0 + ha[kk] * r
            for kk in range(16):
                r = rows_s[b, pl.ds((16 + kk) * 16, 16)]
                if kk % 2 == 0:
                    acc0 = acc0 + hb[kk] * r
                else:
                    acc1 = acc1 + hb[kk] * r
            msg_v[b + off, pl.ds(0, 16)] = acc0 + acc1

    pltpu.sync_copy(src_hbm.at[pl.ds(base0, _BA)], srcA)
    pltpu.async_copy(pcat_hbm.at[srcA], rowsA, semA)

    def _iter(j, carry):
        base = base0 + j * _B
        pltpu.sync_copy(src_hbm.at[pl.ds(base + _BA, _BB)], srcB)
        pltpu.async_copy(pcat_hbm.at[srcB], rowsB, semB)
        pltpu.sync_copy(dst_hbm.at[pl.ds(base, _B)], dst_v)
        pltpu.sync_copy(h_hbm.at[pl.ds(base, _B)], h_v)

        pltpu.make_async_copy(pcat_hbm.at[srcA], rowsA, semA).wait()
        _compute(rowsA, _BA, 0)

        @pl.when(j < _ITERS - 1)
        def _():
            nbase = base0 + (j + 1) * _B
            pltpu.sync_copy(src_hbm.at[pl.ds(nbase, _BA)], srcA)
            pltpu.async_copy(pcat_hbm.at[srcA], rowsA, semA)

        pltpu.make_async_copy(pcat_hbm.at[srcB], rowsB, semB).wait()
        _compute(rowsB, _BB, _BA)

        pltpu.sync_copy(msg_v, s_sh.at[dst_v], add=True)
        return carry
    lax.fori_loop(0, _ITERS, _iter, 0)

    plsc.subcore_barrier()

    @pl.when(sid == 0)
    def _():
        pltpu.sync_copy(s_sh, s_out.at[cid])


_sc_edge = pl.kernel(
    _sc_body,
    out_type=jax.ShapeDtypeStruct((_NC, N, SW), jnp.float32),
    mesh=plsc.VectorSubcoreMesh(core_axis_name="c", subcore_axis_name="s"),
    scratch_types=[
        pltpu.VMEM((24,), jnp.int32),
        pltpu.VMEM((16,), jnp.int32),
        pltpu.VMEM((_B,), jnp.int32),
        pltpu.VMEM((24, CW), jnp.float32),
        pltpu.VMEM((16, CW), jnp.float32),
        pltpu.VMEM((_B, K), jnp.float32),
        pltpu.VMEM((_B, SW), jnp.float32),
        pltpu.VMEM_SHARED((N, SW), jnp.float32),
        pltpu.SemaphoreType.DMA,
        pltpu.SemaphoreType.DMA,
    ],
)



def kernel(x, edge_index, edge_attr, batch,
           W_e1a, b_e1a, W_e1b, b_e1b, root1, bias1, g1, be1,
           W_e2a, b_e2a, W_e2b, b_e2b, root2, bias2, g2, be2, Wl, bl):
    src = edge_index[0]
    dst = edge_index[1]
    zeros = jnp.zeros((N, SW), jnp.float32)

    a1 = W_e1b.reshape(K, IN, H).transpose(1, 0, 2).reshape(IN, K * H)
    acat1 = jnp.concatenate(
        [a1, b_e1b.reshape(IN, H), root1, jnp.zeros((IN, 96), jnp.float32)],
        axis=1)
    a2 = W_e2b.reshape(K, H, H).transpose(1, 0, 2).reshape(H, K * H)
    acat2 = jnp.concatenate(
        [a2, b_e2b.reshape(H, H), root2, jnp.zeros((H, 96), jnp.float32)],
        axis=1)

    h1, h2 = _edge_mlps(edge_attr, W_e1a, b_e1a, W_e2a, b_e2a)

    full1 = _matmul(x, acat1, 1000)
    s1 = _sc_edge(full1, h1, src, dst, zeros)
    x1 = _node_update(s1, full1[:, 528:544], bias1, g1, be1)

    full2 = _matmul(x1, acat2, 1000)
    s2 = _sc_edge(full2, h2, src, dst, zeros)
    x2 = _node_update(s2, full2[:, 528:544], bias2, g2, be2)

    return _pool_project(x2, batch, Wl, bl)

# --- scband reference (transcript-rebuilt; emitter-appended) ---
"""Pipeline reference for scband-improved-nnconv-40364102647983 (READ-ONLY COPY).

The authoritative reference and input builder live on the scoring server;
editing this copy changes nothing except your own understanding.
"""

import jax, jax.numpy as jnp
import numpy as np

N = 10000
E = 160000
IN = 128
ED = 16
H = 16
OUT = 128
NG = 64


def _seg_mean(vals, ids, num):
    s = jax.ops.segment_sum(vals, ids, num_segments=num)
    c = jax.ops.segment_sum(jnp.ones((vals.shape[0],), vals.dtype), ids, num_segments=num)
    return s / jnp.clip(c, 1.0)[:, None]


def _bn(x, g, b):
    mu = jnp.mean(x, axis=0)
    var = jnp.var(x, axis=0)
    return (x - mu) / jnp.sqrt(var + 1e-5) * g + b


def setup_inputs(seed: int = 0):
    key = jax.random.key(seed)
    ks = jax.random.split(key, 24)
    inp = {}
    inp["x"] = jax.random.normal(ks[0], (N, IN), jnp.float32)
    inp["edge_index"] = jax.random.randint(ks[1], (2, E), 0, N, dtype=jnp.int32)
    inp["edge_attr"] = jax.random.normal(ks[2], (E, ED), jnp.float32)
    inp["batch"] = jnp.sort(jax.random.randint(ks[3], (N,), 0, NG, dtype=jnp.int32))
    inp["W_e1a"] = jax.random.normal(ks[4], (ED, 32), jnp.float32) * 0.25
    inp["b_e1a"] = jnp.zeros((32,), jnp.float32)
    inp["W_e1b"] = jax.random.normal(ks[5], (32, IN * H), jnp.float32) * 0.02
    inp["b_e1b"] = jnp.zeros((IN * H,), jnp.float32)
    inp["root1"] = jax.random.normal(ks[6], (IN, H), jnp.float32) * (1.0 / np.sqrt(IN))
    inp["bias1"] = jnp.zeros((H,), jnp.float32)
    inp["g1"] = jnp.ones((H,), jnp.float32)
    inp["be1"] = jnp.zeros((H,), jnp.float32)
    inp["W_e2a"] = jax.random.normal(ks[7], (ED, 32), jnp.float32) * 0.25
    inp["b_e2a"] = jnp.zeros((32,), jnp.float32)
    inp["W_e2b"] = jax.random.normal(ks[8], (32, H * H), jnp.float32) * 0.05
    inp["b_e2b"] = jnp.zeros((H * H,), jnp.float32)
    inp["root2"] = jax.random.normal(ks[9], (H, H), jnp.float32) * (1.0 / np.sqrt(H))
    inp["bias2"] = jnp.zeros((H,), jnp.float32)
    inp["g2"] = jnp.ones((H,), jnp.float32)
    inp["be2"] = jnp.zeros((H,), jnp.float32)
    inp["Wl"] = jax.random.normal(ks[10], (H, OUT), jnp.float32) * (1.0 / np.sqrt(H))
    inp["bl"] = jnp.zeros((OUT,), jnp.float32)
    return inp


def reference(x, edge_index, edge_attr, batch, W_e1a, b_e1a, W_e1b, b_e1b, root1, bias1, g1, be1, W_e2a, b_e2a, W_e2b, b_e2b, root2, bias2, g2, be2, Wl, bl):
    src = edge_index[0]
    dst = edge_index[1]
    # conv1: NNConv with aggr='mean'. Per-edge weight W_e = reshape(nn1(edge_attr_e), (IN, H)).
    xj = x[src]
    h1 = jax.nn.relu(edge_attr @ W_e1a + b_e1a)
    A = W_e1b.reshape(32, IN, H)
    B = b_e1b.reshape(IN, H)
    # msg_e = xj_e @ (sum_k h1[e,k] * A[k] + B)  -- reassociated (mathematically identical),
    # avoids materializing the [E, IN, H] per-edge weight tensor.
    T = jnp.einsum('ei,kio->eko', xj, A)
    msg1 = jnp.einsum('ek,eko->eo', h1, T) + xj @ B
    x1 = x @ root1 + _seg_mean(msg1, dst, N) + bias1
    x1 = jax.nn.relu(_bn(x1, g1, be1))
    # dropout p=0.3 -> identity (eval mode)
    # conv2
    xj2 = x1[src]
    h2 = jax.nn.relu(edge_attr @ W_e2a + b_e2a)
    W2 = (h2 @ W_e2b + b_e2b).reshape(E, H, H)
    msg2 = jnp.einsum('ei,eio->eo', xj2, W2)
    x2 = x1 @ root2 + _seg_mean(msg2, dst, N) + bias2
    x2 = jax.nn.relu(_bn(x2, g2, be2))
    pooled = _seg_mean(x2, batch, NG)
    return pooled @ Wl + bl

if __name__ == "__main__":
    import jax
    _d = setup_inputs()
    print(jax.jit(kernel)(*tuple(_d.values())))

</pallas_src>

<mosaic_0001>
#map = affine_map<(d0, d1) -> (0, 0)>
#map1 = affine_map<(d0, d1) -> (0)>
#map2 = affine_map<(d0, d1) -> (0, 0, 0)>
module attributes {stable_mosaic.version = 14 : i64} {
  func.func @_sc_body(%arg0: i32, %arg1: i32, %arg2: memref<10000x640xf32, #tpu.memory_space<hbm>>, %arg3: memref<160000x32xf32, #tpu.memory_space<hbm>>, %arg4: memref<160000xi32, #tpu.memory_space<hbm>>, %arg5: memref<160000xi32, #tpu.memory_space<hbm>>, %arg6: memref<10000x128xf32, #tpu.memory_space<hbm>>, %arg7: memref<2x10000x128xf32, #tpu.memory_space<hbm>>, %arg8: memref<24xi32, #tpu.memory_space<vmem>>, %arg9: memref<16xi32, #tpu.memory_space<vmem>>, %arg10: memref<40xi32, #tpu.memory_space<vmem>>, %arg11: memref<24x640xf32, #tpu.memory_space<vmem>>, %arg12: memref<16x640xf32, #tpu.memory_space<vmem>>, %arg13: memref<40x32xf32, #tpu.memory_space<vmem>>, %arg14: memref<40x128xf32, #tpu.memory_space<vmem>>, %arg15: memref<10000x128xf32, #tpu.memory_space<vmem_shared>>, %arg16: memref<!tpu.dma_semaphore, #tpu.memory_space<semaphore_mem>>, %arg17: memref<!tpu.dma_semaphore, #tpu.memory_space<semaphore_mem>>) attributes {dimension_semantics = [#tpu.dimension_semantics<core_parallel>, #tpu.dimension_semantics<subcore_parallel>], iteration_bounds = array<i64: 2, 16>, scalar_prefetch = 0 : i64, scratch_operands = 10 : i64, tpu.core_type = #tpu.core_type<sc_vector_subcore>, window_params = [{transform_indices = #map}, {transform_indices = #map}, {transform_indices = #map1}, {transform_indices = #map1}, {transform_indices = #map}, {transform_indices = #map2}]} {
    %mul3A = arith.constant 2 : i32
    %mul3A_0 = arith.muli %arg1, %mul3A : i32
    %add3A = arith.addi %mul3A_0, %arg0 : i32
    %eq3A = arith.constant 0 : i32
    %eq3A_1 = arith.cmpi eq, %arg1, %eq3A : i32
    %convert_element_type3A = arith.extui %eq3A_1 : i1 to i32
    %cond3A = arith.constant 0 : i32
    %cond3A_2 = arith.cmpi ne, %convert_element_type3A, %cond3A : i32
    scf.if %cond3A_2 {
      "tpu.region"() ({
        %run_scoped3A = tpu.sem_alloc : memref<!tpu.dma_semaphore, #tpu.memory_space<semaphore_mem>>
        tpu.enqueue_dma source(%arg6 : memref<10000x128xf32, #tpu.memory_space<hbm>>) target(%arg15 : memref<10000x128xf32, #tpu.memory_space<vmem_shared>>) target_semaphore(%run_scoped3A : memref<!tpu.dma_semaphore, #tpu.memory_space<semaphore_mem>>)
        tpu.wait_dma2 semaphore(%run_scoped3A : memref<!tpu.dma_semaphore, #tpu.memory_space<semaphore_mem>>) src(%arg6 : memref<10000x128xf32, #tpu.memory_space<hbm>>) dst(%arg15 : memref<10000x128xf32, #tpu.memory_space<vmem_shared>>)
        tpu.yield
      }) : () -> ()
    } else {
    }
    %barrier3A = arith.constant 0 : index
    tpu.barrier barrier_id(%barrier3A)
    %broadcast_in_dim3A = arith.constant 0.000000e+00 : f32
    %broadcast_in_dim3A_3 = vector.broadcast %broadcast_in_dim3A : f32 to vector<16xf32>
    %iota3A = tpu.iota {dimensions = array<i32: 0>} : vector<16xi32>
    %eq3A_4 = arith.constant 0 : i32
    %eq3A_5 = vector.broadcast %eq3A_4 : i32 to vector<16xi32>
    %eq3A_6 = arith.cmpi eq, %iota3A, %eq3A_5 : vector<16xi32>
    %jit3A = arith.constant 1.000000e+00 : f32
    %jit3A_7 = arith.constant 0.000000e+00 : f32
    %broadcast_in_dim3A_8 = vector.broadcast %jit3A : f32 to vector<16xf32>
    %broadcast_in_dim3A_9 = vector.broadcast %jit3A_7 : f32 to vector<16xf32>
    %select_n3A = arith.select %eq3A_6, %broadcast_in_dim3A_8, %broadcast_in_dim3A_9 : vector<16xi1>, vector<16xf32>
    %scan3A = arith.constant 0 : i32
    %scan3A_10 = arith.constant 0 : i32
    %scan3A_11 = arith.constant 40 : i32
    %scan3A_12 = arith.addi %scan3A_10, %scan3A_11 : i32
    %scan3A_13 = arith.constant 1 : i32
    scf.for %scan3A_31 = %scan3A_10 to %scan3A_12 step %scan3A_13  : i32 {
      %swap3A = arith.index_cast %scan3A_31 : i32 to index
      %swap3A_32 = arith.constant 16 : index
      %swap3A_33 = tpu.vector_load %arg14[%swap3A, %swap3A_32] {strides = array<i32>} : memref<40x128xf32, #tpu.memory_space<vmem>>, vector<1x16xf32>,
      %swap3A_34 = vector.shape_cast %swap3A_33 : vector<1x16xf32> to vector<16xf32>
      %swap3A_35 = vector.shape_cast %select_n3A : vector<16xf32> to vector<1x16xf32>
      tpu.vector_store %arg14[%swap3A, %swap3A_32], %swap3A_35 {strides = array<i32>} : memref<40x128xf32, #tpu.memory_space<vmem>>, vector<1x16xf32>,
      %swap3A_36 = arith.index_cast %scan3A_31 : i32 to index
      %swap3A_37 = arith.constant 32 : index
      %swap3A_38 = tpu.vector_load %arg14[%swap3A_36, %swap3A_37] {strides = array<i32>} : memref<40x128xf32, #tpu.memory_space<vmem>>, vector<1x16xf32>,
      %swap3A_39 = vector.shape_cast %swap3A_38 : vector<1x16xf32> to vector<16xf32>
      %swap3A_40 = vector.shape_cast %broadcast_in_dim3A_3 : vector<16xf32> to vector<1x16xf32>
      tpu.vector_store %arg14[%swap3A_36, %swap3A_37], %swap3A_40 {strides = array<i32>} : memref<40x128xf32, #tpu.memory_space<vmem>>, vector<1x16xf32>,
      %swap3A_41 = arith.index_cast %scan3A_31 : i32 to index
      %swap3A_42 = arith.constant 48 : index
      %swap3A_43 = tpu.vector_load %arg14[%swap3A_41, %swap3A_42] {strides = array<i32>} : memref<40x128xf32, #tpu.memory_space<vmem>>, vector<1x16xf32>,
      %swap3A_44 = vector.shape_cast %swap3A_43 : vector<1x16xf32> to vector<16xf32>
      %swap3A_45 = vector.shape_cast %broadcast_in_dim3A_3 : vector<16xf32> to vector<1x16xf32>
      tpu.vector_store %arg14[%swap3A_41, %swap3A_42], %swap3A_45 {strides = array<i32>} : memref<40x128xf32, #tpu.memory_space<vmem>>, vector<1x16xf32>,
      %swap3A_46 = arith.index_cast %scan3A_31 : i32 to index
      %swap3A_47 = arith.constant 64 : index
      %swap3A_48 = tpu.vector_load %arg14[%swap3A_46, %swap3A_47] {strides = array<i32>} : memref<40x128xf32, #tpu.memory_space<vmem>>, vector<1x16xf32>,
      %swap3A_49 = vector.shape_cast %swap3A_48 : vector<1x16xf32> to vector<16xf32>
      %swap3A_50 = vector.shape_cast %broadcast_in_dim3A_3 : vector<16xf32> to vector<1x16xf32>
      tpu.vector_store %arg14[%swap3A_46, %swap3A_47], %swap3A_50 {strides = array<i32>} : memref<40x128xf32, #tpu.memory_space<vmem>>, vector<1x16xf32>,
      %swap3A_51 = arith.index_cast %scan3A_31 : i32 to index
      %swap3A_52 = arith.constant 80 : index
      %swap3A_53 = tpu.vector_load %arg14[%swap3A_51, %swap3A_52] {strides = array<i32>} : memref<40x128xf32, #tpu.memory_space<vmem>>, vector<1x16xf32>,
      %swap3A_54 = vector.shape_cast %swap3A_53 : vector<1x16xf32> to vector<16xf32>
      %swap3A_55 = vector.shape_cast %broadcast_in_dim3A_3 : vector<16xf32> to vector<1x16xf32>
      tpu.vector_store %arg14[%swap3A_51, %swap3A_52], %swap3A_55 {strides = array<i32>} : memref<40x128xf32, #tpu.memory_space<vmem>>, vector<1x16xf32>,
      %swap3A_56 = arith.index_cast %scan3A_31 : i32 to index
      %swap3A_57 = arith.constant 96 : index
      %swap3A_58 = tpu.vector_load %arg14[%swap3A_56, %swap3A_57] {strides = array<i32>} : memref<40x128xf32, #tpu.memory_space<vmem>>, vector<1x16xf32>,
      %swap3A_59 = vector.shape_cast %swap3A_58 : vector<1x16xf32> to vector<16xf32>
      %swap3A_60 = vector.shape_cast %broadcast_in_dim3A_3 : vector<16xf32> to vector<1x16xf32>
      tpu.vector_store %arg14[%swap3A_56, %swap3A_57], %swap3A_60 {strides = array<i32>} : memref<40x128xf32, #tpu.memory_space<vmem>>, vector<1x16xf32>,
      %swap3A_61 = arith.index_cast %scan3A_31 : i32 to index
      %swap3A_62 = arith.constant 112 : index
      %swap3A_63 = tpu.vector_load %arg14[%swap3A_61, %swap3A_62] {strides = array<i32>} : memref<40x128xf32, #tpu.memory_space<vmem>>, vector<1x16xf32>,
      %swap3A_64 = vector.shape_cast %swap3A_63 : vector<1x16xf32> to vector<16xf32>
      %swap3A_65 = vector.shape_cast %broadcast_in_dim3A_3 : vector<16xf32> to vector<1x16xf32>
      tpu.vector_store %arg14[%swap3A_61, %swap3A_62], %swap3A_65 {strides = array<i32>} : memref<40x128xf32, #tpu.memory_space<vmem>>, vector<1x16xf32>,
    }
    %scan3A_14 = arith.constant 40 : i32
    %mul3A_15 = arith.constant 5000 : i32
    %mul3A_16 = arith.muli %add3A, %mul3A_15 : i32
    "tpu.region"() ({
      %run_scoped3A = tpu.sem_alloc : memref<!tpu.dma_semaphore, #tpu.memory_space<semaphore_mem>>
      %dma_start3A_31 = tpu.memref_slice %arg4[%mul3A_16] : memref<160000xi32, #tpu.memory_space<hbm>> -> memref<24xi32, #tpu.memory_space<hbm>>
      %dma_start3A_32 = tpu.memref_slice %arg4[%mul3A_16] : memref<160000xi32, #tpu.memory_space<hbm>> -> memref<24xi32, #tpu.memory_space<hbm>>
      tpu.enqueue_dma source(%dma_start3A_32 : memref<24xi32, #tpu.memory_space<hbm>>) target(%arg8 : memref<24xi32, #tpu.memory_space<vmem>>) target_semaphore(%run_scoped3A : memref<!tpu.dma_semaphore, #tpu.memory_space<semaphore_mem>>)
      %dma_wait3A = tpu.memref_slice %arg4[%mul3A_16] : memref<160000xi32, #tpu.memory_space<hbm>> -> memref<24xi32, #tpu.memory_space<hbm>>
      %dma_wait3A_33 = tpu.memref_slice %arg4[%mul3A_16] : memref<160000xi32, #tpu.memory_space<hbm>> -> memref<24xi32, #tpu.memory_space<hbm>>
      tpu.wait_dma2 semaphore(%run_scoped3A : memref<!tpu.dma_semaphore, #tpu.memory_space<semaphore_mem>>) src(%dma_wait3A_33 : memref<24xi32, #tpu.memory_space<hbm>>) dst(%arg8 : memref<24xi32, #tpu.memory_space<vmem>>)
      tpu.yield
    }) : () -> ()
    %dma_start3A = arith.constant 0 : i32
    %dma_start3A_17 = arith.constant 0 : i32
    %dma_start3A_18 = tpu.memref_slice %arg2[%dma_start3A, %dma_start3A_17] : memref<10000x640xf32, #tpu.memory_space<hbm>> -> memref<10000x640xf32, #tpu.memory_space<hbm>>
    tpu.enqueue_indirect_dma source(%dma_start3A_18 : memref<10000x640xf32, #tpu.memory_space<hbm>>) target(%arg11 : memref<24x640xf32, #tpu.memory_space<vmem>>) offsets(%arg8 : memref<24xi32, #tpu.memory_space<vmem>>) semaphore(%arg16 : memref<!tpu.dma_semaphore, #tpu.memory_space<semaphore_mem>>)
    %scan3A_19 = arith.constant 0 : i32
    %scan3A_20 = arith.constant 0 : i32
    %scan3A_21 = arith.constant 125 : i32
    %scan3A_22 = arith.addi %scan3A_20, %scan3A_21 : i32
    %scan3A_23 = arith.constant 1 : i32
    scf.for %scan3A_31 = %scan3A_20 to %scan3A_22 step %scan3A_23  : i32 {
      %mul3A_32 = arith.constant 40 : i32
      %mul3A_33 = arith.muli %scan3A_31, %mul3A_32 : i32
      %add3A_34 = arith.addi %mul3A_16, %mul3A_33 : i32
      %add3A_35 = arith.constant 24 : i32
      %add3A_36 = arith.addi %add3A_34, %add3A_35 : i32
      "tpu.region"() ({
        %run_scoped3A = tpu.sem_alloc : memref<!tpu.dma_semaphore, #tpu.memory_space<semaphore_mem>>
        %dma_start3A_54 = tpu.memref_slice %arg4[%add3A_36] : memref<160000xi32, #tpu.memory_space<hbm>> -> memref<16xi32, #tpu.memory_space<hbm>>
        %dma_start3A_55 = tpu.memref_slice %arg4[%add3A_36] : memref<160000xi32, #tpu.memory_space<hbm>> -> memref<16xi32, #tpu.memory_space<hbm>>
        tpu.enqueue_dma source(%dma_start3A_55 : memref<16xi32, #tpu.memory_space<hbm>>) target(%arg9 : memref<16xi32, #tpu.memory_space<vmem>>) target_semaphore(%run_scoped3A : memref<!tpu.dma_semaphore, #tpu.memory_space<semaphore_mem>>)
        %dma_wait3A_56 = tpu.memref_slice %arg4[%add3A_36] : memref<160000xi32, #tpu.memory_space<hbm>> -> memref<16xi32, #tpu.memory_space<hbm>>
        %dma_wait3A_57 = tpu.memref_slice %arg4[%add3A_36] : memref<160000xi32, #tpu.memory_space<hbm>> -> memref<16xi32, #tpu.memory_space<hbm>>
        tpu.wait_dma2 semaphore(%run_scoped3A : memref<!tpu.dma_semaphore, #tpu.memory_space<semaphore_mem>>) src(%dma_wait3A_57 : memref<16xi32, #tpu.memory_space<hbm>>) dst(%arg9 : memref<16xi32, #tpu.memory_space<vmem>>)
        tpu.yield
      }) : () -> ()
      %dma_start3A_37 = arith.constant 0 : i32
      %dma_start3A_38 = arith.constant 0 : i32
      %dma_start3A_39 = tpu.memref_slice %arg2[%dma_start3A_37, %dma_start3A_38] : memref<10000x640xf32, #tpu.memory_space<hbm>> -> memref<10000x640xf32, #tpu.memory_space<hbm>>
      tpu.enqueue_indirect_dma source(%dma_start3A_39 : memref<10000x640xf32, #tpu.memory_space<hbm>>) target(%arg12 : memref<16x640xf32, #tpu.memory_space<vmem>>) offsets(%arg9 : memref<16xi32, #tpu.memory_space<vmem>>) semaphore(%arg17 : memref<!tpu.dma_semaphore, #tpu.memory_space<semaphore_mem>>)
      "tpu.region"() ({
        %run_scoped3A = tpu.sem_alloc : memref<!tpu.dma_semaphore, #tpu.memory_space<semaphore_mem>>
        %dma_start3A_54 = tpu.memref_slice %arg5[%add3A_34] : memref<160000xi32, #tpu.memory_space<hbm>> -> memref<40xi32, #tpu.memory_space<hbm>>
        %dma_start3A_55 = tpu.memref_slice %arg5[%add3A_34] : memref<160000xi32, #tpu.memory_space<hbm>> -> memref<40xi32, #tpu.memory_space<hbm>>
        tpu.enqueue_dma source(%dma_start3A_55 : memref<40xi32, #tpu.memory_space<hbm>>) target(%arg10 : memref<40xi32, #tpu.memory_space<vmem>>) target_semaphore(%run_scoped3A : memref<!tpu.dma_semaphore, #tpu.memory_space<semaphore_mem>>)
        %dma_wait3A_56 = tpu.memref_slice %arg5[%add3A_34] : memref<160000xi32, #tpu.memory_space<hbm>> -> memref<40xi32, #tpu.memory_space<hbm>>
        %dma_wait3A_57 = tpu.memref_slice %arg5[%add3A_34] : memref<160000xi32, #tpu.memory_space<hbm>> -> memref<40xi32, #tpu.memory_space<hbm>>
        tpu.wait_dma2 semaphore(%run_scoped3A : memref<!tpu.dma_semaphore, #tpu.memory_space<semaphore_mem>>) src(%dma_wait3A_57 : memref<40xi32, #tpu.memory_space<hbm>>) dst(%arg10 : memref<40xi32, #tpu.memory_space<vmem>>)
        tpu.yield
      }) : () -> ()
      "tpu.region"() ({
        %run_scoped3A = tpu.sem_alloc : memref<!tpu.dma_semaphore, #tpu.memory_space<semaphore_mem>>
        %dma_start3A_54 = arith.constant 0 : i32
        %dma_start3A_55 = tpu.memref_slice %arg3[%add3A_34, %dma_start3A_54] : memref<160000x32xf32, #tpu.memory_space<hbm>> -> memref<40x32xf32, #tpu.memory_space<hbm>>
        %dma_start3A_56 = arith.constant 0 : i32
        %dma_start3A_57 = tpu.memref_slice %arg3[%add3A_34, %dma_start3A_56] : memref<160000x32xf32, #tpu.memory_space<hbm>> -> memref<40x32xf32, #tpu.memory_space<hbm>>
        tpu.enqueue_dma source(%dma_start3A_57 : memref<40x32xf32, #tpu.memory_space<hbm>>) target(%arg13 : memref<40x32xf32, #tpu.memory_space<vmem>>) target_semaphore(%run_scoped3A : memref<!tpu.dma_semaphore, #tpu.memory_space<semaphore_mem>>)
        %dma_wait3A_58 = arith.constant 0 : i32
        %dma_wait3A_59 = tpu.memref_slice %arg3[%add3A_34, %dma_wait3A_58] : memref<160000x32xf32, #tpu.memory_space<hbm>> -> memref<40x32xf32, #tpu.memory_space<hbm>>
        %dma_wait3A_60 = arith.constant 0 : i32
        %dma_wait3A_61 = tpu.memref_slice %arg3[%add3A_34, %dma_wait3A_60] : memref<160000x32xf32, #tpu.memory_space<hbm>> -> memref<40x32xf32, #tpu.memory_space<hbm>>
        tpu.wait_dma2 semaphore(%run_scoped3A : memref<!tpu.dma_semaphore, #tpu.memory_space<semaphore_mem>>) src(%dma_wait3A_61 : memref<40x32xf32, #tpu.memory_space<hbm>>) dst(%arg13 : memref<40x32xf32, #tpu.memory_space<vmem>>)
        tpu.yield
      }) : () -> ()
      %dma_wait3A = arith.constant 0 : i32
      %dma_wait3A_40 = arith.constant 0 : i32
      %dma_wait3A_41 = tpu.memref_slice %arg2[%dma_wait3A, %dma_wait3A_40] : memref<10000x640xf32, #tpu.memory_space<hbm>> -> memref<10000x640xf32, #tpu.memory_space<hbm>>
      tpu.wait_indirect_dma semaphore(%arg16 : memref<!tpu.dma_semaphore, #tpu.memory_space<semaphore_mem>>) src(%dma_wait3A_41 : memref<10000x640xf32, #tpu.memory_space<hbm>>) dst(%arg11 : memref<24x640xf32, #tpu.memory_space<vmem>>)
      %parallel_loop3A = arith.constant 0 : i32
      %parallel_loop3A_42 = arith.constant 24 : i32
      %parallel_loop3A_43 = arith.constant 1 : i32
      scf.for %parallel_loop3A_54 = %parallel_loop3A to %parallel_loop3A_42 step %parallel_loop3A_43  : i32 {
        %parallel_loop3A_55 = arith.constant 0 : i32
        %parallel_loop3A_56 = arith.addi %parallel_loop3A_54, %parallel_loop3A_55 : i32
        %parallel_loop3A_57 = arith.index_cast %parallel_loop3A_56 : i32 to index
        %parallel_loop3A_58 = arith.constant 0 : index
        %parallel_loop3A_59 = tpu.vector_load %arg13[%parallel_loop3A_57, %parallel_loop3A_58] {strides = array<i32>} : memref<40x32xf32, #tpu.memory_space<vmem>>, vector<1x16xf32>,
        %parallel_loop3A_60 = vector.shape_cast %parallel_loop3A_59 : vector<1x16xf32> to vector<16xf32>
        %parallel_loop3A_61 = arith.constant 0 : i32
        %parallel_loop3A_62 = arith.addi %parallel_loop3A_54, %parallel_loop3A_61 : i32
        %parallel_loop3A_63 = arith.index_cast %parallel_loop3A_62 : i32 to index
        %parallel_loop3A_64 = arith.constant 16 : index
        %parallel_loop3A_65 = tpu.vector_load %arg13[%parallel_loop3A_63, %parallel_loop3A_64] {strides = array<i32>} : memref<40x32xf32, #tpu.memory_space<vmem>>, vector<1x16xf32>,
        %parallel_loop3A_66 = vector.shape_cast %parallel_loop3A_65 : vector<1x16xf32> to vector<16xf32>
        %parallel_loop3A_67 = arith.index_cast %parallel_loop3A_54 : i32 to index
        %parallel_loop3A_68 = arith.constant 512 : index
        %parallel_loop3A_69 = tpu.vector_load %arg11[%parallel_loop3A_67, %parallel_loop3A_68] {strides = array<i32>} : memref<24x640xf32, #tpu.memory_space<vmem>>, vector<1x16xf32>,
        %parallel_loop3A_70 = vector.shape_cast %parallel_loop3A_69 : vector<1x16xf32> to vector<16xf32>
        %parallel_loop3A_71 = vector.extract_strided_slice %parallel_loop3A_60 {offsets = [0], sizes = [1], strides = [1]} : vector<16xf32> to vector<1xf32>
        %parallel_loop3A_72 = vector.extract %parallel_loop3A_71[0] : f32 from vector<1xf32>
        %parallel_loop3A_73 = arith.index_cast %parallel_loop3A_54 : i32 to index
        %parallel_loop3A_74 = arith.constant 0 : index
        %parallel_loop3A_75 = tpu.vector_load %arg11[%parallel_loop3A_73, %parallel_loop3A_74] {strides = array<i32>} : memref<24x640xf32, #tpu.memory_space<vmem>>, vector<1x16xf32>,
        %parallel_loop3A_76 = vector.shape_cast %parallel_loop3A_75 : vector<1x16xf32> to vector<16xf32>
        %parallel_loop3A_77 = vector.broadcast %parallel_loop3A_72 : f32 to vector<16xf32>
        %parallel_loop3A_78 = arith.mulf %parallel_loop3A_77, %parallel_loop3A_76 : vector<16xf32>
        %parallel_loop3A_79 = arith.index_cast %parallel_loop3A_54 : i32 to index
        %parallel_loop3A_80 = arith.constant 16 : index
        %parallel_loop3A_81 = tpu.vector_load %arg11[%parallel_loop3A_79, %parallel_loop3A_80] {strides = array<i32>} : memref<24x640xf32, #tpu.memory_space<vmem>>, vector<1x16xf32>,
        %parallel_loop3A_82 = vector.shape_cast %parallel_loop3A_81 : vector<1x16xf32> to vector<16xf32>
        %parallel_loop3A_83 = vector.extract_strided_slice %parallel_loop3A_60 {offsets = [1], sizes = [1], strides = [1]} : vector<16xf32> to vector<1xf32>
        %parallel_loop3A_84 = vector.extract %parallel_loop3A_83[0] : f32 from vector<1xf32>
        %parallel_loop3A_85 = vector.broadcast %parallel_loop3A_84 : f32 to vector<16xf32>
        %parallel_loop3A_86 = arith.mulf %parallel_loop3A_85, %parallel_loop3A_82 : vector<16xf32>
        %parallel_loop3A_87 = arith.addf %parallel_loop3A_70, %parallel_loop3A_86 : vector<16xf32>
        %parallel_loop3A_88 = arith.index_cast %parallel_loop3A_54 : i32 to index
        %parallel_loop3A_89 = arith.constant 32 : index
        %parallel_loop3A_90 = tpu.vector_load %arg11[%parallel_loop3A_88, %parallel_loop3A_89] {strides = array<i32>} : memref<24x640xf32, #tpu.memory_space<vmem>>, vector<1x16xf32>,
        %parallel_loop3A_91 = vector.shape_cast %parallel_loop3A_90 : vector<1x16xf32> to vector<16xf32>
        %parallel_loop3A_92 = vector.extract_strided_slice %parallel_loop3A_60 {offsets = [2], sizes = [1], strides = [1]} : vector<16xf32> to vector<1xf32>
        %parallel_loop3A_93 = vector.extract %parallel_loop3A_92[0] : f32 from vector<1xf32>
        %parallel_loop3A_94 = vector.broadcast %parallel_loop3A_93 : f32 to vector<16xf32>
        %parallel_loop3A_95 = arith.mulf %parallel_loop3A_94, %parallel_loop3A_91 : vector<16xf32>
        %parallel_loop3A_96 = arith.addf %parallel_loop3A_78, %parallel_loop3A_95 : vector<16xf32>
        %parallel_loop3A_97 = arith.index_cast %parallel_loop3A_54 : i32 to index
        %parallel_loop3A_98 = arith.constant 48 : index
        %parallel_loop3A_99 = tpu.vector_load %arg11[%parallel_loop3A_97, %parallel_loop3A_98] {strides = array<i32>} : memref<24x640xf32, #tpu.memory_space<vmem>>, vector<1x16xf32>,
        %parallel_loop3A_100 = vector.shape_cast %parallel_loop3A_99 : vector<1x16xf32> to vector<16xf32>
        %parallel_loop3A_101 = vector.extract_strided_slice %parallel_loop3A_60 {offsets = [3], sizes = [1], strides = [1]} : vector<16xf32> to vector<1xf32>
        %parallel_loop3A_102 = vector.extract %parallel_loop3A_101[0] : f32 from vector<1xf32>
        %parallel_loop3A_103 = vector.broadcast %parallel_loop3A_102 : f32 to vector<16xf32>
        %parallel_loop3A_104 = arith.mulf %parallel_loop3A_103, %parallel_loop3A_100 : vector<16xf32>
        %parallel_loop3A_105 = arith.addf %parallel_loop3A_87, %parallel_loop3A_104 : vector<16xf32>
        %parallel_loop3A_106 = arith.index_cast %parallel_loop3A_54 : i32 to index
        %parallel_loop3A_107 = arith.constant 64 : index
        %parallel_loop3A_108 = tpu.vector_load %arg11[%parallel_loop3A_106, %parallel_loop3A_107] {strides = array<i32>} : memref<24x640xf32, #tpu.memory_space<vmem>>, vector<1x16xf32>,
        %parallel_loop3A_109 = vector.shape_cast %parallel_loop3A_108 : vector<1x16xf32> to vector<16xf32>
        %parallel_loop3A_110 = vector.extract_strided_slice %parallel_loop3A_60 {offsets = [4], sizes = [1], strides = [1]} : vector<16xf32> to vector<1xf32>
        %parallel_loop3A_111 = vector.extract %parallel_loop3A_110[0] : f32 from vector<1xf32>
        %parallel_loop3A_112 = vector.broadcast %parallel_loop3A_111 : f32 to vector<16xf32>
        %parallel_loop3A_113 = arith.mulf %parallel_loop3A_112, %parallel_loop3A_109 : vector<16xf32>
        %parallel_loop3A_114 = arith.addf %parallel_loop3A_96, %parallel_loop3A_113 : vector<16xf32>
        %parallel_loop3A_115 = arith.index_cast %parallel_loop3A_54 : i32 to index
        %parallel_loop3A_116 = arith.constant 80 : index
        %parallel_loop3A_117 = tpu.vector_load %arg11[%parallel_loop3A_115, %parallel_loop3A_116] {strides = array<i32>} : memref<24x640xf32, #tpu.memory_space<vmem>>, vector<1x16xf32>,
        %parallel_loop3A_118 = vector.shape_cast %parallel_loop3A_117 : vector<1x16xf32> to vector<16xf32>
        %parallel_loop3A_119 = vector.extract_strided_slice %parallel_loop3A_60 {offsets = [5], sizes = [1], strides = [1]} : vector<16xf32> to vector<1xf32>
        %parallel_loop3A_120 = vector.extract %parallel_loop3A_119[0] : f32 from vector<1xf32>
        %parallel_loop3A_121 = vector.broadcast %parallel_loop3A_120 : f32 to vector<16xf32>
        %parallel_loop3A_122 = arith.mulf %parallel_loop3A_121, %parallel_loop3A_118 : vector<16xf32>
        %parallel_loop3A_123 = arith.addf %parallel_loop3A_105, %parallel_loop3A_122 : vector<16xf32>
        %parallel_loop3A_124 = arith.index_cast %parallel_loop3A_54 : i32 to index
        %parallel_loop3A_125 = arith.constant 96 : index
        %parallel_loop3A_126 = tpu.vector_load %arg11[%parallel_loop3A_124, %parallel_loop3A_125] {strides = array<i32>} : memref<24x640xf32, #tpu.memory_space<vmem>>, vector<1x16xf32>,
        %parallel_loop3A_127 = vector.shape_cast %parallel_loop3A_126 : vector<1x16xf32> to vector<16xf32>
        %parallel_loop3A_128 = vector.extract_strided_slice %parallel_loop3A_60 {offsets = [6], sizes = [1], strides = [1]} : vector<16xf32> to vector<1xf32>
        %parallel_loop3A_129 = vector.extract %parallel_loop3A_128[0] : f32 from vector<1xf32>
        %parallel_loop3A_130 = vector.broadcast %parallel_loop3A_129 : f32 to vector<16xf32>
        %parallel_loop3A_131 = arith.mulf %parallel_loop3A_130, %parallel_loop3A_127 : vector<16xf32>
        %parallel_loop3A_132 = arith.addf %parallel_loop3A_114, %parallel_loop3A_131 : vector<16xf32>
        %parallel_loop3A_133 = arith.index_cast %parallel_loop3A_54 : i32 to index
        %parallel_loop3A_134 = arith.constant 112 : index
        %parallel_loop3A_135 = tpu.vector_load %arg11[%parallel_loop3A_133, %parallel_loop3A_134] {strides = array<i32>} : memref<24x640xf32, #tpu.memory_space<vmem>>, vector<1x16xf32>,
        %parallel_loop3A_136 = vector.shape_cast %parallel_loop3A_135 : vector<1x16xf32> to vector<16xf32>
        %parallel_loop3A_137 = vector.extract_strided_slice %parallel_loop3A_60 {offsets = [7], sizes = [1], strides = [1]} : vector<16xf32> to vector<1xf32>
        %parallel_loop3A_138 = vector.extract %parallel_loop3A_137[0] : f32 from vector<1xf32>
        %parallel_loop3A_139 = vector.broadcast %parallel_loop3A_138 : f32 to vector<16xf32>
        %parallel_loop3A_140 = arith.mulf %parallel_loop3A_139, %parallel_loop3A_136 : vector<16xf32>
        %parallel_loop3A_141 = arith.addf %parallel_loop3A_123, %parallel_loop3A_140 : vector<16xf32>
        %parallel_loop3A_142 = arith.index_cast %parallel_loop3A_54 : i32 to index
        %parallel_loop3A_143 = arith.constant 128 : index
        %parallel_loop3A_144 = tpu.vector_load %arg11[%parallel_loop3A_142, %parallel_loop3A_143] {strides = array<i32>} : memref<24x640xf32, #tpu.memory_space<vmem>>, vector<1x16xf32>,
        %parallel_loop3A_145 = vector.shape_cast %parallel_loop3A_144 : vector<1x16xf32> to vector<16xf32>
        %parallel_loop3A_146 = vector.extract_strided_slice %parallel_loop3A_60 {offsets = [8], sizes = [1], strides = [1]} : vector<16xf32> to vector<1xf32>
        %parallel_loop3A_147 = vector.extract %parallel_loop3A_146[0] : f32 from vector<1xf32>
        %parallel_loop3A_148 = vector.broadcast %parallel_loop3A_147 : f32 to vector<16xf32>
        %parallel_loop3A_149 = arith.mulf %parallel_loop3A_148, %parallel_loop3A_145 : vector<16xf32>
        %parallel_loop3A_150 = arith.addf %parallel_loop3A_132, %parallel_loop3A_149 : vector<16xf32>
        %parallel_loop3A_151 = arith.index_cast %parallel_loop3A_54 : i32 to index
        %parallel_loop3A_152 = arith.constant 144 : index
        %parallel_loop3A_153 = tpu.vector_load %arg11[%parallel_loop3A_151, %parallel_loop3A_152] {strides = array<i32>} : memref<24x640xf32, #tpu.memory_space<vmem>>, vector<1x16xf32>,
        %parallel_loop3A_154 = vector.shape_cast %parallel_loop3A_153 : vector<1x16xf32> to vector<16xf32>
        %parallel_loop3A_155 = vector.extract_strided_slice %parallel_loop3A_60 {offsets = [9], sizes = [1], strides = [1]} : vector<16xf32> to vector<1xf32>
        %parallel_loop3A_156 = vector.extract %parallel_loop3A_155[0] : f32 from vector<1xf32>
        %parallel_loop3A_157 = vector.broadcast %parallel_loop3A_156 : f32 to vector<16xf32>
        %parallel_loop3A_158 = arith.mulf %parallel_loop3A_157, %parallel_loop3A_154 : vector<16xf32>
        %parallel_loop3A_159 = arith.addf %parallel_loop3A_141, %parallel_loop3A_158 : vector<16xf32>
        %parallel_loop3A_160 = arith.index_cast %parallel_loop3A_54 : i32 to index
        %parallel_loop3A_161 = arith.constant 160 : index
        %parallel_loop3A_162 = tpu.vector_load %arg11[%parallel_loop3A_160, %parallel_loop3A_161] {strides = array<i32>} : memref<24x640xf32, #tpu.memory_space<vmem>>, vector<1x16xf32>,
        %parallel_loop3A_163 = vector.shape_cast %parallel_loop3A_162 : vector<1x16xf32> to vector<16xf32>
        %parallel_loop3A_164 = vector.extract_strided_slice %parallel_loop3A_60 {offsets = [10], sizes = [1], strides = [1]} : vector<16xf32> to vector<1xf32>
        %parallel_loop3A_165 = vector.extract %parallel_loop3A_164[0] : f32 from vector<1xf32>
        %parallel_loop3A_166 = vector.broadcast %parallel_loop3A_165 : f32 to vector<16xf32>
        %parallel_loop3A_167 = arith.mulf %parallel_loop3A_166, %parallel_loop3A_163 : vector<16xf32>
        %parallel_loop3A_168 = arith.addf %parallel_loop3A_150, %parallel_loop3A_167 : vector<16xf32>
        %parallel_loop3A_169 = arith.index_cast %parallel_loop3A_54 : i32 to index
        %parallel_loop3A_170 = arith.constant 176 : index
        %parallel_loop3A_171 = tpu.vector_load %arg11[%parallel_loop3A_169, %parallel_loop3A_170] {strides = array<i32>} : memref<24x640xf32, #tpu.memory_space<vmem>>, vector<1x16xf32>,
        %parallel_loop3A_172 = vector.shape_cast %parallel_loop3A_171 : vector<1x16xf32> to vector<16xf32>
        %parallel_loop3A_173 = vector.extract_strided_slice %parallel_loop3A_60 {offsets = [11], sizes = [1], strides = [1]} : vector<16xf32> to vector<1xf32>
        %parallel_loop3A_174 = vector.extract %parallel_loop3A_173[0] : f32 from vector<1xf32>
        %parallel_loop3A_175 = vector.broadcast %parallel_loop3A_174 : f32 to vector<16xf32>
        %parallel_loop3A_176 = arith.mulf %parallel_loop3A_175, %parallel_loop3A_172 : vector<16xf32>
        %parallel_loop3A_177 = arith.addf %parallel_loop3A_159, %parallel_loop3A_176 : vector<16xf32>
        %parallel_loop3A_178 = arith.index_cast %parallel_loop3A_54 : i32 to index
        %parallel_loop3A_179 = arith.constant 192 : index
        %parallel_loop3A_180 = tpu.vector_load %arg11[%parallel_loop3A_178, %parallel_loop3A_179] {strides = array<i32>} : memref<24x640xf32, #tpu.memory_space<vmem>>, vector<1x16xf32>,
        %parallel_loop3A_181 = vector.shape_cast %parallel_loop3A_180 : vector<1x16xf32> to vector<16xf32>
        %parallel_loop3A_182 = vector.extract_strided_slice %parallel_loop3A_60 {offsets = [12], sizes = [1], strides = [1]} : vector<16xf32> to vector<1xf32>
        %parallel_loop3A_183 = vector.extract %parallel_loop3A_182[0] : f32 from vector<1xf32>
        %parallel_loop3A_184 = vector.broadcast %parallel_loop3A_183 : f32 to vector<16xf32>
        %parallel_loop3A_185 = arith.mulf %parallel_loop3A_184, %parallel_loop3A_181 : vector<16xf32>
        %parallel_loop3A_186 = arith.addf %parallel_loop3A_168, %parallel_loop3A_185 : vector<16xf32>
        %parallel_loop3A_187 = arith.index_cast %parallel_loop3A_54 : i32 to index
        %parallel_loop3A_188 = arith.constant 208 : index
        %parallel_loop3A_189 = tpu.vector_load %arg11[%parallel_loop3A_187, %parallel_loop3A_188] {strides = array<i32>} : memref<24x640xf32, #tpu.memory_space<vmem>>, vector<1x16xf32>,
        %parallel_loop3A_190 = vector.shape_cast %parallel_loop3A_189 : vector<1x16xf32> to vector<16xf32>
        %parallel_loop3A_191 = vector.extract_strided_slice %parallel_loop3A_60 {offsets = [13], sizes = [1], strides = [1]} : vector<16xf32> to vector<1xf32>
        %parallel_loop3A_192 = vector.extract %parallel_loop3A_191[0] : f32 from vector<1xf32>
        %parallel_loop3A_193 = vector.broadcast %parallel_loop3A_192 : f32 to vector<16xf32>
        %parallel_loop3A_194 = arith.mulf %parallel_loop3A_193, %parallel_loop3A_190 : vector<16xf32>
        %parallel_loop3A_195 = arith.addf %parallel_loop3A_177, %parallel_loop3A_194 : vector<16xf32>
        %parallel_loop3A_196 = arith.index_cast %parallel_loop3A_54 : i32 to index
        %parallel_loop3A_197 = arith.constant 224 : index
        %parallel_loop3A_198 = tpu.vector_load %arg11[%parallel_loop3A_196, %parallel_loop3A_197] {strides = array<i32>} : memref<24x640xf32, #tpu.memory_space<vmem>>, vector<1x16xf32>,
        %parallel_loop3A_199 = vector.shape_cast %parallel_loop3A_198 : vector<1x16xf32> to vector<16xf32>
        %parallel_loop3A_200 = vector.extract_strided_slice %parallel_loop3A_60 {offsets = [14], sizes = [1], strides = [1]} : vector<16xf32> to vector<1xf32>
        %parallel_loop3A_201 = vector.extract %parallel_loop3A_200[0] : f32 from vector<1xf32>
        %parallel_loop3A_202 = vector.broadcast %parallel_loop3A_201 : f32 to vector<16xf32>
        %parallel_loop3A_203 = arith.mulf %parallel_loop3A_202, %parallel_loop3A_199 : vector<16xf32>
        %parallel_loop3A_204 = arith.addf %parallel_loop3A_186, %parallel_loop3A_203 : vector<16xf32>
        %parallel_loop3A_205 = arith.index_cast %parallel_loop3A_54 : i32 to index
        %parallel_loop3A_206 = arith.constant 240 : index
        %parallel_loop3A_207 = tpu.vector_load %arg11[%parallel_loop3A_205, %parallel_loop3A_206] {strides = array<i32>} : memref<24x640xf32, #tpu.memory_space<vmem>>, vector<1x16xf32>,
        %parallel_loop3A_208 = vector.shape_cast %parallel_loop3A_207 : vector<1x16xf32> to vector<16xf32>
        %parallel_loop3A_209 = vector.extract_strided_slice %parallel_loop3A_60 {offsets = [15], sizes = [1], strides = [1]} : vector<16xf32> to vector<1xf32>
        %parallel_loop3A_210 = vector.extract %parallel_loop3A_209[0] : f32 from vector<1xf32>
        %parallel_loop3A_211 = vector.broadcast %parallel_loop3A_210 : f32 to vector<16xf32>
        %parallel_loop3A_212 = arith.mulf %parallel_loop3A_211, %parallel_loop3A_208 : vector<16xf32>
        %parallel_loop3A_213 = arith.addf %parallel_loop3A_195, %parallel_loop3A_212 : vector<16xf32>
        %parallel_loop3A_214 = arith.index_cast %parallel_loop3A_54 : i32 to index
        %parallel_loop3A_215 = arith.constant 256 : index
        %parallel_loop3A_216 = tpu.vector_load %arg11[%parallel_loop3A_214, %parallel_loop3A_215] {strides = array<i32>} : memref<24x640xf32, #tpu.memory_space<vmem>>, vector<1x16xf32>,
        %parallel_loop3A_217 = vector.shape_cast %parallel_loop3A_216 : vector<1x16xf32> to vector<16xf32>
        %parallel_loop3A_218 = vector.extract_strided_slice %parallel_loop3A_66 {offsets = [0], sizes = [1], strides = [1]} : vector<16xf32> to vector<1xf32>
        %parallel_loop3A_219 = vector.extract %parallel_loop3A_218[0] : f32 from vector<1xf32>
        %parallel_loop3A_220 = vector.broadcast %parallel_loop3A_219 : f32 to vector<16xf32>
        %parallel_loop3A_221 = arith.mulf %parallel_loop3A_220, %parallel_loop3A_217 : vector<16xf32>
        %parallel_loop3A_222 = arith.addf %parallel_loop3A_213, %parallel_loop3A_221 : vector<16xf32>
        %parallel_loop3A_223 = arith.index_cast %parallel_loop3A_54 : i32 to index
        %parallel_loop3A_224 = arith.constant 272 : index
        %parallel_loop3A_225 = tpu.vector_load %arg11[%parallel_loop3A_223, %parallel_loop3A_224] {strides = array<i32>} : memref<24x640xf32, #tpu.memory_space<vmem>>, vector<1x16xf32>,
        %parallel_loop3A_226 = vector.shape_cast %parallel_loop3A_225 : vector<1x16xf32> to vector<16xf32>
        %parallel_loop3A_227 = vector.extract_strided_slice %parallel_loop3A_66 {offsets = [1], sizes = [1], strides = [1]} : vector<16xf32> to vector<1xf32>
        %parallel_loop3A_228 = vector.extract %parallel_loop3A_227[0] : f32 from vector<1xf32>
        %parallel_loop3A_229 = vector.broadcast %parallel_loop3A_228 : f32 to vector<16xf32>
        %parallel_loop3A_230 = arith.mulf %parallel_loop3A_229, %parallel_loop3A_226 : vector<16xf32>
        %parallel_loop3A_231 = arith.addf %parallel_loop3A_204, %parallel_loop3A_230 : vector<16xf32>
        %parallel_loop3A_232 = arith.index_cast %parallel_loop3A_54 : i32 to index
        %parallel_loop3A_233 = arith.constant 288 : index
        %parallel_loop3A_234 = tpu.vector_load %arg11[%parallel_loop3A_232, %parallel_loop3A_233] {strides = array<i32>} : memref<24x640xf32, #tpu.memory_space<vmem>>, vector<1x16xf32>,
        %parallel_loop3A_235 = vector.shape_cast %parallel_loop3A_234 : vector<1x16xf32> to vector<16xf32>
        %parallel_loop3A_236 = vector.extract_strided_slice %parallel_loop3A_66 {offsets = [2], sizes = [1], strides = [1]} : vector<16xf32> to vector<1xf32>
        %parallel_loop3A_237 = vector.extract %parallel_loop3A_236[0] : f32 from vector<1xf32>
        %parallel_loop3A_238 = vector.broadcast %parallel_loop3A_237 : f32 to vector<16xf32>
        %parallel_loop3A_239 = arith.mulf %parallel_loop3A_238, %parallel_loop3A_235 : vector<16xf32>
        %parallel_loop3A_240 = arith.addf %parallel_loop3A_222, %parallel_loop3A_239 : vector<16xf32>
        %parallel_loop3A_241 = arith.index_cast %parallel_loop3A_54 : i32 to index
        %parallel_loop3A_242 = arith.constant 304 : index
        %parallel_loop3A_243 = tpu.vector_load %arg11[%parallel_loop3A_241, %parallel_loop3A_242] {strides = array<i32>} : memref<24x640xf32, #tpu.memory_space<vmem>>, vector<1x16xf32>,
        %parallel_loop3A_244 = vector.shape_cast %parallel_loop3A_243 : vector<1x16xf32> to vector<16xf32>
        %parallel_loop3A_245 = vector.extract_strided_slice %parallel_loop3A_66 {offsets = [3], sizes = [1], strides = [1]} : vector<16xf32> to vector<1xf32>
        %parallel_loop3A_246 = vector.extract %parallel_loop3A_245[0] : f32 from vector<1xf32>
        %parallel_loop3A_247 = vector.broadcast %parallel_loop3A_246 : f32 to vector<16xf32>
        %parallel_loop3A_248 = arith.mulf %parallel_loop3A_247, %parallel_loop3A_244 : vector<16xf32>
        %parallel_loop3A_249 = arith.addf %parallel_loop3A_231, %parallel_loop3A_248 : vector<16xf32>
        %parallel_loop3A_250 = arith.index_cast %parallel_loop3A_54 : i32 to index
        %parallel_loop3A_251 = arith.constant 320 : index
        %parallel_loop3A_252 = tpu.vector_load %arg11[%parallel_loop3A_250, %parallel_loop3A_251] {strides = array<i32>} : memref<24x640xf32, #tpu.memory_space<vmem>>, vector<1x16xf32>,
        %parallel_loop3A_253 = vector.shape_cast %parallel_loop3A_252 : vector<1x16xf32> to vector<16xf32>
        %parallel_loop3A_254 = vector.extract_strided_slice %parallel_loop3A_66 {offsets = [4], sizes = [1], strides = [1]} : vector<16xf32> to vector<1xf32>
        %parallel_loop3A_255 = vector.extract %parallel_loop3A_254[0] : f32 from vector<1xf32>
        %parallel_loop3A_256 = vector.broadcast %parallel_loop3A_255 : f32 to vector<16xf32>
        %parallel_loop3A_257 = arith.mulf %parallel_loop3A_256, %parallel_loop3A_253 : vector<16xf32>
        %parallel_loop3A_258 = arith.addf %parallel_loop3A_240, %parallel_loop3A_257 : vector<16xf32>
        %parallel_loop3A_259 = arith.index_cast %parallel_loop3A_54 : i32 to index
        %parallel_loop3A_260 = arith.constant 336 : index
        %parallel_loop3A_261 = tpu.vector_load %arg11[%parallel_loop3A_259, %parallel_loop3A_260] {strides = array<i32>} : memref<24x640xf32, #tpu.memory_space<vmem>>, vector<1x16xf32>,
        %parallel_loop3A_262 = vector.shape_cast %parallel_loop3A_261 : vector<1x16xf32> to vector<16xf32>
        %parallel_loop3A_263 = vector.extract_strided_slice %parallel_loop3A_66 {offsets = [5], sizes = [1], strides = [1]} : vector<16xf32> to vector<1xf32>
        %parallel_loop3A_264 = vector.extract %parallel_loop3A_263[0] : f32 from vector<1xf32>
        %parallel_loop3A_265 = vector.broadcast %parallel_loop3A_264 : f32 to vector<16xf32>
        %parallel_loop3A_266 = arith.mulf %parallel_loop3A_265, %parallel_loop3A_262 : vector<16xf32>
        %parallel_loop3A_267 = arith.addf %parallel_loop3A_249, %parallel_loop3A_266 : vector<16xf32>
        %parallel_loop3A_268 = arith.index_cast %parallel_loop3A_54 : i32 to index
        %parallel_loop3A_269 = arith.constant 352 : index
        %parallel_loop3A_270 = tpu.vector_load %arg11[%parallel_loop3A_268, %parallel_loop3A_269] {strides = array<i32>} : memref<24x640xf32, #tpu.memory_space<vmem>>, vector<1x16xf32>,
        %parallel_loop3A_271 = vector.shape_cast %parallel_loop3A_270 : vector<1x16xf32> to vector<16xf32>
        %parallel_loop3A_272 = vector.extract_strided_slice %parallel_loop3A_66 {offsets = [6], sizes = [1], strides = [1]} : vector<16xf32> to vector<1xf32>
        %parallel_loop3A_273 = vector.extract %parallel_loop3A_272[0] : f32 from vector<1xf32>
        %parallel_loop3A_274 = vector.broadcast %parallel_loop3A_273 : f32 to vector<16xf32>
        %parallel_loop3A_275 = arith.mulf %parallel_loop3A_274, %parallel_loop3A_271 : vector<16xf32>
        %parallel_loop3A_276 = arith.addf %parallel_loop3A_258, %parallel_loop3A_275 : vector<16xf32>
        %parallel_loop3A_277 = arith.index_cast %parallel_loop3A_54 : i32 to index
        %parallel_loop3A_278 = arith.constant 368 : index
        %parallel_loop3A_279 = tpu.vector_load %arg11[%parallel_loop3A_277, %parallel_loop3A_278] {strides = array<i32>} : memref<24x640xf32, #tpu.memory_space<vmem>>, vector<1x16xf32>,
        %parallel_loop3A_280 = vector.shape_cast %parallel_loop3A_279 : vector<1x16xf32> to vector<16xf32>
        %parallel_loop3A_281 = vector.extract_strided_slice %parallel_loop3A_66 {offsets = [7], sizes = [1], strides = [1]} : vector<16xf32> to vector<1xf32>
        %parallel_loop3A_282 = vector.extract %parallel_loop3A_281[0] : f32 from vector<1xf32>
        %parallel_loop3A_283 = vector.broadcast %parallel_loop3A_282 : f32 to vector<16xf32>
        %parallel_loop3A_284 = arith.mulf %parallel_loop3A_283, %parallel_loop3A_280 : vector<16xf32>
        %parallel_loop3A_285 = arith.addf %parallel_loop3A_267, %parallel_loop3A_284 : vector<16xf32>
        %parallel_loop3A_286 = arith.index_cast %parallel_loop3A_54 : i32 to index
        %parallel_loop3A_287 = arith.constant 384 : index
        %parallel_loop3A_288 = tpu.vector_load %arg11[%parallel_loop3A_286, %parallel_loop3A_287] {strides = array<i32>} : memref<24x640xf32, #tpu.memory_space<vmem>>, vector<1x16xf32>,
        %parallel_loop3A_289 = vector.shape_cast %parallel_loop3A_288 : vector<1x16xf32> to vector<16xf32>
        %parallel_loop3A_290 = vector.extract_strided_slice %parallel_loop3A_66 {offsets = [8], sizes = [1], strides = [1]} : vector<16xf32> to vector<1xf32>
        %parallel_loop3A_291 = vector.extract %parallel_loop3A_290[0] : f32 from vector<1xf32>
        %parallel_loop3A_292 = vector.broadcast %parallel_loop3A_291 : f32 to vector<16xf32>
        %parallel_loop3A_293 = arith.mulf %parallel_loop3A_292, %parallel_loop3A_289 : vector<16xf32>
        %parallel_loop3A_294 = arith.addf %parallel_loop3A_276, %parallel_loop3A_293 : vector<16xf32>
        %parallel_loop3A_295 = arith.index_cast %parallel_loop3A_54 : i32 to index
        %parallel_loop3A_296 = arith.constant 400 : index
        %parallel_loop3A_297 = tpu.vector_load %arg11[%parallel_loop3A_295, %parallel_loop3A_296] {strides = array<i32>} : memref<24x640xf32, #tpu.memory_space<vmem>>, vector<1x16xf32>,
        %parallel_loop3A_298 = vector.shape_cast %parallel_loop3A_297 : vector<1x16xf32> to vector<16xf32>
        %parallel_loop3A_299 = vector.extract_strided_slice %parallel_loop3A_66 {offsets = [9], sizes = [1], strides = [1]} : vector<16xf32> to vector<1xf32>
        %parallel_loop3A_300 = vector.extract %parallel_loop3A_299[0] : f32 from vector<1xf32>
        %parallel_loop3A_301 = vector.broadcast %parallel_loop3A_300 : f32 to vector<16xf32>
        %parallel_loop3A_302 = arith.mulf %parallel_loop3A_301, %parallel_loop3A_298 : vector<16xf32>
        %parallel_loop3A_303 = arith.addf %parallel_loop3A_285, %parallel_loop3A_302 : vector<16xf32>
        %parallel_loop3A_304 = arith.index_cast %parallel_loop3A_54 : i32 to index
        %parallel_loop3A_305 = arith.constant 416 : index
        %parallel_loop3A_306 = tpu.vector_load %arg11[%parallel_loop3A_304, %parallel_loop3A_305] {strides = array<i32>} : memref<24x640xf32, #tpu.memory_space<vmem>>, vector<1x16xf32>,
        %parallel_loop3A_307 = vector.shape_cast %parallel_loop3A_306 : vector<1x16xf32> to vector<16xf32>
        %parallel_loop3A_308 = vector.extract_strided_slice %parallel_loop3A_66 {offsets = [10], sizes = [1], strides = [1]} : vector<16xf32> to vector<1xf32>
        %parallel_loop3A_309 = vector.extract %parallel_loop3A_308[0] : f32 from vector<1xf32>
        %parallel_loop3A_310 = vector.broadcast %parallel_loop3A_309 : f32 to vector<16xf32>
        %parallel_loop3A_311 = arith.mulf %parallel_loop3A_310, %parallel_loop3A_307 : vector<16xf32>
        %parallel_loop3A_312 = arith.addf %parallel_loop3A_294, %parallel_loop3A_311 : vector<16xf32>
        %parallel_loop3A_313 = arith.index_cast %parallel_loop3A_54 : i32 to index
        %parallel_loop3A_314 = arith.constant 432 : index
        %parallel_loop3A_315 = tpu.vector_load %arg11[%parallel_loop3A_313, %parallel_loop3A_314] {strides = array<i32>} : memref<24x640xf32, #tpu.memory_space<vmem>>, vector<1x16xf32>,
        %parallel_loop3A_316 = vector.shape_cast %parallel_loop3A_315 : vector<1x16xf32> to vector<16xf32>
        %parallel_loop3A_317 = vector.extract_strided_slice %parallel_loop3A_66 {offsets = [11], sizes = [1], strides = [1]} : vector<16xf32> to vector<1xf32>
        %parallel_loop3A_318 = vector.extract %parallel_loop3A_317[0] : f32 from vector<1xf32>
        %parallel_loop3A_319 = vector.broadcast %parallel_loop3A_318 : f32 to vector<16xf32>
        %parallel_loop3A_320 = arith.mulf %parallel_loop3A_319, %parallel_loop3A_316 : vector<16xf32>
        %parallel_loop3A_321 = arith.addf %parallel_loop3A_303, %parallel_loop3A_320 : vector<16xf32>
        %parallel_loop3A_322 = arith.index_cast %parallel_loop3A_54 : i32 to index
        %parallel_loop3A_323 = arith.constant 448 : index
        %parallel_loop3A_324 = tpu.vector_load %arg11[%parallel_loop3A_322, %parallel_loop3A_323] {strides = array<i32>} : memref<24x640xf32, #tpu.memory_space<vmem>>, vector<1x16xf32>,
        %parallel_loop3A_325 = vector.shape_cast %parallel_loop3A_324 : vector<1x16xf32> to vector<16xf32>
        %parallel_loop3A_326 = vector.extract_strided_slice %parallel_loop3A_66 {offsets = [12], sizes = [1], strides = [1]} : vector<16xf32> to vector<1xf32>
        %parallel_loop3A_327 = vector.extract %parallel_loop3A_326[0] : f32 from vector<1xf32>
        %parallel_loop3A_328 = vector.broadcast %parallel_loop3A_327 : f32 to vector<16xf32>
        %parallel_loop3A_329 = arith.mulf %parallel_loop3A_328, %parallel_loop3A_325 : vector<16xf32>
        %parallel_loop3A_330 = arith.addf %parallel_loop3A_312, %parallel_loop3A_329 : vector<16xf32>
        %parallel_loop3A_331 = arith.index_cast %parallel_loop3A_54 : i32 to index
        %parallel_loop3A_332 = arith.constant 464 : index
        %parallel_loop3A_333 = tpu.vector_load %arg11[%parallel_loop3A_331, %parallel_loop3A_332] {strides = array<i32>} : memref<24x640xf32, #tpu.memory_space<vmem>>, vector<1x16xf32>,
        %parallel_loop3A_334 = vector.shape_cast %parallel_loop3A_333 : vector<1x16xf32> to vector<16xf32>
        %parallel_loop3A_335 = vector.extract_strided_slice %parallel_loop3A_66 {offsets = [13], sizes = [1], strides = [1]} : vector<16xf32> to vector<1xf32>
        %parallel_loop3A_336 = vector.extract %parallel_loop3A_335[0] : f32 from vector<1xf32>
        %parallel_loop3A_337 = vector.broadcast %parallel_loop3A_336 : f32 to vector<16xf32>
        %parallel_loop3A_338 = arith.mulf %parallel_loop3A_337, %parallel_loop3A_334 : vector<16xf32>
        %parallel_loop3A_339 = arith.addf %parallel_loop3A_321, %parallel_loop3A_338 : vector<16xf32>
        %parallel_loop3A_340 = arith.index_cast %parallel_loop3A_54 : i32 to index
        %parallel_loop3A_341 = arith.constant 480 : index
        %parallel_loop3A_342 = tpu.vector_load %arg11[%parallel_loop3A_340, %parallel_loop3A_341] {strides = array<i32>} : memref<24x640xf32, #tpu.memory_space<vmem>>, vector<1x16xf32>,
        %parallel_loop3A_343 = vector.shape_cast %parallel_loop3A_342 : vector<1x16xf32> to vector<16xf32>
        %parallel_loop3A_344 = vector.extract_strided_slice %parallel_loop3A_66 {offsets = [14], sizes = [1], strides = [1]} : vector<16xf32> to vector<1xf32>
        %parallel_loop3A_345 = vector.extract %parallel_loop3A_344[0] : f32 from vector<1xf32>
        %parallel_loop3A_346 = vector.broadcast %parallel_loop3A_345 : f32 to vector<16xf32>
        %parallel_loop3A_347 = arith.mulf %parallel_loop3A_346, %parallel_loop3A_343 : vector<16xf32>
        %parallel_loop3A_348 = arith.addf %parallel_loop3A_330, %parallel_loop3A_347 : vector<16xf32>
        %parallel_loop3A_349 = arith.index_cast %parallel_loop3A_54 : i32 to index
        %parallel_loop3A_350 = arith.constant 496 : index
        %parallel_loop3A_351 = tpu.vector_load %arg11[%parallel_loop3A_349, %parallel_loop3A_350] {strides = array<i32>} : memref<24x640xf32, #tpu.memory_space<vmem>>, vector<1x16xf32>,
        %parallel_loop3A_352 = vector.shape_cast %parallel_loop3A_351 : vector<1x16xf32> to vector<16xf32>
        %parallel_loop3A_353 = vector.extract_strided_slice %parallel_loop3A_66 {offsets = [15], sizes = [1], strides = [1]} : vector<16xf32> to vector<1xf32>
        %parallel_loop3A_354 = vector.extract %parallel_loop3A_353[0] : f32 from vector<1xf32>
        %parallel_loop3A_355 = vector.broadcast %parallel_loop3A_354 : f32 to vector<16xf32>
        %parallel_loop3A_356 = arith.mulf %parallel_loop3A_355, %parallel_loop3A_352 : vector<16xf32>
        %parallel_loop3A_357 = arith.addf %parallel_loop3A_339, %parallel_loop3A_356 : vector<16xf32>
        %parallel_loop3A_358 = arith.addf %parallel_loop3A_348, %parallel_loop3A_357 : vector<16xf32>
        %parallel_loop3A_359 = arith.constant 0 : i32
        %parallel_loop3A_360 = arith.addi %parallel_loop3A_54, %parallel_loop3A_359 : i32
        %parallel_loop3A_361 = arith.index_cast %parallel_loop3A_360 : i32 to index
        %parallel_loop3A_362 = arith.constant 0 : index
        %parallel_loop3A_363 = tpu.vector_load %arg14[%parallel_loop3A_361, %parallel_loop3A_362] {strides = array<i32>} : memref<40x128xf32, #tpu.memory_space<vmem>>, vector<1x16xf32>,
        %parallel_loop3A_364 = vector.shape_cast %parallel_loop3A_363 : vector<1x16xf32> to vector<16xf32>
        %parallel_loop3A_365 = vector.shape_cast %parallel_loop3A_358 : vector<16xf32> to vector<1x16xf32>
        tpu.vector_store %arg14[%parallel_loop3A_361, %parallel_loop3A_362], %parallel_loop3A_365 {strides = array<i32>} : memref<40x128xf32, #tpu.memory_space<vmem>>, vector<1x16xf32>,
      } {sc.loop_unroll_factor = 4 : i64, sc.parallel_access}
      %lt3A = arith.constant 124 : i32
      %lt3A_44 = arith.cmpi slt, %scan3A_31, %lt3A : i32
      %convert_element_type3A_45 = arith.extui %lt3A_44 : i1 to i32
      %cond3A_46 = arith.constant 0 : i32
      %cond3A_47 = arith.cmpi ne, %convert_element_type3A_45, %cond3A_46 : i32
      scf.if %cond3A_47 {
        %add3A_54 = arith.constant 1 : i32
        %add3A_55 = arith.addi %scan3A_31, %add3A_54 : i32
        %mul3A_56 = arith.constant 40 : i32
        %mul3A_57 = arith.muli %add3A_55, %mul3A_56 : i32
        %add3A_58 = arith.addi %mul3A_16, %mul3A_57 : i32
        "tpu.region"() ({
          %run_scoped3A = tpu.sem_alloc : memref<!tpu.dma_semaphore, #tpu.memory_space<semaphore_mem>>
          %dma_start3A_62 = tpu.memref_slice %arg4[%add3A_58] : memref<160000xi32, #tpu.memory_space<hbm>> -> memref<24xi32, #tpu.memory_space<hbm>>
          %dma_start3A_63 = tpu.memref_slice %arg4[%add3A_58] : memref<160000xi32, #tpu.memory_space<hbm>> -> memref<24xi32, #tpu.memory_space<hbm>>
          tpu.enqueue_dma source(%dma_start3A_63 : memref<24xi32, #tpu.memory_space<hbm>>) target(%arg8 : memref<24xi32, #tpu.memory_space<vmem>>) target_semaphore(%run_scoped3A : memref<!tpu.dma_semaphore, #tpu.memory_space<semaphore_mem>>)
          %dma_wait3A_64 = tpu.memref_slice %arg4[%add3A_58] : memref<160000xi32, #tpu.memory_space<hbm>> -> memref<24xi32, #tpu.memory_space<hbm>>
          %dma_wait3A_65 = tpu.memref_slice %arg4[%add3A_58] : memref<160000xi32, #tpu.memory_space<hbm>> -> memref<24xi32, #tpu.memory_space<hbm>>
          tpu.wait_dma2 semaphore(%run_scoped3A : memref<!tpu.dma_semaphore, #tpu.memory_space<semaphore_mem>>) src(%dma_wait3A_65 : memref<24xi32, #tpu.memory_space<hbm>>) dst(%arg8 : memref<24xi32, #tpu.memory_space<vmem>>)
          tpu.yield
        }) : () -> ()
        %dma_start3A_59 = arith.constant 0 : i32
        %dma_start3A_60 = arith.constant 0 : i32
        %dma_start3A_61 = tpu.memref_slice %arg2[%dma_start3A_59, %dma_start3A_60] : memref<10000x640xf32, #tpu.memory_space<hbm>> -> memref<10000x640xf32, #tpu.memory_space<hbm>>
        tpu.enqueue_indirect_dma source(%dma_start3A_61 : memref<10000x640xf32, #tpu.memory_space<hbm>>) target(%arg11 : memref<24x640xf32, #tpu.memory_space<vmem>>) offsets(%arg8 : memref<24xi32, #tpu.memory_space<vmem>>) semaphore(%arg16 : memref<!tpu.dma_semaphore, #tpu.memory_space<semaphore_mem>>)
      } else {
      }
      %dma_wait3A_48 = arith.constant 0 : i32
      %dma_wait3A_49 = arith.constant 0 : i32
      %dma_wait3A_50 = tpu.memref_slice %arg2[%dma_wait3A_48, %dma_wait3A_49] : memref<10000x640xf32, #tpu.memory_space<hbm>> -> memref<10000x640xf32, #tpu.memory_space<hbm>>
      tpu.wait_indirect_dma semaphore(%arg17 : memref<!tpu.dma_semaphore, #tpu.memory_space<semaphore_mem>>) src(%dma_wait3A_50 : memref<10000x640xf32, #tpu.memory_space<hbm>>) dst(%arg12 : memref<16x640xf32, #tpu.memory_space<vmem>>)
      %parallel_loop3A_51 = arith.constant 0 : i32
      %parallel_loop3A_52 = arith.constant 16 : i32
      %parallel_loop3A_53 = arith.constant 1 : i32
      scf.for %parallel_loop3A_54 = %parallel_loop3A_51 to %parallel_loop3A_52 step %parallel_loop3A_53  : i32 {
        %parallel_loop3A_55 = arith.constant 24 : i32
        %parallel_loop3A_56 = arith.addi %parallel_loop3A_54, %parallel_loop3A_55 : i32
        %parallel_loop3A_57 = arith.index_cast %parallel_loop3A_56 : i32 to index
        %parallel_loop3A_58 = arith.constant 0 : index
        %parallel_loop3A_59 = tpu.vector_load %arg13[%parallel_loop3A_57, %parallel_loop3A_58] {strides = array<i32>} : memref<40x32xf32, #tpu.memory_space<vmem>>, vector<1x16xf32>,
        %parallel_loop3A_60 = vector.shape_cast %parallel_loop3A_59 : vector<1x16xf32> to vector<16xf32>
        %parallel_loop3A_61 = arith.constant 24 : i32
        %parallel_loop3A_62 = arith.addi %parallel_loop3A_54, %parallel_loop3A_61 : i32
        %parallel_loop3A_63 = arith.index_cast %parallel_loop3A_62 : i32 to index
        %parallel_loop3A_64 = arith.constant 16 : index
        %parallel_loop3A_65 = tpu.vector_load %arg13[%parallel_loop3A_63, %parallel_loop3A_64] {strides = array<i32>} : memref<40x32xf32, #tpu.memory_space<vmem>>, vector<1x16xf32>,
        %parallel_loop3A_66 = vector.shape_cast %parallel_loop3A_65 : vector<1x16xf32> to vector<16xf32>
        %parallel_loop3A_67 = arith.index_cast %parallel_loop3A_54 : i32 to index
        %parallel_loop3A_68 = arith.constant 512 : index
        %parallel_loop3A_69 = tpu.vector_load %arg12[%parallel_loop3A_67, %parallel_loop3A_68] {strides = array<i32>} : memref<16x640xf32, #tpu.memory_space<vmem>>, vector<1x16xf32>,
        %parallel_loop3A_70 = vector.shape_cast %parallel_loop3A_69 : vector<1x16xf32> to vector<16xf32>
        %parallel_loop3A_71 = vector.extract_strided_slice %parallel_loop3A_60 {offsets = [0], sizes = [1], strides = [1]} : vector<16xf32> to vector<1xf32>
        %parallel_loop3A_72 = vector.extract %parallel_loop3A_71[0] : f32 from vector<1xf32>
        %parallel_loop3A_73 = arith.index_cast %parallel_loop3A_54 : i32 to index
        %parallel_loop3A_74 = arith.constant 0 : index
        %parallel_loop3A_75 = tpu.vector_load %arg12[%parallel_loop3A_73, %parallel_loop3A_74] {strides = array<i32>} : memref<16x640xf32, #tpu.memory_space<vmem>>, vector<1x16xf32>,
        %parallel_loop3A_76 = vector.shape_cast %parallel_loop3A_75 : vector<1x16xf32> to vector<16xf32>
        %parallel_loop3A_77 = vector.broadcast %parallel_loop3A_72 : f32 to vector<16xf32>
        %parallel_loop3A_78 = arith.mulf %parallel_loop3A_77, %parallel_loop3A_76 : vector<16xf32>
        %parallel_loop3A_79 = arith.index_cast %parallel_loop3A_54 : i32 to index
        %parallel_loop3A_80 = arith.constant 16 : index
        %parallel_loop3A_81 = tpu.vector_load %arg12[%parallel_loop3A_79, %parallel_loop3A_80] {strides = array<i32>} : memref<16x640xf32, #tpu.memory_space<vmem>>, vector<1x16xf32>,
        %parallel_loop3A_82 = vector.shape_cast %parallel_loop3A_81 : vector<1x16xf32> to vector<16xf32>
        %parallel_loop3A_83 = vector.extract_strided_slice %parallel_loop3A_60 {offsets = [1], sizes = [1], strides = [1]} : vector<16xf32> to vector<1xf32>
        %parallel_loop3A_84 = vector.extract %parallel_loop3A_83[0] : f32 from vector<1xf32>
        %parallel_loop3A_85 = vector.broadcast %parallel_loop3A_84 : f32 to vector<16xf32>
        %parallel_loop3A_86 = arith.mulf %parallel_loop3A_85, %parallel_loop3A_82 : vector<16xf32>
        %parallel_loop3A_87 = arith.addf %parallel_loop3A_70, %parallel_loop3A_86 : vector<16xf32>
        %parallel_loop3A_88 = arith.index_cast %parallel_loop3A_54 : i32 to index
        %parallel_loop3A_89 = arith.constant 32 : index
        %parallel_loop3A_90 = tpu.vector_load %arg12[%parallel_loop3A_88, %parallel_loop3A_89] {strides = array<i32>} : memref<16x640xf32, #tpu.memory_space<vmem>>, vector<1x16xf32>,
        %parallel_loop3A_91 = vector.shape_cast %parallel_loop3A_90 : vector<1x16xf32> to vector<16xf32>
        %parallel_loop3A_92 = vector.extract_strided_slice %parallel_loop3A_60 {offsets = [2], sizes = [1], strides = [1]} : vector<16xf32> to vector<1xf32>
        %parallel_loop3A_93 = vector.extract %parallel_loop3A_92[0] : f32 from vector<1xf32>
        %parallel_loop3A_94 = vector.broadcast %parallel_loop3A_93 : f32 to vector<16xf32>
        %parallel_loop3A_95 = arith.mulf %parallel_loop3A_94, %parallel_loop3A_91 : vector<16xf32>
        %parallel_loop3A_96 = arith.addf %parallel_loop3A_78, %parallel_loop3A_95 : vector<16xf32>
        %parallel_loop3A_97 = arith.index_cast %parallel_loop3A_54 : i32 to index
        %parallel_loop3A_98 = arith.constant 48 : index
        %parallel_loop3A_99 = tpu.vector_load %arg12[%parallel_loop3A_97, %parallel_loop3A_98] {strides = array<i32>} : memref<16x640xf32, #tpu.memory_space<vmem>>, vector<1x16xf32>,
        %parallel_loop3A_100 = vector.shape_cast %parallel_loop3A_99 : vector<1x16xf32> to vector<16xf32>
        %parallel_loop3A_101 = vector.extract_strided_slice %parallel_loop3A_60 {offsets = [3], sizes = [1], strides = [1]} : vector<16xf32> to vector<1xf32>
        %parallel_loop3A_102 = vector.extract %parallel_loop3A_101[0] : f32 from vector<1xf32>
        %parallel_loop3A_103 = vector.broadcast %parallel_loop3A_102 : f32 to vector<16xf32>
        %parallel_loop3A_104 = arith.mulf %parallel_loop3A_103, %parallel_loop3A_100 : vector<16xf32>
        %parallel_loop3A_105 = arith.addf %parallel_loop3A_87, %parallel_loop3A_104 : vector<16xf32>
        %parallel_loop3A_106 = arith.index_cast %parallel_loop3A_54 : i32 to index
        %parallel_loop3A_107 = arith.constant 64 : index
        %parallel_loop3A_108 = tpu.vector_load %arg12[%parallel_loop3A_106, %parallel_loop3A_107] {strides = array<i32>} : memref<16x640xf32, #tpu.memory_space<vmem>>, vector<1x16xf32>,
        %parallel_loop3A_109 = vector.shape_cast %parallel_loop3A_108 : vector<1x16xf32> to vector<16xf32>
        %parallel_loop3A_110 = vector.extract_strided_slice %parallel_loop3A_60 {offsets = [4], sizes = [1], strides = [1]} : vector<16xf32> to vector<1xf32>
        %parallel_loop3A_111 = vector.extract %parallel_loop3A_110[0] : f32 from vector<1xf32>
        %parallel_loop3A_112 = vector.broadcast %parallel_loop3A_111 : f32 to vector<16xf32>
        %parallel_loop3A_113 = arith.mulf %parallel_loop3A_112, %parallel_loop3A_109 : vector<16xf32>
        %parallel_loop3A_114 = arith.addf %parallel_loop3A_96, %parallel_loop3A_113 : vector<16xf32>
        %parallel_loop3A_115 = arith.index_cast %parallel_loop3A_54 : i32 to index
        %parallel_loop3A_116 = arith.constant 80 : index
        %parallel_loop3A_117 = tpu.vector_load %arg12[%parallel_loop3A_115, %parallel_loop3A_116] {strides = array<i32>} : memref<16x640xf32, #tpu.memory_space<vmem>>, vector<1x16xf32>,
        %parallel_loop3A_118 = vector.shape_cast %parallel_loop3A_117 : vector<1x16xf32> to vector<16xf32>
        %parallel_loop3A_119 = vector.extract_strided_slice %parallel_loop3A_60 {offsets = [5], sizes = [1], strides = [1]} : vector<16xf32> to vector<1xf32>
        %parallel_loop3A_120 = vector.extract %parallel_loop3A_119[0] : f32 from vector<1xf32>
        %parallel_loop3A_121 = vector.broadcast %parallel_loop3A_120 : f32 to vector<16xf32>
        %parallel_loop3A_122 = arith.mulf %parallel_loop3A_121, %parallel_loop3A_118 : vector<16xf32>
        %parallel_loop3A_123 = arith.addf %parallel_loop3A_105, %parallel_loop3A_122 : vector<16xf32>
        %parallel_loop3A_124 = arith.index_cast %parallel_loop3A_54 : i32 to index
        %parallel_loop3A_125 = arith.constant 96 : index
        %parallel_loop3A_126 = tpu.vector_load %arg12[%parallel_loop3A_124, %parallel_loop3A_125] {strides = array<i32>} : memref<16x640xf32, #tpu.memory_space<vmem>>, vector<1x16xf32>,
        %parallel_loop3A_127 = vector.shape_cast %parallel_loop3A_126 : vector<1x16xf32> to vector<16xf32>
        %parallel_loop3A_128 = vector.extract_strided_slice %parallel_loop3A_60 {offsets = [6], sizes = [1], strides = [1]} : vector<16xf32> to vector<1xf32>
        %parallel_loop3A_129 = vector.extract %parallel_loop3A_128[0] : f32 from vector<1xf32>
        %parallel_loop3A_130 = vector.broadcast %parallel_loop3A_129 : f32 to vector<16xf32>
        %parallel_loop3A_131 = arith.mulf %parallel_loop3A_130, %parallel_loop3A_127 : vector<16xf32>
        %parallel_loop3A_132 = arith.addf %parallel_loop3A_114, %parallel_loop3A_131 : vector<16xf32>
        %parallel_loop3A_133 = arith.index_cast %parallel_loop3A_54 : i32 to index
        %parallel_loop3A_134 = arith.constant 112 : index
        %parallel_loop3A_135 = tpu.vector_load %arg12[%parallel_loop3A_133, %parallel_loop3A_134] {strides = array<i32>} : memref<16x640xf32, #tpu.memory_space<vmem>>, vector<1x16xf32>,
        %parallel_loop3A_136 = vector.shape_cast %parallel_loop3A_135 : vector<1x16xf32> to vector<16xf32>
        %parallel_loop3A_137 = vector.extract_strided_slice %parallel_loop3A_60 {offsets = [7], sizes = [1], strides = [1]} : vector<16xf32> to vector<1xf32>
        %parallel_loop3A_138 = vector.extract %parallel_loop3A_137[0] : f32 from vector<1xf32>
        %parallel_loop3A_139 = vector.broadcast %parallel_loop3A_138 : f32 to vector<16xf32>
        %parallel_loop3A_140 = arith.mulf %parallel_loop3A_139, %parallel_loop3A_136 : vector<16xf32>
        %parallel_loop3A_141 = arith.addf %parallel_loop3A_123, %parallel_loop3A_140 : vector<16xf32>
        %parallel_loop3A_142 = arith.index_cast %parallel_loop3A_54 : i32 to index
        %parallel_loop3A_143 = arith.constant 128 : index
        %parallel_loop3A_144 = tpu.vector_load %arg12[%parallel_loop3A_142, %parallel_loop3A_143] {strides = array<i32>} : memref<16x640xf32, #tpu.memory_space<vmem>>, vector<1x16xf32>,
        %parallel_loop3A_145 = vector.shape_cast %parallel_loop3A_144 : vector<1x16xf32> to vector<16xf32>
        %parallel_loop3A_146 = vector.extract_strided_slice %parallel_loop3A_60 {offsets = [8], sizes = [1], strides = [1]} : vector<16xf32> to vector<1xf32>
        %parallel_loop3A_147 = vector.extract %parallel_loop3A_146[0] : f32 from vector<1xf32>
        %parallel_loop3A_148 = vector.broadcast %parallel_loop3A_147 : f32 to vector<16xf32>
        %parallel_loop3A_149 = arith.mulf %parallel_loop3A_148, %parallel_loop3A_145 : vector<16xf32>
        %parallel_loop3A_150 = arith.addf %parallel_loop3A_132, %parallel_loop3A_149 : vector<16xf32>
        %parallel_loop3A_151 = arith.index_cast %parallel_loop3A_54 : i32 to index
        %parallel_loop3A_152 = arith.constant 144 : index
        %parallel_loop3A_153 = tpu.vector_load %arg12[%parallel_loop3A_151, %parallel_loop3A_152] {strides = array<i32>} : memref<16x640xf32, #tpu.memory_space<vmem>>, vector<1x16xf32>,
        %parallel_loop3A_154 = vector.shape_cast %parallel_loop3A_153 : vector<1x16xf32> to vector<16xf32>
        %parallel_loop3A_155 = vector.extract_strided_slice %parallel_loop3A_60 {offsets = [9], sizes = [1], strides = [1]} : vector<16xf32> to vector<1xf32>
        %parallel_loop3A_156 = vector.extract %parallel_loop3A_155[0] : f32 from vector<1xf32>
        %parallel_loop3A_157 = vector.broadcast %parallel_loop3A_156 : f32 to vector<16xf32>
        %parallel_loop3A_158 = arith.mulf %parallel_loop3A_157, %parallel_loop3A_154 : vector<16xf32>
        %parallel_loop3A_159 = arith.addf %parallel_loop3A_141, %parallel_loop3A_158 : vector<16xf32>
        %parallel_loop3A_160 = arith.index_cast %parallel_loop3A_54 : i32 to index
        %parallel_loop3A_161 = arith.constant 160 : index
        %parallel_loop3A_162 = tpu.vector_load %arg12[%parallel_loop3A_160, %parallel_loop3A_161] {strides = array<i32>} : memref<16x640xf32, #tpu.memory_space<vmem>>, vector<1x16xf32>,
        %parallel_loop3A_163 = vector.shape_cast %parallel_loop3A_162 : vector<1x16xf32> to vector<16xf32>
        %parallel_loop3A_164 = vector.extract_strided_slice %parallel_loop3A_60 {offsets = [10], sizes = [1], strides = [1]} : vector<16xf32> to vector<1xf32>
        %parallel_loop3A_165 = vector.extract %parallel_loop3A_164[0] : f32 from vector<1xf32>
        %parallel_loop3A_166 = vector.broadcast %parallel_loop3A_165 : f32 to vector<16xf32>
        %parallel_loop3A_167 = arith.mulf %parallel_loop3A_166, %parallel_loop3A_163 : vector<16xf32>
        %parallel_loop3A_168 = arith.addf %parallel_loop3A_150, %parallel_loop3A_167 : vector<16xf32>
        %parallel_loop3A_169 = arith.index_cast %parallel_loop3A_54 : i32 to index
        %parallel_loop3A_170 = arith.constant 176 : index
        %parallel_loop3A_171 = tpu.vector_load %arg12[%parallel_loop3A_169, %parallel_loop3A_170] {strides = array<i32>} : memref<16x640xf32, #tpu.memory_space<vmem>>, vector<1x16xf32>,
        %parallel_loop3A_172 = vector.shape_cast %parallel_loop3A_171 : vector<1x16xf32> to vector<16xf32>
        %parallel_loop3A_173 = vector.extract_strided_slice %parallel_loop3A_60 {offsets = [11], sizes = [1], strides = [1]} : vector<16xf32> to vector<1xf32>
        %parallel_loop3A_174 = vector.extract %parallel_loop3A_173[0] : f32 from vector<1xf32>
        %parallel_loop3A_175 = vector.broadcast %parallel_loop3A_174 : f32 to vector<16xf32>
        %parallel_loop3A_176 = arith.mulf %parallel_loop3A_175, %parallel_loop3A_172 : vector<16xf32>
        %parallel_loop3A_177 = arith.addf %parallel_loop3A_159, %parallel_loop3A_176 : vector<16xf32>
        %parallel_loop3A_178 = arith.index_cast %parallel_loop3A_54 : i32 to index
        %parallel_loop3A_179 = arith.constant 192 : index
        %parallel_loop3A_180 = tpu.vector_load %arg12[%parallel_loop3A_178, %parallel_loop3A_179] {strides = array<i32>} : memref<16x640xf32, #tpu.memory_space<vmem>>, vector<1x16xf32>,
        %parallel_loop3A_181 = vector.shape_cast %parallel_loop3A_180 : vector<1x16xf32> to vector<16xf32>
        %parallel_loop3A_182 = vector.extract_strided_slice %parallel_loop3A_60 {offsets = [12], sizes = [1], strides = [1]} : vector<16xf32> to vector<1xf32>
        %parallel_loop3A_183 = vector.extract %parallel_loop3A_182[0] : f32 from vector<1xf32>
        %parallel_loop3A_184 = vector.broadcast %parallel_loop3A_183 : f32 to vector<16xf32>
        %parallel_loop3A_185 = arith.mulf %parallel_loop3A_184, %parallel_loop3A_181 : vector<16xf32>
        %parallel_loop3A_186 = arith.addf %parallel_loop3A_168, %parallel_loop3A_185 : vector<16xf32>
        %parallel_loop3A_187 = arith.index_cast %parallel_loop3A_54 : i32 to index
        %parallel_loop3A_188 = arith.constant 208 : index
        %parallel_loop3A_189 = tpu.vector_load %arg12[%parallel_loop3A_187, %parallel_loop3A_188] {strides = array<i32>} : memref<16x640xf32, #tpu.memory_space<vmem>>, vector<1x16xf32>,
        %parallel_loop3A_190 = vector.shape_cast %parallel_loop3A_189 : vector<1x16xf32> to vector<16xf32>
        %parallel_loop3A_191 = vector.extract_strided_slice %parallel_loop3A_60 {offsets = [13], sizes = [1], strides = [1]} : vector<16xf32> to vector<1xf32>
        %parallel_loop3A_192 = vector.extract %parallel_loop3A_191[0] : f32 from vector<1xf32>
        %parallel_loop3A_193 = vector.broadcast %parallel_loop3A_192 : f32 to vector<16xf32>
        %parallel_loop3A_194 = arith.mulf %parallel_loop3A_193, %parallel_loop3A_190 : vector<16xf32>
        %parallel_loop3A_195 = arith.addf %parallel_loop3A_177, %parallel_loop3A_194 : vector<16xf32>
        %parallel_loop3A_196 = arith.index_cast %parallel_loop3A_54 : i32 to index
        %parallel_loop3A_197 = arith.constant 224 : index
        %parallel_loop3A_198 = tpu.vector_load %arg12[%parallel_loop3A_196, %parallel_loop3A_197] {strides = array<i32>} : memref<16x640xf32, #tpu.memory_space<vmem>>, vector<1x16xf32>,
        %parallel_loop3A_199 = vector.shape_cast %parallel_loop3A_198 : vector<1x16xf32> to vector<16xf32>
        %parallel_loop3A_200 = vector.extract_strided_slice %parallel_loop3A_60 {offsets = [14], sizes = [1], strides = [1]} : vector<16xf32> to vector<1xf32>
        %parallel_loop3A_201 = vector.extract %parallel_loop3A_200[0] : f32 from vector<1xf32>
        %parallel_loop3A_202 = vector.broadcast %parallel_loop3A_201 : f32 to vector<16xf32>
        %parallel_loop3A_203 = arith.mulf %parallel_loop3A_202, %parallel_loop3A_199 : vector<16xf32>
        %parallel_loop3A_204 = arith.addf %parallel_loop3A_186, %parallel_loop3A_203 : vector<16xf32>
        %parallel_loop3A_205 = arith.index_cast %parallel_loop3A_54 : i32 to index
        %parallel_loop3A_206 = arith.constant 240 : index
        %parallel_loop3A_207 = tpu.vector_load %arg12[%parallel_loop3A_205, %parallel_loop3A_206] {strides = array<i32>} : memref<16x640xf32, #tpu.memory_space<vmem>>, vector<1x16xf32>,
        %parallel_loop3A_208 = vector.shape_cast %parallel_loop3A_207 : vector<1x16xf32> to vector<16xf32>
        %parallel_loop3A_209 = vector.extract_strided_slice %parallel_loop3A_60 {offsets = [15], sizes = [1], strides = [1]} : vector<16xf32> to vector<1xf32>
        %parallel_loop3A_210 = vector.extract %parallel_loop3A_209[0] : f32 from vector<1xf32>
        %parallel_loop3A_211 = vector.broadcast %parallel_loop3A_210 : f32 to vector<16xf32>
        %parallel_loop3A_212 = arith.mulf %parallel_loop3A_211, %parallel_loop3A_208 : vector<16xf32>
        %parallel_loop3A_213 = arith.addf %parallel_loop3A_195, %parallel_loop3A_212 : vector<16xf32>
        %parallel_loop3A_214 = arith.index_cast %parallel_loop3A_54 : i32 to index
        %parallel_loop3A_215 = arith.constant 256 : index
        %parallel_loop3A_216 = tpu.vector_load %arg12[%parallel_loop3A_214, %parallel_loop3A_215] {strides = array<i32>} : memref<16x640xf32, #tpu.memory_space<vmem>>, vector<1x16xf32>,
        %parallel_loop3A_217 = vector.shape_cast %parallel_loop3A_216 : vector<1x16xf32> to vector<16xf32>
        %parallel_loop3A_218 = vector.extract_strided_slice %parallel_loop3A_66 {offsets = [0], sizes = [1], strides = [1]} : vector<16xf32> to vector<1xf32>
        %parallel_loop3A_219 = vector.extract %parallel_loop3A_218[0] : f32 from vector<1xf32>
        %parallel_loop3A_220 = vector.broadcast %parallel_loop3A_219 : f32 to vector<16xf32>
        %parallel_loop3A_221 = arith.mulf %parallel_loop3A_220, %parallel_loop3A_217 : vector<16xf32>
        %parallel_loop3A_222 = arith.addf %parallel_loop3A_213, %parallel_loop3A_221 : vector<16xf32>
        %parallel_loop3A_223 = arith.index_cast %parallel_loop3A_54 : i32 to index
        %parallel_loop3A_224 = arith.constant 272 : index
        %parallel_loop3A_225 = tpu.vector_load %arg12[%parallel_loop3A_223, %parallel_loop3A_224] {strides = array<i32>} : memref<16x640xf32, #tpu.memory_space<vmem>>, vector<1x16xf32>,
        %parallel_loop3A_226 = vector.shape_cast %parallel_loop3A_225 : vector<1x16xf32> to vector<16xf32>
        %parallel_loop3A_227 = vector.extract_strided_slice %parallel_loop3A_66 {offsets = [1], sizes = [1], strides = [1]} : vector<16xf32> to vector<1xf32>
        %parallel_loop3A_228 = vector.extract %parallel_loop3A_227[0] : f32 from vector<1xf32>
        %parallel_loop3A_229 = vector.broadcast %parallel_loop3A_228 : f32 to vector<16xf32>
        %parallel_loop3A_230 = arith.mulf %parallel_loop3A_229, %parallel_loop3A_226 : vector<16xf32>
        %parallel_loop3A_231 = arith.addf %parallel_loop3A_204, %parallel_loop3A_230 : vector<16xf32>
        %parallel_loop3A_232 = arith.index_cast %parallel_loop3A_54 : i32 to index
        %parallel_loop3A_233 = arith.constant 288 : index
        %parallel_loop3A_234 = tpu.vector_load %arg12[%parallel_loop3A_232, %parallel_loop3A_233] {strides = array<i32>} : memref<16x640xf32, #tpu.memory_space<vmem>>, vector<1x16xf32>,
        %parallel_loop3A_235 = vector.shape_cast %parallel_loop3A_234 : vector<1x16xf32> to vector<16xf32>
        %parallel_loop3A_236 = vector.extract_strided_slice %parallel_loop3A_66 {offsets = [2], sizes = [1], strides = [1]} : vector<16xf32> to vector<1xf32>
        %parallel_loop3A_237 = vector.extract %parallel_loop3A_236[0] : f32 from vector<1xf32>
        %parallel_loop3A_238 = vector.broadcast %parallel_loop3A_237 : f32 to vector<16xf32>
        %parallel_loop3A_239 = arith.mulf %parallel_loop3A_238, %parallel_loop3A_235 : vector<16xf32>
        %parallel_loop3A_240 = arith.addf %parallel_loop3A_222, %parallel_loop3A_239 : vector<16xf32>
        %parallel_loop3A_241 = arith.index_cast %parallel_loop3A_54 : i32 to index
        %parallel_loop3A_242 = arith.constant 304 : index
        %parallel_loop3A_243 = tpu.vector_load %arg12[%parallel_loop3A_241, %parallel_loop3A_242] {strides = array<i32>} : memref<16x640xf32, #tpu.memory_space<vmem>>, vector<1x16xf32>,
        %parallel_loop3A_244 = vector.shape_cast %parallel_loop3A_243 : vector<1x16xf32> to vector<16xf32>
        %parallel_loop3A_245 = vector.extract_strided_slice %parallel_loop3A_66 {offsets = [3], sizes = [1], strides = [1]} : vector<16xf32> to vector<1xf32>
        %parallel_loop3A_246 = vector.extract %parallel_loop3A_245[0] : f32 from vector<1xf32>
        %parallel_loop3A_247 = vector.broadcast %parallel_loop3A_246 : f32 to vector<16xf32>
        %parallel_loop3A_248 = arith.mulf %parallel_loop3A_247, %parallel_loop3A_244 : vector<16xf32>
        %parallel_loop3A_249 = arith.addf %parallel_loop3A_231, %parallel_loop3A_248 : vector<16xf32>
        %parallel_loop3A_250 = arith.index_cast %parallel_loop3A_54 : i32 to index
        %parallel_loop3A_251 = arith.constant 320 : index
        %parallel_loop3A_252 = tpu.vector_load %arg12[%parallel_loop3A_250, %parallel_loop3A_251] {strides = array<i32>} : memref<16x640xf32, #tpu.memory_space<vmem>>, vector<1x16xf32>,
        %parallel_loop3A_253 = vector.shape_cast %parallel_loop3A_252 : vector<1x16xf32> to vector<16xf32>
        %parallel_loop3A_254 = vector.extract_strided_slice %parallel_loop3A_66 {offsets = [4], sizes = [1], strides = [1]} : vector<16xf32> to vector<1xf32>
        %parallel_loop3A_255 = vector.extract %parallel_loop3A_254[0] : f32 from vector<1xf32>
        %parallel_loop3A_256 = vector.broadcast %parallel_loop3A_255 : f32 to vector<16xf32>
        %parallel_loop3A_257 = arith.mulf %parallel_loop3A_256, %parallel_loop3A_253 : vector<16xf32>
        %parallel_loop3A_258 = arith.addf %parallel_loop3A_240, %parallel_loop3A_257 : vector<16xf32>
        %parallel_loop3A_259 = arith.index_cast %parallel_loop3A_54 : i32 to index
        %parallel_loop3A_260 = arith.constant 336 : index
        %parallel_loop3A_261 = tpu.vector_load %arg12[%parallel_loop3A_259, %parallel_loop3A_260] {strides = array<i32>} : memref<16x640xf32, #tpu.memory_space<vmem>>, vector<1x16xf32>,
        %parallel_loop3A_262 = vector.shape_cast %parallel_loop3A_261 : vector<1x16xf32> to vector<16xf32>
        %parallel_loop3A_263 = vector.extract_strided_slice %parallel_loop3A_66 {offsets = [5], sizes = [1], strides = [1]} : vector<16xf32> to vector<1xf32>
        %parallel_loop3A_264 = vector.extract %parallel_loop3A_263[0] : f32 from vector<1xf32>
        %parallel_loop3A_265 = vector.broadcast %parallel_loop3A_264 : f32 to vector<16xf32>
        %parallel_loop3A_266 = arith.mulf %parallel_loop3A_265, %parallel_loop3A_262 : vector<16xf32>
        %parallel_loop3A_267 = arith.addf %parallel_loop3A_249, %parallel_loop3A_266 : vector<16xf32>
        %parallel_loop3A_268 = arith.index_cast %parallel_loop3A_54 : i32 to index
        %parallel_loop3A_269 = arith.constant 352 : index
        %parallel_loop3A_270 = tpu.vector_load %arg12[%parallel_loop3A_268, %parallel_loop3A_269] {strides = array<i32>} : memref<16x640xf32, #tpu.memory_space<vmem>>, vector<1x16xf32>,
        %parallel_loop3A_271 = vector.shape_cast %parallel_loop3A_270 : vector<1x16xf32> to vector<16xf32>
        %parallel_loop3A_272 = vector.extract_strided_slice %parallel_loop3A_66 {offsets = [6], sizes = [1], strides = [1]} : vector<16xf32> to vector<1xf32>
        %parallel_loop3A_273 = vector.extract %parallel_loop3A_272[0] : f32 from vector<1xf32>
        %parallel_loop3A_274 = vector.broadcast %parallel_loop3A_273 : f32 to vector<16xf32>
        %parallel_loop3A_275 = arith.mulf %parallel_loop3A_274, %parallel_loop3A_271 : vector<16xf32>
        %parallel_loop3A_276 = arith.addf %parallel_loop3A_258, %parallel_loop3A_275 : vector<16xf32>
        %parallel_loop3A_277 = arith.index_cast %parallel_loop3A_54 : i32 to index
        %parallel_loop3A_278 = arith.constant 368 : index
        %parallel_loop3A_279 = tpu.vector_load %arg12[%parallel_loop3A_277, %parallel_loop3A_278] {strides = array<i32>} : memref<16x640xf32, #tpu.memory_space<vmem>>, vector<1x16xf32>,
        %parallel_loop3A_280 = vector.shape_cast %parallel_loop3A_279 : vector<1x16xf32> to vector<16xf32>
        %parallel_loop3A_281 = vector.extract_strided_slice %parallel_loop3A_66 {offsets = [7], sizes = [1], strides = [1]} : vector<16xf32> to vector<1xf32>
        %parallel_loop3A_282 = vector.extract %parallel_loop3A_281[0] : f32 from vector<1xf32>
        %parallel_loop3A_283 = vector.broadcast %parallel_loop3A_282 : f32 to vector<16xf32>
        %parallel_loop3A_284 = arith.mulf %parallel_loop3A_283, %parallel_loop3A_280 : vector<16xf32>
        %parallel_loop3A_285 = arith.addf %parallel_loop3A_267, %parallel_loop3A_284 : vector<16xf32>
        %parallel_loop3A_286 = arith.index_cast %parallel_loop3A_54 : i32 to index
        %parallel_loop3A_287 = arith.constant 384 : index
        %parallel_loop3A_288 = tpu.vector_load %arg12[%parallel_loop3A_286, %parallel_loop3A_287] {strides = array<i32>} : memref<16x640xf32, #tpu.memory_space<vmem>>, vector<1x16xf32>,
        %parallel_loop3A_289 = vector.shape_cast %parallel_loop3A_288 : vector<1x16xf32> to vector<16xf32>
        %parallel_loop3A_290 = vector.extract_strided_slice %parallel_loop3A_66 {offsets = [8], sizes = [1], strides = [1]} : vector<16xf32> to vector<1xf32>
        %parallel_loop3A_291 = vector.extract %parallel_loop3A_290[0] : f32 from vector<1xf32>
        %parallel_loop3A_292 = vector.broadcast %parallel_loop3A_291 : f32 to vector<16xf32>
        %parallel_loop3A_293 = arith.mulf %parallel_loop3A_292, %parallel_loop3A_289 : vector<16xf32>
        %parallel_loop3A_294 = arith.addf %parallel_loop3A_276, %parallel_loop3A_293 : vector<16xf32>
        %parallel_loop3A_295 = arith.index_cast %parallel_loop3A_54 : i32 to index
        %parallel_loop3A_296 = arith.constant 400 : index
        %parallel_loop3A_297 = tpu.vector_load %arg12[%parallel_loop3A_295, %parallel_loop3A_296] {strides = array<i32>} : memref<16x640xf32, #tpu.memory_space<vmem>>, vector<1x16xf32>,
        %parallel_loop3A_298 = vector.shape_cast %parallel_loop3A_297 : vector<1x16xf32> to vector<16xf32>
        %parallel_loop3A_299 = vector.extract_strided_slice %parallel_loop3A_66 {offsets = [9], sizes = [1], strides = [1]} : vector<16xf32> to vector<1xf32>
        %parallel_loop3A_300 = vector.extract %parallel_loop3A_299[0] : f32 from vector<1xf32>
        %parallel_loop3A_301 = vector.broadcast %parallel_loop3A_300 : f32 to vector<16xf32>
        %parallel_loop3A_302 = arith.mulf %parallel_loop3A_301, %parallel_loop3A_298 : vector<16xf32>
        %parallel_loop3A_303 = arith.addf %parallel_loop3A_285, %parallel_loop3A_302 : vector<16xf32>
        %parallel_loop3A_304 = arith.index_cast %parallel_loop3A_54 : i32 to index
        %parallel_loop3A_305 = arith.constant 416 : index
        %parallel_loop3A_306 = tpu.vector_load %arg12[%parallel_loop3A_304, %parallel_loop3A_305] {strides = array<i32>} : memref<16x640xf32, #tpu.memory_space<vmem>>, vector<1x16xf32>,
        %parallel_loop3A_307 = vector.shape_cast %parallel_loop3A_306 : vector<1x16xf32> to vector<16xf32>
        %parallel_loop3A_308 = vector.extract_strided_slice %parallel_loop3A_66 {offsets = [10], sizes = [1], strides = [1]} : vector<16xf32> to vector<1xf32>
        %parallel_loop3A_309 = vector.extract %parallel_loop3A_308[0] : f32 from vector<1xf32>
        %parallel_loop3A_310 = vector.broadcast %parallel_loop3A_309 : f32 to vector<16xf32>
        %parallel_loop3A_311 = arith.mulf %parallel_loop3A_310, %parallel_loop3A_307 : vector<16xf32>
        %parallel_loop3A_312 = arith.addf %parallel_loop3A_294, %parallel_loop3A_311 : vector<16xf32>
        %parallel_loop3A_313 = arith.index_cast %parallel_loop3A_54 : i32 to index
        %parallel_loop3A_314 = arith.constant 432 : index
        %parallel_loop3A_315 = tpu.vector_load %arg12[%parallel_loop3A_313, %parallel_loop3A_314] {strides = array<i32>} : memref<16x640xf32, #tpu.memory_space<vmem>>, vector<1x16xf32>,
        %parallel_loop3A_316 = vector.shape_cast %parallel_loop3A_315 : vector<1x16xf32> to vector<16xf32>
        %parallel_loop3A_317 = vector.extract_strided_slice %parallel_loop3A_66 {offsets = [11], sizes = [1], strides = [1]} : vector<16xf32> to vector<1xf32>
        %parallel_loop3A_318 = vector.extract %parallel_loop3A_317[0] : f32 from vector<1xf32>
        %parallel_loop3A_319 = vector.broadcast %parallel_loop3A_318 : f32 to vector<16xf32>
        %parallel_loop3A_320 = arith.mulf %parallel_loop3A_319, %parallel_loop3A_316 : vector<16xf32>
        %parallel_loop3A_321 = arith.addf %parallel_loop3A_303, %parallel_loop3A_320 : vector<16xf32>
        %parallel_loop3A_322 = arith.index_cast %parallel_loop3A_54 : i32 to index
        %parallel_loop3A_323 = arith.constant 448 : index
        %parallel_loop3A_324 = tpu.vector_load %arg12[%parallel_loop3A_322, %parallel_loop3A_323] {strides = array<i32>} : memref<16x640xf32, #tpu.memory_space<vmem>>, vector<1x16xf32>,
        %parallel_loop3A_325 = vector.shape_cast %parallel_loop3A_324 : vector<1x16xf32> to vector<16xf32>
        %parallel_loop3A_326 = vector.extract_strided_slice %parallel_loop3A_66 {offsets = [12], sizes = [1], strides = [1]} : vector<16xf32> to vector<1xf32>
        %parallel_loop3A_327 = vector.extract %parallel_loop3A_326[0] : f32 from vector<1xf32>
        %parallel_loop3A_328 = vector.broadcast %parallel_loop3A_327 : f32 to vector<16xf32>
        %parallel_loop3A_329 = arith.mulf %parallel_loop3A_328, %parallel_loop3A_325 : vector<16xf32>
        %parallel_loop3A_330 = arith.addf %parallel_loop3A_312, %parallel_loop3A_329 : vector<16xf32>
        %parallel_loop3A_331 = arith.index_cast %parallel_loop3A_54 : i32 to index
        %parallel_loop3A_332 = arith.constant 464 : index
        %parallel_loop3A_333 = tpu.vector_load %arg12[%parallel_loop3A_331, %parallel_loop3A_332] {strides = array<i32>} : memref<16x640xf32, #tpu.memory_space<vmem>>, vector<1x16xf32>,
        %parallel_loop3A_334 = vector.shape_cast %parallel_loop3A_333 : vector<1x16xf32> to vector<16xf32>
        %parallel_loop3A_335 = vector.extract_strided_slice %parallel_loop3A_66 {offsets = [13], sizes = [1], strides = [1]} : vector<16xf32> to vector<1xf32>
        %parallel_loop3A_336 = vector.extract %parallel_loop3A_335[0] : f32 from vector<1xf32>
        %parallel_loop3A_337 = vector.broadcast %parallel_loop3A_336 : f32 to vector<16xf32>
        %parallel_loop3A_338 = arith.mulf %parallel_loop3A_337, %parallel_loop3A_334 : vector<16xf32>
        %parallel_loop3A_339 = arith.addf %parallel_loop3A_321, %parallel_loop3A_338 : vector<16xf32>
        %parallel_loop3A_340 = arith.index_cast %parallel_loop3A_54 : i32 to index
        %parallel_loop3A_341 = arith.constant 480 : index
        %parallel_loop3A_342 = tpu.vector_load %arg12[%parallel_loop3A_340, %parallel_loop3A_341] {strides = array<i32>} : memref<16x640xf32, #tpu.memory_space<vmem>>, vector<1x16xf32>,
        %parallel_loop3A_343 = vector.shape_cast %parallel_loop3A_342 : vector<1x16xf32> to vector<16xf32>
        %parallel_loop3A_344 = vector.extract_strided_slice %parallel_loop3A_66 {offsets = [14], sizes = [1], strides = [1]} : vector<16xf32> to vector<1xf32>
        %parallel_loop3A_345 = vector.extract %parallel_loop3A_344[0] : f32 from vector<1xf32>
        %parallel_loop3A_346 = vector.broadcast %parallel_loop3A_345 : f32 to vector<16xf32>
        %parallel_loop3A_347 = arith.mulf %parallel_loop3A_346, %parallel_loop3A_343 : vector<16xf32>
        %parallel_loop3A_348 = arith.addf %parallel_loop3A_330, %parallel_loop3A_347 : vector<16xf32>
        %parallel_loop3A_349 = arith.index_cast %parallel_loop3A_54 : i32 to index
        %parallel_loop3A_350 = arith.constant 496 : index
        %parallel_loop3A_351 = tpu.vector_load %arg12[%parallel_loop3A_349, %parallel_loop3A_350] {strides = array<i32>} : memref<16x640xf32, #tpu.memory_space<vmem>>, vector<1x16xf32>,
        %parallel_loop3A_352 = vector.shape_cast %parallel_loop3A_351 : vector<1x16xf32> to vector<16xf32>
        %parallel_loop3A_353 = vector.extract_strided_slice %parallel_loop3A_66 {offsets = [15], sizes = [1], strides = [1]} : vector<16xf32> to vector<1xf32>
        %parallel_loop3A_354 = vector.extract %parallel_loop3A_353[0] : f32 from vector<1xf32>
        %parallel_loop3A_355 = vector.broadcast %parallel_loop3A_354 : f32 to vector<16xf32>
        %parallel_loop3A_356 = arith.mulf %parallel_loop3A_355, %parallel_loop3A_352 : vector<16xf32>
        %parallel_loop3A_357 = arith.addf %parallel_loop3A_339, %parallel_loop3A_356 : vector<16xf32>
        %parallel_loop3A_358 = arith.addf %parallel_loop3A_348, %parallel_loop3A_357 : vector<16xf32>
        %parallel_loop3A_359 = arith.constant 24 : i32
        %parallel_loop3A_360 = arith.addi %parallel_loop3A_54, %parallel_loop3A_359 : i32
        %parallel_loop3A_361 = arith.index_cast %parallel_loop3A_360 : i32 to index
        %parallel_loop3A_362 = arith.constant 0 : index
        %parallel_loop3A_363 = tpu.vector_load %arg14[%parallel_loop3A_361, %parallel_loop3A_362] {strides = array<i32>} : memref<40x128xf32, #tpu.memory_space<vmem>>, vector<1x16xf32>,
        %parallel_loop3A_364 = vector.shape_cast %parallel_loop3A_363 : vector<1x16xf32> to vector<16xf32>
        %parallel_loop3A_365 = vector.shape_cast %parallel_loop3A_358 : vector<16xf32> to vector<1x16xf32>
        tpu.vector_store %arg14[%parallel_loop3A_361, %parallel_loop3A_362], %parallel_loop3A_365 {strides = array<i32>} : memref<40x128xf32, #tpu.memory_space<vmem>>, vector<1x16xf32>,
      } {sc.loop_unroll_factor = 4 : i64, sc.parallel_access}
      "tpu.region"() ({
        %run_scoped3A = tpu.sem_alloc : memref<!tpu.dma_semaphore, #tpu.memory_space<semaphore_mem>>
        %dma_start3A_54 = arith.constant 0 : i32
        %dma_start3A_55 = arith.constant 0 : i32
        %dma_start3A_56 = tpu.memref_slice %arg15[%dma_start3A_54, %dma_start3A_55] : memref<10000x128xf32, #tpu.memory_space<vmem_shared>> -> memref<10000x128xf32, #tpu.memory_space<vmem_shared>>
        tpu.enqueue_indirect_dma source(%arg14 : memref<40x128xf32, #tpu.memory_space<vmem>>) target(%dma_start3A_56 : memref<10000x128xf32, #tpu.memory_space<vmem_shared>>) offsets(%arg10 : memref<40xi32, #tpu.memory_space<vmem>>) semaphore(%run_scoped3A : memref<!tpu.dma_semaphore, #tpu.memory_space<semaphore_mem>>) {add = true}
        %dma_wait3A_57 = arith.constant 0 : i32
        %dma_wait3A_58 = arith.constant 0 : i32
        %dma_wait3A_59 = tpu.memref_slice %arg15[%dma_wait3A_57, %dma_wait3A_58] : memref<10000x128xf32, #tpu.memory_space<vmem_shared>> -> memref<10000x128xf32, #tpu.memory_space<vmem_shared>>
        tpu.wait_indirect_dma semaphore(%run_scoped3A : memref<!tpu.dma_semaphore, #tpu.memory_space<semaphore_mem>>) src(%arg14 : memref<40x128xf32, #tpu.memory_space<vmem>>) dst(%dma_wait3A_59 : memref<10000x128xf32, #tpu.memory_space<vmem_shared>>)
        tpu.yield
      }) : () -> ()
    }
    %scan3A_24 = arith.constant 125 : i32
    %barrier3A_25 = arith.constant 0 : index
    tpu.barrier barrier_id(%barrier3A_25)
    %eq3A_26 = arith.constant 0 : i32
    %eq3A_27 = arith.cmpi eq, %arg1, %eq3A_26 : i32
    %convert_element_type3A_28 = arith.extui %eq3A_27 : i1 to i32
    %cond3A_29 = arith.constant 0 : i32
    %cond3A_30 = arith.cmpi ne, %convert_element_type3A_28, %cond3A_29 : i32
    scf.if %cond3A_30 {
      "tpu.region"() ({
        %run_scoped3A = tpu.sem_alloc : memref<!tpu.dma_semaphore, #tpu.memory_space<semaphore_mem>>
        %dma_start3A_31 = arith.constant 0 : i32
        %dma_start3A_32 = arith.constant 0 : i32
        %dma_start3A_33 = tpu.memref_slice %arg7[%arg0, %dma_start3A_31, %dma_start3A_32] : memref<2x10000x128xf32, #tpu.memory_space<hbm>> -> memref<1x10000x128xf32, #tpu.memory_space<hbm>>
        %dma_start3A_34 = tpu.memref_squeeze %dma_start3A_33 : memref<1x10000x128xf32, #tpu.memory_space<hbm>> -> memref<10000x128xf32, #tpu.memory_space<hbm>>
        tpu.enqueue_dma source(%arg15 : memref<10000x128xf32, #tpu.memory_space<vmem_shared>>) target(%dma_start3A_34 : memref<10000x128xf32, #tpu.memory_space<hbm>>) target_semaphore(%run_scoped3A : memref<!tpu.dma_semaphore, #tpu.memory_space<semaphore_mem>>)
        %dma_wait3A = arith.constant 0 : i32
        %dma_wait3A_35 = arith.constant 0 : i32
        %dma_wait3A_36 = tpu.memref_slice %arg7[%arg0, %dma_wait3A, %dma_wait3A_35] : memref<2x10000x128xf32, #tpu.memory_space<hbm>> -> memref<1x10000x128xf32, #tpu.memory_space<hbm>>
        %dma_wait3A_37 = tpu.memref_squeeze %dma_wait3A_36 : memref<1x10000x128xf32, #tpu.memory_space<hbm>> -> memref<10000x128xf32, #tpu.memory_space<hbm>>
        tpu.wait_dma2 semaphore(%run_scoped3A : memref<!tpu.dma_semaphore, #tpu.memory_space<semaphore_mem>>) src(%arg15 : memref<10000x128xf32, #tpu.memory_space<vmem_shared>>) dst(%dma_wait3A_37 : memref<10000x128xf32, #tpu.memory_space<hbm>>)
        tpu.yield
      }) : () -> ()
    } else {
    }
    return
  }
}

#map = affine_map<(d0, d1) -> (0, 0)>
#map1 = affine_map<(d0, d1) -> (0)>
#map2 = affine_map<(d0, d1) -> (0, 0, 0)>
module attributes {stable_mosaic.version = 14 : i64} {
  func.func @_sc_body(%arg0: i32, %arg1: i32, %arg2: memref<10000x640xf32, #tpu.memory_space<hbm>>, %arg3: memref<160000x32xf32, #tpu.memory_space<hbm>>, %arg4: memref<160000xi32, #tpu.memory_space<hbm>>, %arg5: memref<160000xi32, #tpu.memory_space<hbm>>, %arg6: memref<10000x128xf32, #tpu.memory_space<hbm>>, %arg7: memref<2x10000x128xf32, #tpu.memory_space<hbm>>, %arg8: memref<24xi32, #tpu.memory_space<vmem>>, %arg9: memref<16xi32, #tpu.memory_space<vmem>>, %arg10: memref<40xi32, #tpu.memory_space<vmem>>, %arg11: memref<24x640xf32, #tpu.memory_space<vmem>>, %arg12: memref<16x640xf32, #tpu.memory_space<vmem>>, %arg13: memref<40x32xf32, #tpu.memory_space<vmem>>, %arg14: memref<40x128xf32, #tpu.memory_space<vmem>>, %arg15: memref<10000x128xf32, #tpu.memory_space<vmem_shared>>, %arg16: memref<!tpu.dma_semaphore, #tpu.memory_space<semaphore_mem>>, %arg17: memref<!tpu.dma_semaphore, #tpu.memory_space<semaphore_mem>>) attributes {dimension_semantics = [#tpu.dimension_semantics<core_parallel>, #tpu.dimension_semantics<subcore_parallel>], iteration_bounds = array<i64: 2, 16>, scalar_prefetch = 0 : i64, scratch_operands = 10 : i64, tpu.core_type = #tpu.core_type<sc_vector_subcore>, window_params = [{transform_indices = #map}, {transform_indices = #map}, {transform_indices = #map1}, {transform_indices = #map1}, {transform_indices = #map}, {transform_indices = #map2}]} {
    %mul3A = arith.constant 2 : i32
    %mul3A_0 = arith.muli %arg1, %mul3A : i32
    %add3A = arith.addi %mul3A_0, %arg0 : i32
    %eq3A = arith.constant 0 : i32
    %eq3A_1 = arith.cmpi eq, %arg1, %eq3A : i32
    %convert_element_type3A = arith.extui %eq3A_1 : i1 to i32
    %cond3A = arith.constant 0 : i32
    %cond3A_2 = arith.cmpi ne, %convert_element_type3A, %cond3A : i32
    scf.if %cond3A_2 {
      "tpu.region"() ({
        %run_scoped3A = tpu.sem_alloc : memref<!tpu.dma_semaphore, #tpu.memory_space<semaphore_mem>>
        tpu.enqueue_dma source(%arg6 : memref<10000x128xf32, #tpu.memory_space<hbm>>) target(%arg15 : memref<10000x128xf32, #tpu.memory_space<vmem_shared>>) target_semaphore(%run_scoped3A : memref<!tpu.dma_semaphore, #tpu.memory_space<semaphore_mem>>)
        tpu.wait_dma2 semaphore(%run_scoped3A : memref<!tpu.dma_semaphore, #tpu.memory_space<semaphore_mem>>) src(%arg6 : memref<10000x128xf32, #tpu.memory_space<hbm>>) dst(%arg15 : memref<10000x128xf32, #tpu.memory_space<vmem_shared>>)
        tpu.yield
      }) : () -> ()
    } else {
    }
    %barrier3A = arith.constant 0 : index
    tpu.barrier barrier_id(%barrier3A)
    %broadcast_in_dim3A = arith.constant 0.000000e+00 : f32
    %broadcast_in_dim3A_3 = vector.broadcast %broadcast_in_dim3A : f32 to vector<16xf32>
    %iota3A = tpu.iota {dimensions = array<i32: 0>} : vector<16xi32>
    %eq3A_4 = arith.constant 0 : i32
    %eq3A_5 = vector.broadcast %eq3A_4 : i32 to vector<16xi32>
    %eq3A_6 = arith.cmpi eq, %iota3A, %eq3A_5 : vector<16xi32>
    %jit3A = arith.constant 1.000000e+00 : f32
    %jit3A_7 = arith.constant 0.000000e+00 : f32
    %broadcast_in_dim3A_8 = vector.broadcast %jit3A : f32 to vector<16xf32>
    %broadcast_in_dim3A_9 = vector.broadcast %jit3A_7 : f32 to vector<16xf32>
    %select_n3A = arith.select %eq3A_6, %broadcast_in_dim3A_8, %broadcast_in_dim3A_9 : vector<16xi1>, vector<16xf32>
    %scan3A = arith.constant 0 : i32
    %scan3A_10 = arith.constant 0 : i32
    %scan3A_11 = arith.constant 40 : i32
    %scan3A_12 = arith.addi %scan3A_10, %scan3A_11 : i32
    %scan3A_13 = arith.constant 1 : i32
    scf.for %scan3A_31 = %scan3A_10 to %scan3A_12 step %scan3A_13  : i32 {
      %swap3A = arith.index_cast %scan3A_31 : i32 to index
      %swap3A_32 = arith.constant 16 : index
      %swap3A_33 = tpu.vector_load %arg14[%swap3A, %swap3A_32] {strides = array<i32>} : memref<40x128xf32, #tpu.memory_space<vmem>>, vector<1x16xf32>,
      %swap3A_34 = vector.shape_cast %swap3A_33 : vector<1x16xf32> to vector<16xf32>
      %swap3A_35 = vector.shape_cast %select_n3A : vector<16xf32> to vector<1x16xf32>
      tpu.vector_store %arg14[%swap3A, %swap3A_32], %swap3A_35 {strides = array<i32>} : memref<40x128xf32, #tpu.memory_space<vmem>>, vector<1x16xf32>,
      %swap3A_36 = arith.index_cast %scan3A_31 : i32 to index
      %swap3A_37 = arith.constant 32 : index
      %swap3A_38 = tpu.vector_load %arg14[%swap3A_36, %swap3A_37] {strides = array<i32>} : memref<40x128xf32, #tpu.memory_space<vmem>>, vector<1x16xf32>,
      %swap3A_39 = vector.shape_cast %swap3A_38 : vector<1x16xf32> to vector<16xf32>
      %swap3A_40 = vector.shape_cast %broadcast_in_dim3A_3 : vector<16xf32> to vector<1x16xf32>
      tpu.vector_store %arg14[%swap3A_36, %swap3A_37], %swap3A_40 {strides = array<i32>} : memref<40x128xf32, #tpu.memory_space<vmem>>, vector<1x16xf32>,
      %swap3A_41 = arith.index_cast %scan3A_31 : i32 to index
      %swap3A_42 = arith.constant 48 : index
      %swap3A_43 = tpu.vector_load %arg14[%swap3A_41, %swap3A_42] {strides = array<i32>} : memref<40x128xf32, #tpu.memory_space<vmem>>, vector<1x16xf32>,
      %swap3A_44 = vector.shape_cast %swap3A_43 : vector<1x16xf32> to vector<16xf32>
      %swap3A_45 = vector.shape_cast %broadcast_in_dim3A_3 : vector<16xf32> to vector<1x16xf32>
      tpu.vector_store %arg14[%swap3A_41, %swap3A_42], %swap3A_45 {strides = array<i32>} : memref<40x128xf32, #tpu.memory_space<vmem>>, vector<1x16xf32>,
      %swap3A_46 = arith.index_cast %scan3A_31 : i32 to index
      %swap3A_47 = arith.constant 64 : index
      %swap3A_48 = tpu.vector_load %arg14[%swap3A_46, %swap3A_47] {strides = array<i32>} : memref<40x128xf32, #tpu.memory_space<vmem>>, vector<1x16xf32>,
      %swap3A_49 = vector.shape_cast %swap3A_48 : vector<1x16xf32> to vector<16xf32>
      %swap3A_50 = vector.shape_cast %broadcast_in_dim3A_3 : vector<16xf32> to vector<1x16xf32>
      tpu.vector_store %arg14[%swap3A_46, %swap3A_47], %swap3A_50 {strides = array<i32>} : memref<40x128xf32, #tpu.memory_space<vmem>>, vector<1x16xf32>,
      %swap3A_51 = arith.index_cast %scan3A_31 : i32 to index
      %swap3A_52 = arith.constant 80 : index
      %swap3A_53 = tpu.vector_load %arg14[%swap3A_51, %swap3A_52] {strides = array<i32>} : memref<40x128xf32, #tpu.memory_space<vmem>>, vector<1x16xf32>,
      %swap3A_54 = vector.shape_cast %swap3A_53 : vector<1x16xf32> to vector<16xf32>
      %swap3A_55 = vector.shape_cast %broadcast_in_dim3A_3 : vector<16xf32> to vector<1x16xf32>
      tpu.vector_store %arg14[%swap3A_51, %swap3A_52], %swap3A_55 {strides = array<i32>} : memref<40x128xf32, #tpu.memory_space<vmem>>, vector<1x16xf32>,
      %swap3A_56 = arith.index_cast %scan3A_31 : i32 to index
      %swap3A_57 = arith.constant 96 : index
      %swap3A_58 = tpu.vector_load %arg14[%swap3A_56, %swap3A_57] {strides = array<i32>} : memref<40x128xf32, #tpu.memory_space<vmem>>, vector<1x16xf32>,
      %swap3A_59 = vector.shape_cast %swap3A_58 : vector<1x16xf32> to vector<16xf32>
      %swap3A_60 = vector.shape_cast %broadcast_in_dim3A_3 : vector<16xf32> to vector<1x16xf32>
      tpu.vector_store %arg14[%swap3A_56, %swap3A_57], %swap3A_60 {strides = array<i32>} : memref<40x128xf32, #tpu.memory_space<vmem>>, vector<1x16xf32>,
      %swap3A_61 = arith.index_cast %scan3A_31 : i32 to index
      %swap3A_62 = arith.constant 112 : index
      %swap3A_63 = tpu.vector_load %arg14[%swap3A_61, %swap3A_62] {strides = array<i32>} : memref<40x128xf32, #tpu.memory_space<vmem>>, vector<1x16xf32>,
      %swap3A_64 = vector.shape_cast %swap3A_63 : vector<1x16xf32> to vector<16xf32>
      %swap3A_65 = vector.shape_cast %broadcast_in_dim3A_3 : vector<16xf32> to vector<1x16xf32>
      tpu.vector_store %arg14[%swap3A_61, %swap3A_62], %swap3A_65 {strides = array<i32>} : memref<40x128xf32, #tpu.memory_space<vmem>>, vector<1x16xf32>,
    }
    %scan3A_14 = arith.constant 40 : i32
    %mul3A_15 = arith.constant 5000 : i32
    %mul3A_16 = arith.muli %add3A, %mul3A_15 : i32
    "tpu.region"() ({
      %run_scoped3A = tpu.sem_alloc : memref<!tpu.dma_semaphore, #tpu.memory_space<semaphore_mem>>
      %dma_start3A_31 = tpu.memref_slice %arg4[%mul3A_16] : memref<160000xi32, #tpu.memory_space<hbm>> -> memref<24xi32, #tpu.memory_space<hbm>>
      %dma_start3A_32 = tpu.memref_slice %arg4[%mul3A_16] : memref<160000xi32, #tpu.memory_space<hbm>> -> memref<24xi32, #tpu.memory_space<hbm>>
      tpu.enqueue_dma source(%dma_start3A_32 : memref<24xi32, #tpu.memory_space<hbm>>) target(%arg8 : memref<24xi32, #tpu.memory_space<vmem>>) target_semaphore(%run_scoped3A : memref<!tpu.dma_semaphore, #tpu.memory_space<semaphore_mem>>)
      %dma_wait3A = tpu.memref_slice %arg4[%mul3A_16] : memref<160000xi32, #tpu.memory_space<hbm>> -> memref<24xi32, #tpu.memory_space<hbm>>
      %dma_wait3A_33 = tpu.memref_slice %arg4[%mul3A_16] : memref<160000xi32, #tpu.memory_space<hbm>> -> memref<24xi32, #tpu.memory_space<hbm>>
      tpu.wait_dma2 semaphore(%run_scoped3A : memref<!tpu.dma_semaphore, #tpu.memory_space<semaphore_mem>>) src(%dma_wait3A_33 : memref<24xi32, #tpu.memory_space<hbm>>) dst(%arg8 : memref<24xi32, #tpu.memory_space<vmem>>)
      tpu.yield
    }) : () -> ()
    %dma_start3A = arith.constant 0 : i32
    %dma_start3A_17 = arith.constant 0 : i32
    %dma_start3A_18 = tpu.memref_slice %arg2[%dma_start3A, %dma_start3A_17] : memref<10000x640xf32, #tpu.memory_space<hbm>> -> memref<10000x640xf32, #tpu.memory_space<hbm>>
    tpu.enqueue_indirect_dma source(%dma_start3A_18 : memref<10000x640xf32, #tpu.memory_space<hbm>>) target(%arg11 : memref<24x640xf32, #tpu.memory_space<vmem>>) offsets(%arg8 : memref<24xi32, #tpu.memory_space<vmem>>) semaphore(%arg16 : memref<!tpu.dma_semaphore, #tpu.memory_space<semaphore_mem>>)
    %scan3A_19 = arith.constant 0 : i32
    %scan3A_20 = arith.constant 0 : i32
    %scan3A_21 = arith.constant 125 : i32
    %scan3A_22 = arith.addi %scan3A_20, %scan3A_21 : i32
    %scan3A_23 = arith.constant 1 : i32
    scf.for %scan3A_31 = %scan3A_20 to %scan3A_22 step %scan3A_23  : i32 {
      %mul3A_32 = arith.constant 40 : i32
      %mul3A_33 = arith.muli %scan3A_31, %mul3A_32 : i32
      %add3A_34 = arith.addi %mul3A_16, %mul3A_33 : i32
      %add3A_35 = arith.constant 24 : i32
      %add3A_36 = arith.addi %add3A_34, %add3A_35 : i32
      "tpu.region"() ({
        %run_scoped3A = tpu.sem_alloc : memref<!tpu.dma_semaphore, #tpu.memory_space<semaphore_mem>>
        %dma_start3A_54 = tpu.memref_slice %arg4[%add3A_36] : memref<160000xi32, #tpu.memory_space<hbm>> -> memref<16xi32, #tpu.memory_space<hbm>>
        %dma_start3A_55 = tpu.memref_slice %arg4[%add3A_36] : memref<160000xi32, #tpu.memory_space<hbm>> -> memref<16xi32, #tpu.memory_space<hbm>>
        tpu.enqueue_dma source(%dma_start3A_55 : memref<16xi32, #tpu.memory_space<hbm>>) target(%arg9 : memref<16xi32, #tpu.memory_space<vmem>>) target_semaphore(%run_scoped3A : memref<!tpu.dma_semaphore, #tpu.memory_space<semaphore_mem>>)
        %dma_wait3A_56 = tpu.memref_slice %arg4[%add3A_36] : memref<160000xi32, #tpu.memory_space<hbm>> -> memref<16xi32, #tpu.memory_space<hbm>>
        %dma_wait3A_57 = tpu.memref_slice %arg4[%add3A_36] : memref<160000xi32, #tpu.memory_space<hbm>> -> memref<16xi32, #tpu.memory_space<hbm>>
        tpu.wait_dma2 semaphore(%run_scoped3A : memref<!tpu.dma_semaphore, #tpu.memory_space<semaphore_mem>>) src(%dma_wait3A_57 : memref<16xi32, #tpu.memory_space<hbm>>) dst(%arg9 : memref<16xi32, #tpu.memory_space<vmem>>)
        tpu.yield
      }) : () -> ()
      %dma_start3A_37 = arith.constant 0 : i32
      %dma_start3A_38 = arith.constant 0 : i32
      %dma_start3A_39 = tpu.memref_slice %arg2[%dma_start3A_37, %dma_start3A_38] : memref<10000x640xf32, #tpu.memory_space<hbm>> -> memref<10000x640xf32, #tpu.memory_space<hbm>>
      tpu.enqueue_indirect_dma source(%dma_start3A_39 : memref<10000x640xf32, #tpu.memory_space<hbm>>) target(%arg12 : memref<16x640xf32, #tpu.memory_space<vmem>>) offsets(%arg9 : memref<16xi32, #tpu.memory_space<vmem>>) semaphore(%arg17 : memref<!tpu.dma_semaphore, #tpu.memory_space<semaphore_mem>>)
      "tpu.region"() ({
        %run_scoped3A = tpu.sem_alloc : memref<!tpu.dma_semaphore, #tpu.memory_space<semaphore_mem>>
        %dma_start3A_54 = tpu.memref_slice %arg5[%add3A_34] : memref<160000xi32, #tpu.memory_space<hbm>> -> memref<40xi32, #tpu.memory_space<hbm>>
        %dma_start3A_55 = tpu.memref_slice %arg5[%add3A_34] : memref<160000xi32, #tpu.memory_space<hbm>> -> memref<40xi32, #tpu.memory_space<hbm>>
        tpu.enqueue_dma source(%dma_start3A_55 : memref<40xi32, #tpu.memory_space<hbm>>) target(%arg10 : memref<40xi32, #tpu.memory_space<vmem>>) target_semaphore(%run_scoped3A : memref<!tpu.dma_semaphore, #tpu.memory_space<semaphore_mem>>)
        %dma_wait3A_56 = tpu.memref_slice %arg5[%add3A_34] : memref<160000xi32, #tpu.memory_space<hbm>> -> memref<40xi32, #tpu.memory_space<hbm>>
        %dma_wait3A_57 = tpu.memref_slice %arg5[%add3A_34] : memref<160000xi32, #tpu.memory_space<hbm>> -> memref<40xi32, #tpu.memory_space<hbm>>
        tpu.wait_dma2 semaphore(%run_scoped3A : memref<!tpu.dma_semaphore, #tpu.memory_space<semaphore_mem>>) src(%dma_wait3A_57 : memref<40xi32, #tpu.memory_space<hbm>>) dst(%arg10 : memref<40xi32, #tpu.memory_space<vmem>>)
        tpu.yield
      }) : () -> ()
      "tpu.region"() ({
        %run_scoped3A = tpu.sem_alloc : memref<!tpu.dma_semaphore, #tpu.memory_space<semaphore_mem>>
        %dma_start3A_54 = arith.constant 0 : i32
        %dma_start3A_55 = tpu.memref_slice %arg3[%add3A_34, %dma_start3A_54] : memref<160000x32xf32, #tpu.memory_space<hbm>> -> memref<40x32xf32, #tpu.memory_space<hbm>>
        %dma_start3A_56 = arith.constant 0 : i32
        %dma_start3A_57 = tpu.memref_slice %arg3[%add3A_34, %dma_start3A_56] : memref<160000x32xf32, #tpu.memory_space<hbm>> -> memref<40x32xf32, #tpu.memory_space<hbm>>
        tpu.enqueue_dma source(%dma_start3A_57 : memref<40x32xf32, #tpu.memory_space<hbm>>) target(%arg13 : memref<40x32xf32, #tpu.memory_space<vmem>>) target_semaphore(%run_scoped3A : memref<!tpu.dma_semaphore, #tpu.memory_space<semaphore_mem>>)
        %dma_wait3A_58 = arith.constant 0 : i32
        %dma_wait3A_59 = tpu.memref_slice %arg3[%add3A_34, %dma_wait3A_58] : memref<160000x32xf32, #tpu.memory_space<hbm>> -> memref<40x32xf32, #tpu.memory_space<hbm>>
        %dma_wait3A_60 = arith.constant 0 : i32
        %dma_wait3A_61 = tpu.memref_slice %arg3[%add3A_34, %dma_wait3A_60] : memref<160000x32xf32, #tpu.memory_space<hbm>> -> memref<40x32xf32, #tpu.memory_space<hbm>>
        tpu.wait_dma2 semaphore(%run_scoped3A : memref<!tpu.dma_semaphore, #tpu.memory_space<semaphore_mem>>) src(%dma_wait3A_61 : memref<40x32xf32, #tpu.memory_space<hbm>>) dst(%arg13 : memref<40x32xf32, #tpu.memory_space<vmem>>)
        tpu.yield
      }) : () -> ()
      %dma_wait3A = arith.constant 0 : i32
      %dma_wait3A_40 = arith.constant 0 : i32
      %dma_wait3A_41 = tpu.memref_slice %arg2[%dma_wait3A, %dma_wait3A_40] : memref<10000x640xf32, #tpu.memory_space<hbm>> -> memref<10000x640xf32, #tpu.memory_space<hbm>>
      tpu.wait_indirect_dma semaphore(%arg16 : memref<!tpu.dma_semaphore, #tpu.memory_space<semaphore_mem>>) src(%dma_wait3A_41 : memref<10000x640xf32, #tpu.memory_space<hbm>>) dst(%arg11 : memref<24x640xf32, #tpu.memory_space<vmem>>)
      %parallel_loop3A = arith.constant 0 : i32
      %parallel_loop3A_42 = arith.constant 24 : i32
      %parallel_loop3A_43 = arith.constant 1 : i32
      scf.for %parallel_loop3A_54 = %parallel_loop3A to %parallel_loop3A_42 step %parallel_loop3A_43  : i32 {
        %parallel_loop3A_55 = arith.constant 0 : i32
        %parallel_loop3A_56 = arith.addi %parallel_loop3A_54, %parallel_loop3A_55 : i32
        %parallel_loop3A_57 = arith.index_cast %parallel_loop3A_56 : i32 to index
        %parallel_loop3A_58 = arith.constant 0 : index
        %parallel_loop3A_59 = tpu.vector_load %arg13[%parallel_loop3A_57, %parallel_loop3A_58] {strides = array<i32>} : memref<40x32xf32, #tpu.memory_space<vmem>>, vector<1x16xf32>,
        %parallel_loop3A_60 = vector.shape_cast %parallel_loop3A_59 : vector<1x16xf32> to vector<16xf32>
        %parallel_loop3A_61 = arith.constant 0 : i32
        %parallel_loop3A_62 = arith.addi %parallel_loop3A_54, %parallel_loop3A_61 : i32
        %parallel_loop3A_63 = arith.index_cast %parallel_loop3A_62 : i32 to index
        %parallel_loop3A_64 = arith.constant 16 : index
        %parallel_loop3A_65 = tpu.vector_load %arg13[%parallel_loop3A_63, %parallel_loop3A_64] {strides = array<i32>} : memref<40x32xf32, #tpu.memory_space<vmem>>, vector<1x16xf32>,
        %parallel_loop3A_66 = vector.shape_cast %parallel_loop3A_65 : vector<1x16xf32> to vector<16xf32>
        %parallel_loop3A_67 = arith.index_cast %parallel_loop3A_54 : i32 to index
        %parallel_loop3A_68 = arith.constant 512 : index
        %parallel_loop3A_69 = tpu.vector_load %arg11[%parallel_loop3A_67, %parallel_loop3A_68] {strides = array<i32>} : memref<24x640xf32, #tpu.memory_space<vmem>>, vector<1x16xf32>,
        %parallel_loop3A_70 = vector.shape_cast %parallel_loop3A_69 : vector<1x16xf32> to vector<16xf32>
        %parallel_loop3A_71 = vector.extract_strided_slice %parallel_loop3A_60 {offsets = [0], sizes = [1], strides = [1]} : vector<16xf32> to vector<1xf32>
        %parallel_loop3A_72 = vector.extract %parallel_loop3A_71[0] : f32 from vector<1xf32>
        %parallel_loop3A_73 = arith.index_cast %parallel_loop3A_54 : i32 to index
        %parallel_loop3A_74 = arith.constant 0 : index
        %parallel_loop3A_75 = tpu.vector_load %arg11[%parallel_loop3A_73, %parallel_loop3A_74] {strides = array<i32>} : memref<24x640xf32, #tpu.memory_space<vmem>>, vector<1x16xf32>,
        %parallel_loop3A_76 = vector.shape_cast %parallel_loop3A_75 : vector<1x16xf32> to vector<16xf32>
        %parallel_loop3A_77 = vector.broadcast %parallel_loop3A_72 : f32 to vector<16xf32>
        %parallel_loop3A_78 = arith.mulf %parallel_loop3A_77, %parallel_loop3A_76 : vector<16xf32>
        %parallel_loop3A_79 = arith.index_cast %parallel_loop3A_54 : i32 to index
        %parallel_loop3A_80 = arith.constant 16 : index
        %parallel_loop3A_81 = tpu.vector_load %arg11[%parallel_loop3A_79, %parallel_loop3A_80] {strides = array<i32>} : memref<24x640xf32, #tpu.memory_space<vmem>>, vector<1x16xf32>,
        %parallel_loop3A_82 = vector.shape_cast %parallel_loop3A_81 : vector<1x16xf32> to vector<16xf32>
        %parallel_loop3A_83 = vector.extract_strided_slice %parallel_loop3A_60 {offsets = [1], sizes = [1], strides = [1]} : vector<16xf32> to vector<1xf32>
        %parallel_loop3A_84 = vector.extract %parallel_loop3A_83[0] : f32 from vector<1xf32>
        %parallel_loop3A_85 = vector.broadcast %parallel_loop3A_84 : f32 to vector<16xf32>
        %parallel_loop3A_86 = arith.mulf %parallel_loop3A_85, %parallel_loop3A_82 : vector<16xf32>
        %parallel_loop3A_87 = arith.addf %parallel_loop3A_70, %parallel_loop3A_86 : vector<16xf32>
        %parallel_loop3A_88 = arith.index_cast %parallel_loop3A_54 : i32 to index
        %parallel_loop3A_89 = arith.constant 32 : index
        %parallel_loop3A_90 = tpu.vector_load %arg11[%parallel_loop3A_88, %parallel_loop3A_89] {strides = array<i32>} : memref<24x640xf32, #tpu.memory_space<vmem>>, vector<1x16xf32>,
        %parallel_loop3A_91 = vector.shape_cast %parallel_loop3A_90 : vector<1x16xf32> to vector<16xf32>
        %parallel_loop3A_92 = vector.extract_strided_slice %parallel_loop3A_60 {offsets = [2], sizes = [1], strides = [1]} : vector<16xf32> to vector<1xf32>
        %parallel_loop3A_93 = vector.extract %parallel_loop3A_92[0] : f32 from vector<1xf32>
        %parallel_loop3A_94 = vector.broadcast %parallel_loop3A_93 : f32 to vector<16xf32>
        %parallel_loop3A_95 = arith.mulf %parallel_loop3A_94, %parallel_loop3A_91 : vector<16xf32>
        %parallel_loop3A_96 = arith.addf %parallel_loop3A_78, %parallel_loop3A_95 : vector<16xf32>
        %parallel_loop3A_97 = arith.index_cast %parallel_loop3A_54 : i32 to index
        %parallel_loop3A_98 = arith.constant 48 : index
        %parallel_loop3A_99 = tpu.vector_load %arg11[%parallel_loop3A_97, %parallel_loop3A_98] {strides = array<i32>} : memref<24x640xf32, #tpu.memory_space<vmem>>, vector<1x16xf32>,
        %parallel_loop3A_100 = vector.shape_cast %parallel_loop3A_99 : vector<1x16xf32> to vector<16xf32>
        %parallel_loop3A_101 = vector.extract_strided_slice %parallel_loop3A_60 {offsets = [3], sizes = [1], strides = [1]} : vector<16xf32> to vector<1xf32>
        %parallel_loop3A_102 = vector.extract %parallel_loop3A_101[0] : f32 from vector<1xf32>
        %parallel_loop3A_103 = vector.broadcast %parallel_loop3A_102 : f32 to vector<16xf32>
        %parallel_loop3A_104 = arith.mulf %parallel_loop3A_103, %parallel_loop3A_100 : vector<16xf32>
        %parallel_loop3A_105 = arith.addf %parallel_loop3A_87, %parallel_loop3A_104 : vector<16xf32>
        %parallel_loop3A_106 = arith.index_cast %parallel_loop3A_54 : i32 to index
        %parallel_loop3A_107 = arith.constant 64 : index
        %parallel_loop3A_108 = tpu.vector_load %arg11[%parallel_loop3A_106, %parallel_loop3A_107] {strides = array<i32>} : memref<24x640xf32, #tpu.memory_space<vmem>>, vector<1x16xf32>,
        %parallel_loop3A_109 = vector.shape_cast %parallel_loop3A_108 : vector<1x16xf32> to vector<16xf32>
        %parallel_loop3A_110 = vector.extract_strided_slice %parallel_loop3A_60 {offsets = [4], sizes = [1], strides = [1]} : vector<16xf32> to vector<1xf32>
        %parallel_loop3A_111 = vector.extract %parallel_loop3A_110[0] : f32 from vector<1xf32>
        %parallel_loop3A_112 = vector.broadcast %parallel_loop3A_111 : f32 to vector<16xf32>
        %parallel_loop3A_113 = arith.mulf %parallel_loop3A_112, %parallel_loop3A_109 : vector<16xf32>
        %parallel_loop3A_114 = arith.addf %parallel_loop3A_96, %parallel_loop3A_113 : vector<16xf32>
        %parallel_loop3A_115 = arith.index_cast %parallel_loop3A_54 : i32 to index
        %parallel_loop3A_116 = arith.constant 80 : index
        %parallel_loop3A_117 = tpu.vector_load %arg11[%parallel_loop3A_115, %parallel_loop3A_116] {strides = array<i32>} : memref<24x640xf32, #tpu.memory_space<vmem>>, vector<1x16xf32>,
        %parallel_loop3A_118 = vector.shape_cast %parallel_loop3A_117 : vector<1x16xf32> to vector<16xf32>
        %parallel_loop3A_119 = vector.extract_strided_slice %parallel_loop3A_60 {offsets = [5], sizes = [1], strides = [1]} : vector<16xf32> to vector<1xf32>
        %parallel_loop3A_120 = vector.extract %parallel_loop3A_119[0] : f32 from vector<1xf32>
        %parallel_loop3A_121 = vector.broadcast %parallel_loop3A_120 : f32 to vector<16xf32>
        %parallel_loop3A_122 = arith.mulf %parallel_loop3A_121, %parallel_loop3A_118 : vector<16xf32>
        %parallel_loop3A_123 = arith.addf %parallel_loop3A_105, %parallel_loop3A_122 : vector<16xf32>
        %parallel_loop3A_124 = arith.index_cast %parallel_loop3A_54 : i32 to index
        %parallel_loop3A_125 = arith.constant 96 : index
        %parallel_loop3A_126 = tpu.vector_load %arg11[%parallel_loop3A_124, %parallel_loop3A_125] {strides = array<i32>} : memref<24x640xf32, #tpu.memory_space<vmem>>, vector<1x16xf32>,
        %parallel_loop3A_127 = vector.shape_cast %parallel_loop3A_126 : vector<1x16xf32> to vector<16xf32>
        %parallel_loop3A_128 = vector.extract_strided_slice %parallel_loop3A_60 {offsets = [6], sizes = [1], strides = [1]} : vector<16xf32> to vector<1xf32>
        %parallel_loop3A_129 = vector.extract %parallel_loop3A_128[0] : f32 from vector<1xf32>
        %parallel_loop3A_130 = vector.broadcast %parallel_loop3A_129 : f32 to vector<16xf32>
        %parallel_loop3A_131 = arith.mulf %parallel_loop3A_130, %parallel_loop3A_127 : vector<16xf32>
        %parallel_loop3A_132 = arith.addf %parallel_loop3A_114, %parallel_loop3A_131 : vector<16xf32>
        %parallel_loop3A_133 = arith.index_cast %parallel_loop3A_54 : i32 to index
        %parallel_loop3A_134 = arith.constant 112 : index
        %parallel_loop3A_135 = tpu.vector_load %arg11[%parallel_loop3A_133, %parallel_loop3A_134] {strides = array<i32>} : memref<24x640xf32, #tpu.memory_space<vmem>>, vector<1x16xf32>,
        %parallel_loop3A_136 = vector.shape_cast %parallel_loop3A_135 : vector<1x16xf32> to vector<16xf32>
        %parallel_loop3A_137 = vector.extract_strided_slice %parallel_loop3A_60 {offsets = [7], sizes = [1], strides = [1]} : vector<16xf32> to vector<1xf32>
        %parallel_loop3A_138 = vector.extract %parallel_loop3A_137[0] : f32 from vector<1xf32>
        %parallel_loop3A_139 = vector.broadcast %parallel_loop3A_138 : f32 to vector<16xf32>
        %parallel_loop3A_140 = arith.mulf %parallel_loop3A_139, %parallel_loop3A_136 : vector<16xf32>
        %parallel_loop3A_141 = arith.addf %parallel_loop3A_123, %parallel_loop3A_140 : vector<16xf32>
        %parallel_loop3A_142 = arith.index_cast %parallel_loop3A_54 : i32 to index
        %parallel_loop3A_143 = arith.constant 128 : index
        %parallel_loop3A_144 = tpu.vector_load %arg11[%parallel_loop3A_142, %parallel_loop3A_143] {strides = array<i32>} : memref<24x640xf32, #tpu.memory_space<vmem>>, vector<1x16xf32>,
        %parallel_loop3A_145 = vector.shape_cast %parallel_loop3A_144 : vector<1x16xf32> to vector<16xf32>
        %parallel_loop3A_146 = vector.extract_strided_slice %parallel_loop3A_60 {offsets = [8], sizes = [1], strides = [1]} : vector<16xf32> to vector<1xf32>
        %parallel_loop3A_147 = vector.extract %parallel_loop3A_146[0] : f32 from vector<1xf32>
        %parallel_loop3A_148 = vector.broadcast %parallel_loop3A_147 : f32 to vector<16xf32>
        %parallel_loop3A_149 = arith.mulf %parallel_loop3A_148, %parallel_loop3A_145 : vector<16xf32>
        %parallel_loop3A_150 = arith.addf %parallel_loop3A_132, %parallel_loop3A_149 : vector<16xf32>
        %parallel_loop3A_151 = arith.index_cast %parallel_loop3A_54 : i32 to index
        %parallel_loop3A_152 = arith.constant 144 : index
        %parallel_loop3A_153 = tpu.vector_load %arg11[%parallel_loop3A_151, %parallel_loop3A_152] {strides = array<i32>} : memref<24x640xf32, #tpu.memory_space<vmem>>, vector<1x16xf32>,
        %parallel_loop3A_154 = vector.shape_cast %parallel_loop3A_153 : vector<1x16xf32> to vector<16xf32>
        %parallel_loop3A_155 = vector.extract_strided_slice %parallel_loop3A_60 {offsets = [9], sizes = [1], strides = [1]} : vector<16xf32> to vector<1xf32>
        %parallel_loop3A_156 = vector.extract %parallel_loop3A_155[0] : f32 from vector<1xf32>
        %parallel_loop3A_157 = vector.broadcast %parallel_loop3A_156 : f32 to vector<16xf32>
        %parallel_loop3A_158 = arith.mulf %parallel_loop3A_157, %parallel_loop3A_154 : vector<16xf32>
        %parallel_loop3A_159 = arith.addf %parallel_loop3A_141, %parallel_loop3A_158 : vector<16xf32>
        %parallel_loop3A_160 = arith.index_cast %parallel_loop3A_54 : i32 to index
        %parallel_loop3A_161 = arith.constant 160 : index
        %parallel_loop3A_162 = tpu.vector_load %arg11[%parallel_loop3A_160, %parallel_loop3A_161] {strides = array<i32>} : memref<24x640xf32, #tpu.memory_space<vmem>>, vector<1x16xf32>,
        %parallel_loop3A_163 = vector.shape_cast %parallel_loop3A_162 : vector<1x16xf32> to vector<16xf32>
        %parallel_loop3A_164 = vector.extract_strided_slice %parallel_loop3A_60 {offsets = [10], sizes = [1], strides = [1]} : vector<16xf32> to vector<1xf32>
        %parallel_loop3A_165 = vector.extract %parallel_loop3A_164[0] : f32 from vector<1xf32>
        %parallel_loop3A_166 = vector.broadcast %parallel_loop3A_165 : f32 to vector<16xf32>
        %parallel_loop3A_167 = arith.mulf %parallel_loop3A_166, %parallel_loop3A_163 : vector<16xf32>
        %parallel_loop3A_168 = arith.addf %parallel_loop3A_150, %parallel_loop3A_167 : vector<16xf32>
        %parallel_loop3A_169 = arith.index_cast %parallel_loop3A_54 : i32 to index
        %parallel_loop3A_170 = arith.constant 176 : index
        %parallel_loop3A_171 = tpu.vector_load %arg11[%parallel_loop3A_169, %parallel_loop3A_170] {strides = array<i32>} : memref<24x640xf32, #tpu.memory_space<vmem>>, vector<1x16xf32>,
        %parallel_loop3A_172 = vector.shape_cast %parallel_loop3A_171 : vector<1x16xf32> to vector<16xf32>
        %parallel_loop3A_173 = vector.extract_strided_slice %parallel_loop3A_60 {offsets = [11], sizes = [1], strides = [1]} : vector<16xf32> to vector<1xf32>
        %parallel_loop3A_174 = vector.extract %parallel_loop3A_173[0] : f32 from vector<1xf32>
        %parallel_loop3A_175 = vector.broadcast %parallel_loop3A_174 : f32 to vector<16xf32>
        %parallel_loop3A_176 = arith.mulf %parallel_loop3A_175, %parallel_loop3A_172 : vector<16xf32>
        %parallel_loop3A_177 = arith.addf %parallel_loop3A_159, %parallel_loop3A_176 : vector<16xf32>
        %parallel_loop3A_178 = arith.index_cast %parallel_loop3A_54 : i32 to index
        %parallel_loop3A_179 = arith.constant 192 : index
        %parallel_loop3A_180 = tpu.vector_load %arg11[%parallel_loop3A_178, %parallel_loop3A_179] {strides = array<i32>} : memref<24x640xf32, #tpu.memory_space<vmem>>, vector<1x16xf32>,
        %parallel_loop3A_181 = vector.shape_cast %parallel_loop3A_180 : vector<1x16xf32> to vector<16xf32>
        %parallel_loop3A_182 = vector.extract_strided_slice %parallel_loop3A_60 {offsets = [12], sizes = [1], strides = [1]} : vector<16xf32> to vector<1xf32>
        %parallel_loop3A_183 = vector.extract %parallel_loop3A_182[0] : f32 from vector<1xf32>
        %parallel_loop3A_184 = vector.broadcast %parallel_loop3A_183 : f32 to vector<16xf32>
        %parallel_loop3A_185 = arith.mulf %parallel_loop3A_184, %parallel_loop3A_181 : vector<16xf32>
        %parallel_loop3A_186 = arith.addf %parallel_loop3A_168, %parallel_loop3A_185 : vector<16xf32>
        %parallel_loop3A_187 = arith.index_cast %parallel_loop3A_54 : i32 to index
        %parallel_loop3A_188 = arith.constant 208 : index
        %parallel_loop3A_189 = tpu.vector_load %arg11[%parallel_loop3A_187, %parallel_loop3A_188] {strides = array<i32>} : memref<24x640xf32, #tpu.memory_space<vmem>>, vector<1x16xf32>,
        %parallel_loop3A_190 = vector.shape_cast %parallel_loop3A_189 : vector<1x16xf32> to vector<16xf32>
        %parallel_loop3A_191 = vector.extract_strided_slice %parallel_loop3A_60 {offsets = [13], sizes = [1], strides = [1]} : vector<16xf32> to vector<1xf32>
        %parallel_loop3A_192 = vector.extract %parallel_loop3A_191[0] : f32 from vector<1xf32>
        %parallel_loop3A_193 = vector.broadcast %parallel_loop3A_192 : f32 to vector<16xf32>
        %parallel_loop3A_194 = arith.mulf %parallel_loop3A_193, %parallel_loop3A_190 : vector<16xf32>
        %parallel_loop3A_195 = arith.addf %parallel_loop3A_177, %parallel_loop3A_194 : vector<16xf32>
        %parallel_loop3A_196 = arith.index_cast %parallel_loop3A_54 : i32 to index
        %parallel_loop3A_197 = arith.constant 224 : index
        %parallel_loop3A_198 = tpu.vector_load %arg11[%parallel_loop3A_196, %parallel_loop3A_197] {strides = array<i32>} : memref<24x640xf32, #tpu.memory_space<vmem>>, vector<1x16xf32>,
        %parallel_loop3A_199 = vector.shape_cast %parallel_loop3A_198 : vector<1x16xf32> to vector<16xf32>
        %parallel_loop3A_200 = vector.extract_strided_slice %parallel_loop3A_60 {offsets = [14], sizes = [1], strides = [1]} : vector<16xf32> to vector<1xf32>
        %parallel_loop3A_201 = vector.extract %parallel_loop3A_200[0] : f32 from vector<1xf32>
        %parallel_loop3A_202 = vector.broadcast %parallel_loop3A_201 : f32 to vector<16xf32>
        %parallel_loop3A_203 = arith.mulf %parallel_loop3A_202, %parallel_loop3A_199 : vector<16xf32>
        %parallel_loop3A_204 = arith.addf %parallel_loop3A_186, %parallel_loop3A_203 : vector<16xf32>
        %parallel_loop3A_205 = arith.index_cast %parallel_loop3A_54 : i32 to index
        %parallel_loop3A_206 = arith.constant 240 : index
        %parallel_loop3A_207 = tpu.vector_load %arg11[%parallel_loop3A_205, %parallel_loop3A_206] {strides = array<i32>} : memref<24x640xf32, #tpu.memory_space<vmem>>, vector<1x16xf32>,
        %parallel_loop3A_208 = vector.shape_cast %parallel_loop3A_207 : vector<1x16xf32> to vector<16xf32>
        %parallel_loop3A_209 = vector.extract_strided_slice %parallel_loop3A_60 {offsets = [15], sizes = [1], strides = [1]} : vector<16xf32> to vector<1xf32>
        %parallel_loop3A_210 = vector.extract %parallel_loop3A_209[0] : f32 from vector<1xf32>
        %parallel_loop3A_211 = vector.broadcast %parallel_loop3A_210 : f32 to vector<16xf32>
        %parallel_loop3A_212 = arith.mulf %parallel_loop3A_211, %parallel_loop3A_208 : vector<16xf32>
        %parallel_loop3A_213 = arith.addf %parallel_loop3A_195, %parallel_loop3A_212 : vector<16xf32>
        %parallel_loop3A_214 = arith.index_cast %parallel_loop3A_54 : i32 to index
        %parallel_loop3A_215 = arith.constant 256 : index
        %parallel_loop3A_216 = tpu.vector_load %arg11[%parallel_loop3A_214, %parallel_loop3A_215] {strides = array<i32>} : memref<24x640xf32, #tpu.memory_space<vmem>>, vector<1x16xf32>,
        %parallel_loop3A_217 = vector.shape_cast %parallel_loop3A_216 : vector<1x16xf32> to vector<16xf32>
        %parallel_loop3A_218 = vector.extract_strided_slice %parallel_loop3A_66 {offsets = [0], sizes = [1], strides = [1]} : vector<16xf32> to vector<1xf32>
        %parallel_loop3A_219 = vector.extract %parallel_loop3A_218[0] : f32 from vector<1xf32>
        %parallel_loop3A_220 = vector.broadcast %parallel_loop3A_219 : f32 to vector<16xf32>
        %parallel_loop3A_221 = arith.mulf %parallel_loop3A_220, %parallel_loop3A_217 : vector<16xf32>
        %parallel_loop3A_222 = arith.addf %parallel_loop3A_213, %parallel_loop3A_221 : vector<16xf32>
        %parallel_loop3A_223 = arith.index_cast %parallel_loop3A_54 : i32 to index
        %parallel_loop3A_224 = arith.constant 272 : index
        %parallel_loop3A_225 = tpu.vector_load %arg11[%parallel_loop3A_223, %parallel_loop3A_224] {strides = array<i32>} : memref<24x640xf32, #tpu.memory_space<vmem>>, vector<1x16xf32>,
        %parallel_loop3A_226 = vector.shape_cast %parallel_loop3A_225 : vector<1x16xf32> to vector<16xf32>
        %parallel_loop3A_227 = vector.extract_strided_slice %parallel_loop3A_66 {offsets = [1], sizes = [1], strides = [1]} : vector<16xf32> to vector<1xf32>
        %parallel_loop3A_228 = vector.extract %parallel_loop3A_227[0] : f32 from vector<1xf32>
        %parallel_loop3A_229 = vector.broadcast %parallel_loop3A_228 : f32 to vector<16xf32>
        %parallel_loop3A_230 = arith.mulf %parallel_loop3A_229, %parallel_loop3A_226 : vector<16xf32>
        %parallel_loop3A_231 = arith.addf %parallel_loop3A_204, %parallel_loop3A_230 : vector<16xf32>
        %parallel_loop3A_232 = arith.index_cast %parallel_loop3A_54 : i32 to index
        %parallel_loop3A_233 = arith.constant 288 : index
        %parallel_loop3A_234 = tpu.vector_load %arg11[%parallel_loop3A_232, %parallel_loop3A_233] {strides = array<i32>} : memref<24x640xf32, #tpu.memory_space<vmem>>, vector<1x16xf32>,
        %parallel_loop3A_235 = vector.shape_cast %parallel_loop3A_234 : vector<1x16xf32> to vector<16xf32>
        %parallel_loop3A_236 = vector.extract_strided_slice %parallel_loop3A_66 {offsets = [2], sizes = [1], strides = [1]} : vector<16xf32> to vector<1xf32>
        %parallel_loop3A_237 = vector.extract %parallel_loop3A_236[0] : f32 from vector<1xf32>
        %parallel_loop3A_238 = vector.broadcast %parallel_loop3A_237 : f32 to vector<16xf32>
        %parallel_loop3A_239 = arith.mulf %parallel_loop3A_238, %parallel_loop3A_235 : vector<16xf32>
        %parallel_loop3A_240 = arith.addf %parallel_loop3A_222, %parallel_loop3A_239 : vector<16xf32>
        %parallel_loop3A_241 = arith.index_cast %parallel_loop3A_54 : i32 to index
        %parallel_loop3A_242 = arith.constant 304 : index
        %parallel_loop3A_243 = tpu.vector_load %arg11[%parallel_loop3A_241, %parallel_loop3A_242] {strides = array<i32>} : memref<24x640xf32, #tpu.memory_space<vmem>>, vector<1x16xf32>,
        %parallel_loop3A_244 = vector.shape_cast %parallel_loop3A_243 : vector<1x16xf32> to vector<16xf32>
        %parallel_loop3A_245 = vector.extract_strided_slice %parallel_loop3A_66 {offsets = [3], sizes = [1], strides = [1]} : vector<16xf32> to vector<1xf32>
        %parallel_loop3A_246 = vector.extract %parallel_loop3A_245[0] : f32 from vector<1xf32>
        %parallel_loop3A_247 = vector.broadcast %parallel_loop3A_246 : f32 to vector<16xf32>
        %parallel_loop3A_248 = arith.mulf %parallel_loop3A_247, %parallel_loop3A_244 : vector<16xf32>
        %parallel_loop3A_249 = arith.addf %parallel_loop3A_231, %parallel_loop3A_248 : vector<16xf32>
        %parallel_loop3A_250 = arith.index_cast %parallel_loop3A_54 : i32 to index
        %parallel_loop3A_251 = arith.constant 320 : index
        %parallel_loop3A_252 = tpu.vector_load %arg11[%parallel_loop3A_250, %parallel_loop3A_251] {strides = array<i32>} : memref<24x640xf32, #tpu.memory_space<vmem>>, vector<1x16xf32>,
        %parallel_loop3A_253 = vector.shape_cast %parallel_loop3A_252 : vector<1x16xf32> to vector<16xf32>
        %parallel_loop3A_254 = vector.extract_strided_slice %parallel_loop3A_66 {offsets = [4], sizes = [1], strides = [1]} : vector<16xf32> to vector<1xf32>
        %parallel_loop3A_255 = vector.extract %parallel_loop3A_254[0] : f32 from vector<1xf32>
        %parallel_loop3A_256 = vector.broadcast %parallel_loop3A_255 : f32 to vector<16xf32>
        %parallel_loop3A_257 = arith.mulf %parallel_loop3A_256, %parallel_loop3A_253 : vector<16xf32>
        %parallel_loop3A_258 = arith.addf %parallel_loop3A_240, %parallel_loop3A_257 : vector<16xf32>
        %parallel_loop3A_259 = arith.index_cast %parallel_loop3A_54 : i32 to index
        %parallel_loop3A_260 = arith.constant 336 : index
        %parallel_loop3A_261 = tpu.vector_load %arg11[%parallel_loop3A_259, %parallel_loop3A_260] {strides = array<i32>} : memref<24x640xf32, #tpu.memory_space<vmem>>, vector<1x16xf32>,
        %parallel_loop3A_262 = vector.shape_cast %parallel_loop3A_261 : vector<1x16xf32> to vector<16xf32>
        %parallel_loop3A_263 = vector.extract_strided_slice %parallel_loop3A_66 {offsets = [5], sizes = [1], strides = [1]} : vector<16xf32> to vector<1xf32>
        %parallel_loop3A_264 = vector.extract %parallel_loop3A_263[0] : f32 from vector<1xf32>
        %parallel_loop3A_265 = vector.broadcast %parallel_loop3A_264 : f32 to vector<16xf32>
        %parallel_loop3A_266 = arith.mulf %parallel_loop3A_265, %parallel_loop3A_262 : vector<16xf32>
        %parallel_loop3A_267 = arith.addf %parallel_loop3A_249, %parallel_loop3A_266 : vector<16xf32>
        %parallel_loop3A_268 = arith.index_cast %parallel_loop3A_54 : i32 to index
        %parallel_loop3A_269 = arith.constant 352 : index
        %parallel_loop3A_270 = tpu.vector_load %arg11[%parallel_loop3A_268, %parallel_loop3A_269] {strides = array<i32>} : memref<24x640xf32, #tpu.memory_space<vmem>>, vector<1x16xf32>,
        %parallel_loop3A_271 = vector.shape_cast %parallel_loop3A_270 : vector<1x16xf32> to vector<16xf32>
        %parallel_loop3A_272 = vector.extract_strided_slice %parallel_loop3A_66 {offsets = [6], sizes = [1], strides = [1]} : vector<16xf32> to vector<1xf32>
        %parallel_loop3A_273 = vector.extract %parallel_loop3A_272[0] : f32 from vector<1xf32>
        %parallel_loop3A_274 = vector.broadcast %parallel_loop3A_273 : f32 to vector<16xf32>
        %parallel_loop3A_275 = arith.mulf %parallel_loop3A_274, %parallel_loop3A_271 : vector<16xf32>
        %parallel_loop3A_276 = arith.addf %parallel_loop3A_258, %parallel_loop3A_275 : vector<16xf32>
        %parallel_loop3A_277 = arith.index_cast %parallel_loop3A_54 : i32 to index
        %parallel_loop3A_278 = arith.constant 368 : index
        %parallel_loop3A_279 = tpu.vector_load %arg11[%parallel_loop3A_277, %parallel_loop3A_278] {strides = array<i32>} : memref<24x640xf32, #tpu.memory_space<vmem>>, vector<1x16xf32>,
        %parallel_loop3A_280 = vector.shape_cast %parallel_loop3A_279 : vector<1x16xf32> to vector<16xf32>
        %parallel_loop3A_281 = vector.extract_strided_slice %parallel_loop3A_66 {offsets = [7], sizes = [1], strides = [1]} : vector<16xf32> to vector<1xf32>
        %parallel_loop3A_282 = vector.extract %parallel_loop3A_281[0] : f32 from vector<1xf32>
        %parallel_loop3A_283 = vector.broadcast %parallel_loop3A_282 : f32 to vector<16xf32>
        %parallel_loop3A_284 = arith.mulf %parallel_loop3A_283, %parallel_loop3A_280 : vector<16xf32>
        %parallel_loop3A_285 = arith.addf %parallel_loop3A_267, %parallel_loop3A_284 : vector<16xf32>
        %parallel_loop3A_286 = arith.index_cast %parallel_loop3A_54 : i32 to index
        %parallel_loop3A_287 = arith.constant 384 : index
        %parallel_loop3A_288 = tpu.vector_load %arg11[%parallel_loop3A_286, %parallel_loop3A_287] {strides = array<i32>} : memref<24x640xf32, #tpu.memory_space<vmem>>, vector<1x16xf32>,
        %parallel_loop3A_289 = vector.shape_cast %parallel_loop3A_288 : vector<1x16xf32> to vector<16xf32>
        %parallel_loop3A_290 = vector.extract_strided_slice %parallel_loop3A_66 {offsets = [8], sizes = [1], strides = [1]} : vector<16xf32> to vector<1xf32>
        %parallel_loop3A_291 = vector.extract %parallel_loop3A_290[0] : f32 from vector<1xf32>
        %parallel_loop3A_292 = vector.broadcast %parallel_loop3A_291 : f32 to vector<16xf32>
        %parallel_loop3A_293 = arith.mulf %parallel_loop3A_292, %parallel_loop3A_289 : vector<16xf32>
        %parallel_loop3A_294 = arith.addf %parallel_loop3A_276, %parallel_loop3A_293 : vector<16xf32>
        %parallel_loop3A_295 = arith.index_cast %parallel_loop3A_54 : i32 to index
        %parallel_loop3A_296 = arith.constant 400 : index
        %parallel_loop3A_297 = tpu.vector_load %arg11[%parallel_loop3A_295, %parallel_loop3A_296] {strides = array<i32>} : memref<24x640xf32, #tpu.memory_space<vmem>>, vector<1x16xf32>,
        %parallel_loop3A_298 = vector.shape_cast %parallel_loop3A_297 : vector<1x16xf32> to vector<16xf32>
        %parallel_loop3A_299 = vector.extract_strided_slice %parallel_loop3A_66 {offsets = [9], sizes = [1], strides = [1]} : vector<16xf32> to vector<1xf32>
        %parallel_loop3A_300 = vector.extract %parallel_loop3A_299[0] : f32 from vector<1xf32>
        %parallel_loop3A_301 = vector.broadcast %parallel_loop3A_300 : f32 to vector<16xf32>
        %parallel_loop3A_302 = arith.mulf %parallel_loop3A_301, %parallel_loop3A_298 : vector<16xf32>
        %parallel_loop3A_303 = arith.addf %parallel_loop3A_285, %parallel_loop3A_302 : vector<16xf32>
        %parallel_loop3A_304 = arith.index_cast %parallel_loop3A_54 : i32 to index
        %parallel_loop3A_305 = arith.constant 416 : index
        %parallel_loop3A_306 = tpu.vector_load %arg11[%parallel_loop3A_304, %parallel_loop3A_305] {strides = array<i32>} : memref<24x640xf32, #tpu.memory_space<vmem>>, vector<1x16xf32>,
        %parallel_loop3A_307 = vector.shape_cast %parallel_loop3A_306 : vector<1x16xf32> to vector<16xf32>
        %parallel_loop3A_308 = vector.extract_strided_slice %parallel_loop3A_66 {offsets = [10], sizes = [1], strides = [1]} : vector<16xf32> to vector<1xf32>
        %parallel_loop3A_309 = vector.extract %parallel_loop3A_308[0] : f32 from vector<1xf32>
        %parallel_loop3A_310 = vector.broadcast %parallel_loop3A_309 : f32 to vector<16xf32>
        %parallel_loop3A_311 = arith.mulf %parallel_loop3A_310, %parallel_loop3A_307 : vector<16xf32>
        %parallel_loop3A_312 = arith.addf %parallel_loop3A_294, %parallel_loop3A_311 : vector<16xf32>
        %parallel_loop3A_313 = arith.index_cast %parallel_loop3A_54 : i32 to index
        %parallel_loop3A_314 = arith.constant 432 : index
        %parallel_loop3A_315 = tpu.vector_load %arg11[%parallel_loop3A_313, %parallel_loop3A_314] {strides = array<i32>} : memref<24x640xf32, #tpu.memory_space<vmem>>, vector<1x16xf32>,
        %parallel_loop3A_316 = vector.shape_cast %parallel_loop3A_315 : vector<1x16xf32> to vector<16xf32>
        %parallel_loop3A_317 = vector.extract_strided_slice %parallel_loop3A_66 {offsets = [11], sizes = [1], strides = [1]} : vector<16xf32> to vector<1xf32>
        %parallel_loop3A_318 = vector.extract %parallel_loop3A_317[0] : f32 from vector<1xf32>
        %parallel_loop3A_319 = vector.broadcast %parallel_loop3A_318 : f32 to vector<16xf32>
        %parallel_loop3A_320 = arith.mulf %parallel_loop3A_319, %parallel_loop3A_316 : vector<16xf32>
        %parallel_loop3A_321 = arith.addf %parallel_loop3A_303, %parallel_loop3A_320 : vector<16xf32>
        %parallel_loop3A_322 = arith.index_cast %parallel_loop3A_54 : i32 to index
        %parallel_loop3A_323 = arith.constant 448 : index
        %parallel_loop3A_324 = tpu.vector_load %arg11[%parallel_loop3A_322, %parallel_loop3A_323] {strides = array<i32>} : memref<24x640xf32, #tpu.memory_space<vmem>>, vector<1x16xf32>,
        %parallel_loop3A_325 = vector.shape_cast %parallel_loop3A_324 : vector<1x16xf32> to vector<16xf32>
        %parallel_loop3A_326 = vector.extract_strided_slice %parallel_loop3A_66 {offsets = [12], sizes = [1], strides = [1]} : vector<16xf32> to vector<1xf32>
        %parallel_loop3A_327 = vector.extract %parallel_loop3A_326[0] : f32 from vector<1xf32>
        %parallel_loop3A_328 = vector.broadcast %parallel_loop3A_327 : f32 to vector<16xf32>
        %parallel_loop3A_329 = arith.mulf %parallel_loop3A_328, %parallel_loop3A_325 : vector<16xf32>
        %parallel_loop3A_330 = arith.addf %parallel_loop3A_312, %parallel_loop3A_329 : vector<16xf32>
        %parallel_loop3A_331 = arith.index_cast %parallel_loop3A_54 : i32 to index
        %parallel_loop3A_332 = arith.constant 464 : index
        %parallel_loop3A_333 = tpu.vector_load %arg11[%parallel_loop3A_331, %parallel_loop3A_332] {strides = array<i32>} : memref<24x640xf32, #tpu.memory_space<vmem>>, vector<1x16xf32>,
        %parallel_loop3A_334 = vector.shape_cast %parallel_loop3A_333 : vector<1x16xf32> to vector<16xf32>
        %parallel_loop3A_335 = vector.extract_strided_slice %parallel_loop3A_66 {offsets = [13], sizes = [1], strides = [1]} : vector<16xf32> to vector<1xf32>
        %parallel_loop3A_336 = vector.extract %parallel_loop3A_335[0] : f32 from vector<1xf32>
        %parallel_loop3A_337 = vector.broadcast %parallel_loop3A_336 : f32 to vector<16xf32>
        %parallel_loop3A_338 = arith.mulf %parallel_loop3A_337, %parallel_loop3A_334 : vector<16xf32>
        %parallel_loop3A_339 = arith.addf %parallel_loop3A_321, %parallel_loop3A_338 : vector<16xf32>
        %parallel_loop3A_340 = arith.index_cast %parallel_loop3A_54 : i32 to index
        %parallel_loop3A_341 = arith.constant 480 : index
        %parallel_loop3A_342 = tpu.vector_load %arg11[%parallel_loop3A_340, %parallel_loop3A_341] {strides = array<i32>} : memref<24x640xf32, #tpu.memory_space<vmem>>, vector<1x16xf32>,
        %parallel_loop3A_343 = vector.shape_cast %parallel_loop3A_342 : vector<1x16xf32> to vector<16xf32>
        %parallel_loop3A_344 = vector.extract_strided_slice %parallel_loop3A_66 {offsets = [14], sizes = [1], strides = [1]} : vector<16xf32> to vector<1xf32>
        %parallel_loop3A_345 = vector.extract %parallel_loop3A_344[0] : f32 from vector<1xf32>
        %parallel_loop3A_346 = vector.broadcast %parallel_loop3A_345 : f32 to vector<16xf32>
        %parallel_loop3A_347 = arith.mulf %parallel_loop3A_346, %parallel_loop3A_343 : vector<16xf32>
        %parallel_loop3A_348 = arith.addf %parallel_loop3A_330, %parallel_loop3A_347 : vector<16xf32>
        %parallel_loop3A_349 = arith.index_cast %parallel_loop3A_54 : i32 to index
        %parallel_loop3A_350 = arith.constant 496 : index
        %parallel_loop3A_351 = tpu.vector_load %arg11[%parallel_loop3A_349, %parallel_loop3A_350] {strides = array<i32>} : memref<24x640xf32, #tpu.memory_space<vmem>>, vector<1x16xf32>,
        %parallel_loop3A_352 = vector.shape_cast %parallel_loop3A_351 : vector<1x16xf32> to vector<16xf32>
        %parallel_loop3A_353 = vector.extract_strided_slice %parallel_loop3A_66 {offsets = [15], sizes = [1], strides = [1]} : vector<16xf32> to vector<1xf32>
        %parallel_loop3A_354 = vector.extract %parallel_loop3A_353[0] : f32 from vector<1xf32>
        %parallel_loop3A_355 = vector.broadcast %parallel_loop3A_354 : f32 to vector<16xf32>
        %parallel_loop3A_356 = arith.mulf %parallel_loop3A_355, %parallel_loop3A_352 : vector<16xf32>
        %parallel_loop3A_357 = arith.addf %parallel_loop3A_339, %parallel_loop3A_356 : vector<16xf32>
        %parallel_loop3A_358 = arith.addf %parallel_loop3A_348, %parallel_loop3A_357 : vector<16xf32>
        %parallel_loop3A_359 = arith.constant 0 : i32
        %parallel_loop3A_360 = arith.addi %parallel_loop3A_54, %parallel_loop3A_359 : i32
        %parallel_loop3A_361 = arith.index_cast %parallel_loop3A_360 : i32 to index
        %parallel_loop3A_362 = arith.constant 0 : index
        %parallel_loop3A_363 = tpu.vector_load %arg14[%parallel_loop3A_361, %parallel_loop3A_362] {strides = array<i32>} : memref<40x128xf32, #tpu.memory_space<vmem>>, vector<1x16xf32>,
        %parallel_loop3A_364 = vector.shape_cast %parallel_loop3A_363 : vector<1x16xf32> to vector<16xf32>
        %parallel_loop3A_365 = vector.shape_cast %parallel_loop3A_358 : vector<16xf32> to vector<1x16xf32>
        tpu.vector_store %arg14[%parallel_loop3A_361, %parallel_loop3A_362], %parallel_loop3A_365 {strides = array<i32>} : memref<40x128xf32, #tpu.memory_space<vmem>>, vector<1x16xf32>,
      } {sc.loop_unroll_factor = 4 : i64, sc.parallel_access}
      %lt3A = arith.constant 124 : i32
      %lt3A_44 = arith.cmpi slt, %scan3A_31, %lt3A : i32
      %convert_element_type3A_45 = arith.extui %lt3A_44 : i1 to i32
      %cond3A_46 = arith.constant 0 : i32
      %cond3A_47 = arith.cmpi ne, %convert_element_type3A_45, %cond3A_46 : i32
      scf.if %cond3A_47 {
        %add3A_54 = arith.constant 1 : i32
        %add3A_55 = arith.addi %scan3A_31, %add3A_54 : i32
        %mul3A_56 = arith.constant 40 : i32
        %mul3A_57 = arith.muli %add3A_55, %mul3A_56 : i32
        %add3A_58 = arith.addi %mul3A_16, %mul3A_57 : i32
        "tpu.region"() ({
          %run_scoped3A = tpu.sem_alloc : memref<!tpu.dma_semaphore, #tpu.memory_space<semaphore_mem>>
          %dma_start3A_62 = tpu.memref_slice %arg4[%add3A_58] : memref<160000xi32, #tpu.memory_space<hbm>> -> memref<24xi32, #tpu.memory_space<hbm>>
          %dma_start3A_63 = tpu.memref_slice %arg4[%add3A_58] : memref<160000xi32, #tpu.memory_space<hbm>> -> memref<24xi32, #tpu.memory_space<hbm>>
          tpu.enqueue_dma source(%dma_start3A_63 : memref<24xi32, #tpu.memory_space<hbm>>) target(%arg8 : memref<24xi32, #tpu.memory_space<vmem>>) target_semaphore(%run_scoped3A : memref<!tpu.dma_semaphore, #tpu.memory_space<semaphore_mem>>)
          %dma_wait3A_64 = tpu.memref_slice %arg4[%add3A_58] : memref<160000xi32, #tpu.memory_space<hbm>> -> memref<24xi32, #tpu.memory_space<hbm>>
          %dma_wait3A_65 = tpu.memref_slice %arg4[%add3A_58] : memref<160000xi32, #tpu.memory_space<hbm>> -> memref<24xi32, #tpu.memory_space<hbm>>
          tpu.wait_dma2 semaphore(%run_scoped3A : memref<!tpu.dma_semaphore, #tpu.memory_space<semaphore_mem>>) src(%dma_wait3A_65 : memref<24xi32, #tpu.memory_space<hbm>>) dst(%arg8 : memref<24xi32, #tpu.memory_space<vmem>>)
          tpu.yield
        }) : () -> ()
        %dma_start3A_59 = arith.constant 0 : i32
        %dma_start3A_60 = arith.constant 0 : i32
        %dma_start3A_61 = tpu.memref_slice %arg2[%dma_start3A_59, %dma_start3A_60] : memref<10000x640xf32, #tpu.memory_space<hbm>> -> memref<10000x640xf32, #tpu.memory_space<hbm>>
        tpu.enqueue_indirect_dma source(%dma_start3A_61 : memref<10000x640xf32, #tpu.memory_space<hbm>>) target(%arg11 : memref<24x640xf32, #tpu.memory_space<vmem>>) offsets(%arg8 : memref<24xi32, #tpu.memory_space<vmem>>) semaphore(%arg16 : memref<!tpu.dma_semaphore, #tpu.memory_space<semaphore_mem>>)
      } else {
      }
      %dma_wait3A_48 = arith.constant 0 : i32
      %dma_wait3A_49 = arith.constant 0 : i32
      %dma_wait3A_50 = tpu.memref_slice %arg2[%dma_wait3A_48, %dma_wait3A_49] : memref<10000x640xf32, #tpu.memory_space<hbm>> -> memref<10000x640xf32, #tpu.memory_space<hbm>>
      tpu.wait_indirect_dma semaphore(%arg17 : memref<!tpu.dma_semaphore, #tpu.memory_space<semaphore_mem>>) src(%dma_wait3A_50 : memref<10000x640xf32, #tpu.memory_space<hbm>>) dst(%arg12 : memref<16x640xf32, #tpu.memory_space<vmem>>)
      %parallel_loop3A_51 = arith.constant 0 : i32
      %parallel_loop3A_52 = arith.constant 16 : i32
      %parallel_loop3A_53 = arith.constant 1 : i32
      scf.for %parallel_loop3A_54 = %parallel_loop3A_51 to %parallel_loop3A_52 step %parallel_loop3A_53  : i32 {
        %parallel_loop3A_55 = arith.constant 24 : i32
        %parallel_loop3A_56 = arith.addi %parallel_loop3A_54, %parallel_loop3A_55 : i32
        %parallel_loop3A_57 = arith.index_cast %parallel_loop3A_56 : i32 to index
        %parallel_loop3A_58 = arith.constant 0 : index
        %parallel_loop3A_59 = tpu.vector_load %arg13[%parallel_loop3A_57, %parallel_loop3A_58] {strides = array<i32>} : memref<40x32xf32, #tpu.memory_space<vmem>>, vector<1x16xf32>,
        %parallel_loop3A_60 = vector.shape_cast %parallel_loop3A_59 : vector<1x16xf32> to vector<16xf32>
        %parallel_loop3A_61 = arith.constant 24 : i32
        %parallel_loop3A_62 = arith.addi %parallel_loop3A_54, %parallel_loop3A_61 : i32
        %parallel_loop3A_63 = arith.index_cast %parallel_loop3A_62 : i32 to index
        %parallel_loop3A_64 = arith.constant 16 : index
        %parallel_loop3A_65 = tpu.vector_load %arg13[%parallel_loop3A_63, %parallel_loop3A_64] {strides = array<i32>} : memref<40x32xf32, #tpu.memory_space<vmem>>, vector<1x16xf32>,
        %parallel_loop3A_66 = vector.shape_cast %parallel_loop3A_65 : vector<1x16xf32> to vector<16xf32>
        %parallel_loop3A_67 = arith.index_cast %parallel_loop3A_54 : i32 to index
        %parallel_loop3A_68 = arith.constant 512 : index
        %parallel_loop3A_69 = tpu.vector_load %arg12[%parallel_loop3A_67, %parallel_loop3A_68] {strides = array<i32>} : memref<16x640xf32, #tpu.memory_space<vmem>>, vector<1x16xf32>,
        %parallel_loop3A_70 = vector.shape_cast %parallel_loop3A_69 : vector<1x16xf32> to vector<16xf32>
        %parallel_loop3A_71 = vector.extract_strided_slice %parallel_loop3A_60 {offsets = [0], sizes = [1], strides = [1]} : vector<16xf32> to vector<1xf32>
        %parallel_loop3A_72 = vector.extract %parallel_loop3A_71[0] : f32 from vector<1xf32>
        %parallel_loop3A_73 = arith.index_cast %parallel_loop3A_54 : i32 to index
        %parallel_loop3A_74 = arith.constant 0 : index
        %parallel_loop3A_75 = tpu.vector_load %arg12[%parallel_loop3A_73, %parallel_loop3A_74] {strides = array<i32>} : memref<16x640xf32, #tpu.memory_space<vmem>>, vector<1x16xf32>,
        %parallel_loop3A_76 = vector.shape_cast %parallel_loop3A_75 : vector<1x16xf32> to vector<16xf32>
        %parallel_loop3A_77 = vector.broadcast %parallel_loop3A_72 : f32 to vector<16xf32>
        %parallel_loop3A_78 = arith.mulf %parallel_loop3A_77, %parallel_loop3A_76 : vector<16xf32>
        %parallel_loop3A_79 = arith.index_cast %parallel_loop3A_54 : i32 to index
        %parallel_loop3A_80 = arith.constant 16 : index
        %parallel_loop3A_81 = tpu.vector_load %arg12[%parallel_loop3A_79, %parallel_loop3A_80] {strides = array<i32>} : memref<16x640xf32, #tpu.memory_space<vmem>>, vector<1x16xf32>,
        %parallel_loop3A_82 = vector.shape_cast %parallel_loop3A_81 : vector<1x16xf32> to vector<16xf32>
        %parallel_loop3A_83 = vector.extract_strided_slice %parallel_loop3A_60 {offsets = [1], sizes = [1], strides = [1]} : vector<16xf32> to vector<1xf32>
        %parallel_loop3A_84 = vector.extract %parallel_loop3A_83[0] : f32 from vector<1xf32>
        %parallel_loop3A_85 = vector.broadcast %parallel_loop3A_84 : f32 to vector<16xf32>
        %parallel_loop3A_86 = arith.mulf %parallel_loop3A_85, %parallel_loop3A_82 : vector<16xf32>
        %parallel_loop3A_87 = arith.addf %parallel_loop3A_70, %parallel_loop3A_86 : vector<16xf32>
        %parallel_loop3A_88 = arith.index_cast %parallel_loop3A_54 : i32 to index
        %parallel_loop3A_89 = arith.constant 32 : index
        %parallel_loop3A_90 = tpu.vector_load %arg12[%parallel_loop3A_88, %parallel_loop3A_89] {strides = array<i32>} : memref<16x640xf32, #tpu.memory_space<vmem>>, vector<1x16xf32>,
        %parallel_loop3A_91 = vector.shape_cast %parallel_loop3A_90 : vector<1x16xf32> to vector<16xf32>
        %parallel_loop3A_92 = vector.extract_strided_slice %parallel_loop3A_60 {offsets = [2], sizes = [1], strides = [1]} : vector<16xf32> to vector<1xf32>
        %parallel_loop3A_93 = vector.extract %parallel_loop3A_92[0] : f32 from vector<1xf32>
        %parallel_loop3A_94 = vector.broadcast %parallel_loop3A_93 : f32 to vector<16xf32>
        %parallel_loop3A_95 = arith.mulf %parallel_loop3A_94, %parallel_loop3A_91 : vector<16xf32>
        %parallel_loop3A_96 = arith.addf %parallel_loop3A_78, %parallel_loop3A_95 : vector<16xf32>
        %parallel_loop3A_97 = arith.index_cast %parallel_loop3A_54 : i32 to index
        %parallel_loop3A_98 = arith.constant 48 : index
        %parallel_loop3A_99 = tpu.vector_load %arg12[%parallel_loop3A_97, %parallel_loop3A_98] {strides = array<i32>} : memref<16x640xf32, #tpu.memory_space<vmem>>, vector<1x16xf32>,
        %parallel_loop3A_100 = vector.shape_cast %parallel_loop3A_99 : vector<1x16xf32> to vector<16xf32>
        %parallel_loop3A_101 = vector.extract_strided_slice %parallel_loop3A_60 {offsets = [3], sizes = [1], strides = [1]} : vector<16xf32> to vector<1xf32>
        %parallel_loop3A_102 = vector.extract %parallel_loop3A_101[0] : f32 from vector<1xf32>
        %parallel_loop3A_103 = vector.broadcast %parallel_loop3A_102 : f32 to vector<16xf32>
        %parallel_loop3A_104 = arith.mulf %parallel_loop3A_103, %parallel_loop3A_100 : vector<16xf32>
        %parallel_loop3A_105 = arith.addf %parallel_loop3A_87, %parallel_loop3A_104 : vector<16xf32>
        %parallel_loop3A_106 = arith.index_cast %parallel_loop3A_54 : i32 to index
        %parallel_loop3A_107 = arith.constant 64 : index
        %parallel_loop3A_108 = tpu.vector_load %arg12[%parallel_loop3A_106, %parallel_loop3A_107] {strides = array<i32>} : memref<16x640xf32, #tpu.memory_space<vmem>>, vector<1x16xf32>,
        %parallel_loop3A_109 = vector.shape_cast %parallel_loop3A_108 : vector<1x16xf32> to vector<16xf32>
        %parallel_loop3A_110 = vector.extract_strided_slice %parallel_loop3A_60 {offsets = [4], sizes = [1], strides = [1]} : vector<16xf32> to vector<1xf32>
        %parallel_loop3A_111 = vector.extract %parallel_loop3A_110[0] : f32 from vector<1xf32>
        %parallel_loop3A_112 = vector.broadcast %parallel_loop3A_111 : f32 to vector<16xf32>
        %parallel_loop3A_113 = arith.mulf %parallel_loop3A_112, %parallel_loop3A_109 : vector<16xf32>
        %parallel_loop3A_114 = arith.addf %parallel_loop3A_96, %parallel_loop3A_113 : vector<16xf32>
        %parallel_loop3A_115 = arith.index_cast %parallel_loop3A_54 : i32 to index
        %parallel_loop3A_116 = arith.constant 80 : index
        %parallel_loop3A_117 = tpu.vector_load %arg12[%parallel_loop3A_115, %parallel_loop3A_116] {strides = array<i32>} : memref<16x640xf32, #tpu.memory_space<vmem>>, vector<1x16xf32>,
        %parallel_loop3A_118 = vector.shape_cast %parallel_loop3A_117 : vector<1x16xf32> to vector<16xf32>
        %parallel_loop3A_119 = vector.extract_strided_slice %parallel_loop3A_60 {offsets = [5], sizes = [1], strides = [1]} : vector<16xf32> to vector<1xf32>
        %parallel_loop3A_120 = vector.extract %parallel_loop3A_119[0] : f32 from vector<1xf32>
        %parallel_loop3A_121 = vector.broadcast %parallel_loop3A_120 : f32 to vector<16xf32>
        %parallel_loop3A_122 = arith.mulf %parallel_loop3A_121, %parallel_loop3A_118 : vector<16xf32>
        %parallel_loop3A_123 = arith.addf %parallel_loop3A_105, %parallel_loop3A_122 : vector<16xf32>
        %parallel_loop3A_124 = arith.index_cast %parallel_loop3A_54 : i32 to index
        %parallel_loop3A_125 = arith.constant 96 : index
        %parallel_loop3A_126 = tpu.vector_load %arg12[%parallel_loop3A_124, %parallel_loop3A_125] {strides = array<i32>} : memref<16x640xf32, #tpu.memory_space<vmem>>, vector<1x16xf32>,
        %parallel_loop3A_127 = vector.shape_cast %parallel_loop3A_126 : vector<1x16xf32> to vector<16xf32>
        %parallel_loop3A_128 = vector.extract_strided_slice %parallel_loop3A_60 {offsets = [6], sizes = [1], strides = [1]} : vector<16xf32> to vector<1xf32>
        %parallel_loop3A_129 = vector.extract %parallel_loop3A_128[0] : f32 from vector<1xf32>
        %parallel_loop3A_130 = vector.broadcast %parallel_loop3A_129 : f32 to vector<16xf32>
        %parallel_loop3A_131 = arith.mulf %parallel_loop3A_130, %parallel_loop3A_127 : vector<16xf32>
        %parallel_loop3A_132 = arith.addf %parallel_loop3A_114, %parallel_loop3A_131 : vector<16xf32>
        %parallel_loop3A_133 = arith.index_cast %parallel_loop3A_54 : i32 to index
        %parallel_loop3A_134 = arith.constant 112 : index
        %parallel_loop3A_135 = tpu.vector_load %arg12[%parallel_loop3A_133, %parallel_loop3A_134] {strides = array<i32>} : memref<16x640xf32, #tpu.memory_space<vmem>>, vector<1x16xf32>,
        %parallel_loop3A_136 = vector.shape_cast %parallel_loop3A_135 : vector<1x16xf32> to vector<16xf32>
        %parallel_loop3A_137 = vector.extract_strided_slice %parallel_loop3A_60 {offsets = [7], sizes = [1], strides = [1]} : vector<16xf32> to vector<1xf32>
        %parallel_loop3A_138 = vector.extract %parallel_loop3A_137[0] : f32 from vector<1xf32>
        %parallel_loop3A_139 = vector.broadcast %parallel_loop3A_138 : f32 to vector<16xf32>
        %parallel_loop3A_140 = arith.mulf %parallel_loop3A_139, %parallel_loop3A_136 : vector<16xf32>
        %parallel_loop3A_141 = arith.addf %parallel_loop3A_123, %parallel_loop3A_140 : vector<16xf32>
        %parallel_loop3A_142 = arith.index_cast %parallel_loop3A_54 : i32 to index
        %parallel_loop3A_143 = arith.constant 128 : index
        %parallel_loop3A_144 = tpu.vector_load %arg12[%parallel_loop3A_142, %parallel_loop3A_143] {strides = array<i32>} : memref<16x640xf32, #tpu.memory_space<vmem>>, vector<1x16xf32>,
        %parallel_loop3A_145 = vector.shape_cast %parallel_loop3A_144 : vector<1x16xf32> to vector<16xf32>
        %parallel_loop3A_146 = vector.extract_strided_slice %parallel_loop3A_60 {offsets = [8], sizes = [1], strides = [1]} : vector<16xf32> to vector<1xf32>
        %parallel_loop3A_147 = vector.extract %parallel_loop3A_146[0] : f32 from vector<1xf32>
        %parallel_loop3A_148 = vector.broadcast %parallel_loop3A_147 : f32 to vector<16xf32>
        %parallel_loop3A_149 = arith.mulf %parallel_loop3A_148, %parallel_loop3A_145 : vector<16xf32>
        %parallel_loop3A_150 = arith.addf %parallel_loop3A_132, %parallel_loop3A_149 : vector<16xf32>
        %parallel_loop3A_151 = arith.index_cast %parallel_loop3A_54 : i32 to index
        %parallel_loop3A_152 = arith.constant 144 : index
        %parallel_loop3A_153 = tpu.vector_load %arg12[%parallel_loop3A_151, %parallel_loop3A_152] {strides = array<i32>} : memref<16x640xf32, #tpu.memory_space<vmem>>, vector<1x16xf32>,
        %parallel_loop3A_154 = vector.shape_cast %parallel_loop3A_153 : vector<1x16xf32> to vector<16xf32>
        %parallel_loop3A_155 = vector.extract_strided_slice %parallel_loop3A_60 {offsets = [9], sizes = [1], strides = [1]} : vector<16xf32> to vector<1xf32>
        %parallel_loop3A_156 = vector.extract %parallel_loop3A_155[0] : f32 from vector<1xf32>
        %parallel_loop3A_157 = vector.broadcast %parallel_loop3A_156 : f32 to vector<16xf32>
        %parallel_loop3A_158 = arith.mulf %parallel_loop3A_157, %parallel_loop3A_154 : vector<16xf32>
        %parallel_loop3A_159 = arith.addf %parallel_loop3A_141, %parallel_loop3A_158 : vector<16xf32>
        %parallel_loop3A_160 = arith.index_cast %parallel_loop3A_54 : i32 to index
        %parallel_loop3A_161 = arith.constant 160 : index
        %parallel_loop3A_162 = tpu.vector_load %arg12[%parallel_loop3A_160, %parallel_loop3A_161] {strides = array<i32>} : memref<16x640xf32, #tpu.memory_space<vmem>>, vector<1x16xf32>,
        %parallel_loop3A_163 = vector.shape_cast %parallel_loop3A_162 : vector<1x16xf32> to vector<16xf32>
        %parallel_loop3A_164 = vector.extract_strided_slice %parallel_loop3A_60 {offsets = [10], sizes = [1], strides = [1]} : vector<16xf32> to vector<1xf32>
        %parallel_loop3A_165 = vector.extract %parallel_loop3A_164[0] : f32 from vector<1xf32>
        %parallel_loop3A_166 = vector.broadcast %parallel_loop3A_165 : f32 to vector<16xf32>
        %parallel_loop3A_167 = arith.mulf %parallel_loop3A_166, %parallel_loop3A_163 : vector<16xf32>
        %parallel_loop3A_168 = arith.addf %parallel_loop3A_150, %parallel_loop3A_167 : vector<16xf32>
        %parallel_loop3A_169 = arith.index_cast %parallel_loop3A_54 : i32 to index
        %parallel_loop3A_170 = arith.constant 176 : index
        %parallel_loop3A_171 = tpu.vector_load %arg12[%parallel_loop3A_169, %parallel_loop3A_170] {strides = array<i32>} : memref<16x640xf32, #tpu.memory_space<vmem>>, vector<1x16xf32>,
        %parallel_loop3A_172 = vector.shape_cast %parallel_loop3A_171 : vector<1x16xf32> to vector<16xf32>
        %parallel_loop3A_173 = vector.extract_strided_slice %parallel_loop3A_60 {offsets = [11], sizes = [1], strides = [1]} : vector<16xf32> to vector<1xf32>
        %parallel_loop3A_174 = vector.extract %parallel_loop3A_173[0] : f32 from vector<1xf32>
        %parallel_loop3A_175 = vector.broadcast %parallel_loop3A_174 : f32 to vector<16xf32>
        %parallel_loop3A_176 = arith.mulf %parallel_loop3A_175, %parallel_loop3A_172 : vector<16xf32>
        %parallel_loop3A_177 = arith.addf %parallel_loop3A_159, %parallel_loop3A_176 : vector<16xf32>
        %parallel_loop3A_178 = arith.index_cast %parallel_loop3A_54 : i32 to index
        %parallel_loop3A_179 = arith.constant 192 : index
        %parallel_loop3A_180 = tpu.vector_load %arg12[%parallel_loop3A_178, %parallel_loop3A_179] {strides = array<i32>} : memref<16x640xf32, #tpu.memory_space<vmem>>, vector<1x16xf32>,
        %parallel_loop3A_181 = vector.shape_cast %parallel_loop3A_180 : vector<1x16xf32> to vector<16xf32>
        %parallel_loop3A_182 = vector.extract_strided_slice %parallel_loop3A_60 {offsets = [12], sizes = [1], strides = [1]} : vector<16xf32> to vector<1xf32>
        %parallel_loop3A_183 = vector.extract %parallel_loop3A_182[0] : f32 from vector<1xf32>
        %parallel_loop3A_184 = vector.broadcast %parallel_loop3A_183 : f32 to vector<16xf32>
        %parallel_loop3A_185 = arith.mulf %parallel_loop3A_184, %parallel_loop3A_181 : vector<16xf32>
        %parallel_loop3A_186 = arith.addf %parallel_loop3A_168, %parallel_loop3A_185 : vector<16xf32>
        %parallel_loop3A_187 = arith.index_cast %parallel_loop3A_54 : i32 to index
        %parallel_loop3A_188 = arith.constant 208 : index
        %parallel_loop3A_189 = tpu.vector_load %arg12[%parallel_loop3A_187, %parallel_loop3A_188] {strides = array<i32>} : memref<16x640xf32, #tpu.memory_space<vmem>>, vector<1x16xf32>,
        %parallel_loop3A_190 = vector.shape_cast %parallel_loop3A_189 : vector<1x16xf32> to vector<16xf32>
        %parallel_loop3A_191 = vector.extract_strided_slice %parallel_loop3A_60 {offsets = [13], sizes = [1], strides = [1]} : vector<16xf32> to vector<1xf32>
        %parallel_loop3A_192 = vector.extract %parallel_loop3A_191[0] : f32 from vector<1xf32>
        %parallel_loop3A_193 = vector.broadcast %parallel_loop3A_192 : f32 to vector<16xf32>
        %parallel_loop3A_194 = arith.mulf %parallel_loop3A_193, %parallel_loop3A_190 : vector<16xf32>
        %parallel_loop3A_195 = arith.addf %parallel_loop3A_177, %parallel_loop3A_194 : vector<16xf32>
        %parallel_loop3A_196 = arith.index_cast %parallel_loop3A_54 : i32 to index
        %parallel_loop3A_197 = arith.constant 224 : index
        %parallel_loop3A_198 = tpu.vector_load %arg12[%parallel_loop3A_196, %parallel_loop3A_197] {strides = array<i32>} : memref<16x640xf32, #tpu.memory_space<vmem>>, vector<1x16xf32>,
        %parallel_loop3A_199 = vector.shape_cast %parallel_loop3A_198 : vector<1x16xf32> to vector<16xf32>
        %parallel_loop3A_200 = vector.extract_strided_slice %parallel_loop3A_60 {offsets = [14], sizes = [1], strides = [1]} : vector<16xf32> to vector<1xf32>
        %parallel_loop3A_201 = vector.extract %parallel_loop3A_200[0] : f32 from vector<1xf32>
        %parallel_loop3A_202 = vector.broadcast %parallel_loop3A_201 : f32 to vector<16xf32>
        %parallel_loop3A_203 = arith.mulf %parallel_loop3A_202, %parallel_loop3A_199 : vector<16xf32>
        %parallel_loop3A_204 = arith.addf %parallel_loop3A_186, %parallel_loop3A_203 : vector<16xf32>
        %parallel_loop3A_205 = arith.index_cast %parallel_loop3A_54 : i32 to index
        %parallel_loop3A_206 = arith.constant 240 : index
        %parallel_loop3A_207 = tpu.vector_load %arg12[%parallel_loop3A_205, %parallel_loop3A_206] {strides = array<i32>} : memref<16x640xf32, #tpu.memory_space<vmem>>, vector<1x16xf32>,
        %parallel_loop3A_208 = vector.shape_cast %parallel_loop3A_207 : vector<1x16xf32> to vector<16xf32>
        %parallel_loop3A_209 = vector.extract_strided_slice %parallel_loop3A_60 {offsets = [15], sizes = [1], strides = [1]} : vector<16xf32> to vector<1xf32>
        %parallel_loop3A_210 = vector.extract %parallel_loop3A_209[0] : f32 from vector<1xf32>
        %parallel_loop3A_211 = vector.broadcast %parallel_loop3A_210 : f32 to vector<16xf32>
        %parallel_loop3A_212 = arith.mulf %parallel_loop3A_211, %parallel_loop3A_208 : vector<16xf32>
        %parallel_loop3A_213 = arith.addf %parallel_loop3A_195, %parallel_loop3A_212 : vector<16xf32>
        %parallel_loop3A_214 = arith.index_cast %parallel_loop3A_54 : i32 to index
        %parallel_loop3A_215 = arith.constant 256 : index
        %parallel_loop3A_216 = tpu.vector_load %arg12[%parallel_loop3A_214, %parallel_loop3A_215] {strides = array<i32>} : memref<16x640xf32, #tpu.memory_space<vmem>>, vector<1x16xf32>,
        %parallel_loop3A_217 = vector.shape_cast %parallel_loop3A_216 : vector<1x16xf32> to vector<16xf32>
        %parallel_loop3A_218 = vector.extract_strided_slice %parallel_loop3A_66 {offsets = [0], sizes = [1], strides = [1]} : vector<16xf32> to vector<1xf32>
        %parallel_loop3A_219 = vector.extract %parallel_loop3A_218[0] : f32 from vector<1xf32>
        %parallel_loop3A_220 = vector.broadcast %parallel_loop3A_219 : f32 to vector<16xf32>
        %parallel_loop3A_221 = arith.mulf %parallel_loop3A_220, %parallel_loop3A_217 : vector<16xf32>
        %parallel_loop3A_222 = arith.addf %parallel_loop3A_213, %parallel_loop3A_221 : vector<16xf32>
        %parallel_loop3A_223 = arith.index_cast %parallel_loop3A_54 : i32 to index
        %parallel_loop3A_224 = arith.constant 272 : index
        %parallel_loop3A_225 = tpu.vector_load %arg12[%parallel_loop3A_223, %parallel_loop3A_224] {strides = array<i32>} : memref<16x640xf32, #tpu.memory_space<vmem>>, vector<1x16xf32>,
        %parallel_loop3A_226 = vector.shape_cast %parallel_loop3A_225 : vector<1x16xf32> to vector<16xf32>
        %parallel_loop3A_227 = vector.extract_strided_slice %parallel_loop3A_66 {offsets = [1], sizes = [1], strides = [1]} : vector<16xf32> to vector<1xf32>
        %parallel_loop3A_228 = vector.extract %parallel_loop3A_227[0] : f32 from vector<1xf32>
        %parallel_loop3A_229 = vector.broadcast %parallel_loop3A_228 : f32 to vector<16xf32>
        %parallel_loop3A_230 = arith.mulf %parallel_loop3A_229, %parallel_loop3A_226 : vector<16xf32>
        %parallel_loop3A_231 = arith.addf %parallel_loop3A_204, %parallel_loop3A_230 : vector<16xf32>
        %parallel_loop3A_232 = arith.index_cast %parallel_loop3A_54 : i32 to index
        %parallel_loop3A_233 = arith.constant 288 : index
        %parallel_loop3A_234 = tpu.vector_load %arg12[%parallel_loop3A_232, %parallel_loop3A_233] {strides = array<i32>} : memref<16x640xf32, #tpu.memory_space<vmem>>, vector<1x16xf32>,
        %parallel_loop3A_235 = vector.shape_cast %parallel_loop3A_234 : vector<1x16xf32> to vector<16xf32>
        %parallel_loop3A_236 = vector.extract_strided_slice %parallel_loop3A_66 {offsets = [2], sizes = [1], strides = [1]} : vector<16xf32> to vector<1xf32>
        %parallel_loop3A_237 = vector.extract %parallel_loop3A_236[0] : f32 from vector<1xf32>
        %parallel_loop3A_238 = vector.broadcast %parallel_loop3A_237 : f32 to vector<16xf32>
        %parallel_loop3A_239 = arith.mulf %parallel_loop3A_238, %parallel_loop3A_235 : vector<16xf32>
        %parallel_loop3A_240 = arith.addf %parallel_loop3A_222, %parallel_loop3A_239 : vector<16xf32>
        %parallel_loop3A_241 = arith.index_cast %parallel_loop3A_54 : i32 to index
        %parallel_loop3A_242 = arith.constant 304 : index
        %parallel_loop3A_243 = tpu.vector_load %arg12[%parallel_loop3A_241, %parallel_loop3A_242] {strides = array<i32>} : memref<16x640xf32, #tpu.memory_space<vmem>>, vector<1x16xf32>,
        %parallel_loop3A_244 = vector.shape_cast %parallel_loop3A_243 : vector<1x16xf32> to vector<16xf32>
        %parallel_loop3A_245 = vector.extract_strided_slice %parallel_loop3A_66 {offsets = [3], sizes = [1], strides = [1]} : vector<16xf32> to vector<1xf32>
        %parallel_loop3A_246 = vector.extract %parallel_loop3A_245[0] : f32 from vector<1xf32>
        %parallel_loop3A_247 = vector.broadcast %parallel_loop3A_246 : f32 to vector<16xf32>
        %parallel_loop3A_248 = arith.mulf %parallel_loop3A_247, %parallel_loop3A_244 : vector<16xf32>
        %parallel_loop3A_249 = arith.addf %parallel_loop3A_231, %parallel_loop3A_248 : vector<16xf32>
        %parallel_loop3A_250 = arith.index_cast %parallel_loop3A_54 : i32 to index
        %parallel_loop3A_251 = arith.constant 320 : index
        %parallel_loop3A_252 = tpu.vector_load %arg12[%parallel_loop3A_250, %parallel_loop3A_251] {strides = array<i32>} : memref<16x640xf32, #tpu.memory_space<vmem>>, vector<1x16xf32>,
        %parallel_loop3A_253 = vector.shape_cast %parallel_loop3A_252 : vector<1x16xf32> to vector<16xf32>
        %parallel_loop3A_254 = vector.extract_strided_slice %parallel_loop3A_66 {offsets = [4], sizes = [1], strides = [1]} : vector<16xf32> to vector<1xf32>
        %parallel_loop3A_255 = vector.extract %parallel_loop3A_254[0] : f32 from vector<1xf32>
        %parallel_loop3A_256 = vector.broadcast %parallel_loop3A_255 : f32 to vector<16xf32>
        %parallel_loop3A_257 = arith.mulf %parallel_loop3A_256, %parallel_loop3A_253 : vector<16xf32>
        %parallel_loop3A_258 = arith.addf %parallel_loop3A_240, %parallel_loop3A_257 : vector<16xf32>
        %parallel_loop3A_259 = arith.index_cast %parallel_loop3A_54 : i32 to index
        %parallel_loop3A_260 = arith.constant 336 : index
        %parallel_loop3A_261 = tpu.vector_load %arg12[%parallel_loop3A_259, %parallel_loop3A_260] {strides = array<i32>} : memref<16x640xf32, #tpu.memory_space<vmem>>, vector<1x16xf32>,
        %parallel_loop3A_262 = vector.shape_cast %parallel_loop3A_261 : vector<1x16xf32> to vector<16xf32>
        %parallel_loop3A_263 = vector.extract_strided_slice %parallel_loop3A_66 {offsets = [5], sizes = [1], strides = [1]} : vector<16xf32> to vector<1xf32>
        %parallel_loop3A_264 = vector.extract %parallel_loop3A_263[0] : f32 from vector<1xf32>
        %parallel_loop3A_265 = vector.broadcast %parallel_loop3A_264 : f32 to vector<16xf32>
        %parallel_loop3A_266 = arith.mulf %parallel_loop3A_265, %parallel_loop3A_262 : vector<16xf32>
        %parallel_loop3A_267 = arith.addf %parallel_loop3A_249, %parallel_loop3A_266 : vector<16xf32>
        %parallel_loop3A_268 = arith.index_cast %parallel_loop3A_54 : i32 to index
        %parallel_loop3A_269 = arith.constant 352 : index
        %parallel_loop3A_270 = tpu.vector_load %arg12[%parallel_loop3A_268, %parallel_loop3A_269] {strides = array<i32>} : memref<16x640xf32, #tpu.memory_space<vmem>>, vector<1x16xf32>,
        %parallel_loop3A_271 = vector.shape_cast %parallel_loop3A_270 : vector<1x16xf32> to vector<16xf32>
        %parallel_loop3A_272 = vector.extract_strided_slice %parallel_loop3A_66 {offsets = [6], sizes = [1], strides = [1]} : vector<16xf32> to vector<1xf32>
        %parallel_loop3A_273 = vector.extract %parallel_loop3A_272[0] : f32 from vector<1xf32>
        %parallel_loop3A_274 = vector.broadcast %parallel_loop3A_273 : f32 to vector<16xf32>
        %parallel_loop3A_275 = arith.mulf %parallel_loop3A_274, %parallel_loop3A_271 : vector<16xf32>
        %parallel_loop3A_276 = arith.addf %parallel_loop3A_258, %parallel_loop3A_275 : vector<16xf32>
        %parallel_loop3A_277 = arith.index_cast %parallel_loop3A_54 : i32 to index
        %parallel_loop3A_278 = arith.constant 368 : index
        %parallel_loop3A_279 = tpu.vector_load %arg12[%parallel_loop3A_277, %parallel_loop3A_278] {strides = array<i32>} : memref<16x640xf32, #tpu.memory_space<vmem>>, vector<1x16xf32>,
        %parallel_loop3A_280 = vector.shape_cast %parallel_loop3A_279 : vector<1x16xf32> to vector<16xf32>
        %parallel_loop3A_281 = vector.extract_strided_slice %parallel_loop3A_66 {offsets = [7], sizes = [1], strides = [1]} : vector<16xf32> to vector<1xf32>
        %parallel_loop3A_282 = vector.extract %parallel_loop3A_281[0] : f32 from vector<1xf32>
        %parallel_loop3A_283 = vector.broadcast %parallel_loop3A_282 : f32 to vector<16xf32>
        %parallel_loop3A_284 = arith.mulf %parallel_loop3A_283, %parallel_loop3A_280 : vector<16xf32>
        %parallel_loop3A_285 = arith.addf %parallel_loop3A_267, %parallel_loop3A_284 : vector<16xf32>
        %parallel_loop3A_286 = arith.index_cast %parallel_loop3A_54 : i32 to index
        %parallel_loop3A_287 = arith.constant 384 : index
        %parallel_loop3A_288 = tpu.vector_load %arg12[%parallel_loop3A_286, %parallel_loop3A_287] {strides = array<i32>} : memref<16x640xf32, #tpu.memory_space<vmem>>, vector<1x16xf32>,
        %parallel_loop3A_289 = vector.shape_cast %parallel_loop3A_288 : vector<1x16xf32> to vector<16xf32>
        %parallel_loop3A_290 = vector.extract_strided_slice %parallel_loop3A_66 {offsets = [8], sizes = [1], strides = [1]} : vector<16xf32> to vector<1xf32>
        %parallel_loop3A_291 = vector.extract %parallel_loop3A_290[0] : f32 from vector<1xf32>
        %parallel_loop3A_292 = vector.broadcast %parallel_loop3A_291 : f32 to vector<16xf32>
        %parallel_loop3A_293 = arith.mulf %parallel_loop3A_292, %parallel_loop3A_289 : vector<16xf32>
        %parallel_loop3A_294 = arith.addf %parallel_loop3A_276, %parallel_loop3A_293 : vector<16xf32>
        %parallel_loop3A_295 = arith.index_cast %parallel_loop3A_54 : i32 to index
        %parallel_loop3A_296 = arith.constant 400 : index
        %parallel_loop3A_297 = tpu.vector_load %arg12[%parallel_loop3A_295, %parallel_loop3A_296] {strides = array<i32>} : memref<16x640xf32, #tpu.memory_space<vmem>>, vector<1x16xf32>,
        %parallel_loop3A_298 = vector.shape_cast %parallel_loop3A_297 : vector<1x16xf32> to vector<16xf32>
        %parallel_loop3A_299 = vector.extract_strided_slice %parallel_loop3A_66 {offsets = [9], sizes = [1], strides = [1]} : vector<16xf32> to vector<1xf32>
        %parallel_loop3A_300 = vector.extract %parallel_loop3A_299[0] : f32 from vector<1xf32>
        %parallel_loop3A_301 = vector.broadcast %parallel_loop3A_300 : f32 to vector<16xf32>
        %parallel_loop3A_302 = arith.mulf %parallel_loop3A_301, %parallel_loop3A_298 : vector<16xf32>
        %parallel_loop3A_303 = arith.addf %parallel_loop3A_285, %parallel_loop3A_302 : vector<16xf32>
        %parallel_loop3A_304 = arith.index_cast %parallel_loop3A_54 : i32 to index
        %parallel_loop3A_305 = arith.constant 416 : index
        %parallel_loop3A_306 = tpu.vector_load %arg12[%parallel_loop3A_304, %parallel_loop3A_305] {strides = array<i32>} : memref<16x640xf32, #tpu.memory_space<vmem>>, vector<1x16xf32>,
        %parallel_loop3A_307 = vector.shape_cast %parallel_loop3A_306 : vector<1x16xf32> to vector<16xf32>
        %parallel_loop3A_308 = vector.extract_strided_slice %parallel_loop3A_66 {offsets = [10], sizes = [1], strides = [1]} : vector<16xf32> to vector<1xf32>
        %parallel_loop3A_309 = vector.extract %parallel_loop3A_308[0] : f32 from vector<1xf32>
        %parallel_loop3A_310 = vector.broadcast %parallel_loop3A_309 : f32 to vector<16xf32>
        %parallel_loop3A_311 = arith.mulf %parallel_loop3A_310, %parallel_loop3A_307 : vector<16xf32>
        %parallel_loop3A_312 = arith.addf %parallel_loop3A_294, %parallel_loop3A_311 : vector<16xf32>
        %parallel_loop3A_313 = arith.index_cast %parallel_loop3A_54 : i32 to index
        %parallel_loop3A_314 = arith.constant 432 : index
        %parallel_loop3A_315 = tpu.vector_load %arg12[%parallel_loop3A_313, %parallel_loop3A_314] {strides = array<i32>} : memref<16x640xf32, #tpu.memory_space<vmem>>, vector<1x16xf32>,
        %parallel_loop3A_316 = vector.shape_cast %parallel_loop3A_315 : vector<1x16xf32> to vector<16xf32>
        %parallel_loop3A_317 = vector.extract_strided_slice %parallel_loop3A_66 {offsets = [11], sizes = [1], strides = [1]} : vector<16xf32> to vector<1xf32>
        %parallel_loop3A_318 = vector.extract %parallel_loop3A_317[0] : f32 from vector<1xf32>
        %parallel_loop3A_319 = vector.broadcast %parallel_loop3A_318 : f32 to vector<16xf32>
        %parallel_loop3A_320 = arith.mulf %parallel_loop3A_319, %parallel_loop3A_316 : vector<16xf32>
        %parallel_loop3A_321 = arith.addf %parallel_loop3A_303, %parallel_loop3A_320 : vector<16xf32>
        %parallel_loop3A_322 = arith.index_cast %parallel_loop3A_54 : i32 to index
        %parallel_loop3A_323 = arith.constant 448 : index
        %parallel_loop3A_324 = tpu.vector_load %arg12[%parallel_loop3A_322, %parallel_loop3A_323] {strides = array<i32>} : memref<16x640xf32, #tpu.memory_space<vmem>>, vector<1x16xf32>,
        %parallel_loop3A_325 = vector.shape_cast %parallel_loop3A_324 : vector<1x16xf32> to vector<16xf32>
        %parallel_loop3A_326 = vector.extract_strided_slice %parallel_loop3A_66 {offsets = [12], sizes = [1], strides = [1]} : vector<16xf32> to vector<1xf32>
        %parallel_loop3A_327 = vector.extract %parallel_loop3A_326[0] : f32 from vector<1xf32>
        %parallel_loop3A_328 = vector.broadcast %parallel_loop3A_327 : f32 to vector<16xf32>
        %parallel_loop3A_329 = arith.mulf %parallel_loop3A_328, %parallel_loop3A_325 : vector<16xf32>
        %parallel_loop3A_330 = arith.addf %parallel_loop3A_312, %parallel_loop3A_329 : vector<16xf32>
        %parallel_loop3A_331 = arith.index_cast %parallel_loop3A_54 : i32 to index
        %parallel_loop3A_332 = arith.constant 464 : index
        %parallel_loop3A_333 = tpu.vector_load %arg12[%parallel_loop3A_331, %parallel_loop3A_332] {strides = array<i32>} : memref<16x640xf32, #tpu.memory_space<vmem>>, vector<1x16xf32>,
        %parallel_loop3A_334 = vector.shape_cast %parallel_loop3A_333 : vector<1x16xf32> to vector<16xf32>
        %parallel_loop3A_335 = vector.extract_strided_slice %parallel_loop3A_66 {offsets = [13], sizes = [1], strides = [1]} : vector<16xf32> to vector<1xf32>
        %parallel_loop3A_336 = vector.extract %parallel_loop3A_335[0] : f32 from vector<1xf32>
        %parallel_loop3A_337 = vector.broadcast %parallel_loop3A_336 : f32 to vector<16xf32>
        %parallel_loop3A_338 = arith.mulf %parallel_loop3A_337, %parallel_loop3A_334 : vector<16xf32>
        %parallel_loop3A_339 = arith.addf %parallel_loop3A_321, %parallel_loop3A_338 : vector<16xf32>
        %parallel_loop3A_340 = arith.index_cast %parallel_loop3A_54 : i32 to index
        %parallel_loop3A_341 = arith.constant 480 : index
        %parallel_loop3A_342 = tpu.vector_load %arg12[%parallel_loop3A_340, %parallel_loop3A_341] {strides = array<i32>} : memref<16x640xf32, #tpu.memory_space<vmem>>, vector<1x16xf32>,
        %parallel_loop3A_343 = vector.shape_cast %parallel_loop3A_342 : vector<1x16xf32> to vector<16xf32>
        %parallel_loop3A_344 = vector.extract_strided_slice %parallel_loop3A_66 {offsets = [14], sizes = [1], strides = [1]} : vector<16xf32> to vector<1xf32>
        %parallel_loop3A_345 = vector.extract %parallel_loop3A_344[0] : f32 from vector<1xf32>
        %parallel_loop3A_346 = vector.broadcast %parallel_loop3A_345 : f32 to vector<16xf32>
        %parallel_loop3A_347 = arith.mulf %parallel_loop3A_346, %parallel_loop3A_343 : vector<16xf32>
        %parallel_loop3A_348 = arith.addf %parallel_loop3A_330, %parallel_loop3A_347 : vector<16xf32>
        %parallel_loop3A_349 = arith.index_cast %parallel_loop3A_54 : i32 to index
        %parallel_loop3A_350 = arith.constant 496 : index
        %parallel_loop3A_351 = tpu.vector_load %arg12[%parallel_loop3A_349, %parallel_loop3A_350] {strides = array<i32>} : memref<16x640xf32, #tpu.memory_space<vmem>>, vector<1x16xf32>,
        %parallel_loop3A_352 = vector.shape_cast %parallel_loop3A_351 : vector<1x16xf32> to vector<16xf32>
        %parallel_loop3A_353 = vector.extract_strided_slice %parallel_loop3A_66 {offsets = [15], sizes = [1], strides = [1]} : vector<16xf32> to vector<1xf32>
        %parallel_loop3A_354 = vector.extract %parallel_loop3A_353[0] : f32 from vector<1xf32>
        %parallel_loop3A_355 = vector.broadcast %parallel_loop3A_354 : f32 to vector<16xf32>
        %parallel_loop3A_356 = arith.mulf %parallel_loop3A_355, %parallel_loop3A_352 : vector<16xf32>
        %parallel_loop3A_357 = arith.addf %parallel_loop3A_339, %parallel_loop3A_356 : vector<16xf32>
        %parallel_loop3A_358 = arith.addf %parallel_loop3A_348, %parallel_loop3A_357 : vector<16xf32>
        %parallel_loop3A_359 = arith.constant 24 : i32
        %parallel_loop3A_360 = arith.addi %parallel_loop3A_54, %parallel_loop3A_359 : i32
        %parallel_loop3A_361 = arith.index_cast %parallel_loop3A_360 : i32 to index
        %parallel_loop3A_362 = arith.constant 0 : index
        %parallel_loop3A_363 = tpu.vector_load %arg14[%parallel_loop3A_361, %parallel_loop3A_362] {strides = array<i32>} : memref<40x128xf32, #tpu.memory_space<vmem>>, vector<1x16xf32>,
        %parallel_loop3A_364 = vector.shape_cast %parallel_loop3A_363 : vector<1x16xf32> to vector<16xf32>
        %parallel_loop3A_365 = vector.shape_cast %parallel_loop3A_358 : vector<16xf32> to vector<1x16xf32>
        tpu.vector_store %arg14[%parallel_loop3A_361, %parallel_loop3A_362], %parallel_loop3A_365 {strides = array<i32>} : memref<40x128xf32, #tpu.memory_space<vmem>>, vector<1x16xf32>,
      } {sc.loop_unroll_factor = 4 : i64, sc.parallel_access}
      "tpu.region"() ({
        %run_scoped3A = tpu.sem_alloc : memref<!tpu.dma_semaphore, #tpu.memory_space<semaphore_mem>>
        %dma_start3A_54 = arith.constant 0 : i32
        %dma_start3A_55 = arith.constant 0 : i32
        %dma_start3A_56 = tpu.memref_slice %arg15[%dma_start3A_54, %dma_start3A_55] : memref<10000x128xf32, #tpu.memory_space<vmem_shared>> -> memref<10000x128xf32, #tpu.memory_space<vmem_shared>>
        tpu.enqueue_indirect_dma source(%arg14 : memref<40x128xf32, #tpu.memory_space<vmem>>) target(%dma_start3A_56 : memref<10000x128xf32, #tpu.memory_space<vmem_shared>>) offsets(%arg10 : memref<40xi32, #tpu.memory_space<vmem>>) semaphore(%run_scoped3A : memref<!tpu.dma_semaphore, #tpu.memory_space<semaphore_mem>>) {add = true}
        %dma_wait3A_57 = arith.constant 0 : i32
        %dma_wait3A_58 = arith.constant 0 : i32
        %dma_wait3A_59 = tpu.memref_slice %arg15[%dma_wait3A_57, %dma_wait3A_58] : memref<10000x128xf32, #tpu.memory_space<vmem_shared>> -> memref<10000x128xf32, #tpu.memory_space<vmem_shared>>
        tpu.wait_indirect_dma semaphore(%run_scoped3A : memref<!tpu.dma_semaphore, #tpu.memory_space<semaphore_mem>>) src(%arg14 : memref<40x128xf32, #tpu.memory_space<vmem>>) dst(%dma_wait3A_59 : memref<10000x128xf32, #tpu.memory_space<vmem_shared>>)
        tpu.yield
      }) : () -> ()
    }
    %scan3A_24 = arith.constant 125 : i32
    %barrier3A_25 = arith.constant 0 : index
    tpu.barrier barrier_id(%barrier3A_25)
    %eq3A_26 = arith.constant 0 : i32
    %eq3A_27 = arith.cmpi eq, %arg1, %eq3A_26 : i32
    %convert_element_type3A_28 = arith.extui %eq3A_27 : i1 to i32
    %cond3A_29 = arith.constant 0 : i32
    %cond3A_30 = arith.cmpi ne, %convert_element_type3A_28, %cond3A_29 : i32
    scf.if %cond3A_30 {
      "tpu.region"() ({
        %run_scoped3A = tpu.sem_alloc : memref<!tpu.dma_semaphore, #tpu.memory_space<semaphore_mem>>
        %dma_start3A_31 = arith.constant 0 : i32
        %dma_start3A_32 = arith.constant 0 : i32
        %dma_start3A_33 = tpu.memref_slice %arg7[%arg0, %dma_start3A_31, %dma_start3A_32] : memref<2x10000x128xf32, #tpu.memory_space<hbm>> -> memref<1x10000x128xf32, #tpu.memory_space<hbm>>
        %dma_start3A_34 = tpu.memref_squeeze %dma_start3A_33 : memref<1x10000x128xf32, #tpu.memory_space<hbm>> -> memref<10000x128xf32, #tpu.memory_space<hbm>>
        tpu.enqueue_dma source(%arg15 : memref<10000x128xf32, #tpu.memory_space<vmem_shared>>) target(%dma_start3A_34 : memref<10000x128xf32, #tpu.memory_space<hbm>>) target_semaphore(%run_scoped3A : memref<!tpu.dma_semaphore, #tpu.memory_space<semaphore_mem>>)
        %dma_wait3A = arith.constant 0 : i32
        %dma_wait3A_35 = arith.constant 0 : i32
        %dma_wait3A_36 = tpu.memref_slice %arg7[%arg0, %dma_wait3A, %dma_wait3A_35] : memref<2x10000x128xf32, #tpu.memory_space<hbm>> -> memref<1x10000x128xf32, #tpu.memory_space<hbm>>
        %dma_wait3A_37 = tpu.memref_squeeze %dma_wait3A_36 : memref<1x10000x128xf32, #tpu.memory_space<hbm>> -> memref<10000x128xf32, #tpu.memory_space<hbm>>
        tpu.wait_dma2 semaphore(%run_scoped3A : memref<!tpu.dma_semaphore, #tpu.memory_space<semaphore_mem>>) src(%arg15 : memref<10000x128xf32, #tpu.memory_space<vmem_shared>>) dst(%dma_wait3A_37 : memref<10000x128xf32, #tpu.memory_space<hbm>>)
        tpu.yield
      }) : () -> ()
    } else {
    }
    return
  }
}

module attributes {stable_mosaic.version = 14 : i64} {
  func.func @_mm_body(%arg0: i32, %arg1: memref<1000x128xf32, #tpu.memory_space<vmem>>, %arg2: memref<128x640xf32, #tpu.memory_space<vmem>>, %arg3: memref<1000x640xf32, #tpu.memory_space<vmem>>) attributes {dimension_semantics = [#tpu.dimension_semantics<arbitrary>], iteration_bounds = array<i64: 10>, scalar_prefetch = 0 : i64, scratch_operands = 0 : i64, tpu.core_type = #tpu.core_type<tc>, window_params = [{transform_indices = @transform_0, window_bounds = array<i64: 1000, 128>}, {pipeline_mode = #tpu.pipeline_mode<synchronous>, transform_indices = @transform_1, window_bounds = array<i64: 128, 640>}, {transform_indices = @transform_2, window_bounds = array<i64: 1000, 640>}]} {
    %get3A = arith.constant 0 : index
    %get3A_0 = arith.constant 0 : index
    %get3A_1 = vector.load %arg1[%get3A, %get3A_0] : memref<1000x128xf32, #tpu.memory_space<vmem>>, vector<1000x128xf32>
    %get3A_2 = arith.constant 0 : index
    %get3A_3 = arith.constant 0 : index
    %get3A_4 = vector.load %arg2[%get3A_2, %get3A_3] : memref<128x640xf32, #tpu.memory_space<vmem>>, vector<128x640xf32>
    %dot_general3A = arith.constant dense<0.000000e+00> : vector<1000x640xf32>
    %dot_general3A_5 = tpu.matmul %get3A_1, %get3A_4, %dot_general3A {dimension_numbers = #tpu.dot_dimension_numbers<[1], [0], [0], [1], [0, 0, 1, 1], [], []>, transpose_lhs_hint = false} : vector<1000x128xf32>, vector<128x640xf32>, vector<1000x640xf32> -> vector<1000x640xf32>
    %swap3A = arith.constant 0 : index
    %swap3A_6 = arith.constant 0 : index
    %swap3A_7 = vector.load %arg3[%swap3A, %swap3A_6] : memref<1000x640xf32, #tpu.memory_space<vmem>>, vector<1000x640xf32>
    tpu.vector_store %arg3[%swap3A, %swap3A_6], %dot_general3A_5 {strides = array<i32>} : memref<1000x640xf32, #tpu.memory_space<vmem>>, vector<1000x640xf32>,
    return
  }
  func.func @transform_0(%arg0: i32) -> (i32, i32) {
    %c0_i32 = arith.constant 0 : i32
    %c0_i32_0 = arith.constant 0 : i32
    return %arg0, %c0_i32 : i32, i32
  }
  func.func @transform_1(%arg0: i32) -> (i32, i32) {
    %c0_i32 = arith.constant 0 : i32
    %c0_i32_0 = arith.constant 0 : i32
    %c0_i32_1 = arith.constant 0 : i32
    return %c0_i32, %c0_i32_0 : i32, i32
  }
  func.func @transform_2(%arg0: i32) -> (i32, i32) {
    %c0_i32 = arith.constant 0 : i32
    %c0_i32_0 = arith.constant 0 : i32
    return %arg0, %c0_i32 : i32, i32
  }
}

module attributes {stable_mosaic.version = 14 : i64} {
  func.func @_h_body(%arg0: i32, %arg1: memref<4000x16xf32, #tpu.memory_space<vmem>>, %arg2: memref<16x32xf32, #tpu.memory_space<vmem>>, %arg3: memref<1x32xf32, #tpu.memory_space<vmem>>, %arg4: memref<16x32xf32, #tpu.memory_space<vmem>>, %arg5: memref<1x32xf32, #tpu.memory_space<vmem>>, %arg6: memref<4000x32xf32, #tpu.memory_space<vmem>>, %arg7: memref<4000x32xf32, #tpu.memory_space<vmem>>) attributes {dimension_semantics = [#tpu.dimension_semantics<arbitrary>], iteration_bounds = array<i64: 40>, scalar_prefetch = 0 : i64, scratch_operands = 0 : i64, tpu.core_type = #tpu.core_type<tc>, window_params = [{transform_indices = @transform_0, window_bounds = array<i64: 4000, 16>}, {pipeline_mode = #tpu.pipeline_mode<synchronous>, transform_indices = @transform_1, window_bounds = array<i64: 16, 32>}, {pipeline_mode = #tpu.pipeline_mode<synchronous>, transform_indices = @transform_2, window_bounds = array<i64: 1, 32>}, {pipeline_mode = #tpu.pipeline_mode<synchronous>, transform_indices = @transform_3, window_bounds = array<i64: 16, 32>}, {pipeline_mode = #tpu.pipeline_mode<synchronous>, transform_indices = @transform_4, window_bounds = array<i64: 1, 32>}, {transform_indices = @transform_5, window_bounds = array<i64: 4000, 32>}, {transform_indices = @transform_6, window_bounds = array<i64: 4000, 32>}]} {
    %get3A = arith.constant 0 : index
    %get3A_0 = arith.constant 0 : index
    %get3A_1 = vector.load %arg1[%get3A, %get3A_0] : memref<4000x16xf32, #tpu.memory_space<vmem>>, vector<4000x16xf32>
    %get3A_2 = arith.constant 0 : index
    %get3A_3 = arith.constant 0 : index
    %get3A_4 = vector.load %arg2[%get3A_2, %get3A_3] : memref<16x32xf32, #tpu.memory_space<vmem>>, vector<16x32xf32>
    %dot_general3A = arith.constant dense<0.000000e+00> : vector<4000x32xf32>
    %dot_general3A_5 = tpu.matmul %get3A_1, %get3A_4, %dot_general3A {dimension_numbers = #tpu.dot_dimension_numbers<[1], [0], [0], [1], [0, 0, 1, 1], [], []>, transpose_lhs_hint = false} : vector<4000x16xf32>, vector<16x32xf32>, vector<4000x32xf32> -> vector<4000x32xf32>
    %get3A_6 = arith.constant 0 : index
    %get3A_7 = arith.constant 0 : index
    %get3A_8 = vector.load %arg3[%get3A_6, %get3A_7] : memref<1x32xf32, #tpu.memory_space<vmem>>, vector<1x32xf32>
    %add3A = vector.broadcast %get3A_8 : vector<1x32xf32> to vector<4000x32xf32>
    %add3A_9 = arith.addf %dot_general3A_5, %add3A : vector<4000x32xf32>
    %max3A = arith.constant 0.000000e+00 : f32
    %max3A_10 = vector.broadcast %max3A : f32 to vector<4000x32xf32>
    %max3A_11 = arith.maximumf %add3A_9, %max3A_10 : vector<4000x32xf32>
    %swap3A = arith.constant 0 : index
    %swap3A_12 = arith.constant 0 : index
    %swap3A_13 = vector.load %arg6[%swap3A, %swap3A_12] : memref<4000x32xf32, #tpu.memory_space<vmem>>, vector<4000x32xf32>
    tpu.vector_store %arg6[%swap3A, %swap3A_12], %max3A_11 {strides = array<i32>} : memref<4000x32xf32, #tpu.memory_space<vmem>>, vector<4000x32xf32>,
    %get3A_14 = arith.constant 0 : index
    %get3A_15 = arith.constant 0 : index
    %get3A_16 = vector.load %arg4[%get3A_14, %get3A_15] : memref<16x32xf32, #tpu.memory_space<vmem>>, vector<16x32xf32>
    %dot_general3A_17 = arith.constant dense<0.000000e+00> : vector<4000x32xf32>
    %dot_general3A_18 = tpu.matmul %get3A_1, %get3A_16, %dot_general3A_17 {dimension_numbers = #tpu.dot_dimension_numbers<[1], [0], [0], [1], [0, 0, 1, 1], [], []>, transpose_lhs_hint = false} : vector<4000x16xf32>, vector<16x32xf32>, vector<4000x32xf32> -> vector<4000x32xf32>
    %get3A_19 = arith.constant 0 : index
    %get3A_20 = arith.constant 0 : index
    %get3A_21 = vector.load %arg5[%get3A_19, %get3A_20] : memref<1x32xf32, #tpu.memory_space<vmem>>, vector<1x32xf32>
    %add3A_22 = vector.broadcast %get3A_21 : vector<1x32xf32> to vector<4000x32xf32>
    %add3A_23 = arith.addf %dot_general3A_18, %add3A_22 : vector<4000x32xf32>
    %max3A_24 = arith.constant 0.000000e+00 : f32
    %max3A_25 = vector.broadcast %max3A_24 : f32 to vector<4000x32xf32>
    %max3A_26 = arith.maximumf %add3A_23, %max3A_25 : vector<4000x32xf32>
    %swap3A_27 = arith.constant 0 : index
    %swap3A_28 = arith.constant 0 : index
    %swap3A_29 = vector.load %arg7[%swap3A_27, %swap3A_28] : memref<4000x32xf32, #tpu.memory_space<vmem>>, vector<4000x32xf32>
    tpu.vector_store %arg7[%swap3A_27, %swap3A_28], %max3A_26 {strides = array<i32>} : memref<4000x32xf32, #tpu.memory_space<vmem>>, vector<4000x32xf32>,
    return
  }
  func.func @transform_0(%arg0: i32) -> (i32, i32) {
    %c0_i32 = arith.constant 0 : i32
    %c0_i32_0 = arith.constant 0 : i32
    return %arg0, %c0_i32 : i32, i32
  }
  func.func @transform_1(%arg0: i32) -> (i32, i32) {
    %c0_i32 = arith.constant 0 : i32
    %c0_i32_0 = arith.constant 0 : i32
    %c0_i32_1 = arith.constant 0 : i32
    return %c0_i32, %c0_i32_0 : i32, i32
  }
  func.func @transform_2(%arg0: i32) -> (i32, i32) {
    %c0_i32 = arith.constant 0 : i32
    %c0_i32_0 = arith.constant 0 : i32
    %c0_i32_1 = arith.constant 0 : i32
    return %c0_i32, %c0_i32_0 : i32, i32
  }
  func.func @transform_3(%arg0: i32) -> (i32, i32) {
    %c0_i32 = arith.constant 0 : i32
    %c0_i32_0 = arith.constant 0 : i32
    %c0_i32_1 = arith.constant 0 : i32
    return %c0_i32, %c0_i32_0 : i32, i32
  }
  func.func @transform_4(%arg0: i32) -> (i32, i32) {
    %c0_i32 = arith.constant 0 : i32
    %c0_i32_0 = arith.constant 0 : i32
    %c0_i32_1 = arith.constant 0 : i32
    return %c0_i32, %c0_i32_0 : i32, i32
  }
  func.func @transform_5(%arg0: i32) -> (i32, i32) {
    %c0_i32 = arith.constant 0 : i32
    %c0_i32_0 = arith.constant 0 : i32
    return %arg0, %c0_i32 : i32, i32
  }
  func.func @transform_6(%arg0: i32) -> (i32, i32) {
    %c0_i32 = arith.constant 0 : i32
    %c0_i32_0 = arith.constant 0 : i32
    return %arg0, %c0_i32 : i32, i32
  }
}

module attributes {stable_mosaic.version = 14 : i64} {
  func.func @_node_body(%arg0: memref<2x10000x128xf32, #tpu.memory_space<vmem>>, %arg1: memref<10000x16xf32, #tpu.memory_space<vmem>>, %arg2: memref<1x16xf32, #tpu.memory_space<vmem>>, %arg3: memref<1x16xf32, #tpu.memory_space<vmem>>, %arg4: memref<1x16xf32, #tpu.memory_space<vmem>>, %arg5: memref<10000x16xf32, #tpu.memory_space<vmem>>) attributes {dimension_semantics = [], scalar_prefetch = 0 : i64, scratch_operands = 0 : i64, tpu.core_type = #tpu.core_type<tc>} {
    %get3A = arith.constant 0 : index
    %get3A_0 = arith.constant 0 : index
    %get3A_1 = arith.constant 0 : index
    %get3A_2 = vector.load %arg0[%get3A, %get3A_0, %get3A_1] : memref<2x10000x128xf32, #tpu.memory_space<vmem>>, vector<1x10000x128xf32>
    %get3A_3 = vector.shape_cast %get3A_2 : vector<1x10000x128xf32> to vector<10000x128xf32>
    %get3A_4 = arith.constant 1 : index
    %get3A_5 = arith.constant 0 : index
    %get3A_6 = arith.constant 0 : index
    %get3A_7 = vector.load %arg0[%get3A_4, %get3A_5, %get3A_6] : memref<2x10000x128xf32, #tpu.memory_space<vmem>>, vector<1x10000x128xf32>
    %get3A_8 = vector.shape_cast %get3A_7 : vector<1x10000x128xf32> to vector<10000x128xf32>
    %add3A = arith.addf %get3A_3, %get3A_8 : vector<10000x128xf32>
    %slice3A = vector.extract_strided_slice %add3A {offsets = [0, 0], sizes = [10000, 16], strides = [1, 1]} : vector<10000x128xf32> to vector<10000x16xf32>
    %slice3A_9 = vector.extract_strided_slice %add3A {offsets = [0, 16], sizes = [10000, 1], strides = [1, 1]} : vector<10000x128xf32> to vector<10000x1xf32>
    %max3A = arith.constant 1.000000e+00 : f32
    %max3A_10 = vector.broadcast %max3A : f32 to vector<10000x1xf32>
    %max3A_11 = arith.maximumf %slice3A_9, %max3A_10 : vector<10000x1xf32>
    %get3A_12 = arith.constant 0 : index
    %get3A_13 = arith.constant 0 : index
    %get3A_14 = vector.load %arg1[%get3A_12, %get3A_13] : memref<10000x16xf32, #tpu.memory_space<vmem>>, vector<10000x16xf32>
    %div3A = vector.broadcast %max3A_11 : vector<10000x1xf32> to vector<10000x16xf32>
    %div3A_15 = arith.divf %slice3A, %div3A : vector<10000x16xf32>
    %add3A_16 = arith.addf %get3A_14, %div3A_15 : vector<10000x16xf32>
    %get3A_17 = arith.constant 0 : index
    %get3A_18 = arith.constant 0 : index
    %get3A_19 = vector.load %arg2[%get3A_17, %get3A_18] : memref<1x16xf32, #tpu.memory_space<vmem>>, vector<1x16xf32>
    %add3A_20 = vector.broadcast %get3A_19 : vector<1x16xf32> to vector<10000x16xf32>
    %add3A_21 = arith.addf %add3A_16, %add3A_20 : vector<10000x16xf32>
    %reduce_sum3A = arith.constant dense<0.000000e+00> : vector<16xf32>
    %reduce_sum3A_22 = vector.multi_reduction <add>, %add3A_21, %reduce_sum3A [0] : vector<10000x16xf32> to vector<16xf32>
    %broadcast_in_dim3A = vector.shape_cast %reduce_sum3A_22 : vector<16xf32> to vector<1x16xf32>
    %div3A_23 = arith.constant 1.000000e+04 : f32
    %div3A_24 = vector.broadcast %div3A_23 : f32 to vector<1x16xf32>
    %div3A_25 = arith.divf %broadcast_in_dim3A, %div3A_24 : vector<1x16xf32>
    %sub3A = vector.broadcast %div3A_25 : vector<1x16xf32> to vector<10000x16xf32>
    %sub3A_26 = arith.subf %add3A_21, %sub3A : vector<10000x16xf32>
    %sub3A_27 = vector.broadcast %div3A_25 : vector<1x16xf32> to vector<10000x16xf32>
    %sub3A_28 = arith.subf %add3A_21, %sub3A_27 : vector<10000x16xf32>
    %mul3A = arith.mulf %sub3A_26, %sub3A_28 : vector<10000x16xf32>
    %reduce_sum3A_29 = arith.constant dense<0.000000e+00> : vector<16xf32>
    %reduce_sum3A_30 = vector.multi_reduction <add>, %mul3A, %reduce_sum3A_29 [0] : vector<10000x16xf32> to vector<16xf32>
    %broadcast_in_dim3A_31 = vector.shape_cast %reduce_sum3A_30 : vector<16xf32> to vector<1x16xf32>
    %div3A_32 = arith.constant 1.000000e+04 : f32
    %div3A_33 = vector.broadcast %div3A_32 : f32 to vector<1x16xf32>
    %div3A_34 = arith.divf %broadcast_in_dim3A_31, %div3A_33 : vector<1x16xf32>
    %sub3A_35 = vector.broadcast %div3A_25 : vector<1x16xf32> to vector<10000x16xf32>
    %sub3A_36 = arith.subf %add3A_21, %sub3A_35 : vector<10000x16xf32>
    %add3A_37 = arith.constant 9.99999974E-6 : f32
    %add3A_38 = vector.broadcast %add3A_37 : f32 to vector<1x16xf32>
    %add3A_39 = arith.addf %div3A_34, %add3A_38 : vector<1x16xf32>
    %rsqrt3A = math.rsqrt %add3A_39 : vector<1x16xf32>
    %mul3A_40 = vector.broadcast %rsqrt3A : vector<1x16xf32> to vector<10000x16xf32>
    %mul3A_41 = arith.mulf %sub3A_36, %mul3A_40 : vector<10000x16xf32>
    %get3A_42 = arith.constant 0 : index
    %get3A_43 = arith.constant 0 : index
    %get3A_44 = vector.load %arg3[%get3A_42, %get3A_43] : memref<1x16xf32, #tpu.memory_space<vmem>>, vector<1x16xf32>
    %mul3A_45 = vector.broadcast %get3A_44 : vector<1x16xf32> to vector<10000x16xf32>
    %mul3A_46 = arith.mulf %mul3A_41, %mul3A_45 : vector<10000x16xf32>
    %get3A_47 = arith.constant 0 : index
    %get3A_48 = arith.constant 0 : index
    %get3A_49 = vector.load %arg4[%get3A_47, %get3A_48] : memref<1x16xf32, #tpu.memory_space<vmem>>, vector<1x16xf32>
    %add3A_50 = vector.broadcast %get3A_49 : vector<1x16xf32> to vector<10000x16xf32>
    %add3A_51 = arith.addf %mul3A_46, %add3A_50 : vector<10000x16xf32>
    %max3A_52 = arith.constant 0.000000e+00 : f32
    %max3A_53 = vector.broadcast %max3A_52 : f32 to vector<10000x16xf32>
    %max3A_54 = arith.maximumf %add3A_51, %max3A_53 : vector<10000x16xf32>
    %swap3A = arith.constant 0 : index
    %swap3A_55 = arith.constant 0 : index
    %swap3A_56 = vector.load %arg5[%swap3A, %swap3A_55] : memref<10000x16xf32, #tpu.memory_space<vmem>>, vector<10000x16xf32>
    tpu.vector_store %arg5[%swap3A, %swap3A_55], %max3A_54 {strides = array<i32>} : memref<10000x16xf32, #tpu.memory_space<vmem>>, vector<10000x16xf32>,
    return
  }
}

module attributes {stable_mosaic.version = 14 : i64} {
  func.func @_mm_body(%arg0: i32, %arg1: memref<1000x16xf32, #tpu.memory_space<vmem>>, %arg2: memref<16x640xf32, #tpu.memory_space<vmem>>, %arg3: memref<1000x640xf32, #tpu.memory_space<vmem>>) attributes {dimension_semantics = [#tpu.dimension_semantics<arbitrary>], iteration_bounds = array<i64: 10>, scalar_prefetch = 0 : i64, scratch_operands = 0 : i64, tpu.core_type = #tpu.core_type<tc>, window_params = [{transform_indices = @transform_0, window_bounds = array<i64: 1000, 16>}, {pipeline_mode = #tpu.pipeline_mode<synchronous>, transform_indices = @transform_1, window_bounds = array<i64: 16, 640>}, {transform_indices = @transform_2, window_bounds = array<i64: 1000, 640>}]} {
    %get3A = arith.constant 0 : index
    %get3A_0 = arith.constant 0 : index
    %get3A_1 = vector.load %arg1[%get3A, %get3A_0] : memref<1000x16xf32, #tpu.memory_space<vmem>>, vector<1000x16xf32>
    %get3A_2 = arith.constant 0 : index
    %get3A_3 = arith.constant 0 : index
    %get3A_4 = vector.load %arg2[%get3A_2, %get3A_3] : memref<16x640xf32, #tpu.memory_space<vmem>>, vector<16x640xf32>
    %dot_general3A = arith.constant dense<0.000000e+00> : vector<1000x640xf32>
    %dot_general3A_5 = tpu.matmul %get3A_1, %get3A_4, %dot_general3A {dimension_numbers = #tpu.dot_dimension_numbers<[1], [0], [0], [1], [0, 0, 1, 1], [], []>, transpose_lhs_hint = false} : vector<1000x16xf32>, vector<16x640xf32>, vector<1000x640xf32> -> vector<1000x640xf32>
    %swap3A = arith.constant 0 : index
    %swap3A_6 = arith.constant 0 : index
    %swap3A_7 = vector.load %arg3[%swap3A, %swap3A_6] : memref<1000x640xf32, #tpu.memory_space<vmem>>, vector<1000x640xf32>
    tpu.vector_store %arg3[%swap3A, %swap3A_6], %dot_general3A_5 {strides = array<i32>} : memref<1000x640xf32, #tpu.memory_space<vmem>>, vector<1000x640xf32>,
    return
  }
  func.func @transform_0(%arg0: i32) -> (i32, i32) {
    %c0_i32 = arith.constant 0 : i32
    %c0_i32_0 = arith.constant 0 : i32
    return %arg0, %c0_i32 : i32, i32
  }
  func.func @transform_1(%arg0: i32) -> (i32, i32) {
    %c0_i32 = arith.constant 0 : i32
    %c0_i32_0 = arith.constant 0 : i32
    %c0_i32_1 = arith.constant 0 : i32
    return %c0_i32, %c0_i32_0 : i32, i32
  }
  func.func @transform_2(%arg0: i32) -> (i32, i32) {
    %c0_i32 = arith.constant 0 : i32
    %c0_i32_0 = arith.constant 0 : i32
    return %arg0, %c0_i32 : i32, i32
  }
}

module attributes {stable_mosaic.version = 14 : i64} {
  func.func @_pool_body(%arg0: memref<10000x16xf32, #tpu.memory_space<vmem>>, %arg1: memref<10000x1xi32, #tpu.memory_space<vmem>>, %arg2: memref<16x128xf32, #tpu.memory_space<vmem>>, %arg3: memref<1x128xf32, #tpu.memory_space<vmem>>, %arg4: memref<64x128xf32, #tpu.memory_space<vmem>>) attributes {dimension_semantics = [], scalar_prefetch = 0 : i64, scratch_operands = 0 : i64, tpu.core_type = #tpu.core_type<tc>} {
    %get3A = arith.constant 0 : index
    %get3A_0 = arith.constant 0 : index
    %get3A_1 = vector.load %arg0[%get3A, %get3A_0] : memref<10000x16xf32, #tpu.memory_space<vmem>>, vector<10000x16xf32>
    %get3A_2 = arith.constant 0 : index
    %get3A_3 = arith.constant 0 : index
    %get3A_4 = vector.load %arg1[%get3A_2, %get3A_3] : memref<10000x1xi32, #tpu.memory_space<vmem>>, vector<10000x1xi32>
    %iota3A = tpu.iota {dimensions = array<i32: 1>} : vector<1x64xi32>
    %eq3A = vector.broadcast %get3A_4 : vector<10000x1xi32> to vector<10000x64xi32>
    %eq3A_5 = vector.broadcast %iota3A : vector<1x64xi32> to vector<10000x64xi32>
    %eq3A_6 = arith.cmpi eq, %eq3A, %eq3A_5 : vector<10000x64xi32>
    %convert_element_type3A = arith.extui %eq3A_6 : vector<10000x64xi1> to vector<10000x64xi32>
    %convert_element_type3A_7 = arith.sitofp %convert_element_type3A : vector<10000x64xi32> to vector<10000x64xf32>
    %dot_general3A = arith.constant dense<0.000000e+00> : vector<64x16xf32>
    %dot_general3A_8 = tpu.matmul %convert_element_type3A_7, %get3A_1, %dot_general3A {dimension_numbers = #tpu.dot_dimension_numbers<[0], [0], [1], [1], [0, 1, 1, 1], [], []>, transpose_lhs_hint = false} : vector<10000x64xf32>, vector<10000x16xf32>, vector<64x16xf32> -> vector<64x16xf32>
    %reduce_sum3A = arith.constant dense<0.000000e+00> : vector<64xf32>
    %reduce_sum3A_9 = vector.multi_reduction <add>, %convert_element_type3A_7, %reduce_sum3A [0] : vector<10000x64xf32> to vector<64xf32>
    %max3A = arith.constant 1.000000e+00 : f32
    %max3A_10 = vector.broadcast %max3A : f32 to vector<64xf32>
    %max3A_11 = arith.maximumf %reduce_sum3A_9, %max3A_10 : vector<64xf32>
    %broadcast_in_dim3A = vector.shape_cast %max3A_11 : vector<64xf32> to vector<64x1xf32>
    %div3A = vector.broadcast %broadcast_in_dim3A : vector<64x1xf32> to vector<64x16xf32>
    %div3A_12 = arith.divf %dot_general3A_8, %div3A : vector<64x16xf32>
    %get3A_13 = arith.constant 0 : index
    %get3A_14 = arith.constant 0 : index
    %get3A_15 = vector.load %arg2[%get3A_13, %get3A_14] : memref<16x128xf32, #tpu.memory_space<vmem>>, vector<16x128xf32>
    %dot_general3A_16 = arith.constant dense<0.000000e+00> : vector<64x128xf32>
    %dot_general3A_17 = tpu.matmul %div3A_12, %get3A_15, %dot_general3A_16 {dimension_numbers = #tpu.dot_dimension_numbers<[1], [0], [0], [1], [0, 0, 1, 1], [], []>, transpose_lhs_hint = false} : vector<64x16xf32>, vector<16x128xf32>, vector<64x128xf32> -> vector<64x128xf32>
    %get3A_18 = arith.constant 0 : index
    %get3A_19 = arith.constant 0 : index
    %get3A_20 = vector.load %arg3[%get3A_18, %get3A_19] : memref<1x128xf32, #tpu.memory_space<vmem>>, vector<1x128xf32>
    %add3A = vector.broadcast %get3A_20 : vector<1x128xf32> to vector<64x128xf32>
    %add3A_21 = arith.addf %dot_general3A_17, %add3A : vector<64x128xf32>
    %swap3A = arith.constant 0 : index
    %swap3A_22 = arith.constant 0 : index
    %swap3A_23 = vector.load %arg4[%swap3A, %swap3A_22] : memref<64x128xf32, #tpu.memory_space<vmem>>, vector<64x128xf32>
    tpu.vector_store %arg4[%swap3A, %swap3A_22], %add3A_21 {strides = array<i32>} : memref<64x128xf32, #tpu.memory_space<vmem>>, vector<64x128xf32>,
    return
  }
}

</mosaic_0001>

<sc_bundles>
// kernel: kernel.10.cloned.1.call-start
scs
__scs_entry_jumppad:
0x0: {  	(pc) =	sbr.rel $0x88, $3  }
0x1: {  	(tag) =	ssettag $0x0;
	lr =	simm.s32 $0x1  }
0x2: {  	[smem:$0x3F8B] =	sst lr;
	_ =	strace $0xD0000000  }
0x3: {  	_ = 	snop  }
0x4: {  	_ = 	snop  }
0x5: {  	_ = 	snop  }
0x6: {  	_ = 	snop  }
0x7: {  	_ = 	snop  }
__scs_overlays_trampoline_lowered:
0x8: {  	[smem:$0x3F9A] =	sst s0  }
0x9: {  	[smem:$0x3F9B] =	sst s1  }
0xa: {  	[smem:$0x3F9C] =	sst s2  }
0xb: {  	[smem:$0x3F9D] =	sst s3  }
0xc: {  	[smem:$0x3F9E] =	sst s4  }
0xd: {  	[smem:$0x3F9F] =	sst s5  }
0xe: {  	[smem:$0x3FA0] =	sst s6  }
0xf: {  	[smem:$0x3FA1] =	sst s7  }
0x10: {  	[smem:$0x3FA2] =	sst s8  }
0x11: {  	[smem:$0x3FA3] =	sst s9;
	s0 =	simm.s32 @!p0 $0x0  }
0x12: {  	s1 =	sld [smem:$0x3F89];
	s0 =	simm.s32 @p0 $0x1  }
0x13: {  	[smem:$0x3FA4] =	sst s0;
	s0 =	simm.s32 @!p1 $0x0  }
0x14: {  	s2 =	sld [smem:$0x3F88];
	s0 =	simm.s32 @p1 $0x1  }
0x15: {  	[smem:$0x3FA5] =	sst s0;
	s0 =	simm.s32 @!p2 $0x0  }
0x16: {  	s3 =	sld [smem:$0x3FDB];
	s0 =	simm.s32 @p2 $0x1  }
0x17: {  	s4 =	simm.s32 $0x1BF5;
	[smem:$0x3FA7] =	sst s0  }
0x18: {  	s0 =	sld [smem:$0x3F8A];
	_ =	swait.ge [sflag:s4], $0x0  }
0x19: {  	s7 =	sld [smem:$0x3F8B]  }
0x1a: {  	s8 =	sadd.s32 $0xFFFFE003, lr  }
0x1b: {  	s9 =	sadd.s32 $0xFFFFFEF7, lr;
	s5 =	simm.s32 $0xFFFFFFFF;
	p2 =	slt.u32 s8, $0xFFFFF086  }
0x1c: {  	p1 =	slt.u32 s9, $0xF7A;
	s5 =	simm.s32 @!p2 $0x0  }
0x1d: {  	s5 =	simm.s32 @p1 $0x1;
	p0 =	seq.s32 s7, s2  }
0x1e: {  	s7 =	smul.u32 @!p0 $0xF7A, s2;
	p2 =	seq.s32 @!p0 s5, $0x0  }
0x1f: {  	s9 =	smul.u32 $0xF7A, s1;
	s8 =	simm.s32 @!p0 $0x1BF5;
	p2 =	por !p2, p0  }
0x20: {  	[sflag:s8] =	ssyncset.s32 @!p0 $0xFFFFF086;
	s6 =	sadd.s32 @!p0 s3, s7;
	s7 =	simm.s32 @!p0 $0x108  }
0x21: {  	s3 =	sadd.s32 s3, s9;
	s6 =	sadd.s32 @!p0 $0x88, s6;
	s7 =	simm.s32 @p2 $0x1082  }
0x22: {  	[simem:s7], [sflag:s8] =	dma.local @!p0 [hbm:s6], $0xF7A  }
0x23: {  	s9 =	sor.u32 $0xD0000000, s2;
	s6 =	simm.s32 $0x108;
	_ =	swait.ge @!p0 [sflag:s8], $0x0  }
0x24: {  	s3 =	sadd.s32 $0x88, s3;
	s6 =	simm.s32 @!p1 $0x1082;
	[sflag:s4] =	ssyncset.s32 $0xFFFFF086  }
0x25: {  	[simem:s6], [sflag:s4] =	dma.local [hbm:s3], $0xF7A  }
0x26: {  	[smem:$0x3F8B] =	sst s1;
	(tag) =	ssettag s2;
	_ =	strace s9  }
0x27: {  	s1 =	sld [smem:$0x3F9B]  }
0x28: {  	s2 =	sld [smem:$0x3F9C]  }
0x29: {  	s4 =	sld [smem:$0x3F9E]  }
0x2a: {  	p0 =	seq.s32 s5, $0x0;
	s5 =	sld [smem:$0x3F9F]  }
0x2b: {  	s6 =	sld [smem:$0x3FA0]  }
0x2c: {  	s7 =	sld [smem:$0x3FA1]  }
0x2d: {  	s3 =	simm.s32 $0x108;
	s8 =	sld [smem:$0x3FA2]  }
0x2e: {  	s3 =	simm.s32 @!p0 $0x1082;
	s9 =	sld [smem:$0x3FA3]  }
0x2f: {  	lr =	sadd.s32 s0, s3;
	s0 =	sld [smem:$0x3F9A]  }
0x30: {  	s3 =	sld [smem:$0x3F9D]  }
0x31: {  	[smem:$0x3FA6] =	sst s10  }
0x32: {  	s10 =	sld [smem:$0x3FA4];
	_ =	sdelay $0x3  }
0x33: {  	p0 =	seq.s32 s10, $0x1;
	s10 =	sld [smem:$0x3FA6];
	_ =	sdelay $0x3  }
0x34: {  	[smem:$0x3FA6] =	sst s10  }
0x35: {  	s10 =	sld [smem:$0x3FA5];
	_ =	sdelay $0x3  }
0x36: {  	p1 =	seq.s32 s10, $0x1;
	s10 =	sld [smem:$0x3FA6];
	_ =	sdelay $0x3  }
0x37: {  	[smem:$0x3FA6] =	sst s10  }
0x38: {  	s10 =	sld [smem:$0x3FA7]  }
0x39: {  	_ = 	snop;
	(pc) =	sbr.ind lr, $3  }
0x3a: {  	_ = 	snop  }
0x3b: {  	_ = 	snop  }
0x3c: {  	p2 =	seq.s32 s10, $0x1;
	s10 =	sld [smem:$0x3FA6]  }
0x3d: {  	_ =	shalt  }
0x3e: {  	_ =	shalt  }
0x3f: {  	_ =	shalt  }
0x40: {  	_ =	shalt  }
0x41: {  	_ =	shalt  }
0x42: {  	_ =	shalt  }
0x43: {  	_ =	shalt  }
0x44: {  	_ =	shalt  }
0x45: {  	_ =	shalt  }
0x46: {  	_ =	shalt  }
0x47: {  	_ =	shalt  }
0x48: {  	_ =	shalt  }
0x49: {  	_ =	shalt  }
0x4a: {  	_ =	shalt  }
0x4b: {  	_ =	shalt  }
0x4c: {  	_ =	shalt  }
0x4d: {  	_ =	shalt  }
0x4e: {  	_ =	shalt  }
0x4f: {  	_ =	shalt  }
0x50: {  	_ =	shalt  }
0x51: {  	_ =	shalt  }
0x52: {  	_ =	shalt  }
0x53: {  	_ =	shalt  }
0x54: {  	_ =	shalt  }
0x55: {  	_ =	shalt  }
0x56: {  	_ =	shalt  }
0x57: {  	_ =	shalt  }
0x58: {  	_ =	shalt  }
0x59: {  	_ =	shalt  }
0x5a: {  	_ =	shalt  }
0x5b: {  	_ =	shalt  }
0x5c: {  	_ =	shalt  }
0x5d: {  	_ =	shalt  }
0x5e: {  	_ =	shalt  }
0x5f: {  	_ =	shalt  }
0x60: {  	_ =	shalt  }
0x61: {  	_ =	shalt  }
0x62: {  	_ =	shalt  }
0x63: {  	_ =	shalt  }
0x64: {  	_ =	shalt  }
0x65: {  	_ =	shalt  }
0x66: {  	_ =	shalt  }
0x67: {  	_ =	shalt  }
0x68: {  	_ =	shalt  }
0x69: {  	_ =	shalt  }
0x6a: {  	_ =	shalt  }
0x6b: {  	_ =	shalt  }
0x6c: {  	_ =	shalt  }
0x6d: {  	_ =	shalt  }
0x6e: {  	_ =	shalt  }
0x6f: {  	_ =	shalt  }
0x70: {  	_ =	shalt  }
0x71: {  	_ =	shalt  }
0x72: {  	_ =	shalt  }
0x73: {  	_ =	shalt  }
0x74: {  	_ =	shalt  }
0x75: {  	_ =	shalt  }
0x76: {  	_ =	shalt  }
0x77: {  	_ =	shalt  }
0x78: {  	_ =	shalt  }
0x79: {  	_ =	shalt  }
0x7a: {  	_ =	shalt  }
0x7b: {  	_ =	shalt  }
0x7c: {  	_ =	shalt  }
0x7d: {  	_ =	shalt  }
0x7e: {  	_ =	shalt  }
0x7f: {  	_ =	shalt  }
0x80: {  	_ =	shalt  }
0x81: {  	_ =	shalt  }
0x82: {  	_ =	shalt  }
0x83: {  	_ =	shalt  }
0x84: {  	_ =	shalt  }
0x85: {  	_ =	shalt  }
0x86: {  	_ =	shalt  }
0x87: {  	_ =	shalt  }
.Lfunc_end0:
.L_simem_size_0:
called_computation_lowered:
.L_overlay_start_0:
0x88: {  	s2 =	sld [smem:$0x3FD9]  }
0x89: {  	s3 =	sld [smem:$0x3FFE];
	_ =	sdelay $0x1  }
0x8a: {  	s1 =	srdreg.scid  }
0x8b: {  	s0 =	sand.u32 $0x1, s1  }
0x8c: {  	s16 =	sshll.u32 s0, $0xA;
	s2 =	sadd.s32 s3, s2  }
0x8d: {  	s2 =	sadd.s32 s2, s16  }
0x8e: {  	[smem:$0x3FB2] =	sst s2  }
0x8f: {  	_ = 	snop  }
0x90: {  	(tm) =	ssettm $0x1  }
0x91: {  	s17 =	sld [smem:$0x3FFB];
	_ =	sdelay $0x3  }
0x92: {  	_ =	strace s17  }
0x93: {  	s2 =	sld [smem:$0x3FFC];
	_ =	sdelay $0x3  }
0x94: {  	_ =	strace s2  }
0x95: {  	s2 =	sld [smem:$0x3FFD];
	_ =	sdelay $0x3  }
0x96: {  	_ =	strace s2  }
0x97: {  	_ =	strace $0x8FFFFFFF  }
0x98: {  	s18 =	sld [smem:$0x3FDB];
	_ =	sdelay $0x1  }
0x99: {  	s19 =	simm.s32 $_scs_section_size  }
0x9a: {  	s4 =	simm.s32 $_size__tile_overlayer_lowered;
	s5 =	simm.s32 $_tile_overlayer_lowered  }
0x9b: {  	s22 =	simm.s32 $0x1BFF;
	s21 =	sshll.u32 s5, $0x1;
	s2 =	sadd.s32 s19, s18  }
0x9c: {  	s6 =	simm.s32 $0x0;
	s20 =	sshll.u32 s4, $0x1;
	s4 =	sadd.s32 s21, s2  }
0x9d: {  	[timem:s6], [sflag:s22] =	dma.local [hbm:s4], s20  }
0x9e: {  	_ =	swait.ge [sflag:s22], s20  }
0x9f: {  	s3 =	ssub.s32 $0x0, s20;
	[sflag:s22] =	ssyncset.done $0x0  }
0xa0: {  	[sflag:s22] =	ssyncadd.s32 s3;
	_ =	sdelay $0x1  }
0xa1: {  	s23 =	simm.s32 $0x1B8B  }
0xa2: {  	_ =	swait.ge [sflag:s23], $0x1  }
0xa3: {  	[sflag:s23] =	ssyncset.done $0x0  }
0xa4: {  	s25 =	simm.s32 $0x1B8E;
	s24 =	sld [smem:$0x3FFE];
	[sflag:s23] =	ssyncadd.s32 $0xFFFFFFFF  }
0xa5: {  	s26 =	simm.s32 $execute0_lowered;
	[smem:$0x3FD2] =	sst s25  }
0xa6: {  	s4 =	sshll.u32 s26, $0x1;
	_ =	strace $0x80000046;
	[dreg:$0x1] =	wrdreg $0xFFFFFFFF  }
0xa7: {  	s28 =	simm.s32 $_size_execute0_lowered;
	s2 =	sadd.s32 s2, s4;
	[dreg:$0x0] =	wrdreg $0x0  }
0xa8: {  	s4 =	sshll.u32 s28, $0x1;
	[dreg:$0x2] =	wrdreg s2  }
0xa9: {  	[dreg:$0x3] =	wrdreg s4  }
0xaa: {  	[dreg:$0x4] =	wrdreg $0xC0  }
0xab: {  	_ =	task [dreg:s6], $0x5FFFF  }
0xac: {  	[dreg:$0x1] =	wrdreg $0xFFFFFFFF  }
0xad: {  	[dreg:$0x0] =	wrdreg $0x60  }
0xae: {  	[dreg:$0x2] =	wrdreg s24  }
0xaf: {  	[dreg:$0x3] =	wrdreg $0x8D800  }
0xb0: {  	[dreg:$0x4] =	wrdreg $0x9  }
0xb1: {  	_ =	task.clear_ibuf [dreg:s6], $0x5FFFF;
	_ =	strace $0x90000046  }
0xb2: {  	s29 =	simm.s32 $0x9;
	_ =	strace $0x80000048  }
0xb3: {  	_ =	swait.ge [sflag:s29], $0x1  }
0xb4: {  	[sflag:s29] =	ssyncadd.s32 $0xFFFFFFFF  }
0xb5: {  	_ =	strace $0x90000048  }
0xb6: {  	_ =	sfence  }
0xb7: {  	s30 =	sld [smem:$0x0];
	_ =	sdelay $0x2  }
0xb8: {  	s31 =	sshll.u32 s1, $0xD;
	s1 =	sshrl.u32 s1, $0x2  }
0xb9: {  	s3 =	sand.u32 $0x4000, s31;
	s1 =	sadd.s32 s1, s30  }
0xba: {  	s0 =	sor.u32 s3, s0;
	s1 =	sshll.u32 s1, $0x11  }
0xbb: {  	s0 =	sor.u32 s1, s0  }
0xbc: {  	s0 =	sadd.s32 $0x8F2B, s0  }
0xbd: {  	[sflag:s0] =	ssyncadd.remote.s32 $0x1  }
0xbe: {  	_ =	sfence.sel $0xFFFF  }
0xbf: {  	[dreg:$0x0] =	wrdreg $0xFFFFFFFF;
	(pc) =	sbr.abs _section_cstart, $3  }
0xc0: {  	[dreg:$0x1] =	wrdreg $0xFFFFFFFF  }
0xc1: {  	_ =	task.clear_ibuf [dreg:s6], $0x2FFFF;
	_ =	strace $0x9FFFFFFF  }
0xc2: {  	(tm) =	ssettm $0x7FFFFFFF  }
0xc3: {  	_ =	shalt  }
tec
execute0_lowered:
.L_overlay_start_1:
0x0: {  	(tag) =	ssettag $0x1  }
0x1: {  	s0 =	rddreg [dreg:$0x0]  }
0x2: {  	s7 =	rddreg [dreg:$0x1];
	s8 =	simm.s32 $0x0  }
0x3: {  	s1 =	srdreg.scid;
	s2 =	stileid.u32;
	s16 =	simm.s32 $0x3  }
0x4: {  	[smem:$0x7FF] =	sst s8;
	s3 =	sadd.s32 $0x27E000, s0;
	s4 =	sadd.s32 $0x341600, s0  }
0x5: {  	s1 =	sand.u32 $0x1, s1;
	s23 =	sshll.u32 s2, $0x1;
	s5 =	sadd.s32 $0x279000, s0  }
0x6: {  	s9 =	sadd.s32 $0x274000, s0;
	s24 =	sadd.s32 $0x3000, s0;
	p0 =	sne.s32 s2, $0x0  }
0x7: {  	_ =	strace $0x80000047;
	[dreg:$0x4] =	wrdreg s4;
	s6 =	smul.u32 $0x27100, s1  }
0x8: {  	s4 =	sor.u32 s1, s23;
	[dreg:$0x5] =	wrdreg s9;
	s1 =	ssub.s32 $0x2, s1  }
0x9: {  	[dreg:$0x7] =	wrdreg s24;
	s2 =	sshrl.u32 @!p0 s7, $0x3;
	s10 =	smul.u32 $0x1388, s4  }
0xa: {  	s11 =	sadd.s32 $0x27E200, s0;
	s26 =	sshrl.u32 s1, $0x1;
	[dreg:$0xc] =	wrdreg s2  }
0xb: {  	s25 =	sadd.s32 s6, s0;
	[dreg:$0x6] =	wrdreg s10;
	s29 =	sadd.s32 $0x28, s10  }
0xc: {  	v4 =	vlaneseq.u32;
	s1 =	ssub.s32 s1, s26;
	s30 =	sadd.s32 $0x2A200, s25;
	[dreg:$0x9] =	wrdreg s29  }
0xd: {  	vm0 =	vcmask $0x300;
	v0 =	vimm.f32 $0.0e+00;
	vm1 =	vmmov $0xff;
	s28 =	sshrl.u32 s10, $0x3;
	s31 =	smax.u32 s1, $0x1;
	[dreg:$0xa] =	wrdreg s30  }
0xe: {  	v3 =	vshrl.u32 v4, $0x3;
	v1 =	vsel vm0, $0x3F800000, v0;
	v2 =	vand.u32 $0x7, v4;
	s9 =	sadd.s32 $0x27E100, s0;
	s6 =	sadd.s32 s5, s28;
	[dreg:$0xb] =	wrdreg s31  }
0xf: {  	vm0 =	vmmov $0xffff;
	v4 =	vor.u32 $0x8, v4;
	v3 =	vmul.u32 $0x8, v3;
	s24 =	simm.s32 $0x0;
	s4 =	simm.s32 $0x100;
	[dreg:$0x8] =	wrdreg s6  }
.LBB2_1:
0x10: {  	[dreg:$0x3] =	wrdreg s8  }
0x11: {  	s0 =	simm.s32 @!p0 $0x1C03;
	s1 =	rddreg [dreg:$0x7]  }
0x12: {  	[spmem:s2], [sflag:s0] =	dma.local @!p0 [hbm:s1], $0x27100  }
0x13: {  	s0 =	simm.s32 @!p0 $0x3  }
0x14: {  	_ =	swait.ge @!p0 [sflag:s0], $0x27100  }
0x15: {  	[sflag:s0] =	ssyncset.done @!p0 $0x0  }
0x16: {  	[sflag:s0] =	ssyncadd.s32 @!p0 $0xFFFD8F00  }
0x17: {  	s1 =	simm.s32 $0x200;
	s0 =	simm.s32 $0x0;
	[bflag:$0x0] =	sbarrier.arrive $0xFFFF  }
.LBB2_2:
0x18: {  	p1 =	sne.s32 s1, $0x4E00;
	[tilespmem:s0+$0x79F0] =	vst v0  }
0x19: {  	[tilespmem:s0+$0x7990] =	vst v1  }
.Ltmp0:
0x1a: {  	[tilespmem:s0+$0x79A0] =	vst v0;
	(pc) =	sbr.rel @p1 .LBB2_2-.Ltmp0, $4  }
0x1b: {  	[tilespmem:s0+$0x79B0] =	vst v0  }
0x1c: {  	[tilespmem:s0+$0x79C0] =	vst v0  }
0x1d: {  	[tilespmem:s0+$0x79D0] =	vst v0  }
0x1e: {  	[tilespmem:s0+$0x79E0] =	vst v0;
	s0 =	sshra.s32 s1, $0x2;
	s1 =	sadd.s32 $0x200, s1  }
0x1f: {  	[tilespmem:s0+$0x79F0] =	vst v0  }
0x20: {  	[tilespmem:s0+$0x7990] =	vst v1  }
0x21: {  	[tilespmem:s0+$0x79A0] =	vst v0  }
0x22: {  	[tilespmem:s0+$0x79B0] =	vst v0  }
0x23: {  	[tilespmem:s0+$0x79C0] =	vst v0  }
0x24: {  	[tilespmem:s0+$0x79D0] =	vst v0  }
0x25: {  	[tilespmem:s0+$0x79E0] =	vst v0;
	s20 =	rddreg [dreg:$0x8]  }
0x26: {  	[tilespmem:s24], [sflag:$0x3] =	stream.linear.gather [hbm4b:s20+s24], $0x18, $0x38;
	[tilespmem:$0x1C600] =	vst v63  }
0x27: {  	_ =	swait.ge [sflag:s16], $0x18  }
0x28: {  	[sflag:s16] =	ssyncset.done $0x0  }
0x29: {  	[sflag:s16] =	ssyncadd.s32 $0xFFFFFFE8  }
0x2a: {  	v5 =	vld [tilespmem:$0x0];
	_ =	sdelay $0x4  }
0x2b: {  	v6 =	vshrl.u32 v5, $0x3  }
0x2c: {  	v6 =	vmul.u32 $0x28, v6  }
0x2d: {  	v5 =	vand.u32 $0x7, v5  }
0x2e: {  	v5 =	vor.u32 v5, v6  }
0x2f: {  	v6 =	vperm.xlane v5, v2;
	_ =	sdelay $0x1  }
0x30: {  	v6 =	vadd.s32 v3, v6;
	_ =	sdelay $0x3  }
0x31: {  	s21 =	simm.s32 $0x180;
	v5 =	vperm.xlane v5, v4  }
0x32: {  	[tilespmem:s21], [sflag:$0x1] =	stream.indirect_vreg.gather [hbm4b:s3+s24], $0x80, v6, vm0, $0xb8;
	[tilespmem:$0x1C600] =	vst v63  }
0x33: {  	s22 =	simm.s32 $0x980;
	v5 =	vadd.s32 v3, v5  }
0x34: {  	[tilespmem:s22], [sflag:$0x1] =	stream.indirect_vreg.gather [hbm4b:s9+s24], $0x80, v6, vm0, $0xb8;
	[tilespmem:$0x1C600] =	vst v63  }
0x35: {  	s23 =	simm.s32 $0x1180  }
0x36: {  	[tilespmem:s23], [sflag:$0x1] =	stream.indirect_vreg.gather [hbm4b:s11+s24], $0x80, v6, vm1, $0xb8;
	[tilespmem:$0x1C600] =	vst v63  }
0x37: {  	s25 =	simm.s32 $0x1580  }
0x38: {  	[tilespmem:s25], [sflag:$0x1] =	stream.indirect_vreg.gather [hbm4b:s3+s24], $0x80, v5, vm0, $0xb8;
	[tilespmem:$0x1C600] =	vst v63  }
0x39: {  	s26 =	simm.s32 $0x1D80  }
0x3a: {  	[tilespmem:s26], [sflag:$0x1] =	stream.indirect_vreg.gather [hbm4b:s9+s24], $0x80, v5, vm0, $0xb8;
	[tilespmem:$0x1C600] =	vst v63  }
0x3b: {  	s28 =	simm.s32 $0x2580  }
0x3c: {  	[tilespmem:s28], [sflag:$0x1] =	stream.indirect_vreg.gather [hbm4b:s11+s24], $0x80, v5, vm1, $0xb8;
	[tilespmem:$0x1C600] =	vst v63  }
0x3d: {  	v5 =	vld.msk [tilespmem:$0x10], $0xff;
	_ =	sdelay $0x4  }
0x3e: {  	v6 =	vshrl.u32 v5, $0x3  }
0x3f: {  	v6 =	vmul.u32 $0x28, v6  }
0x40: {  	v5 =	vand.u32 $0x7, v5  }
0x41: {  	v5 =	vor.u32 v5, v6  }
0x42: {  	v5 =	vperm.xlane v5, v2;
	_ =	sdelay $0x1  }
0x43: {  	v5 =	vadd.s32 v3, v5;
	_ =	sdelay $0x3  }
0x44: {  	s29 =	simm.s32 $0x2980  }
0x45: {  	[tilespmem:s29], [sflag:$0x1] =	stream.indirect_vreg.gather [hbm4b:s3+s24], $0x80, v5, vm0, $0xb8;
	[tilespmem:$0x1C600] =	vst v63  }
0x46: {  	s30 =	simm.s32 $0x3180  }
0x47: {  	[tilespmem:s30], [sflag:$0x1] =	stream.indirect_vreg.gather [hbm4b:s9+s24], $0x80, v5, vm0, $0xb8;
	[tilespmem:$0x1C600] =	vst v63  }
0x48: {  	s31 =	simm.s32 $0x3980;
	s25 =	simm.s32 $0x0  }
0x49: {  	[tilespmem:s31], [sflag:$0x1] =	stream.indirect_vreg.gather [hbm4b:s11+s24], $0x80, v5, vm1, $0xb8;
	[tilespmem:$0x1C600] =	vst v63  }
.LBB2_4:
0x4a: {  	s8 =	smul.u32 $0x28, s25  }
0x4b: {  	s0 =	rddreg [dreg:$0x6]  }
0x4c: {  	s0 =	sadd.s32 s0, s8  }
0x4d: {  	s1 =	sadd.s32 $0x18, s0  }
0x4e: {  	s1 =	sshrl.u32 s1, $0x3  }
0x4f: {  	s2 =	simm.s32 $0x80;
	s1 =	sadd.s32 s5, s1  }
0x50: {  	[tilespmem:s2], [sflag:$0x3] =	stream.linear.gather [hbm4b:s1+s24], $0x10, $0x38;
	[tilespmem:$0x1C600] =	vst v63  }
0x51: {  	_ =	swait.ge [sflag:s16], $0x10  }
0x52: {  	[sflag:s16] =	ssyncset.done $0x0  }
0x53: {  	[sflag:s16] =	ssyncadd.s32 $0xFFFFFFF0  }
0x54: {  	v5 =	vld [tilespmem:$0x80];
	_ =	sdelay $0x4  }
0x55: {  	v6 =	vshrl.u32 v5, $0x3  }
0x56: {  	v6 =	vmul.u32 $0x28, v6  }
0x57: {  	v5 =	vand.u32 $0x7, v5  }
0x58: {  	v5 =	vor.u32 v5, v6  }
0x59: {  	v6 =	vperm.xlane v5, v2;
	_ =	sdelay $0x1  }
0x5a: {  	v6 =	vadd.s32 v3, v6;
	_ =	sdelay $0x3  }
0x5b: {  	s7 =	simm.s32 $0x3D80;
	v5 =	vperm.xlane v5, v4  }
0x5c: {  	[tilespmem:s7], [sflag:$0x2] =	stream.indirect_vreg.gather [hbm4b:s3+s24], $0x80, v6, vm0, $0xb8;
	[tilespmem:$0x1C600] =	vst v63  }
0x5d: {  	s10 =	simm.s32 $0x4580;
	v5 =	vadd.s32 v3, v5  }
0x5e: {  	[tilespmem:s10], [sflag:$0x2] =	stream.indirect_vreg.gather [hbm4b:s9+s24], $0x80, v6, vm0, $0xb8;
	[tilespmem:$0x1C600] =	vst v63  }
0x5f: {  	s12 =	simm.s32 $0x4D80  }
0x60: {  	[tilespmem:s12], [sflag:$0x2] =	stream.indirect_vreg.gather [hbm4b:s11+s24], $0x80, v6, vm1, $0xb8;
	[tilespmem:$0x1C600] =	vst v63  }
0x61: {  	s13 =	simm.s32 $0x5180  }
0x62: {  	[tilespmem:s13], [sflag:$0x2] =	stream.indirect_vreg.gather [hbm4b:s3+s24], $0x80, v5, vm0, $0xb8;
	[tilespmem:$0x1C600] =	vst v63  }
0x63: {  	s14 =	simm.s32 $0x5980  }
0x64: {  	[tilespmem:s14], [sflag:$0x2] =	stream.indirect_vreg.gather [hbm4b:s9+s24], $0x80, v5, vm0, $0xb8;
	[tilespmem:$0x1C600] =	vst v63  }
0x65: {  	s15 =	simm.s32 $0x6180;
	s17 =	sshrl.u32 s0, $0x3;
	s18 =	rddreg [dreg:$0x5]  }
0x66: {  	[tilespmem:s15], [sflag:$0x2] =	stream.indirect_vreg.gather [hbm4b:s11+s24], $0x80, v5, vm1, $0xb8;
	[tilespmem:$0x1C600] =	vst v63  }
0x67: {  	s1 =	sadd.s32 s18, s17  }
0x68: {  	[tilespmem:s4], [sflag:$0x3] =	stream.linear.gather [hbm4b:s1+s24], $0x28, $0x38;
	[tilespmem:$0x1C600] =	vst v63  }
0x69: {  	_ =	swait.ge [sflag:s16], $0x28  }
0x6a: {  	s0 =	sshll.u32 s0, $0x4;
	[sflag:s16] =	ssyncset.done $0x0;
	s19 =	rddreg [dreg:$0x4]  }
0x6b: {  	s20 =	simm.s32 $0x6580;
	[sflag:s16] =	ssyncadd.s32 $0xFFFFFFD8;
	s0 =	sadd.s32 s19, s0  }
0x6c: {  	[tilespmem:s20], [sflag:$0x3] =	stream.linear.gather [hbm4b:s0+s24], $0x1400, $0x38;
	[tilespmem:$0x1C600] =	vst v63  }
0x6d: {  	_ =	swait.ge [sflag:s16], $0x1400  }
0x6e: {  	[sflag:s16] =	ssyncset.done $0x0  }
0x6f: {  	s21 =	simm.s32 $0x1;
	[sflag:s16] =	ssyncadd.s32 $0xFFFFEC00  }
0x70: {  	_ =	swait.ge [sflag:s21], $0x3C00  }
0x71: {  	[sflag:s21] =	ssyncset.done $0x0  }
0x72: {  	s22 =	simm.s32 $0x0;
	s0 =	simm.s32 $0x6680;
	[sflag:s21] =	ssyncadd.s32 $0xFFFFC400  }
0x73: {  	s1 =	smul.u32 $0x5000, s22;
	v5 =	vld [tilespmem:s0+$0x90]  }
0x74: {  	v8 =	vld [tilespmem:s0+$0xFFFFFF00]  }
0x75: {  	s23 =	simm.s32 $0x180;
	s1 =	sshra.s32 s1, $0x2;
	v7 =	vld [tilespmem:s0+$0xFFFFFF80]  }
0x76: {  	s2 =	sand.u32 $0x380, s23;
	s6 =	sadd.s32 $0x1180, s1;
	v6 =	vld [tilespmem:s0+$0x0]  }
0x77: {  	s26 =	sor.u32 $0x180, s1;
	s7 =	sadd.s32 s2, s6;
	v10 =	vld [tilespmem:s0+$0x80]  }
0x78: {  	s28 =	sadd.s32 s2, s26;
	v11 =	vld [tilespmem:s7+$0x0]  }
0x79: {  	v12 =	vld [tilespmem:s28+$0x0]  }
0x7a: {  	v13 =	vld [tilespmem:s28+$0x10]  }
0x7b: {  	v14 =	vld [tilespmem:s28+$0x20]  }
0x7c: {  	v15 =	vld [tilespmem:s28+$0x30];
	v9 =	vbroadcast v5, $0xE  }
0x7d: {  	v16 =	vld [tilespmem:s28+$0x40];
	v20 =	vbroadcast v5, $0xA;
	v22 =	vbroadcast v5, $0xC  }
0x7e: {  	v17 =	vld [tilespmem:s28+$0x50];
	v23 =	vbroadcast v5, $0x6;
	v25 =	vbroadcast v5, $0x8  }
0x7f: {  	s15 =	sadd.s32 $0x580, s1;
	v18 =	vld [tilespmem:s28+$0x60];
	v26 =	vbroadcast v5, $0x2;
	v28 =	vbroadcast v5, $0x4  }
0x80: {  	s29 =	sadd.s32 s2, s15;
	v19 =	vld [tilespmem:s28+$0x70];
	v29 =	vbroadcast v10, $0x1;
	v31 =	vbroadcast v10, $0xE  }
0x81: {  	v21 =	vld [tilespmem:s29+$0x0];
	v32 =	vbroadcast v10, $0x4;
	v55 =	vbroadcast v10, $0x3  }
0x82: {  	v24 =	vld [tilespmem:s29+$0x10];
	v35 =	vbroadcast v10, $0x0;
	v36 =	vbroadcast v10, $0x2  }
0x83: {  	v27 =	vld [tilespmem:s29+$0x20];
	v58 =	vbroadcast v10, $0x7;
	v59 =	vbroadcast v10, $0x9  }
0x84: {  	v30 =	vld [tilespmem:s29+$0x30];
	v60 =	vbroadcast v10, $0x8;
	v62 =	vbroadcast v10, $0xA  }
0x85: {  	v33 =	vld [tilespmem:s29+$0x40];
	v63 =	vbroadcast v10, $0xD;
	v39 =	vbroadcast v10, $0xC  }
0x86: {  	v34 =	vld [tilespmem:s29+$0x50];
	v41 =	vbroadcast v5, $0x0;
	v43 =	vbroadcast v5, $0x1  }
0x87: {  	s14 =	sadd.s32 $0x980, s1;
	v37 =	vld [tilespmem:s29+$0x60];
	v47 =	vbroadcast v5, $0x3;
	v13 =	vmul.f32 v13, v29  }
0x88: {  	s30 =	sadd.s32 s2, s14;
	v56 =	vld [tilespmem:s29+$0x70];
	v48 =	vbroadcast v5, $0x5;
	v52 =	vbroadcast v5, $0xD  }
0x89: {  	s1 =	sadd.s32 $0xD80, s1;
	v57 =	vld [tilespmem:s30+$0x0];
	v15 =	vmul.f32 v15, v55;
	v11 =	vadd.f32 v13, v11;
	v13 =	vbroadcast v10, $0x5  }
0x8a: {  	s2 =	sadd.s32 s2, s1;
	v61 =	vld [tilespmem:s30+$0x50];
	v12 =	vmul.f32 v12, v35;
	v14 =	vmul.f32 v14, v36  }
0x8b: {  	v40 =	vld [tilespmem:s2+$0x10];
	v54 =	vbroadcast v6, $0x1;
	v11 =	vadd.f32 v15, v11;
	v13 =	vmul.f32 v17, v13  }
0x8c: {  	v42 =	vld [tilespmem:s2+$0x20];
	v16 =	vmul.f32 v16, v32;
	v12 =	vadd.f32 v14, v12;
	v17 =	vbroadcast v10, $0x6  }
0x8d: {  	s31 =	simm.s32 $0x80;
	v49 =	vld [tilespmem:s2+$0x60];
	v38 =	vbroadcast v6, $0x4;
	v11 =	vadd.f32 v13, v11;
	v13 =	vmul.f32 v19, v58  }
0x8e: {  	s10 =	sand.u32 $0x280, s31;
	v46 =	vld [tilespmem:s2+$0x40];
	v21 =	vmul.f32 v21, v60;
	v12 =	vadd.f32 v16, v12;
	v17 =	vmul.f32 v18, v17  }
0x8f: {  	s19 =	sadd.s32 s10, s26;
	v50 =	vld [tilespmem:s2+$0x70];
	v18 =	vbroadcast v10, $0xB;
	v11 =	vadd.f32 v13, v11;
	v13 =	vmul.f32 v24, v59  }
0x90: {  	v53 =	vld [tilespmem:s19+$0x10];
	v27 =	vmul.f32 v27, v62;
	v44 =	vmul.f32 v37, v31;
	v12 =	vadd.f32 v17, v12  }
0x91: {  	s12 =	simm.s32 $0x100;
	v45 =	vmul.f32 v57, v41;
	v14 =	vld [tilespmem:s30+$0x20];
	v11 =	vadd.f32 v13, v11;
	v13 =	vmul.f32 v30, v18  }
0x92: {  	s12 =	sand.u32 $0x300, s12;
	v20 =	vmul.f32 v42, v20;
	v9 =	vmul.f32 v49, v9;
	v15 =	vld [tilespmem:s30+$0x10];
	v12 =	vadd.f32 v21, v12  }
0x93: {  	s4 =	sadd.s32 s12, s26;
	v16 =	vld [tilespmem:s30+$0x40];
	v10 =	vbroadcast v10, $0xF;
	v11 =	vadd.f32 v13, v11;
	v13 =	vmul.f32 v34, v63  }
0x94: {  	v57 =	vbroadcast v7, $0x0;
	v60 =	vld [tilespmem:s4+$0x20];
	v30 =	vmul.f32 v33, v39;
	v12 =	vadd.f32 v27, v12  }
0x95: {  	v49 =	vbroadcast v7, $0x8;
	v19 =	vld [tilespmem:s30+$0x30];
	v10 =	vmul.f32 v56, v10;
	v11 =	vadd.f32 v13, v11  }
0x96: {  	v14 =	vmul.f32 v14, v26;
	v17 =	vld [tilespmem:s30+$0x60];
	v24 =	vmul.f32 v61, v48;
	v12 =	vadd.f32 v30, v12  }
0x97: {  	s13 =	sand.u32 $0x200, s24;
	v59 =	vbroadcast v7, $0x3;
	v61 =	vbroadcast v6, $0x2;
	v18 =	vld [tilespmem:s30+$0x70];
	v10 =	vadd.f32 v10, v11  }
0x98: {  	s18 =	sor.u32 s13, s26;
	v16 =	vmul.f32 v16, v28;
	v21 =	vld [tilespmem:s2+$0x0];
	v11 =	vmul.f32 v15, v43;
	v12 =	vadd.f32 v44, v12  }
0x99: {  	v55 =	vld [tilespmem:s18+$0x30];
	v37 =	vmul.f32 v60, v61;
	v61 =	vbroadcast v8, $0xC;
	v10 =	vadd.f32 v45, v10  }
0x9a: {  	v56 =	vld [tilespmem:s19+$0x30];
	v19 =	vmul.f32 v19, v47;
	v34 =	vbroadcast v7, $0x4;
	v11 =	vadd.f32 v11, v12  }
0x9b: {  	v13 =	vld [tilespmem:s2+$0x30];
	v43 =	vbroadcast v7, $0x6;
	v12 =	vbroadcast v5, $0x7;
	v10 =	vadd.f32 v14, v10  }
0x9c: {  	v15 =	vld [tilespmem:s2+$0x50];
	v14 =	vmul.f32 v17, v23;
	v17 =	vbroadcast v5, $0x9;
	v11 =	vadd.f32 v19, v11  }
0x9d: {  	v62 =	vld [tilespmem:s4+$0x30];
	v12 =	vmul.f32 v18, v12;
	v18 =	vmul.f32 v21, v25;
	v10 =	vadd.f32 v16, v10  }
0x9e: {  	v35 =	vld [tilespmem:s19+$0x40];
	v16 =	vbroadcast v5, $0xB;
	v17 =	vmul.f32 v40, v17;
	v11 =	vadd.f32 v24, v11  }
0x9f: {  	v21 =	vld [tilespmem:s18+$0x10];
	v5 =	vbroadcast v5, $0xF;
	v24 =	vmul.f32 v56, v59;
	v10 =	vadd.f32 v14, v10  }
0xa0: {  	s17 =	sadd.s32 s10, s6;
	v13 =	vmul.f32 v13, v16;
	v14 =	vmul.f32 v46, v22;
	v16 =	vld [tilespmem:s4+$0x10];
	v11 =	vadd.f32 v12, v11  }
0xa1: {  	s2 =	sor.u32 s13, s6;
	s6 =	sadd.s32 s12, s6;
	v23 =	vld [tilespmem:s17+$0x0];
	v12 =	vmul.f32 v15, v52;
	v5 =	vmul.f32 v50, v5;
	v10 =	vadd.f32 v18, v10  }
0xa2: {  	v19 =	vld [tilespmem:s6+$0x0];
	v18 =	vbroadcast v8, $0x1;
	v11 =	vadd.f32 v17, v11;
	v17 =	vbroadcast v7, $0x1  }
0xa3: {  	v36 =	vld [tilespmem:s19+$0x50];
	v46 =	vbroadcast v6, $0x6;
	v52 =	vbroadcast v6, $0x8;
	v10 =	vadd.f32 v20, v10  }
0xa4: {  	v15 =	vld [tilespmem:s18+$0x0];
	v18 =	vmul.f32 v21, v18;
	v11 =	vadd.f32 v13, v11;
	v13 =	vmul.f32 v53, v17  }
0xa5: {  	v51 =	vld [tilespmem:s2+$0x0];
	v21 =	vbroadcast v8, $0x2;
	v16 =	vmul.f32 v16, v54;
	v10 =	vadd.f32 v14, v10  }
0xa6: {  	v20 =	vld [tilespmem:s19+$0x0];
	v14 =	vbroadcast v8, $0x0;
	v11 =	vadd.f32 v12, v11;
	v12 =	vbroadcast v8, $0x3  }
0xa7: {  	v22 =	vld [tilespmem:s18+$0x20];
	v13 =	vadd.f32 v13, v23;
	v23 =	vbroadcast v8, $0x4;
	v16 =	vadd.f32 v16, v19  }
0xa8: {  	v17 =	vld [tilespmem:s19+$0x20];
	v19 =	vbroadcast v7, $0x5;
	v9 =	vadd.f32 v9, v10;
	v10 =	vbroadcast v7, $0x2  }
0xa9: {  	v58 =	vld [tilespmem:s4+$0x0];
	v5 =	vadd.f32 v5, v11;
	v11 =	vbroadcast v6, $0x0;
	v14 =	vmul.f32 v15, v14  }
0xaa: {  	v41 =	vld [tilespmem:s19+$0x60];
	v18 =	vadd.f32 v18, v51;
	v15 =	vbroadcast v6, $0x3;
	v12 =	vmul.f32 v55, v12  }
0xab: {  	v42 =	vld [tilespmem:s19+$0x70];
	v13 =	vadd.f32 v24, v13;
	v20 =	vmul.f32 v20, v57;
	v19 =	vmul.f32 v36, v19  }
0xac: {  	s20 =	sor.u32 s13, s15;
	v63 =	vld [tilespmem:s18+$0x40];
	v36 =	vbroadcast v7, $0xD;
	v5 =	vadd.f32 v5, v9;
	v9 =	vmul.f32 v22, v21  }
0xad: {  	v48 =	vld [tilespmem:s20+$0x10];
	v10 =	vmul.f32 v17, v10;
	v12 =	vadd.f32 v12, v18;
	v18 =	vbroadcast v8, $0x5  }
0xae: {  	s22 =	sadd.s32 s12, s15;
	v40 =	vld [tilespmem:s4+$0x50];
	v11 =	vmul.f32 v58, v11;
	v58 =	vbroadcast v6, $0xA  }
0xaf: {  	v57 =	vld [tilespmem:s22+$0x20];
	v13 =	vadd.f32 v19, v13;
	v19 =	vbroadcast v8, $0x8;
	v9 =	vadd.f32 v9, v14  }
0xb0: {  	v21 =	vld [tilespmem:s18+$0x50];
	v14 =	vmul.f32 v62, v15;
	v15 =	vbroadcast v6, $0x5;
	v10 =	vadd.f32 v10, v20  }
0xb1: {  	v17 =	vld [tilespmem:s18+$0x60];
	v20 =	vmul.f32 v63, v23;
	v23 =	vbroadcast v8, $0x6;
	v11 =	vadd.f32 v37, v11  }
0xb2: {  	v39 =	vld [tilespmem:s4+$0x40];
	v37 =	vbroadcast v6, $0xC;
	v14 =	vadd.f32 v14, v16;
	v16 =	vmul.f32 v35, v34  }
0xb3: {  	v60 =	vld [tilespmem:s20+$0x50];
	v9 =	vadd.f32 v20, v9;
	v20 =	vbroadcast v7, $0x7;
	v15 =	vmul.f32 v40, v15  }
0xb4: {  	v47 =	vld [tilespmem:s20+$0x0];
	v25 =	vmul.f32 v57, v58;
	v40 =	vbroadcast v8, $0xF  }
0xb5: {  	v45 =	vld [tilespmem:s4+$0x70];
	v18 =	vmul.f32 v21, v18;
	v21 =	vbroadcast v8, $0x7  }
0xb6: {  	v22 =	vld [tilespmem:s18+$0x70];
	v17 =	vmul.f32 v17, v23;
	v10 =	vadd.f32 v16, v10;
	v16 =	vbroadcast v6, $0x7  }
0xb7: {  	s21 =	sadd.s32 s10, s15;
	v44 =	vld [tilespmem:s4+$0x60];
	v14 =	vadd.f32 v15, v14;
	v15 =	vmul.f32 v41, v43;
	v12 =	vadd.f32 v18, v12  }
0xb8: {  	v23 =	vld [tilespmem:s21+$0x0];
	v18 =	vmul.f32 v39, v38;
	v9 =	vadd.f32 v17, v9;
	v17 =	vmul.f32 v42, v20  }
0xb9: {  	v53 =	vld [tilespmem:s20+$0x20];
	v20 =	vbroadcast v7, $0x9;
	v38 =	vbroadcast v8, $0xE;
	v10 =	vadd.f32 v15, v10  }
0xba: {  	v51 =	vld [tilespmem:s22+$0x10];
	v15 =	vmul.f32 v45, v16;
	v16 =	vbroadcast v6, $0x9;
	v11 =	vadd.f32 v18, v11  }
0xbb: {  	v56 =	vld [tilespmem:s21+$0x30];
	v18 =	vmul.f32 v22, v21;
	v21 =	vbroadcast v8, $0x9;
	v13 =	vadd.f32 v17, v13  }
0xbc: {  	v22 =	vld [tilespmem:s21+$0x10];
	v17 =	vmul.f32 v47, v19;
	v19 =	vbroadcast v8, $0xA;
	v14 =	vadd.f32 v15, v14  }
0xbd: {  	v50 =	vld [tilespmem:s22+$0x0];
	v15 =	vmul.f32 v23, v49;
	v23 =	vbroadcast v7, $0xA;
	v12 =	vadd.f32 v18, v12  }
0xbe: {  	v55 =	vld [tilespmem:s21+$0x20];
	v18 =	vmul.f32 v44, v46;
	v17 =	vadd.f32 v17, v9;
	v19 =	vmul.f32 v53, v19  }
0xbf: {  	v54 =	vld [tilespmem:s20+$0x30];
	v10 =	vadd.f32 v15, v10;
	v15 =	vmul.f32 v51, v16;
	v16 =	vbroadcast v6, $0xB  }
0xc0: {  	v59 =	vld [tilespmem:s20+$0x40];
	v11 =	vadd.f32 v18, v11;
	v18 =	vmul.f32 v48, v21;
	v21 =	vbroadcast v8, $0xB  }
0xc1: {  	v17 =	vadd.f32 v19, v17;
	v9 =	vmul.f32 v22, v20;
	v20 =	vbroadcast v7, $0xB;
	v22 =	vld [tilespmem:s22+$0x30]  }
0xc2: {  	v62 =	vld [tilespmem:s20+$0x60];
	v14 =	vadd.f32 v15, v14;
	v12 =	vadd.f32 v18, v12;
	v18 =	vmul.f32 v50, v52  }
0xc3: {  	v15 =	vmul.f32 v55, v23;
	v13 =	vadd.f32 v9, v13;
	v19 =	vmul.f32 v56, v20;
	v20 =	vld [tilespmem:s21+$0x40]  }
0xc4: {  	v23 =	vbroadcast v7, $0xC;
	v9 =	vld [tilespmem:s0+$0xFFFFFF10];
	v11 =	vadd.f32 v18, v11;
	v18 =	vmul.f32 v54, v21  }
0xc5: {  	v63 =	vld [tilespmem:s20+$0x70];
	v21 =	vbroadcast v8, $0xD;
	v13 =	vadd.f32 v19, v13;
	v19 =	vmul.f32 v59, v61  }
0xc6: {  	v10 =	vadd.f32 v15, v10;
	v8 =	vld [tilespmem:s0+$0xFFFFFF90];
	v15 =	vmul.f32 v22, v16;
	v22 =	vbroadcast v6, $0xD  }
0xc7: {  	v39 =	vld [tilespmem:s22+$0x50];
	v21 =	vmul.f32 v60, v21;
	v17 =	vadd.f32 v19, v17;
	v19 =	vbroadcast v6, $0xE  }
0xc8: {  	v42 =	vld [tilespmem:s21+$0x70];
	v14 =	vadd.f32 v15, v14;
	v15 =	vmul.f32 v20, v23;
	v20 =	vbroadcast v7, $0xE  }
0xc9: {  	v12 =	vadd.f32 v18, v12;
	v18 =	vld [tilespmem:s21+$0x50];
	v7 =	vbroadcast v7, $0xF;
	v43 =	vbroadcast v9, $0x0  }
0xca: {  	v16 =	vld [tilespmem:s22+$0x40];
	v44 =	vbroadcast v9, $0x1;
	v55 =	vbroadcast v9, $0x4  }
0xcb: {  	v41 =	vld [tilespmem:s21+$0x60];
	v50 =	vbroadcast v8, $0x2;
	v52 =	vbroadcast v8, $0x3  }
0xcc: {  	v12 =	vadd.f32 v21, v12;
	v21 =	vld [tilespmem:s22+$0x60];
	v57 =	vbroadcast v8, $0x4;
	v58 =	vbroadcast v8, $0x5  }
0xcd: {  	v23 =	vld [tilespmem:s22+$0x70];
	v10 =	vadd.f32 v15, v10;
	v15 =	vmul.f32 v39, v22;
	v22 =	vbroadcast v6, $0xF  }
0xce: {  	s23 =	sor.u32 s13, s14;
	v11 =	vadd.f32 v25, v11;
	v7 =	vmul.f32 v42, v7;
	v18 =	vmul.f32 v18, v36  }
0xcf: {  	s26 =	sadd.s32 s10, s14;
	v45 =	vld [tilespmem:s23+$0x0];
	v42 =	vbroadcast v9, $0x9;
	v16 =	vmul.f32 v16, v37;
	v14 =	vadd.f32 v15, v14  }
0xd0: {  	v47 =	vld [tilespmem:s26+$0x0];
	v15 =	vmul.f32 v41, v20;
	v20 =	vbroadcast v8, $0x0;
	v13 =	vadd.f32 v18, v13  }
0xd1: {  	s28 =	sadd.s32 s12, s14;
	v6 =	vld [tilespmem:s0+$0x10];
	v18 =	vmul.f32 v62, v38;
	v11 =	vadd.f32 v16, v11;
	v16 =	vmul.f32 v63, v40  }
0xd2: {  	v49 =	vld [tilespmem:s28+$0x10];
	v19 =	vmul.f32 v21, v19;
	v22 =	vmul.f32 v23, v22  }
0xd3: {  	v46 =	vld [tilespmem:s23+$0x10];
	v62 =	vbroadcast v9, $0x6;
	v63 =	vbroadcast v8, $0x6  }
0xd4: {  	v53 =	vld [tilespmem:s23+$0x30];
	v40 =	vbroadcast v9, $0x8;
	v10 =	vadd.f32 v15, v10;
	v15 =	vbroadcast v9, $0x3  }
0xd5: {  	v51 =	vld [tilespmem:s23+$0x20];
	v17 =	vadd.f32 v18, v17;
	v18 =	vbroadcast v8, $0x1;
	v12 =	vadd.f32 v16, v12  }
0xd6: {  	v56 =	vld [tilespmem:s28+$0x30];
	v16 =	vbroadcast v9, $0x2;
	v7 =	vadd.f32 v7, v13;
	v13 =	vbroadcast v6, $0x0  }
0xd7: {  	v21 =	vld [tilespmem:s26+$0x10];
	v48 =	vbroadcast v6, $0x1;
	v11 =	vadd.f32 v19, v11;
	v19 =	vmul.f32 v45, v43  }
0xd8: {  	v23 =	vld [tilespmem:s28+$0x0];
	v14 =	vadd.f32 v22, v14;
	v22 =	vmul.f32 v46, v44;
	v59 =	vbroadcast v6, $0x4  }
0xd9: {  	v54 =	vld [tilespmem:s26+$0x20];
	v39 =	vbroadcast v6, $0x7;
	v43 =	vbroadcast v6, $0x8  }
0xda: {  	v61 =	vld [tilespmem:s26+$0x50];
	v46 =	vbroadcast v9, $0xA;
	v15 =	vmul.f32 v53, v15  }
0xdb: {  	v60 =	vld [tilespmem:s26+$0x40];
	v53 =	vbroadcast v9, $0xD;
	v12 =	vadd.f32 v19, v12;
	v19 =	vmul.f32 v47, v20  }
0xdc: {  	v36 =	vld [tilespmem:s23+$0x70];
	v20 =	vbroadcast v6, $0x2;
	v18 =	vmul.f32 v21, v18  }
0xdd: {  	v17 =	vadd.f32 v22, v17;
	v22 =	vld [tilespmem:s26+$0x30];
	v16 =	vmul.f32 v51, v16;
	v13 =	vmul.f32 v23, v13  }
0xde: {  	v7 =	vadd.f32 v19, v7;
	v19 =	vld [tilespmem:s28+$0x20];
	v10 =	vadd.f32 v18, v10;
	v18 =	vmul.f32 v49, v48  }
0xdf: {  	v21 =	vbroadcast v6, $0x3;
	v23 =	vbroadcast v9, $0x5;
	v13 =	vadd.f32 v13, v14;
	v14 =	vld [tilespmem:s23+$0x40]  }
0xe0: {  	v12 =	vadd.f32 v16, v12;
	v16 =	vmul.f32 v54, v50;
	v11 =	vadd.f32 v18, v11;
	v18 =	vld [tilespmem:s23+$0x50]  }
0xe1: {  	v37 =	vld [tilespmem:s26+$0x60];
	v54 =	vbroadcast v8, $0xC;
	v48 =	vbroadcast v8, $0xA  }
0xe2: {  	v41 =	vld [tilespmem:s28+$0x70];
	v15 =	vadd.f32 v15, v17;
	v49 =	vbroadcast v8, $0xB;
	v17 =	vmul.f32 v22, v52  }
0xe3: {  	v7 =	vadd.f32 v16, v7;
	v22 =	vbroadcast v6, $0x5;
	v16 =	vmul.f32 v19, v20;
	v19 =	vld [tilespmem:s28+$0x40]  }
0xe4: {  	v10 =	vadd.f32 v17, v10;
	v17 =	vmul.f32 v56, v21;
	v21 =	vld [tilespmem:s28+$0x50];
	v14 =	vmul.f32 v14, v55  }
0xe5: {  	v52 =	vbroadcast v9, $0xC;
	v13 =	vadd.f32 v16, v13;
	v16 =	vld [tilespmem:s23+$0x60];
	v18 =	vmul.f32 v18, v23  }
0xe6: {  	s30 =	sadd.s32 s10, s1;
	v38 =	vld [tilespmem:s26+$0x70];
	v20 =	vbroadcast v9, $0x7;
	v12 =	vadd.f32 v14, v12;
	v14 =	vmul.f32 v60, v57  }
0xe7: {  	v44 =	vld [tilespmem:s30+$0x0];
	v11 =	vadd.f32 v17, v11;
	v15 =	vadd.f32 v18, v15;
	v18 =	vmul.f32 v61, v58  }
0xe8: {  	v45 =	vld [tilespmem:s30+$0x10];
	v20 =	vmul.f32 v36, v20;
	v7 =	vadd.f32 v14, v7;
	v14 =	vmul.f32 v19, v59  }
0xe9: {  	s29 =	sor.u32 s13, s1;
	v23 =	vbroadcast v8, $0x7;
	v19 =	vld [tilespmem:s28+$0x60];
	v10 =	vadd.f32 v18, v10;
	v18 =	vmul.f32 v21, v22  }
0xea: {  	v56 =	vbroadcast v6, $0xC;
	v16 =	vmul.f32 v16, v62;
	v13 =	vadd.f32 v14, v13;
	v14 =	vld [tilespmem:s29+$0x0]  }
0xeb: {  	s31 =	sadd.s32 s12, s1;
	v15 =	vadd.f32 v20, v15;
	v20 =	vmul.f32 v38, v23;
	v11 =	vadd.f32 v18, v11;
	v18 =	vld [tilespmem:s29+$0x10]  }
0xec: {  	v47 =	vld [tilespmem:s31+$0x10];
	v17 =	vbroadcast v6, $0x6;
	v12 =	vadd.f32 v16, v12;
	v16 =	vmul.f32 v37, v63  }
0xed: {  	v51 =	vld [tilespmem:s30+$0x30];
	v60 =	vbroadcast v9, $0xE;
	v10 =	vadd.f32 v20, v10;
	v20 =	vmul.f32 v41, v39  }
0xee: {  	v59 =	vbroadcast v6, $0xD;
	v7 =	vadd.f32 v16, v7;
	v16 =	vmul.f32 v19, v17;
	v17 =	vld [tilespmem:s31+$0x0]  }
0xef: {  	v21 =	vbroadcast v8, $0x8;
	v11 =	vadd.f32 v20, v11;
	v20 =	vld [tilespmem:s29+$0x30];
	v14 =	vmul.f32 v14, v40  }
0xf0: {  	v22 =	vbroadcast v8, $0x9;
	v13 =	vadd.f32 v16, v13;
	v16 =	vld [tilespmem:s29+$0x20];
	v18 =	vmul.f32 v18, v42  }
0xf1: {  	v50 =	vld [tilespmem:s30+$0x20];
	v23 =	vbroadcast v6, $0x9;
	v12 =	vadd.f32 v14, v12;
	v14 =	vmul.f32 v44, v21  }
0xf2: {  	v55 =	vld [tilespmem:s29+$0x50];
	v19 =	vbroadcast v9, $0xB;
	v15 =	vadd.f32 v18, v15;
	v18 =	vmul.f32 v45, v22  }
0xf3: {  	v9 =	vbroadcast v9, $0xF;
	v7 =	vadd.f32 v14, v7;
	v14 =	vmul.f32 v17, v43;
	v17 =	vld [tilespmem:s31+$0x20]  }
0xf4: {  	v21 =	vbroadcast v6, $0xA;
	v10 =	vadd.f32 v18, v10;
	v18 =	vmul.f32 v47, v23;
	v23 =	vld [tilespmem:s31+$0x30]  }
0xf5: {  	v19 =	vmul.f32 v20, v19;
	v16 =	vmul.f32 v16, v46;
	v13 =	vadd.f32 v14, v13;
	v14 =	vld [tilespmem:s29+$0x40]  }
0xf6: {  	v57 =	vld [tilespmem:s30+$0x40];
	v22 =	vbroadcast v6, $0xB;
	v18 =	vadd.f32 v18, v11;
	v11 =	vmul.f32 v50, v48  }
0xf7: {  	v20 =	vbroadcast v8, $0xD;
	v58 =	vadd.f32 v19, v15;
	v19 =	vld [tilespmem:s30+$0x50];
	v16 =	vadd.f32 v16, v12  }
0xf8: {  	v12 =	vmul.f32 v51, v49;
	v61 =	vadd.f32 v11, v7;
	v7 =	vmul.f32 v17, v21;
	v17 =	vld [tilespmem:s31+$0x40]  }
0xf9: {  	v21 =	vld [tilespmem:s31+$0x50];
	v11 =	vbroadcast v8, $0xE;
	v15 =	vmul.f32 v23, v22  }
0xfa: {  	v10 =	vadd.f32 v12, v10;
	v12 =	vbroadcast v8, $0xF;
	v14 =	vmul.f32 v14, v52;
	v22 =	vld [tilespmem:s29+$0x60]  }
0xfb: {  	v62 =	vadd.f32 v7, v13;
	v7 =	vmul.f32 v55, v53;
	v15 =	vadd.f32 v15, v18;
	v18 =	vld [tilespmem:s29+$0x70]  }
0xfc: {  	v20 =	vmul.f32 v19, v20;
	v19 =	vld [tilespmem:s30+$0x60];
	v8 =	vadd.f32 v14, v16;
	v14 =	vmul.f32 v57, v54  }
0xfd: {  	v13 =	vbroadcast v6, $0xE;
	v16 =	vadd.f32 v7, v58;
	v7 =	vld [tilespmem:s30+$0x70];
	v63 =	vmul.f32 v17, v56  }
0xfe: {  	s10 =	simm.s32 $0x7A80;
	v17 =	vadd.f32 v14, v61;
	v14 =	vadd.f32 v20, v10;
	v20 =	vld [tilespmem:s31+$0x60];
	v23 =	vmul.f32 v21, v59  }
0xff: {  	s15 =	simm.s32 $0x0;
	s14 =	simm.s32 $0x6880;
	s13 =	simm.s32 $0x0;
	[tilespmem:s10+$0x80] =	vst v5;
	v6 =	vbroadcast v6, $0xF;
	v21 =	vld [tilespmem:s31+$0x70];
	v22 =	vmul.f32 v22, v60;
	v5 =	vadd.f32 v63, v62  }
.LBB2_5:
0x100: {  	s13 =	sadd.s32 $0x4, s13;
	v10 =	vld [tilespmem:s14+$0x90];
	v18 =	vmul.f32 v18, v9;
	v15 =	vadd.f32 v23, v15  }
0x101: {  	v9 =	vld [tilespmem:s14+$0xFFFFFF00];
	s0 =	sshrl.u32 s13, $0x3;
	v22 =	vadd.f32 v22, v8;
	v11 =	vmul.f32 v19, v11  }
0x102: {  	p1 =	slt.u32 s13, $0x14;
	s0 =	smul.u32 $0x5000, s0;
	v8 =	vld [tilespmem:s14+$0xFFFFFF80];
	v16 =	vadd.f32 v18, v16;
	v12 =	vmul.f32 v7, v12  }
0x103: {  	s15 =	sadd.s32 $0x200, s15;
	v7 =	vld [tilespmem:s14+$0x0];
	v17 =	vadd.f32 v11, v17;
	v13 =	vmul.f32 v20, v13  }
0x104: {  	s2 =	sadd.s32 $0x180, s15;
	s1 =	sshra.s32 s0, $0x2;
	s0 =	sadd.s32 $0x80, s15;
	v18 =	vld [tilespmem:s14+$0x80];
	v16 =	vadd.f32 v16, v22;
	v19 =	vadd.f32 v12, v14;
	v14 =	vmul.f32 v21, v6  }
0x105: {  	s6 =	sadd.s32 $0x100, s15;
	s2 =	sand.u32 $0x380, s2;
	v6 =	vld [tilespmem:s14+$0xFFFFFF10];
	s4 =	sadd.s32 $0x1180, s1;
	v11 =	vbroadcast v10, $0xE;
	v20 =	vadd.f32 v13, v5  }
0x106: {  	s7 =	sor.u32 $0x180, s1;
	s12 =	sand.u32 $0x280, s0;
	v13 =	vbroadcast v10, $0xA;
	v12 =	vbroadcast v10, $0xC;
	v5 =	vld [tilespmem:s14+$0xFFFFFF90];
	s0 =	sadd.s32 s2, s4;
	[tilespmem:s10+$0xFFFFFF00] =	vst v16;
	v16 =	vadd.f32 v14, v15  }
0x107: {  	s26 =	sand.u32 $0x200, s15;
	s18 =	sand.u32 $0x300, s6;
	s28 =	sadd.s32 s2, s7;
	v15 =	vbroadcast v10, $0x6;
	v14 =	vbroadcast v10, $0x8;
	v17 =	vadd.f32 v19, v17;
	v21 =	vld [tilespmem:s0+$0x0]  }
0x108: {  	v22 =	vbroadcast v10, $0x2;
	v23 =	vbroadcast v10, $0x4;
	s23 =	sor.u32 s26, s7;
	s22 =	sadd.s32 s12, s7;
	s19 =	sadd.s32 s18, s7;
	v19 =	vld [tilespmem:s28+$0x0];
	v16 =	vadd.f32 v16, v20  }
0x109: {  	v25 =	vbroadcast v10, $0x0;
	s7 =	sor.u32 s26, s4;
	s6 =	sadd.s32 s12, s4;
	s4 =	sadd.s32 s18, s4;
	v20 =	vld [tilespmem:s28+$0x10];
	v24 =	vbroadcast v18, $0xE;
	[tilespmem:s10+$0xFFFFFF80] =	vst v17  }
0x10a: {  	v26 =	vbroadcast v18, $0xA;
	v27 =	vbroadcast v18, $0xC;
	v17 =	vld [tilespmem:s28+$0x20];
	[tilespmem:s10+$0x0] =	vst v16  }
0x10b: {  	v28 =	vbroadcast v18, $0x6;
	v29 =	vbroadcast v18, $0x8;
	v16 =	vld [tilespmem:s28+$0x30]  }
0x10c: {  	v30 =	vbroadcast v18, $0x1;
	v32 =	vbroadcast v18, $0x4;
	v31 =	vld [tilespmem:s28+$0x40]  }
0x10d: {  	v33 =	vbroadcast v18, $0x0;
	v34 =	vbroadcast v18, $0x2;
	v35 =	vld [tilespmem:s28+$0x50]  }
0x10e: {  	s29 =	sadd.s32 $0x580, s1;
	v20 =	vmul.f32 v20, v30;
	v30 =	vbroadcast v18, $0x3;
	v36 =	vld [tilespmem:s28+$0x60]  }
0x10f: {  	s17 =	sor.u32 s26, s29;
	s0 =	sadd.s32 s12, s29;
	v19 =	vmul.f32 v19, v33;
	v33 =	vbroadcast v18, $0x5;
	v37 =	vld [tilespmem:s28+$0x70];
	s28 =	sadd.s32 s2, s29  }
0x110: {  	s31 =	sadd.s32 s18, s29;
	v17 =	vmul.f32 v17, v34;
	v20 =	vadd.f32 v20, v21;
	v16 =	vmul.f32 v16, v30;
	v21 =	vld [tilespmem:s28+$0x0]  }
0x111: {  	v30 =	vmul.f32 v31, v32;
	v31 =	vbroadcast v18, $0x7;
	v32 =	vld [tilespmem:s28+$0x10]  }
0x112: {  	v17 =	vadd.f32 v17, v19;
	v16 =	vadd.f32 v16, v20;
	v19 =	vmul.f32 v35, v33;
	v20 =	vld [tilespmem:s28+$0x20]  }
0x113: {  	v33 =	vbroadcast v18, $0x9;
	v28 =	vmul.f32 v36, v28;
	v34 =	vld [tilespmem:s28+$0x30]  }
0x114: {  	v17 =	vadd.f32 v30, v17;
	v16 =	vadd.f32 v19, v16;
	v19 =	vmul.f32 v37, v31;
	v30 =	vld [tilespmem:s28+$0x40]  }
0x115: {  	v21 =	vmul.f32 v21, v29;
	v29 =	vbroadcast v18, $0xB;
	v31 =	vld [tilespmem:s28+$0x50]  }
0x116: {  	s20 =	sadd.s32 $0x980, s1;
	v17 =	vadd.f32 v28, v17;
	v16 =	vadd.f32 v19, v16;
	v19 =	vmul.f32 v32, v33;
	v28 =	vld [tilespmem:s28+$0x60]  }
0x117: {  	s30 =	sor.u32 s26, s20;
	s21 =	sadd.s32 s2, s20;
	s29 =	sadd.s32 s12, s20;
	v20 =	vmul.f32 v20, v26;
	v26 =	vbroadcast v18, $0xD;
	v32 =	vld [tilespmem:s28+$0x70]  }
0x118: {  	s28 =	sadd.s32 s18, s20;
	v17 =	vadd.f32 v21, v17;
	v16 =	vadd.f32 v19, v16;
	v19 =	vmul.f32 v34, v29;
	v21 =	vld [tilespmem:s21+$0x0]  }
0x119: {  	v18 =	vbroadcast v18, $0xF;
	v27 =	vmul.f32 v30, v27;
	v29 =	vld [tilespmem:s21+$0x10]  }
0x11a: {  	v17 =	vadd.f32 v20, v17;
	v16 =	vadd.f32 v19, v16;
	v19 =	vmul.f32 v31, v26;
	v20 =	vld [tilespmem:s21+$0x20]  }
0x11b: {  	v26 =	vbroadcast v10, $0x1;
	v24 =	vmul.f32 v28, v24;
	v28 =	vld [tilespmem:s21+$0x30]  }
0x11c: {  	v17 =	vadd.f32 v27, v17;
	v16 =	vadd.f32 v19, v16;
	v18 =	vmul.f32 v32, v18;
	v19 =	vld [tilespmem:s21+$0x40]  }
0x11d: {  	v21 =	vmul.f32 v21, v25;
	v25 =	vbroadcast v10, $0x3;
	v27 =	vld [tilespmem:s21+$0x50]  }
0x11e: {  	s20 =	sadd.s32 $0xD80, s1;
	v17 =	vadd.f32 v24, v17;
	v16 =	vadd.f32 v18, v16;
	v18 =	vmul.f32 v29, v26;
	v24 =	vld [tilespmem:s21+$0x60]  }
0x11f: {  	s26 =	sor.u32 s26, s20;
	s1 =	sadd.s32 s12, s20;
	s12 =	sadd.s32 s2, s20;
	v20 =	vmul.f32 v20, v22;
	v22 =	vbroadcast v10, $0x5;
	v26 =	vld [tilespmem:s21+$0x70]  }
0x120: {  	s2 =	sadd.s32 s18, s20;
	v16 =	vadd.f32 v21, v16;
	v17 =	vadd.f32 v18, v17;
	v18 =	vmul.f32 v28, v25;
	v21 =	vld [tilespmem:s12+$0x0]  }
0x121: {  	v19 =	vmul.f32 v19, v23;
	v23 =	vbroadcast v10, $0x7;
	v25 =	vld [tilespmem:s12+$0x10]  }
0x122: {  	v16 =	vadd.f32 v20, v16;
	v17 =	vadd.f32 v18, v17;
	v18 =	vmul.f32 v27, v22;
	v20 =	vld [tilespmem:s12+$0x20]  }
0x123: {  	v22 =	vbroadcast v10, $0x9;
	v15 =	vmul.f32 v24, v15;
	v24 =	vld [tilespmem:s12+$0x30]  }
0x124: {  	v16 =	vadd.f32 v19, v16;
	v17 =	vadd.f32 v18, v17;
	v18 =	vmul.f32 v26, v23;
	v19 =	vld [tilespmem:s12+$0x40]  }
0x125: {  	v14 =	vmul.f32 v21, v14;
	v21 =	vbroadcast v10, $0xB;
	v23 =	vld [tilespmem:s12+$0x50]  }
0x126: {  	v15 =	vadd.f32 v15, v16;
	v16 =	vadd.f32 v18, v17;
	v17 =	vmul.f32 v25, v22;
	v18 =	vld [tilespmem:s12+$0x60]  }
0x127: {  	v13 =	vmul.f32 v20, v13;
	v20 =	vbroadcast v10, $0xD;
	v22 =	vld [tilespmem:s12+$0x70]  }
0x128: {  	v25 =	vld [tilespmem:s23+$0x10];
	v14 =	vadd.f32 v14, v15;
	v15 =	vadd.f32 v17, v16;
	v16 =	vmul.f32 v24, v21  }
0x129: {  	v10 =	vbroadcast v10, $0xF;
	v17 =	vld [tilespmem:s22+$0x10];
	v12 =	vmul.f32 v19, v12  }
0x12a: {  	v19 =	vld [tilespmem:s19+$0x10];
	v13 =	vadd.f32 v13, v14;
	v14 =	vadd.f32 v16, v15;
	v15 =	vmul.f32 v23, v20  }
0x12b: {  	v20 =	vbroadcast v9, $0x1;
	v16 =	vld [tilespmem:s7+$0x0];
	v11 =	vmul.f32 v18, v11  }
0x12c: {  	v18 =	vld [tilespmem:s23+$0x0];
	v12 =	vadd.f32 v12, v13;
	v13 =	vadd.f32 v15, v14;
	v10 =	vmul.f32 v22, v10  }
0x12d: {  	v21 =	vbroadcast v7, $0x1;
	v15 =	vbroadcast v8, $0x1;
	v14 =	vld [tilespmem:s23+$0x20]  }
0x12e: {  	v20 =	vmul.f32 v25, v20;
	v22 =	vld [tilespmem:s23+$0x30];
	v11 =	vadd.f32 v11, v12;
	v10 =	vadd.f32 v10, v13  }
0x12f: {  	v13 =	vmul.f32 v17, v15;
	v12 =	vld [tilespmem:s6+$0x0];
	v15 =	vmul.f32 v19, v21  }
0x130: {  	v17 =	vbroadcast v9, $0x0;
	v19 =	vbroadcast v9, $0x2;
	v21 =	vld [tilespmem:s22+$0x0];
	v10 =	vadd.f32 v10, v11  }
0x131: {  	s10 =	sadd.s32 $0x200, s10;
	v11 =	vadd.f32 v20, v16;
	v16 =	vbroadcast v9, $0x3;
	v20 =	vbroadcast v8, $0x0;
	v23 =	vld [tilespmem:s22+$0x20]  }
0x132: {  	v26 =	vbroadcast v8, $0x3;
	v24 =	vbroadcast v8, $0x2;
	v25 =	vld [tilespmem:s22+$0x30];
	[tilespmem:s10+$0x80] =	vst v10  }
0x133: {  	v28 =	vbroadcast v7, $0x2;
	v27 =	vbroadcast v7, $0x0;
	v10 =	vld [tilespmem:s4+$0x0]  }
0x134: {  	v17 =	vmul.f32 v18, v17;
	v18 =	vbroadcast v7, $0x3;
	v12 =	vadd.f32 v13, v12;
	v13 =	vld [tilespmem:s19+$0x0]  }
0x135: {  	v14 =	vmul.f32 v14, v19;
	v16 =	vmul.f32 v22, v16;
	v19 =	vld [tilespmem:s19+$0x20]  }
0x136: {  	v20 =	vmul.f32 v21, v20;
	v21 =	vmul.f32 v23, v24;
	v22 =	vld [tilespmem:s19+$0x30]  }
0x137: {  	v11 =	vadd.f32 v16, v11;
	v23 =	vbroadcast v9, $0x4;
	v16 =	vld [tilespmem:s23+$0x40];
	v24 =	vmul.f32 v25, v26  }
0x138: {  	v29 =	vbroadcast v8, $0x4;
	v26 =	vbroadcast v9, $0x5;
	v25 =	vld [tilespmem:s23+$0x50];
	v10 =	vadd.f32 v15, v10  }
0x139: {  	v12 =	vadd.f32 v24, v12;
	v15 =	vld [tilespmem:s22+$0x40];
	v24 =	vbroadcast v8, $0x5;
	v13 =	vmul.f32 v13, v27  }
0x13a: {  	v14 =	vadd.f32 v14, v17;
	v27 =	vbroadcast v7, $0x4;
	v17 =	vld [tilespmem:s22+$0x50];
	v19 =	vmul.f32 v19, v28  }
0x13b: {  	v20 =	vadd.f32 v21, v20;
	v18 =	vmul.f32 v22, v18;
	v21 =	vld [tilespmem:s19+$0x40];
	v22 =	vbroadcast v7, $0x5  }
0x13c: {  	v16 =	vmul.f32 v16, v23;
	v23 =	vbroadcast v9, $0x6;
	v13 =	vadd.f32 v19, v13;
	v19 =	vld [tilespmem:s19+$0x50]  }
0x13d: {  	v28 =	vbroadcast v9, $0x7;
	v25 =	vmul.f32 v25, v26;
	v26 =	vld [tilespmem:s23+$0x60];
	v10 =	vadd.f32 v18, v10  }
0x13e: {  	v18 =	vbroadcast v8, $0x6;
	v14 =	vadd.f32 v16, v14;
	v16 =	vld [tilespmem:s23+$0x70];
	v15 =	vmul.f32 v15, v29  }
0x13f: {  	v11 =	vadd.f32 v25, v11;
	v17 =	vmul.f32 v17, v24;
	v24 =	vld [tilespmem:s22+$0x60];
	v25 =	vbroadcast v8, $0x7  }
0x140: {  	v15 =	vadd.f32 v15, v20;
	v20 =	vld [tilespmem:s22+$0x70];
	v21 =	vmul.f32 v21, v27;
	v27 =	vbroadcast v7, $0x6  }
0x141: {  	v12 =	vadd.f32 v17, v12;
	v17 =	vmul.f32 v19, v22;
	v19 =	vld [tilespmem:s19+$0x60];
	v22 =	vbroadcast v7, $0x7  }
0x142: {  	v23 =	vmul.f32 v26, v23;
	v26 =	vbroadcast v9, $0x8;
	v13 =	vadd.f32 v21, v13;
	v21 =	vld [tilespmem:s19+$0x70]  }
0x143: {  	v29 =	vbroadcast v9, $0x9;
	v16 =	vmul.f32 v16, v28;
	v28 =	vld [tilespmem:s17+$0x0];
	v10 =	vadd.f32 v17, v10  }
0x144: {  	v14 =	vadd.f32 v23, v14;
	v17 =	vld [tilespmem:s17+$0x10];
	v18 =	vmul.f32 v24, v18;
	v23 =	vbroadcast v8, $0x8  }
0x145: {  	v24 =	vbroadcast v8, $0x9;
	v11 =	vadd.f32 v16, v11;
	v16 =	vmul.f32 v20, v25;
	v20 =	vld [tilespmem:s0+$0x0]  }
0x146: {  	v25 =	vbroadcast v7, $0x8;
	v15 =	vadd.f32 v18, v15;
	v18 =	vld [tilespmem:s0+$0x10];
	v19 =	vmul.f32 v19, v27  }
0x147: {  	v12 =	vadd.f32 v16, v12;
	v16 =	vmul.f32 v21, v22;
	v21 =	vld [tilespmem:s31+$0x0];
	v22 =	vbroadcast v7, $0x9  }
0x148: {  	v27 =	vbroadcast v9, $0xA;
	v26 =	vmul.f32 v28, v26;
	v13 =	vadd.f32 v19, v13;
	v19 =	vld [tilespmem:s31+$0x10]  }
0x149: {  	v17 =	vmul.f32 v17, v29;
	v28 =	vld [tilespmem:s17+$0x20];
	v29 =	vbroadcast v9, $0xB;
	v10 =	vadd.f32 v16, v10  }
0x14a: {  	v14 =	vadd.f32 v26, v14;
	v16 =	vld [tilespmem:s17+$0x30];
	v20 =	vmul.f32 v20, v23;
	v23 =	vbroadcast v8, $0xA  }
0x14b: {  	v11 =	vadd.f32 v17, v11;
	v17 =	vmul.f32 v18, v24;
	v18 =	vld [tilespmem:s0+$0x20];
	v24 =	vbroadcast v8, $0xB  }
0x14c: {  	v15 =	vadd.f32 v20, v15;
	v20 =	vld [tilespmem:s0+$0x30];
	v21 =	vmul.f32 v21, v25;
	v25 =	vbroadcast v7, $0xA  }
0x14d: {  	v12 =	vadd.f32 v17, v12;
	v17 =	vmul.f32 v19, v22;
	v19 =	vld [tilespmem:s31+$0x20];
	v22 =	vbroadcast v7, $0xB  }
0x14e: {  	v26 =	vmul.f32 v28, v27;
	v27 =	vbroadcast v9, $0xC;
	v13 =	vadd.f32 v21, v13;
	v21 =	vld [tilespmem:s31+$0x30]  }
0x14f: {  	v16 =	vmul.f32 v16, v29;
	v28 =	vld [tilespmem:s17+$0x40];
	v29 =	vbroadcast v9, $0xD;
	v10 =	vadd.f32 v17, v10  }
0x150: {  	v14 =	vadd.f32 v26, v14;
	v17 =	vld [tilespmem:s17+$0x50];
	v18 =	vmul.f32 v18, v23;
	v23 =	vbroadcast v8, $0xC  }
0x151: {  	v11 =	vadd.f32 v16, v11;
	v16 =	vmul.f32 v20, v24;
	v20 =	vld [tilespmem:s0+$0x40];
	v24 =	vbroadcast v8, $0xD  }
0x152: {  	v15 =	vadd.f32 v18, v15;
	v18 =	vld [tilespmem:s0+$0x50];
	v19 =	vmul.f32 v19, v25;
	v25 =	vbroadcast v7, $0xC  }
0x153: {  	v12 =	vadd.f32 v16, v12;
	v16 =	vmul.f32 v21, v22;
	v21 =	vld [tilespmem:s31+$0x40];
	v22 =	vbroadcast v7, $0xD  }
0x154: {  	v26 =	vmul.f32 v28, v27;
	v27 =	vbroadcast v9, $0xE;
	v13 =	vadd.f32 v19, v13;
	v19 =	vld [tilespmem:s31+$0x50]  }
0x155: {  	v9 =	vbroadcast v9, $0xF;
	v17 =	vmul.f32 v17, v29;
	v28 =	vld [tilespmem:s17+$0x60];
	v10 =	vadd.f32 v16, v10  }
0x156: {  	v14 =	vadd.f32 v26, v14;
	v16 =	vld [tilespmem:s17+$0x70];
	v20 =	vmul.f32 v20, v23;
	v23 =	vbroadcast v8, $0xE  }
0x157: {  	v8 =	vbroadcast v8, $0xF;
	v11 =	vadd.f32 v17, v11;
	v17 =	vmul.f32 v18, v24;
	v18 =	vld [tilespmem:s0+$0x60]  }
0x158: {  	v24 =	vbroadcast v7, $0xE;
	v15 =	vadd.f32 v20, v15;
	v20 =	vld [tilespmem:s0+$0x70];
	v21 =	vmul.f32 v21, v25  }
0x159: {  	v12 =	vadd.f32 v17, v12;
	v17 =	vmul.f32 v19, v22;
	v19 =	vld [tilespmem:s31+$0x60];
	v22 =	vbroadcast v7, $0xF  }
0x15a: {  	v26 =	vbroadcast v6, $0x0;
	v25 =	vmul.f32 v28, v27;
	v13 =	vadd.f32 v21, v13;
	v21 =	vld [tilespmem:s31+$0x70]  }
0x15b: {  	v9 =	vmul.f32 v16, v9;
	v16 =	vbroadcast v6, $0x1;
	v7 =	vld [tilespmem:s14+$0x10];
	v10 =	vadd.f32 v17, v10  }
0x15c: {  	v14 =	vadd.f32 v25, v14;
	v17 =	vld [tilespmem:s30+$0x0];
	v18 =	vmul.f32 v18, v23;
	v23 =	vbroadcast v5, $0x0  }
0x15d: {  	v9 =	vadd.f32 v9, v11;
	v11 =	vld [tilespmem:s30+$0x10];
	v8 =	vmul.f32 v20, v8;
	v20 =	vbroadcast v5, $0x1  }
0x15e: {  	v25 =	vbroadcast v6, $0x2;
	v15 =	vadd.f32 v18, v15;
	v18 =	vld [tilespmem:s29+$0x0];
	v19 =	vmul.f32 v19, v24  }
0x15f: {  	v24 =	vbroadcast v6, $0x3;
	v8 =	vadd.f32 v8, v12;
	v12 =	vld [tilespmem:s29+$0x10];
	v21 =	vmul.f32 v21, v22  }
0x160: {  	v13 =	vadd.f32 v19, v13;
	v19 =	vld [tilespmem:s28+$0x0];
	v22 =	vbroadcast v7, $0x0;
	v27 =	vbroadcast v7, $0x1  }
0x161: {  	v17 =	vmul.f32 v17, v26;
	v26 =	vbroadcast v5, $0x2;
	v10 =	vadd.f32 v21, v10;
	v21 =	vld [tilespmem:s28+$0x10]  }
0x162: {  	v28 =	vbroadcast v5, $0x3;
	v11 =	vmul.f32 v11, v16;
	v16 =	vld [tilespmem:s30+$0x20]  }
0x163: {  	v9 =	vadd.f32 v17, v9;
	v17 =	vld [tilespmem:s30+$0x30];
	v18 =	vmul.f32 v18, v23;
	v23 =	vbroadcast v7, $0x2  }
0x164: {  	v11 =	vadd.f32 v11, v14;
	v12 =	vmul.f32 v12, v20;
	v14 =	vld [tilespmem:s29+$0x20];
	v20 =	vbroadcast v7, $0x3  }
0x165: {  	v29 =	vbroadcast v6, $0x4;
	v8 =	vadd.f32 v18, v8;
	v18 =	vld [tilespmem:s29+$0x30];
	v19 =	vmul.f32 v19, v22  }
0x166: {  	v22 =	vbroadcast v6, $0x5;
	v12 =	vadd.f32 v12, v15;
	v15 =	vmul.f32 v21, v27;
	v21 =	vld [tilespmem:s28+$0x20]  }
0x167: {  	v16 =	vmul.f32 v16, v25;
	v25 =	vbroadcast v5, $0x4;
	v10 =	vadd.f32 v19, v10;
	v19 =	vld [tilespmem:s28+$0x30]  }
0x168: {  	v27 =	vbroadcast v5, $0x5;
	v17 =	vmul.f32 v17, v24;
	v24 =	vld [tilespmem:s30+$0x40];
	v13 =	vadd.f32 v15, v13  }
0x169: {  	v9 =	vadd.f32 v16, v9;
	v15 =	vld [tilespmem:s30+$0x50];
	v14 =	vmul.f32 v14, v26;
	v16 =	vbroadcast v7, $0x4  }
0x16a: {  	v26 =	vbroadcast v7, $0x5;
	v11 =	vadd.f32 v17, v11;
	v17 =	vmul.f32 v18, v28;
	v18 =	vld [tilespmem:s29+$0x40]  }
0x16b: {  	v28 =	vbroadcast v6, $0x6;
	v8 =	vadd.f32 v14, v8;
	v14 =	vld [tilespmem:s29+$0x50];
	v21 =	vmul.f32 v21, v23  }
0x16c: {  	v23 =	vbroadcast v6, $0x7;
	v12 =	vadd.f32 v17, v12;
	v17 =	vmul.f32 v19, v20;
	v19 =	vld [tilespmem:s28+$0x40]  }
0x16d: {  	v20 =	vmul.f32 v24, v29;
	v24 =	vbroadcast v5, $0x6;
	v10 =	vadd.f32 v21, v10;
	v21 =	vld [tilespmem:s28+$0x50]  }
0x16e: {  	v29 =	vbroadcast v5, $0x7;
	v15 =	vmul.f32 v15, v22;
	v22 =	vld [tilespmem:s30+$0x60];
	v13 =	vadd.f32 v17, v13  }
0x16f: {  	v9 =	vadd.f32 v20, v9;
	v17 =	vld [tilespmem:s30+$0x70];
	v18 =	vmul.f32 v18, v25;
	v20 =	vbroadcast v7, $0x6  }
0x170: {  	v25 =	vbroadcast v7, $0x7;
	v11 =	vadd.f32 v15, v11;
	v14 =	vmul.f32 v14, v27;
	v15 =	vld [tilespmem:s29+$0x60]  }
0x171: {  	v27 =	vbroadcast v6, $0x8;
	v8 =	vadd.f32 v18, v8;
	v18 =	vld [tilespmem:s29+$0x70];
	v16 =	vmul.f32 v19, v16  }
0x172: {  	v19 =	vbroadcast v6, $0x9;
	v12 =	vadd.f32 v14, v12;
	v14 =	vmul.f32 v21, v26;
	v21 =	vld [tilespmem:s28+$0x60]  }
0x173: {  	v26 =	vbroadcast v5, $0x8;
	v22 =	vmul.f32 v22, v28;
	v10 =	vadd.f32 v16, v10;
	v16 =	vld [tilespmem:s28+$0x70]  }
0x174: {  	v28 =	vbroadcast v5, $0x9;
	v17 =	vmul.f32 v17, v23;
	v23 =	vld [tilespmem:s26+$0x0];
	v13 =	vadd.f32 v14, v13  }
0x175: {  	v9 =	vadd.f32 v22, v9;
	v14 =	vld [tilespmem:s26+$0x10];
	v15 =	vmul.f32 v15, v24;
	v22 =	vbroadcast v7, $0x8  }
0x176: {  	v24 =	vbroadcast v7, $0x9;
	v11 =	vadd.f32 v17, v11;
	v17 =	vmul.f32 v18, v29;
	v18 =	vld [tilespmem:s1+$0x0]  }
0x177: {  	v29 =	vbroadcast v6, $0xA;
	v8 =	vadd.f32 v15, v8;
	v15 =	vld [tilespmem:s1+$0x10];
	v20 =	vmul.f32 v21, v20  }
0x178: {  	v21 =	vbroadcast v6, $0xB;
	v12 =	vadd.f32 v17, v12;
	v16 =	vmul.f32 v16, v25;
	v17 =	vld [tilespmem:s2+$0x0]  }
0x179: {  	v25 =	vbroadcast v5, $0xA;
	v23 =	vmul.f32 v23, v27;
	v10 =	vadd.f32 v20, v10;
	v20 =	vld [tilespmem:s2+$0x10]  }
0x17a: {  	v27 =	vbroadcast v5, $0xB;
	v14 =	vmul.f32 v14, v19;
	v19 =	vld [tilespmem:s26+$0x20];
	v13 =	vadd.f32 v16, v13  }
0x17b: {  	v9 =	vadd.f32 v23, v9;
	v16 =	vld [tilespmem:s26+$0x30];
	v18 =	vmul.f32 v18, v26;
	v23 =	vbroadcast v7, $0xA  }
0x17c: {  	v26 =	vbroadcast v7, $0xB;
	v11 =	vadd.f32 v14, v11;
	v14 =	vmul.f32 v15, v28;
	v15 =	vld [tilespmem:s1+$0x20]  }
0x17d: {  	v28 =	vbroadcast v6, $0xC;
	v8 =	vadd.f32 v18, v8;
	v18 =	vld [tilespmem:s1+$0x30];
	v17 =	vmul.f32 v17, v22  }
0x17e: {  	v22 =	vbroadcast v6, $0xD;
	v12 =	vadd.f32 v14, v12;
	v14 =	vmul.f32 v20, v24;
	v20 =	vld [tilespmem:s2+$0x20]  }
0x17f: {  	v24 =	vbroadcast v5, $0xC;
	v19 =	vmul.f32 v19, v29;
	v10 =	vadd.f32 v17, v10;
	v17 =	vld [tilespmem:s2+$0x30]  }
0x180: {  	v29 =	vbroadcast v5, $0xD;
	v16 =	vmul.f32 v16, v21;
	v21 =	vld [tilespmem:s26+$0x40];
	v13 =	vadd.f32 v14, v13  }
0x181: {  	v14 =	vadd.f32 v19, v9;
	v19 =	vld [tilespmem:s26+$0x50];
	v9 =	vmul.f32 v15, v25;
	v25 =	vbroadcast v7, $0xC  }
0x182: {  	v30 =	vbroadcast v7, $0xD;
	v16 =	vadd.f32 v16, v11;
	v11 =	vmul.f32 v18, v27;
	v27 =	vld [tilespmem:s1+$0x40]  }
0x183: {  	v31 =	vbroadcast v6, $0xE;
	v32 =	vadd.f32 v9, v8;
	v33 =	vld [tilespmem:s1+$0x50];
	v8 =	vmul.f32 v20, v23  }
0x184: {  	v9 =	vbroadcast v6, $0xF;
	v20 =	vadd.f32 v11, v12;
	v6 =	vmul.f32 v17, v26;
	v23 =	vld [tilespmem:s2+$0x40]  }
0x185: {  	v11 =	vbroadcast v5, $0xE;
	v17 =	vmul.f32 v21, v28;
	v10 =	vadd.f32 v8, v10;
	v21 =	vld [tilespmem:s2+$0x50]  }
0x186: {  	v12 =	vbroadcast v5, $0xF;
	v19 =	vmul.f32 v19, v22;
	v22 =	vld [tilespmem:s26+$0x60];
	v15 =	vadd.f32 v6, v13  }
.Ltmp1:
0x187: {  	v13 =	vbroadcast v7, $0xE;
	v8 =	vadd.f32 v17, v14;
	v18 =	vld [tilespmem:s26+$0x70];
	v5 =	vmul.f32 v27, v24;
	(pc) =	sbr.rel @p1 .LBB2_5-.Ltmp1, $4  }
0x188: {  	v6 =	vbroadcast v7, $0xF;
	v16 =	vadd.f32 v19, v16;
	v14 =	vmul.f32 v33, v29;
	v19 =	vld [tilespmem:s1+$0x60]  }
0x189: {  	v17 =	vadd.f32 v5, v32;
	v7 =	vld [tilespmem:s1+$0x70];
	v5 =	vmul.f32 v23, v25  }
0x18a: {  	v14 =	vadd.f32 v14, v20;
	v23 =	vmul.f32 v21, v30;
	v20 =	vld [tilespmem:s2+$0x60]  }
0x18b: {  	s14 =	sadd.s32 $0x200, s14;
	v22 =	vmul.f32 v22, v31;
	v5 =	vadd.f32 v5, v10;
	v21 =	vld [tilespmem:s2+$0x70]  }
0x18c: {  	v9 =	vmul.f32 v18, v9;
	_ =	sdelay $0x1  }
0x18d: {  	v8 =	vadd.f32 v22, v8;
	v9 =	vadd.f32 v9, v16  }
0x18e: {  	v10 =	vadd.f32 v23, v15;
	v11 =	vmul.f32 v19, v11;
	v7 =	vmul.f32 v7, v12  }
0x18f: {  	v12 =	vmul.f32 v20, v13;
	v6 =	vmul.f32 v21, v6;
	v8 =	vadd.f32 v9, v8  }
0x190: {  	v11 =	vadd.f32 v11, v17;
	v7 =	vadd.f32 v7, v14  }
0x191: {  	v5 =	vadd.f32 v12, v5;
	v6 =	vadd.f32 v6, v10;
	[tilespmem:s10+$0xFFFFFF00] =	vst v8  }
0x192: {  	p1 =	seq.s32 s25, $0x7C;
	v7 =	vadd.f32 v7, v11;
	s0 =	rddreg [dreg:$0x9]  }
0x193: {  	v5 =	vadd.f32 v6, v5;
	s0 =	sadd.s32 @!p1 s8, s0  }
0x194: {  	[tilespmem:s10+$0xFFFFFF80] =	vst v7;
	s0 =	sshrl.u32 @!p1 s0, $0x3  }
0x195: {  	s1 =	simm.s32 @!p1 $0x0;
	[tilespmem:s10+$0x0] =	vst v5;
	s0 =	sadd.s32 @!p1 s5, s0  }
0x196: {  	[tilespmem:s1], [sflag:$0x3] =	stream.linear.gather @!p1 [hbm4b:s0+s1], $0x18, $0x38;
	[tilespmem:$0x1C600] =	vst v63  }
0x197: {  	s0 =	simm.s32 @!p1 $0x3  }
0x198: {  	_ =	swait.ge @!p1 [sflag:s0], $0x18  }
0x199: {  	[sflag:s0] =	ssyncset.done @!p1 $0x0  }
0x19a: {  	[sflag:s0] =	ssyncadd.s32 @!p1 $0xFFFFFFE8  }
0x19b: {  	v5 =	vld @!p1 [tilespmem:$0x0];
	_ =	sdelay $0x4  }
0x19c: {  	v6 =	vshrl.u32 @!p1 v5, $0x3  }
0x19d: {  	v6 =	vmul.u32 @!p1 $0x28, v6  }
0x19e: {  	v7 =	vlaneseq.u32 @!p1;
	v5 =	vand.u32 @!p1 $0x7, v5  }
0x19f: {  	v8 =	vshrl.u32 @!p1 v7, $0x3;
	v5 =	vor.u32 @!p1 v5, v6;
	v6 =	vand.u32 @!p1 $0x7, v7  }
0x1a0: {  	v8 =	vmul.u32 @!p1 $0x8, v8;
	v9 =	vperm.xlane @!p1 v5, v6;
	_ =	sdelay $0x1  }
0x1a1: {  	v9 =	vadd.s32 @!p1 v8, v9;
	_ =	sdelay $0x2  }
0x1a2: {  	v7 =	vor.u32 @!p1 $0x8, v7  }
0x1a3: {  	vm2 =	vmmov @!p1 $0xffff;
	s0 =	simm.s32 @!p1 $0x180;
	v5 =	vperm.xlane @!p1 v5, v7  }
0x1a4: {  	[tilespmem:s0], [sflag:$0x1] =	stream.indirect_vreg.gather @!p1 [hbm4b:s3+s1], $0x80, v9, vm2, $0xb8;
	[tilespmem:$0x1C600] =	vst v63  }
0x1a5: {  	v5 =	vadd.s32 @!p1 v8, v5;
	s0 =	simm.s32 @!p1 $0x980  }
0x1a6: {  	[tilespmem:s0], [sflag:$0x1] =	stream.indirect_vreg.gather @!p1 [hbm4b:s9+s1], $0x80, v9, vm2, $0xb8;
	[tilespmem:$0x1C600] =	vst v63  }
0x1a7: {  	vm3 =	vmmov @!p1 $0xff;
	s0 =	simm.s32 @!p1 $0x1180  }
0x1a8: {  	[tilespmem:s0], [sflag:$0x1] =	stream.indirect_vreg.gather @!p1 [hbm4b:s11+s1], $0x80, v9, vm3, $0xb8;
	[tilespmem:$0x1C600] =	vst v63  }
0x1a9: {  	s0 =	simm.s32 @!p1 $0x1580  }
0x1aa: {  	[tilespmem:s0], [sflag:$0x1] =	stream.indirect_vreg.gather @!p1 [hbm4b:s3+s1], $0x80, v5, vm2, $0xb8;
	[tilespmem:$0x1C600] =	vst v63  }
0x1ab: {  	s0 =	simm.s32 @!p1 $0x1D80  }
0x1ac: {  	[tilespmem:s0], [sflag:$0x1] =	stream.indirect_vreg.gather @!p1 [hbm4b:s9+s1], $0x80, v5, vm2, $0xb8;
	[tilespmem:$0x1C600] =	vst v63  }
0x1ad: {  	s0 =	simm.s32 @!p1 $0x2580  }
0x1ae: {  	[tilespmem:s0], [sflag:$0x1] =	stream.indirect_vreg.gather @!p1 [hbm4b:s11+s1], $0x80, v5, vm3, $0xb8;
	[tilespmem:$0x1C600] =	vst v63  }
0x1af: {  	v5 =	vld.msk @!p1 [tilespmem:$0x10], $0xff;
	_ =	sdelay $0x4  }
0x1b0: {  	v7 =	vshrl.u32 @!p1 v5, $0x3  }
0x1b1: {  	v7 =	vmul.u32 @!p1 $0x28, v7  }
0x1b2: {  	v5 =	vand.u32 @!p1 $0x7, v5  }
0x1b3: {  	v5 =	vor.u32 @!p1 v5, v7  }
0x1b4: {  	v5 =	vperm.xlane @!p1 v5, v6;
	_ =	sdelay $0x1  }
0x1b5: {  	v5 =	vadd.s32 @!p1 v8, v5;
	_ =	sdelay $0x3  }
0x1b6: {  	s0 =	simm.s32 @!p1 $0x2980  }
0x1b7: {  	[tilespmem:s0], [sflag:$0x1] =	stream.indirect_vreg.gather @!p1 [hbm4b:s3+s1], $0x80, v5, vm2, $0xb8;
	[tilespmem:$0x1C600] =	vst v63  }
0x1b8: {  	s0 =	simm.s32 @!p1 $0x3180  }
0x1b9: {  	[tilespmem:s0], [sflag:$0x1] =	stream.indirect_vreg.gather @!p1 [hbm4b:s9+s1], $0x80, v5, vm2, $0xb8;
	[tilespmem:$0x1C600] =	vst v63  }
0x1ba: {  	s26 =	simm.s32 $0x2;
	s0 =	simm.s32 @!p1 $0x3980  }
0x1bb: {  	[tilespmem:s0], [sflag:$0x1] =	stream.indirect_vreg.gather @!p1 [hbm4b:s11+s1], $0x80, v5, vm3, $0xb8;
	[tilespmem:$0x1C600] =	vst v63  }
0x1bc: {  	_ =	swait.ge [sflag:s26], $0x2800  }
0x1bd: {  	[sflag:s26] =	ssyncset.done $0x0  }
0x1be: {  	s28 =	simm.s32 $0x7310;
	s29 =	simm.s32 $0x0;
	[sflag:s26] =	ssyncadd.s32 $0xFFFFD800  }
0x1bf: {  	s2 =	smul.u32 $0x5000, s29;
	v5 =	vld [tilespmem:s28+$0x0]  }
0x1c0: {  	s8 =	simm.s32 $0x0;
	v8 =	vld [tilespmem:s28+$0xFFFFFE70]  }
0x1c1: {  	s2 =	sshra.s32 s2, $0x2;
	s1 =	sand.u32 $0x200, s8;
	v7 =	vld [tilespmem:s28+$0xFFFFFEF0]  }
0x1c2: {  	s6 =	sadd.s32 $0x4D80, s2;
	s7 =	sor.u32 $0x180, s1;
	v6 =	vld [tilespmem:s28+$0xFFFFFF70]  }
0x1c3: {  	s4 =	sadd.s32 $0x3D80, s2;
	s30 =	sadd.s32 s7, s6;
	v10 =	vld [tilespmem:s28+$0xFFFFFFF0]  }
0x1c4: {  	s31 =	sadd.s32 s7, s4;
	v11 =	vld [tilespmem:s30+$0x0]  }
0x1c5: {  	v12 =	vld [tilespmem:s31+$0x0]  }
0x1c6: {  	v13 =	vld [tilespmem:s31+$0x10]  }
0x1c7: {  	v14 =	vld [tilespmem:s31+$0x20]  }
0x1c8: {  	v15 =	vld [tilespmem:s31+$0x30];
	v9 =	vbroadcast v5, $0xE  }
0x1c9: {  	v16 =	vld [tilespmem:s31+$0x40];
	v20 =	vbroadcast v5, $0xA;
	v22 =	vbroadcast v5, $0xC  }
0x1ca: {  	v17 =	vld [tilespmem:s31+$0x50];
	v23 =	vbroadcast v5, $0x6;
	v25 =	vbroadcast v5, $0x8  }
0x1cb: {  	s15 =	sadd.s32 $0x4180, s2;
	v18 =	vld [tilespmem:s31+$0x60];
	v26 =	vbroadcast v5, $0x2;
	v28 =	vbroadcast v5, $0x4  }
0x1cc: {  	s12 =	sadd.s32 s7, s15;
	v19 =	vld [tilespmem:s31+$0x70];
	v29 =	vbroadcast v10, $0x1;
	v31 =	vbroadcast v10, $0xE  }
0x1cd: {  	v21 =	vld [tilespmem:s12+$0x0];
	v32 =	vbroadcast v10, $0x4;
	v55 =	vbroadcast v10, $0x3  }
0x1ce: {  	v24 =	vld [tilespmem:s12+$0x10];
	v35 =	vbroadcast v10, $0x0;
	v36 =	vbroadcast v10, $0x2  }
0x1cf: {  	v27 =	vld [tilespmem:s12+$0x20];
	v58 =	vbroadcast v10, $0x7;
	v59 =	vbroadcast v10, $0x9  }
0x1d0: {  	v30 =	vld [tilespmem:s12+$0x30];
	v60 =	vbroadcast v10, $0x8;
	v62 =	vbroadcast v10, $0xA  }
0x1d1: {  	v33 =	vld [tilespmem:s12+$0x40];
	v63 =	vbroadcast v10, $0xD;
	v39 =	vbroadcast v10, $0xC  }
0x1d2: {  	v34 =	vld [tilespmem:s12+$0x50];
	v41 =	vbroadcast v5, $0x0;
	v43 =	vbroadcast v5, $0x1  }
0x1d3: {  	s14 =	sadd.s32 $0x4580, s2;
	v37 =	vld [tilespmem:s12+$0x60];
	v47 =	vbroadcast v5, $0x3;
	v13 =	vmul.f32 v13, v29  }
0x1d4: {  	s13 =	sadd.s32 s7, s14;
	v56 =	vld [tilespmem:s12+$0x70];
	v48 =	vbroadcast v5, $0x5;
	v52 =	vbroadcast v5, $0xD  }
0x1d5: {  	s2 =	sadd.s32 $0x4980, s2;
	v57 =	vld [tilespmem:s13+$0x0];
	v15 =	vmul.f32 v15, v55;
	v11 =	vadd.f32 v13, v11;
	v13 =	vbroadcast v10, $0x5  }
0x1d6: {  	s7 =	sadd.s32 s7, s2;
	v61 =	vld [tilespmem:s13+$0x50];
	v12 =	vmul.f32 v12, v35;
	v14 =	vmul.f32 v14, v36  }
0x1d7: {  	v40 =	vld [tilespmem:s7+$0x10];
	v54 =	vbroadcast v6, $0x1;
	v11 =	vadd.f32 v15, v11;
	v13 =	vmul.f32 v17, v13  }
0x1d8: {  	v42 =	vld [tilespmem:s7+$0x20];
	v16 =	vmul.f32 v16, v32;
	v12 =	vadd.f32 v14, v12;
	v17 =	vbroadcast v10, $0x6  }
0x1d9: {  	v49 =	vld [tilespmem:s7+$0x60];
	v38 =	vbroadcast v6, $0x4;
	v11 =	vadd.f32 v13, v11;
	v13 =	vmul.f32 v19, v58  }
0x1da: {  	v21 =	vmul.f32 v21, v60;
	v14 =	vld [tilespmem:s13+$0x20];
	v12 =	vadd.f32 v16, v12;
	v17 =	vmul.f32 v18, v17  }
0x1db: {  	v15 =	vld [tilespmem:s13+$0x10];
	v18 =	vbroadcast v10, $0xB;
	v11 =	vadd.f32 v13, v11;
	v13 =	vmul.f32 v24, v59  }
0x1dc: {  	v27 =	vmul.f32 v27, v62;
	v44 =	vmul.f32 v37, v31;
	v16 =	vld [tilespmem:s13+$0x40];
	v12 =	vadd.f32 v17, v12  }
0x1dd: {  	v45 =	vmul.f32 v57, v41;
	v19 =	vld [tilespmem:s13+$0x30];
	v11 =	vadd.f32 v13, v11;
	v13 =	vmul.f32 v30, v18  }
0x1de: {  	v20 =	vmul.f32 v42, v20;
	v9 =	vmul.f32 v49, v9;
	v17 =	vld [tilespmem:s13+$0x60];
	v12 =	vadd.f32 v21, v12  }
0x1df: {  	s17 =	sor.u32 $0x100, s1;
	v10 =	vbroadcast v10, $0xF;
	v18 =	vld [tilespmem:s13+$0x70];
	s13 =	sor.u32 $0x80, s1;
	v11 =	vadd.f32 v13, v11;
	v13 =	vmul.f32 v34, v63  }
0x1e0: {  	s19 =	sor.u32 s1, s4;
	v46 =	vld [tilespmem:s7+$0x40];
	v57 =	vbroadcast v7, $0x0;
	v30 =	vmul.f32 v33, v39;
	s20 =	sadd.s32 s13, s4;
	s4 =	sadd.s32 s17, s4;
	v12 =	vadd.f32 v27, v12  }
0x1e1: {  	v49 =	vbroadcast v7, $0x8;
	v10 =	vmul.f32 v56, v10;
	v60 =	vld [tilespmem:s4+$0x20];
	v11 =	vadd.f32 v13, v11  }
0x1e2: {  	s12 =	sor.u32 s1, s6;
	v50 =	vld [tilespmem:s7+$0x70];
	v14 =	vmul.f32 v14, v26;
	v24 =	vmul.f32 v61, v48;
	v12 =	vadd.f32 v30, v12  }
0x1e3: {  	v51 =	vld [tilespmem:s12+$0x0];
	v59 =	vbroadcast v7, $0x3;
	v61 =	vbroadcast v6, $0x2;
	v10 =	vadd.f32 v10, v11  }
0x1e4: {  	v16 =	vmul.f32 v16, v28;
	v21 =	vld [tilespmem:s7+$0x0];
	v11 =	vmul.f32 v15, v43;
	v12 =	vadd.f32 v44, v12  }
0x1e5: {  	v55 =	vld [tilespmem:s19+$0x30];
	v19 =	vmul.f32 v19, v47;
	v34 =	vbroadcast v7, $0x4;
	v10 =	vadd.f32 v45, v10  }
0x1e6: {  	v56 =	vld [tilespmem:s20+$0x30];
	v43 =	vbroadcast v7, $0x6;
	v37 =	vmul.f32 v60, v61;
	v11 =	vadd.f32 v11, v12  }
0x1e7: {  	v13 =	vld [tilespmem:s7+$0x30];
	v61 =	vbroadcast v8, $0xC;
	v12 =	vbroadcast v5, $0x7;
	v10 =	vadd.f32 v14, v10  }
0x1e8: {  	s21 =	sor.u32 s1, s15;
	v15 =	vld [tilespmem:s7+$0x50];
	v14 =	vmul.f32 v17, v23;
	v17 =	vbroadcast v5, $0x9;
	v11 =	vadd.f32 v19, v11  }
0x1e9: {  	v48 =	vld [tilespmem:s21+$0x10];
	v12 =	vmul.f32 v18, v12;
	v18 =	vmul.f32 v21, v25;
	v10 =	vadd.f32 v16, v10  }
0x1ea: {  	v53 =	vld [tilespmem:s20+$0x10];
	v16 =	vbroadcast v5, $0xB;
	v17 =	vmul.f32 v40, v17;
	v11 =	vadd.f32 v24, v11  }
0x1eb: {  	v21 =	vld [tilespmem:s19+$0x10];
	v5 =	vbroadcast v5, $0xF;
	v24 =	vmul.f32 v56, v59;
	v10 =	vadd.f32 v14, v10  }
0x1ec: {  	s18 =	sadd.s32 s13, s6;
	v13 =	vmul.f32 v13, v16;
	v14 =	vmul.f32 v46, v22;
	v16 =	vld [tilespmem:s4+$0x10];
	v11 =	vadd.f32 v12, v11  }
0x1ed: {  	s6 =	sadd.s32 s17, s6;
	v23 =	vld [tilespmem:s18+$0x0];
	v12 =	vmul.f32 v15, v52;
	v5 =	vmul.f32 v50, v5;
	v10 =	vadd.f32 v18, v10  }
0x1ee: {  	v19 =	vld [tilespmem:s6+$0x0];
	v18 =	vbroadcast v8, $0x1;
	v11 =	vadd.f32 v17, v11;
	v17 =	vbroadcast v7, $0x1  }
0x1ef: {  	v47 =	vld [tilespmem:s21+$0x0];
	v46 =	vbroadcast v6, $0x6;
	v52 =	vbroadcast v6, $0x8;
	v10 =	vadd.f32 v20, v10  }
0x1f0: {  	v15 =	vld [tilespmem:s19+$0x0];
	v18 =	vmul.f32 v21, v18;
	v11 =	vadd.f32 v13, v11;
	v13 =	vmul.f32 v53, v17  }
0x1f1: {  	v36 =	vld [tilespmem:s20+$0x50];
	v21 =	vbroadcast v8, $0x2;
	v16 =	vmul.f32 v16, v54;
	v10 =	vadd.f32 v14, v10  }
0x1f2: {  	v20 =	vld [tilespmem:s20+$0x0];
	v14 =	vbroadcast v8, $0x0;
	v11 =	vadd.f32 v12, v11;
	v12 =	vbroadcast v8, $0x3  }
0x1f3: {  	v22 =	vld [tilespmem:s19+$0x20];
	v13 =	vadd.f32 v13, v23;
	v23 =	vbroadcast v8, $0x4;
	v16 =	vadd.f32 v16, v19  }
0x1f4: {  	v17 =	vld [tilespmem:s20+$0x20];
	v19 =	vbroadcast v7, $0x5;
	v9 =	vadd.f32 v9, v10;
	v10 =	vbroadcast v7, $0x2  }
0x1f5: {  	v58 =	vld [tilespmem:s4+$0x0];
	v5 =	vadd.f32 v5, v11;
	v11 =	vbroadcast v6, $0x0;
	v14 =	vmul.f32 v15, v14  }
0x1f6: {  	v62 =	vld [tilespmem:s4+$0x30];
	v18 =	vadd.f32 v18, v51;
	v15 =	vbroadcast v6, $0x3;
	v12 =	vmul.f32 v55, v12  }
0x1f7: {  	v63 =	vld [tilespmem:s19+$0x40];
	v13 =	vadd.f32 v24, v13;
	v20 =	vmul.f32 v20, v57;
	v19 =	vmul.f32 v36, v19  }
0x1f8: {  	v35 =	vld [tilespmem:s20+$0x40];
	v36 =	vbroadcast v7, $0xD;
	v5 =	vadd.f32 v5, v9;
	v9 =	vmul.f32 v22, v21  }
0x1f9: {  	v39 =	vld [tilespmem:s4+$0x40];
	v10 =	vmul.f32 v17, v10;
	v12 =	vadd.f32 v12, v18;
	v18 =	vbroadcast v8, $0x5  }
0x1fa: {  	s23 =	sadd.s32 s17, s15;
	v40 =	vld [tilespmem:s4+$0x50];
	v11 =	vmul.f32 v58, v11;
	v58 =	vbroadcast v6, $0xA  }
0x1fb: {  	v57 =	vld [tilespmem:s23+$0x20];
	v13 =	vadd.f32 v19, v13;
	v19 =	vbroadcast v8, $0x8;
	v9 =	vadd.f32 v9, v14  }
0x1fc: {  	v21 =	vld [tilespmem:s19+$0x50];
	v14 =	vmul.f32 v62, v15;
	v15 =	vbroadcast v6, $0x5;
	v10 =	vadd.f32 v10, v20  }
0x1fd: {  	v17 =	vld [tilespmem:s19+$0x60];
	v20 =	vmul.f32 v63, v23;
	v23 =	vbroadcast v8, $0x6;
	v11 =	vadd.f32 v37, v11  }
0x1fe: {  	v41 =	vld [tilespmem:s20+$0x60];
	v37 =	vbroadcast v6, $0xC;
	v14 =	vadd.f32 v14, v16;
	v16 =	vmul.f32 v35, v34  }
0x1ff: {  	v42 =	vld [tilespmem:s20+$0x70];
	v9 =	vadd.f32 v20, v9;
	v20 =	vbroadcast v7, $0x7;
	v15 =	vmul.f32 v40, v15  }
0x200: {  	v44 =	vld [tilespmem:s4+$0x60];
	v25 =	vmul.f32 v57, v58;
	v40 =	vbroadcast v8, $0xF  }
0x201: {  	v45 =	vld [tilespmem:s4+$0x70];
	v18 =	vmul.f32 v21, v18;
	v21 =	vbroadcast v8, $0x7  }
0x202: {  	v22 =	vld [tilespmem:s19+$0x70];
	v17 =	vmul.f32 v17, v23;
	v10 =	vadd.f32 v16, v10;
	v16 =	vbroadcast v6, $0x7  }
0x203: {  	s22 =	sadd.s32 s13, s15;
	v60 =	vld [tilespmem:s21+$0x50];
	v14 =	vadd.f32 v15, v14;
	v15 =	vmul.f32 v41, v43;
	v12 =	vadd.f32 v18, v12  }
0x204: {  	v23 =	vld [tilespmem:s22+$0x0];
	v18 =	vmul.f32 v39, v38;
	v9 =	vadd.f32 v17, v9;
	v17 =	vmul.f32 v42, v20  }
0x205: {  	v53 =	vld [tilespmem:s21+$0x20];
	v20 =	vbroadcast v7, $0x9;
	v38 =	vbroadcast v8, $0xE;
	v10 =	vadd.f32 v15, v10  }
0x206: {  	v51 =	vld [tilespmem:s23+$0x10];
	v15 =	vmul.f32 v45, v16;
	v16 =	vbroadcast v6, $0x9;
	v11 =	vadd.f32 v18, v11  }
0x207: {  	v56 =	vld [tilespmem:s22+$0x30];
	v18 =	vmul.f32 v22, v21;
	v21 =	vbroadcast v8, $0x9;
	v13 =	vadd.f32 v17, v13  }
0x208: {  	v22 =	vld [tilespmem:s22+$0x10];
	v17 =	vmul.f32 v47, v19;
	v19 =	vbroadcast v8, $0xA;
	v14 =	vadd.f32 v15, v14  }
0x209: {  	v50 =	vld [tilespmem:s23+$0x0];
	v15 =	vmul.f32 v23, v49;
	v23 =	vbroadcast v7, $0xA;
	v12 =	vadd.f32 v18, v12  }
0x20a: {  	v55 =	vld [tilespmem:s22+$0x20];
	v18 =	vmul.f32 v44, v46;
	v17 =	vadd.f32 v17, v9;
	v19 =	vmul.f32 v53, v19  }
0x20b: {  	v54 =	vld [tilespmem:s21+$0x30];
	v10 =	vadd.f32 v15, v10;
	v15 =	vmul.f32 v51, v16;
	v16 =	vbroadcast v6, $0xB  }
0x20c: {  	v59 =	vld [tilespmem:s21+$0x40];
	v11 =	vadd.f32 v18, v11;
	v18 =	vmul.f32 v48, v21;
	v21 =	vbroadcast v8, $0xB  }
0x20d: {  	v17 =	vadd.f32 v19, v17;
	v9 =	vmul.f32 v22, v20;
	v20 =	vbroadcast v7, $0xB;
	v22 =	vld [tilespmem:s23+$0x30]  }
0x20e: {  	v62 =	vld [tilespmem:s21+$0x60];
	v14 =	vadd.f32 v15, v14;
	v12 =	vadd.f32 v18, v12;
	v18 =	vmul.f32 v50, v52  }
0x20f: {  	v15 =	vmul.f32 v55, v23;
	v13 =	vadd.f32 v9, v13;
	v19 =	vmul.f32 v56, v20;
	v20 =	vld [tilespmem:s22+$0x40]  }
0x210: {  	v23 =	vbroadcast v7, $0xC;
	v9 =	vld [tilespmem:s28+$0xFFFFFE80];
	v11 =	vadd.f32 v18, v11;
	v18 =	vmul.f32 v54, v21  }
0x211: {  	v63 =	vld [tilespmem:s21+$0x70];
	v21 =	vbroadcast v8, $0xD;
	v13 =	vadd.f32 v19, v13;
	v19 =	vmul.f32 v59, v61  }
0x212: {  	v10 =	vadd.f32 v15, v10;
	v8 =	vld [tilespmem:s28+$0xFFFFFF00];
	v15 =	vmul.f32 v22, v16;
	v22 =	vbroadcast v6, $0xD  }
0x213: {  	v39 =	vld [tilespmem:s23+$0x50];
	v21 =	vmul.f32 v60, v21;
	v17 =	vadd.f32 v19, v17;
	v19 =	vbroadcast v6, $0xE  }
0x214: {  	v42 =	vld [tilespmem:s22+$0x70];
	v14 =	vadd.f32 v15, v14;
	v15 =	vmul.f32 v20, v23;
	v20 =	vbroadcast v7, $0xE  }
0x215: {  	v12 =	vadd.f32 v18, v12;
	v18 =	vld [tilespmem:s22+$0x50];
	v7 =	vbroadcast v7, $0xF;
	v43 =	vbroadcast v9, $0x0  }
0x216: {  	v16 =	vld [tilespmem:s23+$0x40];
	v44 =	vbroadcast v9, $0x1;
	v55 =	vbroadcast v9, $0x4  }
0x217: {  	v41 =	vld [tilespmem:s22+$0x60];
	v50 =	vbroadcast v8, $0x2;
	v52 =	vbroadcast v8, $0x3  }
0x218: {  	v12 =	vadd.f32 v21, v12;
	v21 =	vld [tilespmem:s23+$0x60];
	v57 =	vbroadcast v8, $0x4;
	v58 =	vbroadcast v8, $0x5  }
0x219: {  	v23 =	vld [tilespmem:s23+$0x70];
	v10 =	vadd.f32 v15, v10;
	v15 =	vmul.f32 v39, v22;
	v22 =	vbroadcast v6, $0xF  }
0x21a: {  	s26 =	sor.u32 s1, s14;
	v11 =	vadd.f32 v25, v11;
	v7 =	vmul.f32 v42, v7;
	v18 =	vmul.f32 v18, v36  }
0x21b: {  	s29 =	sadd.s32 s17, s14;
	v45 =	vld [tilespmem:s26+$0x0];
	v42 =	vbroadcast v9, $0x9;
	v16 =	vmul.f32 v16, v37;
	v14 =	vadd.f32 v15, v14  }
0x21c: {  	v49 =	vld [tilespmem:s29+$0x10];
	v15 =	vmul.f32 v41, v20;
	v20 =	vbroadcast v8, $0x0;
	v13 =	vadd.f32 v18, v13  }
0x21d: {  	v6 =	vld [tilespmem:s28+$0xFFFFFF80];
	v18 =	vmul.f32 v62, v38;
	v11 =	vadd.f32 v16, v11;
	v16 =	vmul.f32 v63, v40  }
0x21e: {  	v46 =	vld [tilespmem:s26+$0x10];
	v19 =	vmul.f32 v21, v19;
	v22 =	vmul.f32 v23, v22  }
0x21f: {  	v53 =	vld [tilespmem:s26+$0x30];
	v62 =	vbroadcast v9, $0x6;
	v63 =	vbroadcast v8, $0x6  }
0x220: {  	v51 =	vld [tilespmem:s26+$0x20];
	v40 =	vbroadcast v9, $0x8;
	v10 =	vadd.f32 v15, v10;
	v15 =	vbroadcast v9, $0x3  }
0x221: {  	v56 =	vld [tilespmem:s29+$0x30];
	s28 =	sadd.s32 s13, s14;
	v17 =	vadd.f32 v18, v17;
	v18 =	vbroadcast v8, $0x1;
	v12 =	vadd.f32 v16, v12  }
0x222: {  	v47 =	vld [tilespmem:s28+$0x0];
	v16 =	vbroadcast v9, $0x2;
	v7 =	vadd.f32 v7, v13;
	v13 =	vbroadcast v6, $0x0  }
0x223: {  	v21 =	vld [tilespmem:s28+$0x10];
	v48 =	vbroadcast v6, $0x1;
	v11 =	vadd.f32 v19, v11;
	v19 =	vmul.f32 v45, v43  }
0x224: {  	v23 =	vld [tilespmem:s29+$0x0];
	v14 =	vadd.f32 v22, v14;
	v22 =	vmul.f32 v46, v44;
	v59 =	vbroadcast v6, $0x4  }
0x225: {  	v54 =	vld [tilespmem:s28+$0x20];
	v39 =	vbroadcast v6, $0x7;
	v43 =	vbroadcast v6, $0x8  }
0x226: {  	v60 =	vld [tilespmem:s28+$0x40];
	v46 =	vbroadcast v9, $0xA;
	v15 =	vmul.f32 v53, v15  }
0x227: {  	v61 =	vld [tilespmem:s28+$0x50];
	v53 =	vbroadcast v9, $0xD;
	v12 =	vadd.f32 v19, v12;
	v19 =	vmul.f32 v47, v20  }
0x228: {  	v36 =	vld [tilespmem:s26+$0x70];
	v20 =	vbroadcast v6, $0x2;
	v18 =	vmul.f32 v21, v18  }
0x229: {  	v17 =	vadd.f32 v22, v17;
	v22 =	vld [tilespmem:s28+$0x30];
	v16 =	vmul.f32 v51, v16;
	v13 =	vmul.f32 v23, v13  }
0x22a: {  	v7 =	vadd.f32 v19, v7;
	v19 =	vld [tilespmem:s29+$0x20];
	v10 =	vadd.f32 v18, v10;
	v18 =	vmul.f32 v49, v48  }
0x22b: {  	v21 =	vbroadcast v6, $0x3;
	v23 =	vbroadcast v9, $0x5;
	v13 =	vadd.f32 v13, v14;
	v14 =	vld [tilespmem:s26+$0x40]  }
0x22c: {  	v12 =	vadd.f32 v16, v12;
	v16 =	vmul.f32 v54, v50;
	v11 =	vadd.f32 v18, v11;
	v18 =	vld [tilespmem:s26+$0x50]  }
0x22d: {  	v37 =	vld [tilespmem:s28+$0x60];
	v54 =	vbroadcast v8, $0xC;
	v48 =	vbroadcast v8, $0xA  }
0x22e: {  	v41 =	vld [tilespmem:s29+$0x70];
	v15 =	vadd.f32 v15, v17;
	v49 =	vbroadcast v8, $0xB;
	v17 =	vmul.f32 v22, v52  }
0x22f: {  	v7 =	vadd.f32 v16, v7;
	v22 =	vbroadcast v6, $0x5;
	v16 =	vmul.f32 v19, v20;
	v19 =	vld [tilespmem:s29+$0x40]  }
0x230: {  	v10 =	vadd.f32 v17, v10;
	v17 =	vmul.f32 v56, v21;
	v21 =	vld [tilespmem:s29+$0x50];
	v14 =	vmul.f32 v14, v55  }
0x231: {  	v52 =	vbroadcast v9, $0xC;
	v13 =	vadd.f32 v16, v13;
	v16 =	vld [tilespmem:s26+$0x60];
	v18 =	vmul.f32 v18, v23  }
0x232: {  	s30 =	sadd.s32 s13, s2;
	v38 =	vld [tilespmem:s28+$0x70];
	v20 =	vbroadcast v9, $0x7;
	v12 =	vadd.f32 v14, v12;
	v14 =	vmul.f32 v60, v57  }
0x233: {  	v44 =	vld [tilespmem:s30+$0x0];
	v11 =	vadd.f32 v17, v11;
	v15 =	vadd.f32 v18, v15;
	v18 =	vmul.f32 v61, v58  }
0x234: {  	v45 =	vld [tilespmem:s30+$0x10];
	v20 =	vmul.f32 v36, v20;
	v7 =	vadd.f32 v14, v7;
	v14 =	vmul.f32 v19, v59  }
0x235: {  	s1 =	sor.u32 s1, s2;
	v23 =	vbroadcast v8, $0x7;
	v19 =	vld [tilespmem:s29+$0x60];
	v10 =	vadd.f32 v18, v10;
	v18 =	vmul.f32 v21, v22  }
0x236: {  	v56 =	vbroadcast v6, $0xC;
	v16 =	vmul.f32 v16, v62;
	v13 =	vadd.f32 v14, v13;
	v14 =	vld [tilespmem:s1+$0x0]  }
0x237: {  	s31 =	sadd.s32 s17, s2;
	v15 =	vadd.f32 v20, v15;
	v20 =	vmul.f32 v38, v23;
	v11 =	vadd.f32 v18, v11;
	v18 =	vld [tilespmem:s1+$0x10]  }
0x238: {  	v47 =	vld [tilespmem:s31+$0x10];
	v17 =	vbroadcast v6, $0x6;
	v12 =	vadd.f32 v16, v12;
	v16 =	vmul.f32 v37, v63  }
0x239: {  	v51 =	vld [tilespmem:s30+$0x30];
	v60 =	vbroadcast v9, $0xE;
	v10 =	vadd.f32 v20, v10;
	v20 =	vmul.f32 v41, v39  }
0x23a: {  	v59 =	vbroadcast v6, $0xD;
	v7 =	vadd.f32 v16, v7;
	v16 =	vmul.f32 v19, v17;
	v17 =	vld [tilespmem:s31+$0x0]  }
0x23b: {  	v21 =	vbroadcast v8, $0x8;
	v11 =	vadd.f32 v20, v11;
	v20 =	vld [tilespmem:s1+$0x30];
	v14 =	vmul.f32 v14, v40  }
0x23c: {  	v22 =	vbroadcast v8, $0x9;
	v13 =	vadd.f32 v16, v13;
	v16 =	vld [tilespmem:s1+$0x20];
	v18 =	vmul.f32 v18, v42  }
0x23d: {  	v50 =	vld [tilespmem:s30+$0x20];
	v23 =	vbroadcast v6, $0x9;
	v12 =	vadd.f32 v14, v12;
	v14 =	vmul.f32 v44, v21  }
0x23e: {  	v55 =	vld [tilespmem:s1+$0x50];
	v19 =	vbroadcast v9, $0xB;
	v15 =	vadd.f32 v18, v15;
	v18 =	vmul.f32 v45, v22  }
0x23f: {  	v9 =	vbroadcast v9, $0xF;
	v7 =	vadd.f32 v14, v7;
	v14 =	vmul.f32 v17, v43;
	v17 =	vld [tilespmem:s31+$0x20]  }
0x240: {  	v21 =	vbroadcast v6, $0xA;
	v10 =	vadd.f32 v18, v10;
	v18 =	vmul.f32 v47, v23;
	v23 =	vld [tilespmem:s31+$0x30]  }
0x241: {  	v19 =	vmul.f32 v20, v19;
	v16 =	vmul.f32 v16, v46;
	v13 =	vadd.f32 v14, v13;
	v14 =	vld [tilespmem:s1+$0x40]  }
0x242: {  	v57 =	vld [tilespmem:s30+$0x40];
	v22 =	vbroadcast v6, $0xB;
	v18 =	vadd.f32 v18, v11;
	v11 =	vmul.f32 v50, v48  }
0x243: {  	v20 =	vbroadcast v8, $0xD;
	v58 =	vadd.f32 v19, v15;
	v19 =	vld [tilespmem:s30+$0x50];
	v16 =	vadd.f32 v16, v12  }
0x244: {  	v12 =	vmul.f32 v51, v49;
	v61 =	vadd.f32 v11, v7;
	v7 =	vmul.f32 v17, v21;
	v17 =	vld [tilespmem:s31+$0x40]  }
0x245: {  	v21 =	vld [tilespmem:s31+$0x50];
	v11 =	vbroadcast v8, $0xE;
	v15 =	vmul.f32 v23, v22  }
0x246: {  	v10 =	vadd.f32 v12, v10;
	v12 =	vbroadcast v8, $0xF;
	v14 =	vmul.f32 v14, v52;
	v22 =	vld [tilespmem:s1+$0x60]  }
0x247: {  	v62 =	vadd.f32 v7, v13;
	v7 =	vmul.f32 v55, v53;
	v15 =	vadd.f32 v15, v18;
	v18 =	vld [tilespmem:s1+$0x70]  }
0x248: {  	v20 =	vmul.f32 v19, v20;
	v19 =	vld [tilespmem:s30+$0x60];
	v8 =	vadd.f32 v14, v16;
	v14 =	vmul.f32 v57, v54  }
0x249: {  	v13 =	vbroadcast v6, $0xE;
	v16 =	vadd.f32 v7, v58;
	v7 =	vld [tilespmem:s30+$0x70];
	v63 =	vmul.f32 v17, v56  }
0x24a: {  	s10 =	simm.s32 $0x8700;
	v17 =	vadd.f32 v14, v61;
	v14 =	vadd.f32 v20, v10;
	v20 =	vld [tilespmem:s31+$0x60];
	v23 =	vmul.f32 v21, v59  }
0x24b: {  	[tilespmem:s10+$0x0] =	vst v5;
	s13 =	simm.s32 $0x0;
	s14 =	simm.s32 $0x7510;
	v6 =	vbroadcast v6, $0xF;
	v21 =	vld [tilespmem:s31+$0x70];
	v22 =	vmul.f32 v22, v60;
	v5 =	vadd.f32 v63, v62  }
.LBB2_7:
0x24c: {  	s13 =	sadd.s32 $0x4, s13;
	v10 =	vld [tilespmem:s14+$0x0];
	v18 =	vmul.f32 v18, v9;
	v15 =	vadd.f32 v23, v15  }
0x24d: {  	v9 =	vld [tilespmem:s14+$0xFFFFFE70];
	s0 =	sshrl.u32 s13, $0x3;
	v22 =	vadd.f32 v22, v8;
	v11 =	vmul.f32 v19, v11  }
0x24e: {  	p1 =	slt.u32 s13, $0xC;
	s0 =	smul.u32 $0x5000, s0;
	v8 =	vld [tilespmem:s14+$0xFFFFFEF0];
	v16 =	vadd.f32 v18, v16;
	v12 =	vmul.f32 v7, v12  }
0x24f: {  	s8 =	sadd.s32 $0x200, s8;
	v7 =	vld [tilespmem:s14+$0xFFFFFF70];
	v17 =	vadd.f32 v11, v17;
	v13 =	vmul.f32 v20, v13  }
0x250: {  	s1 =	sand.u32 $0x200, s8;
	s7 =	sshra.s32 s0, $0x2;
	v18 =	vld [tilespmem:s14+$0xFFFFFFF0];
	v16 =	vadd.f32 v16, v22;
	v19 =	vadd.f32 v12, v14;
	v14 =	vmul.f32 v21, v6  }
0x251: {  	s12 =	sor.u32 $0x80, s1;
	s2 =	sor.u32 $0x180, s1;
	v6 =	vld [tilespmem:s14+$0xFFFFFE80];
	s0 =	sadd.s32 $0x4D80, s7;
	v11 =	vbroadcast v10, $0xE;
	v20 =	vadd.f32 v13, v5  }
0x252: {  	s18 =	sor.u32 $0x100, s1;
	s4 =	sadd.s32 $0x3D80, s7;
	v13 =	vbroadcast v10, $0xA;
	v12 =	vbroadcast v10, $0xC;
	v5 =	vld [tilespmem:s14+$0xFFFFFF00];
	s6 =	sadd.s32 s2, s0;
	[tilespmem:s10+$0xFFFFFE80] =	vst v16;
	v16 =	vadd.f32 v14, v15  }
0x253: {  	s22 =	sor.u32 s1, s4;
	s31 =	sadd.s32 s12, s4;
	s15 =	sadd.s32 s2, s4;
	v15 =	vbroadcast v10, $0x6;
	v14 =	vbroadcast v10, $0x8;
	v17 =	vadd.f32 v19, v17;
	v21 =	vld [tilespmem:s6+$0x0]  }
0x254: {  	v22 =	vbroadcast v10, $0x2;
	v23 =	vbroadcast v10, $0x4;
	s23 =	sadd.s32 s12, s0;
	s19 =	sadd.s32 s18, s4;
	s6 =	sor.u32 s1, s0;
	v19 =	vld [tilespmem:s15+$0x0];
	v16 =	vadd.f32 v16, v20  }
0x255: {  	v25 =	vbroadcast v10, $0x0;
	s4 =	sadd.s32 s18, s0;
	v20 =	vld [tilespmem:s15+$0x10];
	v24 =	vbroadcast v18, $0xE;
	[tilespmem:s10+$0xFFFFFF00] =	vst v17  }
0x256: {  	v26 =	vbroadcast v18, $0xA;
	v27 =	vbroadcast v18, $0xC;
	v17 =	vld [tilespmem:s15+$0x20];
	[tilespmem:s10+$0xFFFFFF80] =	vst v16  }
0x257: {  	v28 =	vbroadcast v18, $0x6;
	v29 =	vbroadcast v18, $0x8;
	v16 =	vld [tilespmem:s15+$0x30]  }
0x258: {  	v30 =	vbroadcast v18, $0x1;
	v32 =	vbroadcast v18, $0x4;
	v31 =	vld [tilespmem:s15+$0x40]  }
0x259: {  	v33 =	vbroadcast v18, $0x0;
	v34 =	vbroadcast v18, $0x2;
	v35 =	vld [tilespmem:s15+$0x50]  }
0x25a: {  	s20 =	sadd.s32 $0x4180, s7;
	v20 =	vmul.f32 v20, v30;
	v30 =	vbroadcast v18, $0x3;
	v36 =	vld [tilespmem:s15+$0x60]  }
0x25b: {  	s17 =	sor.u32 s1, s20;
	s0 =	sadd.s32 s12, s20;
	v19 =	vmul.f32 v19, v33;
	v33 =	vbroadcast v18, $0x5;
	v37 =	vld [tilespmem:s15+$0x70];
	s15 =	sadd.s32 s2, s20  }
0x25c: {  	s30 =	sadd.s32 s18, s20;
	v17 =	vmul.f32 v17, v34;
	v20 =	vadd.f32 v20, v21;
	v16 =	vmul.f32 v16, v30;
	v21 =	vld [tilespmem:s15+$0x0]  }
0x25d: {  	v30 =	vmul.f32 v31, v32;
	v31 =	vbroadcast v18, $0x7;
	v32 =	vld [tilespmem:s15+$0x10]  }
0x25e: {  	v17 =	vadd.f32 v17, v19;
	v16 =	vadd.f32 v16, v20;
	v19 =	vmul.f32 v35, v33;
	v20 =	vld [tilespmem:s15+$0x20]  }
0x25f: {  	v33 =	vbroadcast v18, $0x9;
	v28 =	vmul.f32 v36, v28;
	v34 =	vld [tilespmem:s15+$0x30]  }
0x260: {  	v17 =	vadd.f32 v30, v17;
	v16 =	vadd.f32 v19, v16;
	v19 =	vmul.f32 v37, v31;
	v30 =	vld [tilespmem:s15+$0x40]  }
0x261: {  	v21 =	vmul.f32 v21, v29;
	v29 =	vbroadcast v18, $0xB;
	v31 =	vld [tilespmem:s15+$0x50]  }
0x262: {  	s20 =	sadd.s32 $0x4580, s7;
	v17 =	vadd.f32 v28, v17;
	v16 =	vadd.f32 v19, v16;
	v19 =	vmul.f32 v32, v33;
	v28 =	vld [tilespmem:s15+$0x60]  }
0x263: {  	s29 =	sor.u32 s1, s20;
	s28 =	sadd.s32 s12, s20;
	s21 =	sadd.s32 s2, s20;
	v20 =	vmul.f32 v20, v26;
	v26 =	vbroadcast v18, $0xD;
	v32 =	vld [tilespmem:s15+$0x70]  }
0x264: {  	s26 =	sadd.s32 s18, s20;
	v17 =	vadd.f32 v21, v17;
	v16 =	vadd.f32 v19, v16;
	v19 =	vmul.f32 v34, v29;
	v21 =	vld [tilespmem:s21+$0x0]  }
0x265: {  	v18 =	vbroadcast v18, $0xF;
	v27 =	vmul.f32 v30, v27;
	v29 =	vld [tilespmem:s21+$0x10]  }
0x266: {  	v17 =	vadd.f32 v20, v17;
	v16 =	vadd.f32 v19, v16;
	v19 =	vmul.f32 v31, v26;
	v20 =	vld [tilespmem:s21+$0x20]  }
0x267: {  	v26 =	vbroadcast v10, $0x1;
	v24 =	vmul.f32 v28, v24;
	v28 =	vld [tilespmem:s21+$0x30]  }
0x268: {  	v17 =	vadd.f32 v27, v17;
	v16 =	vadd.f32 v19, v16;
	v18 =	vmul.f32 v32, v18;
	v19 =	vld [tilespmem:s21+$0x40]  }
0x269: {  	v21 =	vmul.f32 v21, v25;
	v25 =	vbroadcast v10, $0x3;
	v27 =	vld [tilespmem:s21+$0x50]  }
0x26a: {  	s7 =	sadd.s32 $0x4980, s7;
	v17 =	vadd.f32 v24, v17;
	v16 =	vadd.f32 v18, v16;
	v18 =	vmul.f32 v29, v26;
	v24 =	vld [tilespmem:s21+$0x60]  }
0x26b: {  	s15 =	sor.u32 s1, s7;
	s1 =	sadd.s32 s12, s7;
	s12 =	sadd.s32 s2, s7;
	v20 =	vmul.f32 v20, v22;
	v22 =	vbroadcast v10, $0x5;
	v26 =	vld [tilespmem:s21+$0x70]  }
0x26c: {  	s2 =	sadd.s32 s18, s7;
	v16 =	vadd.f32 v21, v16;
	v17 =	vadd.f32 v18, v17;
	v18 =	vmul.f32 v28, v25;
	v21 =	vld [tilespmem:s12+$0x0]  }
0x26d: {  	v19 =	vmul.f32 v19, v23;
	v23 =	vbroadcast v10, $0x7;
	v25 =	vld [tilespmem:s12+$0x10]  }
0x26e: {  	v16 =	vadd.f32 v20, v16;
	v17 =	vadd.f32 v18, v17;
	v18 =	vmul.f32 v27, v22;
	v20 =	vld [tilespmem:s12+$0x20]  }
0x26f: {  	v22 =	vbroadcast v10, $0x9;
	v15 =	vmul.f32 v24, v15;
	v24 =	vld [tilespmem:s12+$0x30]  }
0x270: {  	v16 =	vadd.f32 v19, v16;
	v17 =	vadd.f32 v18, v17;
	v18 =	vmul.f32 v26, v23;
	v19 =	vld [tilespmem:s12+$0x40]  }
0x271: {  	v14 =	vmul.f32 v21, v14;
	v21 =	vbroadcast v10, $0xB;
	v23 =	vld [tilespmem:s12+$0x50]  }
0x272: {  	v15 =	vadd.f32 v15, v16;
	v16 =	vadd.f32 v18, v17;
	v17 =	vmul.f32 v25, v22;
	v18 =	vld [tilespmem:s12+$0x60]  }
0x273: {  	v13 =	vmul.f32 v20, v13;
	v20 =	vbroadcast v10, $0xD;
	v22 =	vld [tilespmem:s12+$0x70]  }
0x274: {  	v25 =	vld [tilespmem:s22+$0x10];
	v14 =	vadd.f32 v14, v15;
	v15 =	vadd.f32 v17, v16;
	v16 =	vmul.f32 v24, v21  }
0x275: {  	v10 =	vbroadcast v10, $0xF;
	v17 =	vld [tilespmem:s31+$0x10];
	v12 =	vmul.f32 v19, v12  }
0x276: {  	v19 =	vld [tilespmem:s19+$0x10];
	v13 =	vadd.f32 v13, v14;
	v14 =	vadd.f32 v16, v15;
	v15 =	vmul.f32 v23, v20  }
0x277: {  	v20 =	vbroadcast v9, $0x1;
	v16 =	vld [tilespmem:s6+$0x0];
	v11 =	vmul.f32 v18, v11  }
0x278: {  	v18 =	vld [tilespmem:s22+$0x0];
	v12 =	vadd.f32 v12, v13;
	v13 =	vadd.f32 v15, v14;
	v10 =	vmul.f32 v22, v10  }
0x279: {  	v21 =	vbroadcast v7, $0x1;
	v15 =	vbroadcast v8, $0x1;
	v14 =	vld [tilespmem:s22+$0x20]  }
0x27a: {  	v20 =	vmul.f32 v25, v20;
	v22 =	vld [tilespmem:s22+$0x30];
	v11 =	vadd.f32 v11, v12;
	v10 =	vadd.f32 v10, v13  }
0x27b: {  	v13 =	vmul.f32 v17, v15;
	v12 =	vld [tilespmem:s23+$0x0];
	v15 =	vmul.f32 v19, v21  }
0x27c: {  	v17 =	vbroadcast v9, $0x0;
	v19 =	vbroadcast v9, $0x2;
	v21 =	vld [tilespmem:s31+$0x0];
	v10 =	vadd.f32 v10, v11  }
0x27d: {  	s10 =	sadd.s32 $0x200, s10;
	v11 =	vadd.f32 v20, v16;
	v16 =	vbroadcast v9, $0x3;
	v20 =	vbroadcast v8, $0x0;
	v23 =	vld [tilespmem:s31+$0x20]  }
0x27e: {  	v26 =	vbroadcast v8, $0x3;
	v24 =	vbroadcast v8, $0x2;
	v25 =	vld [tilespmem:s31+$0x30];
	[tilespmem:s10+$0x0] =	vst v10  }
0x27f: {  	v28 =	vbroadcast v7, $0x2;
	v27 =	vbroadcast v7, $0x0;
	v10 =	vld [tilespmem:s4+$0x0]  }
0x280: {  	v17 =	vmul.f32 v18, v17;
	v18 =	vbroadcast v7, $0x3;
	v12 =	vadd.f32 v13, v12;
	v13 =	vld [tilespmem:s19+$0x0]  }
0x281: {  	v14 =	vmul.f32 v14, v19;
	v16 =	vmul.f32 v22, v16;
	v19 =	vld [tilespmem:s19+$0x20]  }
0x282: {  	v20 =	vmul.f32 v21, v20;
	v21 =	vmul.f32 v23, v24;
	v22 =	vld [tilespmem:s19+$0x30]  }
0x283: {  	v11 =	vadd.f32 v16, v11;
	v23 =	vbroadcast v9, $0x4;
	v16 =	vld [tilespmem:s22+$0x40];
	v24 =	vmul.f32 v25, v26  }
0x284: {  	v29 =	vbroadcast v8, $0x4;
	v26 =	vbroadcast v9, $0x5;
	v25 =	vld [tilespmem:s22+$0x50];
	v10 =	vadd.f32 v15, v10  }
0x285: {  	v12 =	vadd.f32 v24, v12;
	v15 =	vld [tilespmem:s31+$0x40];
	v24 =	vbroadcast v8, $0x5;
	v13 =	vmul.f32 v13, v27  }
0x286: {  	v14 =	vadd.f32 v14, v17;
	v27 =	vbroadcast v7, $0x4;
	v17 =	vld [tilespmem:s31+$0x50];
	v19 =	vmul.f32 v19, v28  }
0x287: {  	v20 =	vadd.f32 v21, v20;
	v18 =	vmul.f32 v22, v18;
	v21 =	vld [tilespmem:s19+$0x40];
	v22 =	vbroadcast v7, $0x5  }
0x288: {  	v16 =	vmul.f32 v16, v23;
	v23 =	vbroadcast v9, $0x6;
	v13 =	vadd.f32 v19, v13;
	v19 =	vld [tilespmem:s19+$0x50]  }
0x289: {  	v28 =	vbroadcast v9, $0x7;
	v25 =	vmul.f32 v25, v26;
	v26 =	vld [tilespmem:s22+$0x60];
	v10 =	vadd.f32 v18, v10  }
0x28a: {  	v18 =	vbroadcast v8, $0x6;
	v14 =	vadd.f32 v16, v14;
	v16 =	vld [tilespmem:s22+$0x70];
	v15 =	vmul.f32 v15, v29  }
0x28b: {  	v11 =	vadd.f32 v25, v11;
	v17 =	vmul.f32 v17, v24;
	v24 =	vld [tilespmem:s31+$0x60];
	v25 =	vbroadcast v8, $0x7  }
0x28c: {  	v15 =	vadd.f32 v15, v20;
	v20 =	vld [tilespmem:s31+$0x70];
	v21 =	vmul.f32 v21, v27;
	v27 =	vbroadcast v7, $0x6  }
0x28d: {  	v12 =	vadd.f32 v17, v12;
	v17 =	vmul.f32 v19, v22;
	v19 =	vld [tilespmem:s19+$0x60];
	v22 =	vbroadcast v7, $0x7  }
0x28e: {  	v23 =	vmul.f32 v26, v23;
	v26 =	vbroadcast v9, $0x8;
	v13 =	vadd.f32 v21, v13;
	v21 =	vld [tilespmem:s19+$0x70]  }
0x28f: {  	v29 =	vbroadcast v9, $0x9;
	v16 =	vmul.f32 v16, v28;
	v28 =	vld [tilespmem:s17+$0x0];
	v10 =	vadd.f32 v17, v10  }
0x290: {  	v14 =	vadd.f32 v23, v14;
	v17 =	vld [tilespmem:s17+$0x10];
	v18 =	vmul.f32 v24, v18;
	v23 =	vbroadcast v8, $0x8  }
0x291: {  	v24 =	vbroadcast v8, $0x9;
	v11 =	vadd.f32 v16, v11;
	v16 =	vmul.f32 v20, v25;
	v20 =	vld [tilespmem:s0+$0x0]  }
0x292: {  	v25 =	vbroadcast v7, $0x8;
	v15 =	vadd.f32 v18, v15;
	v18 =	vld [tilespmem:s0+$0x10];
	v19 =	vmul.f32 v19, v27  }
0x293: {  	v12 =	vadd.f32 v16, v12;
	v16 =	vmul.f32 v21, v22;
	v21 =	vld [tilespmem:s30+$0x0];
	v22 =	vbroadcast v7, $0x9  }
0x294: {  	v27 =	vbroadcast v9, $0xA;
	v26 =	vmul.f32 v28, v26;
	v13 =	vadd.f32 v19, v13;
	v19 =	vld [tilespmem:s30+$0x10]  }
0x295: {  	v17 =	vmul.f32 v17, v29;
	v28 =	vld [tilespmem:s17+$0x20];
	v29 =	vbroadcast v9, $0xB;
	v10 =	vadd.f32 v16, v10  }
0x296: {  	v14 =	vadd.f32 v26, v14;
	v16 =	vld [tilespmem:s17+$0x30];
	v20 =	vmul.f32 v20, v23;
	v23 =	vbroadcast v8, $0xA  }
0x297: {  	v11 =	vadd.f32 v17, v11;
	v17 =	vmul.f32 v18, v24;
	v18 =	vld [tilespmem:s0+$0x20];
	v24 =	vbroadcast v8, $0xB  }
0x298: {  	v15 =	vadd.f32 v20, v15;
	v20 =	vld [tilespmem:s0+$0x30];
	v21 =	vmul.f32 v21, v25;
	v25 =	vbroadcast v7, $0xA  }
0x299: {  	v12 =	vadd.f32 v17, v12;
	v17 =	vmul.f32 v19, v22;
	v19 =	vld [tilespmem:s30+$0x20];
	v22 =	vbroadcast v7, $0xB  }
0x29a: {  	v26 =	vmul.f32 v28, v27;
	v27 =	vbroadcast v9, $0xC;
	v13 =	vadd.f32 v21, v13;
	v21 =	vld [tilespmem:s30+$0x30]  }
0x29b: {  	v16 =	vmul.f32 v16, v29;
	v28 =	vld [tilespmem:s17+$0x40];
	v29 =	vbroadcast v9, $0xD;
	v10 =	vadd.f32 v17, v10  }
0x29c: {  	v14 =	vadd.f32 v26, v14;
	v17 =	vld [tilespmem:s17+$0x50];
	v18 =	vmul.f32 v18, v23;
	v23 =	vbroadcast v8, $0xC  }
0x29d: {  	v11 =	vadd.f32 v16, v11;
	v16 =	vmul.f32 v20, v24;
	v20 =	vld [tilespmem:s0+$0x40];
	v24 =	vbroadcast v8, $0xD  }
0x29e: {  	v15 =	vadd.f32 v18, v15;
	v18 =	vld [tilespmem:s0+$0x50];
	v19 =	vmul.f32 v19, v25;
	v25 =	vbroadcast v7, $0xC  }
0x29f: {  	v12 =	vadd.f32 v16, v12;
	v16 =	vmul.f32 v21, v22;
	v21 =	vld [tilespmem:s30+$0x40];
	v22 =	vbroadcast v7, $0xD  }
0x2a0: {  	v26 =	vmul.f32 v28, v27;
	v27 =	vbroadcast v9, $0xE;
	v13 =	vadd.f32 v19, v13;
	v19 =	vld [tilespmem:s30+$0x50]  }
0x2a1: {  	v9 =	vbroadcast v9, $0xF;
	v17 =	vmul.f32 v17, v29;
	v28 =	vld [tilespmem:s17+$0x60];
	v10 =	vadd.f32 v16, v10  }
0x2a2: {  	v14 =	vadd.f32 v26, v14;
	v16 =	vld [tilespmem:s17+$0x70];
	v20 =	vmul.f32 v20, v23;
	v23 =	vbroadcast v8, $0xE  }
0x2a3: {  	v8 =	vbroadcast v8, $0xF;
	v11 =	vadd.f32 v17, v11;
	v17 =	vmul.f32 v18, v24;
	v18 =	vld [tilespmem:s0+$0x60]  }
0x2a4: {  	v24 =	vbroadcast v7, $0xE;
	v15 =	vadd.f32 v20, v15;
	v20 =	vld [tilespmem:s0+$0x70];
	v21 =	vmul.f32 v21, v25  }
0x2a5: {  	v12 =	vadd.f32 v17, v12;
	v17 =	vmul.f32 v19, v22;
	v19 =	vld [tilespmem:s30+$0x60];
	v22 =	vbroadcast v7, $0xF  }
0x2a6: {  	v26 =	vbroadcast v6, $0x0;
	v25 =	vmul.f32 v28, v27;
	v13 =	vadd.f32 v21, v13;
	v21 =	vld [tilespmem:s30+$0x70]  }
0x2a7: {  	v9 =	vmul.f32 v16, v9;
	v16 =	vbroadcast v6, $0x1;
	v7 =	vld [tilespmem:s14+$0xFFFFFF80];
	v10 =	vadd.f32 v17, v10  }
0x2a8: {  	v14 =	vadd.f32 v25, v14;
	v17 =	vld [tilespmem:s29+$0x0];
	v18 =	vmul.f32 v18, v23;
	v23 =	vbroadcast v5, $0x0  }
0x2a9: {  	v9 =	vadd.f32 v9, v11;
	v11 =	vld [tilespmem:s29+$0x10];
	v8 =	vmul.f32 v20, v8;
	v20 =	vbroadcast v5, $0x1  }
0x2aa: {  	v25 =	vbroadcast v6, $0x2;
	v15 =	vadd.f32 v18, v15;
	v18 =	vld [tilespmem:s28+$0x0];
	v19 =	vmul.f32 v19, v24  }
0x2ab: {  	v24 =	vbroadcast v6, $0x3;
	v8 =	vadd.f32 v8, v12;
	v12 =	vld [tilespmem:s28+$0x10];
	v21 =	vmul.f32 v21, v22  }
0x2ac: {  	v13 =	vadd.f32 v19, v13;
	v19 =	vld [tilespmem:s26+$0x0];
	v22 =	vbroadcast v7, $0x0;
	v27 =	vbroadcast v7, $0x1  }
0x2ad: {  	v17 =	vmul.f32 v17, v26;
	v26 =	vbroadcast v5, $0x2;
	v10 =	vadd.f32 v21, v10;
	v21 =	vld [tilespmem:s26+$0x10]  }
0x2ae: {  	v28 =	vbroadcast v5, $0x3;
	v11 =	vmul.f32 v11, v16;
	v16 =	vld [tilespmem:s29+$0x20]  }
0x2af: {  	v9 =	vadd.f32 v17, v9;
	v17 =	vld [tilespmem:s29+$0x30];
	v18 =	vmul.f32 v18, v23;
	v23 =	vbroadcast v7, $0x2  }
0x2b0: {  	v11 =	vadd.f32 v11, v14;
	v12 =	vmul.f32 v12, v20;
	v14 =	vld [tilespmem:s28+$0x20];
	v20 =	vbroadcast v7, $0x3  }
0x2b1: {  	v29 =	vbroadcast v6, $0x4;
	v8 =	vadd.f32 v18, v8;
	v18 =	vld [tilespmem:s28+$0x30];
	v19 =	vmul.f32 v19, v22  }
0x2b2: {  	v22 =	vbroadcast v6, $0x5;
	v12 =	vadd.f32 v12, v15;
	v15 =	vmul.f32 v21, v27;
	v21 =	vld [tilespmem:s26+$0x20]  }
0x2b3: {  	v16 =	vmul.f32 v16, v25;
	v25 =	vbroadcast v5, $0x4;
	v10 =	vadd.f32 v19, v10;
	v19 =	vld [tilespmem:s26+$0x30]  }
0x2b4: {  	v27 =	vbroadcast v5, $0x5;
	v17 =	vmul.f32 v17, v24;
	v24 =	vld [tilespmem:s29+$0x40];
	v13 =	vadd.f32 v15, v13  }
0x2b5: {  	v9 =	vadd.f32 v16, v9;
	v15 =	vld [tilespmem:s29+$0x50];
	v14 =	vmul.f32 v14, v26;
	v16 =	vbroadcast v7, $0x4  }
0x2b6: {  	v26 =	vbroadcast v7, $0x5;
	v11 =	vadd.f32 v17, v11;
	v17 =	vmul.f32 v18, v28;
	v18 =	vld [tilespmem:s28+$0x40]  }
0x2b7: {  	v28 =	vbroadcast v6, $0x6;
	v8 =	vadd.f32 v14, v8;
	v14 =	vld [tilespmem:s28+$0x50];
	v21 =	vmul.f32 v21, v23  }
0x2b8: {  	v23 =	vbroadcast v6, $0x7;
	v12 =	vadd.f32 v17, v12;
	v17 =	vmul.f32 v19, v20;
	v19 =	vld [tilespmem:s26+$0x40]  }
0x2b9: {  	v20 =	vmul.f32 v24, v29;
	v24 =	vbroadcast v5, $0x6;
	v10 =	vadd.f32 v21, v10;
	v21 =	vld [tilespmem:s26+$0x50]  }
0x2ba: {  	v29 =	vbroadcast v5, $0x7;
	v15 =	vmul.f32 v15, v22;
	v22 =	vld [tilespmem:s29+$0x60];
	v13 =	vadd.f32 v17, v13  }
0x2bb: {  	v9 =	vadd.f32 v20, v9;
	v17 =	vld [tilespmem:s29+$0x70];
	v18 =	vmul.f32 v18, v25;
	v20 =	vbroadcast v7, $0x6  }
0x2bc: {  	v25 =	vbroadcast v7, $0x7;
	v11 =	vadd.f32 v15, v11;
	v14 =	vmul.f32 v14, v27;
	v15 =	vld [tilespmem:s28+$0x60]  }
0x2bd: {  	v27 =	vbroadcast v6, $0x8;
	v8 =	vadd.f32 v18, v8;
	v18 =	vld [tilespmem:s28+$0x70];
	v16 =	vmul.f32 v19, v16  }
0x2be: {  	v19 =	vbroadcast v6, $0x9;
	v12 =	vadd.f32 v14, v12;
	v14 =	vmul.f32 v21, v26;
	v21 =	vld [tilespmem:s26+$0x60]  }
0x2bf: {  	v26 =	vbroadcast v5, $0x8;
	v22 =	vmul.f32 v22, v28;
	v10 =	vadd.f32 v16, v10;
	v16 =	vld [tilespmem:s26+$0x70]  }
0x2c0: {  	v28 =	vbroadcast v5, $0x9;
	v17 =	vmul.f32 v17, v23;
	v23 =	vld [tilespmem:s15+$0x0];
	v13 =	vadd.f32 v14, v13  }
0x2c1: {  	v9 =	vadd.f32 v22, v9;
	v14 =	vld [tilespmem:s15+$0x10];
	v15 =	vmul.f32 v15, v24;
	v22 =	vbroadcast v7, $0x8  }
0x2c2: {  	v24 =	vbroadcast v7, $0x9;
	v11 =	vadd.f32 v17, v11;
	v17 =	vmul.f32 v18, v29;
	v18 =	vld [tilespmem:s1+$0x0]  }
0x2c3: {  	v29 =	vbroadcast v6, $0xA;
	v8 =	vadd.f32 v15, v8;
	v15 =	vld [tilespmem:s1+$0x10];
	v20 =	vmul.f32 v21, v20  }
0x2c4: {  	v21 =	vbroadcast v6, $0xB;
	v12 =	vadd.f32 v17, v12;
	v16 =	vmul.f32 v16, v25;
	v17 =	vld [tilespmem:s2+$0x0]  }
0x2c5: {  	v25 =	vbroadcast v5, $0xA;
	v23 =	vmul.f32 v23, v27;
	v10 =	vadd.f32 v20, v10;
	v20 =	vld [tilespmem:s2+$0x10]  }
0x2c6: {  	v27 =	vbroadcast v5, $0xB;
	v14 =	vmul.f32 v14, v19;
	v19 =	vld [tilespmem:s15+$0x20];
	v13 =	vadd.f32 v16, v13  }
0x2c7: {  	v9 =	vadd.f32 v23, v9;
	v16 =	vld [tilespmem:s15+$0x30];
	v18 =	vmul.f32 v18, v26;
	v23 =	vbroadcast v7, $0xA  }
0x2c8: {  	v26 =	vbroadcast v7, $0xB;
	v11 =	vadd.f32 v14, v11;
	v14 =	vmul.f32 v15, v28;
	v15 =	vld [tilespmem:s1+$0x20]  }
0x2c9: {  	v28 =	vbroadcast v6, $0xC;
	v8 =	vadd.f32 v18, v8;
	v18 =	vld [tilespmem:s1+$0x30];
	v17 =	vmul.f32 v17, v22  }
0x2ca: {  	v22 =	vbroadcast v6, $0xD;
	v12 =	vadd.f32 v14, v12;
	v14 =	vmul.f32 v20, v24;
	v20 =	vld [tilespmem:s2+$0x20]  }
0x2cb: {  	v24 =	vbroadcast v5, $0xC;
	v19 =	vmul.f32 v19, v29;
	v10 =	vadd.f32 v17, v10;
	v17 =	vld [tilespmem:s2+$0x30]  }
0x2cc: {  	v29 =	vbroadcast v5, $0xD;
	v16 =	vmul.f32 v16, v21;
	v21 =	vld [tilespmem:s15+$0x40];
	v13 =	vadd.f32 v14, v13  }
0x2cd: {  	v14 =	vadd.f32 v19, v9;
	v19 =	vld [tilespmem:s15+$0x50];
	v9 =	vmul.f32 v15, v25;
	v25 =	vbroadcast v7, $0xC  }
0x2ce: {  	v30 =	vbroadcast v7, $0xD;
	v16 =	vadd.f32 v16, v11;
	v11 =	vmul.f32 v18, v27;
	v27 =	vld [tilespmem:s1+$0x40]  }
0x2cf: {  	v31 =	vbroadcast v6, $0xE;
	v32 =	vadd.f32 v9, v8;
	v33 =	vld [tilespmem:s1+$0x50];
	v8 =	vmul.f32 v20, v23  }
0x2d0: {  	v9 =	vbroadcast v6, $0xF;
	v20 =	vadd.f32 v11, v12;
	v6 =	vmul.f32 v17, v26;
	v23 =	vld [tilespmem:s2+$0x40]  }
0x2d1: {  	v11 =	vbroadcast v5, $0xE;
	v17 =	vmul.f32 v21, v28;
	v10 =	vadd.f32 v8, v10;
	v21 =	vld [tilespmem:s2+$0x50]  }
0x2d2: {  	v12 =	vbroadcast v5, $0xF;
	v19 =	vmul.f32 v19, v22;
	v22 =	vld [tilespmem:s15+$0x60];
	v15 =	vadd.f32 v6, v13  }
.Ltmp2:
0x2d3: {  	v13 =	vbroadcast v7, $0xE;
	v8 =	vadd.f32 v17, v14;
	v18 =	vld [tilespmem:s15+$0x70];
	v5 =	vmul.f32 v27, v24;
	(pc) =	sbr.rel @p1 .LBB2_7-.Ltmp2, $4  }
0x2d4: {  	v6 =	vbroadcast v7, $0xF;
	v16 =	vadd.f32 v19, v16;
	v14 =	vmul.f32 v33, v29;
	v19 =	vld [tilespmem:s1+$0x60]  }
0x2d5: {  	v17 =	vadd.f32 v5, v32;
	v7 =	vld [tilespmem:s1+$0x70];
	v5 =	vmul.f32 v23, v25  }
0x2d6: {  	v14 =	vadd.f32 v14, v20;
	v23 =	vmul.f32 v21, v30;
	v20 =	vld [tilespmem:s2+$0x60]  }
0x2d7: {  	s14 =	sadd.s32 $0x200, s14;
	v22 =	vmul.f32 v22, v31;
	v5 =	vadd.f32 v5, v10;
	v21 =	vld [tilespmem:s2+$0x70]  }
0x2d8: {  	_ = 	snop  }
0x2d9: {  	v9 =	vmul.f32 v18, v9  }
0x2da: {  	v10 =	vadd.f32 v23, v15;
	v11 =	vmul.f32 v19, v11  }
0x2db: {  	v8 =	vadd.f32 v22, v8;
	v9 =	vadd.f32 v9, v16;
	v7 =	vmul.f32 v7, v12  }
0x2dc: {  	v11 =	vadd.f32 v11, v17;
	v63 =	vmul.f32 v20, v13;
	v6 =	vmul.f32 v21, v6  }
0x2dd: {  	v8 =	vadd.f32 v9, v8;
	v7 =	vadd.f32 v7, v14  }
0x2de: {  	v5 =	vadd.f32 v63, v5;
	v6 =	vadd.f32 v6, v10  }
0x2df: {  	v7 =	vadd.f32 v7, v11  }
0x2e0: {  	s25 =	sadd.s32 $0x1, s25;
	[tilespmem:s10+$0xFFFFFE80] =	vst v8;
	v5 =	vadd.f32 v6, v5  }
0x2e1: {  	s0 =	rddreg [dreg:$0x1];
	s4 =	simm.s32 $0x100;
	p1 =	sne.s32 s25, $0x7D;
	[tilespmem:s10+$0xFFFFFF00] =	vst v7  }
.Ltmp3:
0x2e2: {  	s1 =	simm.s32 $0x28;
	s2 =	simm.s32 $0x7980;
	[tilespmem:s10+$0xFFFFFF80] =	vst v5;
	(pc) =	sbr.rel @p1 .LBB2_4-.Ltmp3, $4  }
0x2e3: {  	[spmem:s0] =	stream.indirect.scatter.add.f32 [tilespmem:s2], [sflag:$0x3], $0x80, s4, s1, $0xb8;
	[tilespmem:$0x1C600] =	vst v63  }
0x2e4: {  	_ =	swait.ge [sflag:s16], $0x1400  }
0x2e5: {  	[sflag:s16] =	ssyncset.done $0x0  }
0x2e6: {  	[sflag:s16] =	ssyncadd.s32 $0xFFFFEC00  }
0x2e7: {  	[bflag:$0x0] =	sbarrier.arrive $0xFFFF  }
0x2e8: {  	s1 =	rddreg [dreg:$0xa]  }
0x2e9: {  	s0 =	simm.s32 @!p0 $0x1C03;
	s2 =	rddreg [dreg:$0xc]  }
0x2ea: {  	[hbm:s1], [sflag:s0] =	dma.local @!p0 [spmem:s2], $0x27100  }
0x2eb: {  	s0 =	simm.s32 @!p0 $0x3  }
0x2ec: {  	_ =	swait.ge @!p0 [sflag:s0], $0x27100  }
0x2ed: {  	s8 =	rddreg [dreg:$0x3]  }
0x2ee: {  	s31 =	rddreg [dreg:$0xb];
	s8 =	sadd.s32 $0x1, s8  }
0x2ef: {  	p1 =	sne.s32 s8, s31  }
.Ltmp4:
0x2f0: {  	_ = 	snop;
	(pc) =	sbr.rel @p1 .LBB2_1-.Ltmp4, $3  }
0x2f1: {  	_ =	sdelay $0x1  }
0x2f2: {  	[sflag:s0] =	ssyncset.done @!p0 $0x0  }
0x2f3: {  	[sflag:s0] =	ssyncadd.s32 @!p0 $0xFFFD8F00  }
0x2f4: {  	_ =	sfence.sel $0x180000  }
0x2f5: {  	[bflag:$0x0] =	sbarrier.arrive $0xFFFF  }
0x2f6: {  	_ =	strace $0x90000047  }
0x2f7: {  	[bflag:$0x2] =	sbarrier.arrive $0xFFFF  }
0x2f8: {  	s0 =	rddreg [dreg:$0x2]  }
0x2f9: {  	s0 =	sadd.s32 @!p0 $0x100000, s0  }
0x2fa: {  	[sflag:s0] =	ssyncadd.tile.s32 @!p0 $0x1;
	_ =	shalt  }
.Lfunc_end2:
_tile_overlayer_lowered:
.L_overlay_start_2:
0x2fb: {  	(tag) =	ssettag $0x2  }
0x2fc: {  	s0 =	rddreg [dreg:$0x0];
	s2 =	stileid.u32  }
0x2fd: {  	s1 =	rddreg [dreg:$0x1];
	p0 =	sne.s32 s2, $0x0  }
0x2fe: {  	s3 =	rddreg [dreg:$0x2];
	[bflag:$0x3] =	sbarrier.arrive $0xFFFF;
	s2 =	simm.s32 @!p0 $0x1C03  }
0x2ff: {  	[timem:s3], [sflag:s2] =	dma.local @!p0 [hbm:s0], s1  }
0x300: {  	s0 =	simm.s32 @!p0 $0x3  }
0x301: {  	_ =	swait.ge @!p0 [sflag:s0], s1  }
0x302: {  	s1 =	ssub.s32 @!p0 $0x0, s1;
	[sflag:s0] =	ssyncset.done @!p0 $0x0  }
0x303: {  	[sflag:s0] =	ssyncadd.s32 @!p0 s1  }
0x304: {  	[bflag:$0x3] =	sbarrier.arrive $0xFFFF  }
0x305: {  	_ =	shalt  }

// kernel: kernel.13.cloned.1.call-start
scs
__scs_entry_jumppad:
0x0: {  	(pc) =	sbr.rel $0x88, $3  }
0x1: {  	(tag) =	ssettag $0x0;
	lr =	simm.s32 $0x1  }
0x2: {  	[smem:$0x3F8B] =	sst lr;
	_ =	strace $0xD0000000  }
0x3: {  	_ = 	snop  }
0x4: {  	_ = 	snop  }
0x5: {  	_ = 	snop  }
0x6: {  	_ = 	snop  }
0x7: {  	_ = 	snop  }
__scs_overlays_trampoline_lowered:
0x8: {  	[smem:$0x3F9A] =	sst s0  }
0x9: {  	[smem:$0x3F9B] =	sst s1  }
0xa: {  	[smem:$0x3F9C] =	sst s2  }
0xb: {  	[smem:$0x3F9D] =	sst s3  }
0xc: {  	[smem:$0x3F9E] =	sst s4  }
0xd: {  	[smem:$0x3F9F] =	sst s5  }
0xe: {  	[smem:$0x3FA0] =	sst s6  }
0xf: {  	[smem:$0x3FA1] =	sst s7  }
0x10: {  	[smem:$0x3FA2] =	sst s8  }
0x11: {  	[smem:$0x3FA3] =	sst s9;
	s0 =	simm.s32 @!p0 $0x0  }
0x12: {  	s1 =	sld [smem:$0x3F89];
	s0 =	simm.s32 @p0 $0x1  }
0x13: {  	[smem:$0x3FA4] =	sst s0;
	s0 =	simm.s32 @!p1 $0x0  }
0x14: {  	s2 =	sld [smem:$0x3F88];
	s0 =	simm.s32 @p1 $0x1  }
0x15: {  	[smem:$0x3FA5] =	sst s0;
	s0 =	simm.s32 @!p2 $0x0  }
0x16: {  	s3 =	sld [smem:$0x3FDB];
	s0 =	simm.s32 @p2 $0x1  }
0x17: {  	s4 =	simm.s32 $0x1BF5;
	[smem:$0x3FA7] =	sst s0  }
0x18: {  	s0 =	sld [smem:$0x3F8A];
	_ =	swait.ge [sflag:s4], $0x0  }
0x19: {  	s7 =	sld [smem:$0x3F8B]  }
0x1a: {  	s8 =	sadd.s32 $0xFFFFE003, lr  }
0x1b: {  	s9 =	sadd.s32 $0xFFFFFEF7, lr;
	s5 =	simm.s32 $0xFFFFFFFF;
	p2 =	slt.u32 s8, $0xFFFFF086  }
0x1c: {  	p1 =	slt.u32 s9, $0xF7A;
	s5 =	simm.s32 @!p2 $0x0  }
0x1d: {  	s5 =	simm.s32 @p1 $0x1;
	p0 =	seq.s32 s7, s2  }
0x1e: {  	s7 =	smul.u32 @!p0 $0xF7A, s2;
	p2 =	seq.s32 @!p0 s5, $0x0  }
0x1f: {  	s9 =	smul.u32 $0xF7A, s1;
	s8 =	simm.s32 @!p0 $0x1BF5;
	p2 =	por !p2, p0  }
0x20: {  	[sflag:s8] =	ssyncset.s32 @!p0 $0xFFFFF086;
	s6 =	sadd.s32 @!p0 s3, s7;
	s7 =	simm.s32 @!p0 $0x108  }
0x21: {  	s3 =	sadd.s32 s3, s9;
	s6 =	sadd.s32 @!p0 $0x88, s6;
	s7 =	simm.s32 @p2 $0x1082  }
0x22: {  	[simem:s7], [sflag:s8] =	dma.local @!p0 [hbm:s6], $0xF7A  }
0x23: {  	s9 =	sor.u32 $0xD0000000, s2;
	s6 =	simm.s32 $0x108;
	_ =	swait.ge @!p0 [sflag:s8], $0x0  }
0x24: {  	s3 =	sadd.s32 $0x88, s3;
	s6 =	simm.s32 @!p1 $0x1082;
	[sflag:s4] =	ssyncset.s32 $0xFFFFF086  }
0x25: {  	[simem:s6], [sflag:s4] =	dma.local [hbm:s3], $0xF7A  }
0x26: {  	[smem:$0x3F8B] =	sst s1;
	(tag) =	ssettag s2;
	_ =	strace s9  }
0x27: {  	s1 =	sld [smem:$0x3F9B]  }
0x28: {  	s2 =	sld [smem:$0x3F9C]  }
0x29: {  	s4 =	sld [smem:$0x3F9E]  }
0x2a: {  	p0 =	seq.s32 s5, $0x0;
	s5 =	sld [smem:$0x3F9F]  }
0x2b: {  	s6 =	sld [smem:$0x3FA0]  }
0x2c: {  	s7 =	sld [smem:$0x3FA1]  }
0x2d: {  	s3 =	simm.s32 $0x108;
	s8 =	sld [smem:$0x3FA2]  }
0x2e: {  	s3 =	simm.s32 @!p0 $0x1082;
	s9 =	sld [smem:$0x3FA3]  }
0x2f: {  	lr =	sadd.s32 s0, s3;
	s0 =	sld [smem:$0x3F9A]  }
0x30: {  	s3 =	sld [smem:$0x3F9D]  }
0x31: {  	[smem:$0x3FA6] =	sst s10  }
0x32: {  	s10 =	sld [smem:$0x3FA4];
	_ =	sdelay $0x3  }
0x33: {  	p0 =	seq.s32 s10, $0x1;
	s10 =	sld [smem:$0x3FA6];
	_ =	sdelay $0x3  }
0x34: {  	[smem:$0x3FA6] =	sst s10  }
0x35: {  	s10 =	sld [smem:$0x3FA5];
	_ =	sdelay $0x3  }
0x36: {  	p1 =	seq.s32 s10, $0x1;
	s10 =	sld [smem:$0x3FA6];
	_ =	sdelay $0x3  }
0x37: {  	[smem:$0x3FA6] =	sst s10  }
0x38: {  	s10 =	sld [smem:$0x3FA7]  }
0x39: {  	_ = 	snop;
	(pc) =	sbr.ind lr, $3  }
0x3a: {  	_ = 	snop  }
0x3b: {  	_ = 	snop  }
0x3c: {  	p2 =	seq.s32 s10, $0x1;
	s10 =	sld [smem:$0x3FA6]  }
0x3d: {  	_ =	shalt  }
0x3e: {  	_ =	shalt  }
0x3f: {  	_ =	shalt  }
0x40: {  	_ =	shalt  }
0x41: {  	_ =	shalt  }
0x42: {  	_ =	shalt  }
0x43: {  	_ =	shalt  }
0x44: {  	_ =	shalt  }
0x45: {  	_ =	shalt  }
0x46: {  	_ =	shalt  }
0x47: {  	_ =	shalt  }
0x48: {  	_ =	shalt  }
0x49: {  	_ =	shalt  }
0x4a: {  	_ =	shalt  }
0x4b: {  	_ =	shalt  }
0x4c: {  	_ =	shalt  }
0x4d: {  	_ =	shalt  }
0x4e: {  	_ =	shalt  }
0x4f: {  	_ =	shalt  }
0x50: {  	_ =	shalt  }
0x51: {  	_ =	shalt  }
0x52: {  	_ =	shalt  }
0x53: {  	_ =	shalt  }
0x54: {  	_ =	shalt  }
0x55: {  	_ =	shalt  }
0x56: {  	_ =	shalt  }
0x57: {  	_ =	shalt  }
0x58: {  	_ =	shalt  }
0x59: {  	_ =	shalt  }
0x5a: {  	_ =	shalt  }
0x5b: {  	_ =	shalt  }
0x5c: {  	_ =	shalt  }
0x5d: {  	_ =	shalt  }
0x5e: {  	_ =	shalt  }
0x5f: {  	_ =	shalt  }
0x60: {  	_ =	shalt  }
0x61: {  	_ =	shalt  }
0x62: {  	_ =	shalt  }
0x63: {  	_ =	shalt  }
0x64: {  	_ =	shalt  }
0x65: {  	_ =	shalt  }
0x66: {  	_ =	shalt  }
0x67: {  	_ =	shalt  }
0x68: {  	_ =	shalt  }
0x69: {  	_ =	shalt  }
0x6a: {  	_ =	shalt  }
0x6b: {  	_ =	shalt  }
0x6c: {  	_ =	shalt  }
0x6d: {  	_ =	shalt  }
0x6e: {  	_ =	shalt  }
0x6f: {  	_ =	shalt  }
0x70: {  	_ =	shalt  }
0x71: {  	_ =	shalt  }
0x72: {  	_ =	shalt  }
0x73: {  	_ =	shalt  }
0x74: {  	_ =	shalt  }
0x75: {  	_ =	shalt  }
0x76: {  	_ =	shalt  }
0x77: {  	_ =	shalt  }
0x78: {  	_ =	shalt  }
0x79: {  	_ =	shalt  }
0x7a: {  	_ =	shalt  }
0x7b: {  	_ =	shalt  }
0x7c: {  	_ =	shalt  }
0x7d: {  	_ =	shalt  }
0x7e: {  	_ =	shalt  }
0x7f: {  	_ =	shalt  }
0x80: {  	_ =	shalt  }
0x81: {  	_ =	shalt  }
0x82: {  	_ =	shalt  }
0x83: {  	_ =	shalt  }
0x84: {  	_ =	shalt  }
0x85: {  	_ =	shalt  }
0x86: {  	_ =	shalt  }
0x87: {  	_ =	shalt  }
.Lfunc_end0:
.L_simem_size_0:
called_computation.1_lowered:
.L_overlay_start_0:
0x88: {  	s2 =	sld [smem:$0x3FD9]  }
0x89: {  	s3 =	sld [smem:$0x3FFE];
	_ =	sdelay $0x1  }
0x8a: {  	s1 =	srdreg.scid  }
0x8b: {  	s0 =	sand.u32 $0x1, s1  }
0x8c: {  	s16 =	sshll.u32 s0, $0xA;
	s2 =	sadd.s32 s3, s2  }
0x8d: {  	s2 =	sadd.s32 s2, s16  }
0x8e: {  	[smem:$0x3FB2] =	sst s2  }
0x8f: {  	_ = 	snop  }
0x90: {  	(tm) =	ssettm $0x1  }
0x91: {  	s17 =	sld [smem:$0x3FFB];
	_ =	sdelay $0x3  }
0x92: {  	_ =	strace s17  }
0x93: {  	s2 =	sld [smem:$0x3FFC];
	_ =	sdelay $0x3  }
0x94: {  	_ =	strace s2  }
0x95: {  	s2 =	sld [smem:$0x3FFD];
	_ =	sdelay $0x3  }
0x96: {  	_ =	strace s2  }
0x97: {  	_ =	strace $0x8FFFFFFF  }
0x98: {  	s18 =	sld [smem:$0x3FDB];
	_ =	sdelay $0x1  }
0x99: {  	s19 =	simm.s32 $_scs_section_size  }
0x9a: {  	s4 =	simm.s32 $_size__tile_overlayer_lowered;
	s5 =	simm.s32 $_tile_overlayer_lowered  }
0x9b: {  	s22 =	simm.s32 $0x1BFF;
	s21 =	sshll.u32 s5, $0x1;
	s2 =	sadd.s32 s19, s18  }
0x9c: {  	s6 =	simm.s32 $0x0;
	s20 =	sshll.u32 s4, $0x1;
	s4 =	sadd.s32 s21, s2  }
0x9d: {  	[timem:s6], [sflag:s22] =	dma.local [hbm:s4], s20  }
0x9e: {  	_ =	swait.ge [sflag:s22], s20  }
0x9f: {  	s3 =	ssub.s32 $0x0, s20;
	[sflag:s22] =	ssyncset.done $0x0  }
0xa0: {  	[sflag:s22] =	ssyncadd.s32 s3;
	_ =	sdelay $0x1  }
0xa1: {  	s23 =	simm.s32 $0x1B8B  }
0xa2: {  	_ =	swait.ge [sflag:s23], $0x1  }
0xa3: {  	[sflag:s23] =	ssyncset.done $0x0  }
0xa4: {  	s25 =	simm.s32 $0x1B8E;
	s24 =	sld [smem:$0x3FFE];
	[sflag:s23] =	ssyncadd.s32 $0xFFFFFFFF  }
0xa5: {  	s26 =	simm.s32 $execute0_lowered;
	[smem:$0x3FD2] =	sst s25  }
0xa6: {  	s4 =	sshll.u32 s26, $0x1;
	_ =	strace $0x80000049;
	[dreg:$0x1] =	wrdreg $0xFFFFFFFF  }
0xa7: {  	s28 =	simm.s32 $_size_execute0_lowered;
	s2 =	sadd.s32 s2, s4;
	[dreg:$0x0] =	wrdreg $0x0  }
0xa8: {  	s4 =	sshll.u32 s28, $0x1;
	[dreg:$0x2] =	wrdreg s2  }
0xa9: {  	[dreg:$0x3] =	wrdreg s4  }
0xaa: {  	[dreg:$0x4] =	wrdreg $0xC0  }
0xab: {  	_ =	task [dreg:s6], $0x5FFFF  }
0xac: {  	[dreg:$0x1] =	wrdreg $0xFFFFFFFF  }
0xad: {  	[dreg:$0x0] =	wrdreg $0x60  }
0xae: {  	[dreg:$0x2] =	wrdreg s24  }
0xaf: {  	[dreg:$0x3] =	wrdreg $0x8D800  }
0xb0: {  	[dreg:$0x4] =	wrdreg $0x9  }
0xb1: {  	_ =	task.clear_ibuf [dreg:s6], $0x5FFFF;
	_ =	strace $0x90000049  }
0xb2: {  	s29 =	simm.s32 $0x9;
	_ =	strace $0x8000004B  }
0xb3: {  	_ =	swait.ge [sflag:s29], $0x1  }
0xb4: {  	[sflag:s29] =	ssyncadd.s32 $0xFFFFFFFF  }
0xb5: {  	_ =	strace $0x9000004B  }
0xb6: {  	_ =	sfence  }
0xb7: {  	s30 =	sld [smem:$0x0];
	_ =	sdelay $0x2  }
0xb8: {  	s31 =	sshll.u32 s1, $0xD;
	s1 =	sshrl.u32 s1, $0x2  }
0xb9: {  	s3 =	sand.u32 $0x4000, s31;
	s1 =	sadd.s32 s1, s30  }
0xba: {  	s0 =	sor.u32 s3, s0;
	s1 =	sshll.u32 s1, $0x11  }
0xbb: {  	s0 =	sor.u32 s1, s0  }
0xbc: {  	s0 =	sadd.s32 $0x8F2B, s0  }
0xbd: {  	[sflag:s0] =	ssyncadd.remote.s32 $0x1  }
0xbe: {  	_ =	sfence.sel $0xFFFF  }
0xbf: {  	[dreg:$0x0] =	wrdreg $0xFFFFFFFF;
	(pc) =	sbr.abs _section_cstart, $3  }
0xc0: {  	[dreg:$0x1] =	wrdreg $0xFFFFFFFF  }
0xc1: {  	_ =	task.clear_ibuf [dreg:s6], $0x2FFFF;
	_ =	strace $0x9FFFFFFF  }
0xc2: {  	(tm) =	ssettm $0x7FFFFFFF  }
0xc3: {  	_ =	shalt  }
tec
execute0_lowered:
.L_overlay_start_1:
0x0: {  	(tag) =	ssettag $0x1  }
0x1: {  	s0 =	rddreg [dreg:$0x0]  }
0x2: {  	s8 =	rddreg [dreg:$0x1];
	s9 =	simm.s32 $0x0  }
0x3: {  	s1 =	srdreg.scid;
	s2 =	stileid.u32;
	s16 =	simm.s32 $0x3  }
0x4: {  	[smem:$0x7FF] =	sst s9;
	s1 =	sand.u32 $0x1, s1;
	s4 =	sshll.u32 s2, $0x1  }
0x5: {  	s3 =	sadd.s32 $0x2A200, s0;
	s5 =	sadd.s32 $0x5B2600, s0;
	s24 =	sadd.s32 $0x274000, s0  }
0x6: {  	s6 =	sadd.s32 $0x3000, s0;
	s10 =	sadd.s32 $0x2A300, s0;
	p0 =	sne.s32 s2, $0x0  }
0x7: {  	_ =	strace $0x8000004A;
	s4 =	sor.u32 s1, s4;
	[dreg:$0x4] =	wrdreg s5  }
0x8: {  	[dreg:$0x6] =	wrdreg s24;
	s25 =	smul.u32 $0x27100, s1;
	s1 =	ssub.s32 $0x2, s1  }
0x9: {  	[dreg:$0x7] =	wrdreg s6;
	s2 =	sshrl.u32 @!p0 s8, $0x3;
	s12 =	smul.u32 $0x1388, s4  }
0xa: {  	s5 =	sadd.s32 $0x279000, s0;
	s26 =	sshrl.u32 s1, $0x1;
	[dreg:$0xc] =	wrdreg s2  }
0xb: {  	s4 =	sadd.s32 s25, s0;
	[dreg:$0x5] =	wrdreg s12;
	s29 =	sadd.s32 $0x28, s12  }
0xc: {  	v4 =	vlaneseq.u32;
	s1 =	ssub.s32 s1, s26;
	s30 =	sadd.s32 $0xED800, s4;
	[dreg:$0x9] =	wrdreg s29  }
0xd: {  	vm0 =	vcmask $0x300;
	v0 =	vimm.f32 $0.0e+00;
	vm1 =	vmmov $0xff;
	s7 =	sshrl.u32 s12, $0x3;
	s31 =	smax.u32 s1, $0x1;
	[dreg:$0xa] =	wrdreg s30  }
0xe: {  	s11 =	sadd.s32 $0x2A400, s0;
	v3 =	vshrl.u32 v4, $0x3;
	v1 =	vsel vm0, $0x3F800000, v0;
	v2 =	vand.u32 $0x7, v4;
	s28 =	sadd.s32 s5, s7;
	[dreg:$0xb] =	wrdreg s31  }
0xf: {  	vm0 =	vmmov $0xffff;
	v4 =	vor.u32 $0x8, v4;
	v3 =	vmul.u32 $0x8, v3;
	s24 =	simm.s32 $0x0;
	s4 =	simm.s32 $0x100;
	[dreg:$0x8] =	wrdreg s28  }
.LBB2_1:
0x10: {  	[dreg:$0x3] =	wrdreg s9  }
0x11: {  	s0 =	simm.s32 @!p0 $0x1C03;
	s1 =	rddreg [dreg:$0x7]  }
0x12: {  	[spmem:s2], [sflag:s0] =	dma.local @!p0 [hbm:s1], $0x27100  }
0x13: {  	s0 =	simm.s32 @!p0 $0x3  }
0x14: {  	_ =	swait.ge @!p0 [sflag:s0], $0x27100  }
0x15: {  	[sflag:s0] =	ssyncset.done @!p0 $0x0  }
0x16: {  	[sflag:s0] =	ssyncadd.s32 @!p0 $0xFFFD8F00  }
0x17: {  	s1 =	simm.s32 $0x200;
	s0 =	simm.s32 $0x0;
	[bflag:$0x0] =	sbarrier.arrive $0xFFFF  }
.LBB2_2:
0x18: {  	p1 =	sne.s32 s1, $0x4E00;
	[tilespmem:s0+$0x79F0] =	vst v0  }
0x19: {  	[tilespmem:s0+$0x7990] =	vst v1  }
.Ltmp0:
0x1a: {  	[tilespmem:s0+$0x79A0] =	vst v0;
	(pc) =	sbr.rel @p1 .LBB2_2-.Ltmp0, $4  }
0x1b: {  	[tilespmem:s0+$0x79B0] =	vst v0  }
0x1c: {  	[tilespmem:s0+$0x79C0] =	vst v0  }
0x1d: {  	[tilespmem:s0+$0x79D0] =	vst v0  }
0x1e: {  	[tilespmem:s0+$0x79E0] =	vst v0;
	s0 =	sshra.s32 s1, $0x2;
	s1 =	sadd.s32 $0x200, s1  }
0x1f: {  	[tilespmem:s0+$0x79F0] =	vst v0  }
0x20: {  	[tilespmem:s0+$0x7990] =	vst v1  }
0x21: {  	[tilespmem:s0+$0x79A0] =	vst v0  }
0x22: {  	[tilespmem:s0+$0x79B0] =	vst v0  }
0x23: {  	[tilespmem:s0+$0x79C0] =	vst v0  }
0x24: {  	[tilespmem:s0+$0x79D0] =	vst v0  }
0x25: {  	[tilespmem:s0+$0x79E0] =	vst v0;
	s20 =	rddreg [dreg:$0x8]  }
0x26: {  	[tilespmem:s24], [sflag:$0x3] =	stream.linear.gather [hbm4b:s20+s24], $0x18, $0x38;
	[tilespmem:$0x1C600] =	vst v63  }
0x27: {  	_ =	swait.ge [sflag:s16], $0x18  }
0x28: {  	[sflag:s16] =	ssyncset.done $0x0  }
0x29: {  	[sflag:s16] =	ssyncadd.s32 $0xFFFFFFE8  }
0x2a: {  	v5 =	vld [tilespmem:$0x0];
	_ =	sdelay $0x4  }
0x2b: {  	v6 =	vshrl.u32 v5, $0x3  }
0x2c: {  	v6 =	vmul.u32 $0x28, v6  }
0x2d: {  	v5 =	vand.u32 $0x7, v5  }
0x2e: {  	v5 =	vor.u32 v5, v6  }
0x2f: {  	v6 =	vperm.xlane v5, v2;
	_ =	sdelay $0x1  }
0x30: {  	v6 =	vadd.s32 v3, v6;
	_ =	sdelay $0x3  }
0x31: {  	s21 =	simm.s32 $0x180;
	v5 =	vperm.xlane v5, v4  }
0x32: {  	[tilespmem:s21], [sflag:$0x1] =	stream.indirect_vreg.gather [hbm4b:s3+s24], $0x80, v6, vm0, $0xb8;
	[tilespmem:$0x1C600] =	vst v63  }
0x33: {  	s22 =	simm.s32 $0x980;
	v5 =	vadd.s32 v3, v5  }
0x34: {  	[tilespmem:s22], [sflag:$0x1] =	stream.indirect_vreg.gather [hbm4b:s10+s24], $0x80, v6, vm0, $0xb8;
	[tilespmem:$0x1C600] =	vst v63  }
0x35: {  	s23 =	simm.s32 $0x1180  }
0x36: {  	[tilespmem:s23], [sflag:$0x1] =	stream.indirect_vreg.gather [hbm4b:s11+s24], $0x80, v6, vm1, $0xb8;
	[tilespmem:$0x1C600] =	vst v63  }
0x37: {  	s25 =	simm.s32 $0x1580  }
0x38: {  	[tilespmem:s25], [sflag:$0x1] =	stream.indirect_vreg.gather [hbm4b:s3+s24], $0x80, v5, vm0, $0xb8;
	[tilespmem:$0x1C600] =	vst v63  }
0x39: {  	s26 =	simm.s32 $0x1D80  }
0x3a: {  	[tilespmem:s26], [sflag:$0x1] =	stream.indirect_vreg.gather [hbm4b:s10+s24], $0x80, v5, vm0, $0xb8;
	[tilespmem:$0x1C600] =	vst v63  }
0x3b: {  	s28 =	simm.s32 $0x2580  }
0x3c: {  	[tilespmem:s28], [sflag:$0x1] =	stream.indirect_vreg.gather [hbm4b:s11+s24], $0x80, v5, vm1, $0xb8;
	[tilespmem:$0x1C600] =	vst v63  }
0x3d: {  	v5 =	vld.msk [tilespmem:$0x10], $0xff;
	_ =	sdelay $0x4  }
0x3e: {  	v6 =	vshrl.u32 v5, $0x3  }
0x3f: {  	v6 =	vmul.u32 $0x28, v6  }
0x40: {  	v5 =	vand.u32 $0x7, v5  }
0x41: {  	v5 =	vor.u32 v5, v6  }
0x42: {  	v5 =	vperm.xlane v5, v2;
	_ =	sdelay $0x1  }
0x43: {  	v5 =	vadd.s32 v3, v5;
	_ =	sdelay $0x3  }
0x44: {  	s29 =	simm.s32 $0x2980  }
0x45: {  	[tilespmem:s29], [sflag:$0x1] =	stream.indirect_vreg.gather [hbm4b:s3+s24], $0x80, v5, vm0, $0xb8;
	[tilespmem:$0x1C600] =	vst v63  }
0x46: {  	s30 =	simm.s32 $0x3180  }
0x47: {  	[tilespmem:s30], [sflag:$0x1] =	stream.indirect_vreg.gather [hbm4b:s10+s24], $0x80, v5, vm0, $0xb8;
	[tilespmem:$0x1C600] =	vst v63  }
0x48: {  	s31 =	simm.s32 $0x3980;
	s25 =	simm.s32 $0x0  }
0x49: {  	[tilespmem:s31], [sflag:$0x1] =	stream.indirect_vreg.gather [hbm4b:s11+s24], $0x80, v5, vm1, $0xb8;
	[tilespmem:$0x1C600] =	vst v63  }
.LBB2_4:
0x4a: {  	s8 =	smul.u32 $0x28, s25  }
0x4b: {  	s0 =	rddreg [dreg:$0x5]  }
0x4c: {  	s0 =	sadd.s32 s0, s8  }
0x4d: {  	s1 =	sadd.s32 $0x18, s0  }
0x4e: {  	s1 =	sshrl.u32 s1, $0x3  }
0x4f: {  	s2 =	simm.s32 $0x80;
	s1 =	sadd.s32 s5, s1  }
0x50: {  	[tilespmem:s2], [sflag:$0x3] =	stream.linear.gather [hbm4b:s1+s24], $0x10, $0x38;
	[tilespmem:$0x1C600] =	vst v63  }
0x51: {  	_ =	swait.ge [sflag:s16], $0x10  }
0x52: {  	[sflag:s16] =	ssyncset.done $0x0  }
0x53: {  	[sflag:s16] =	ssyncadd.s32 $0xFFFFFFF0  }
0x54: {  	v5 =	vld [tilespmem:$0x80];
	_ =	sdelay $0x4  }
0x55: {  	v6 =	vshrl.u32 v5, $0x3  }
0x56: {  	v6 =	vmul.u32 $0x28, v6  }
0x57: {  	v5 =	vand.u32 $0x7, v5  }
0x58: {  	v5 =	vor.u32 v5, v6  }
0x59: {  	v6 =	vperm.xlane v5, v2;
	_ =	sdelay $0x1  }
0x5a: {  	v6 =	vadd.s32 v3, v6;
	_ =	sdelay $0x3  }
0x5b: {  	s7 =	simm.s32 $0x3D80;
	v5 =	vperm.xlane v5, v4  }
0x5c: {  	[tilespmem:s7], [sflag:$0x2] =	stream.indirect_vreg.gather [hbm4b:s3+s24], $0x80, v6, vm0, $0xb8;
	[tilespmem:$0x1C600] =	vst v63  }
0x5d: {  	s9 =	simm.s32 $0x4580;
	v5 =	vadd.s32 v3, v5  }
0x5e: {  	[tilespmem:s9], [sflag:$0x2] =	stream.indirect_vreg.gather [hbm4b:s10+s24], $0x80, v6, vm0, $0xb8;
	[tilespmem:$0x1C600] =	vst v63  }
0x5f: {  	s12 =	simm.s32 $0x4D80  }
0x60: {  	[tilespmem:s12], [sflag:$0x2] =	stream.indirect_vreg.gather [hbm4b:s11+s24], $0x80, v6, vm1, $0xb8;
	[tilespmem:$0x1C600] =	vst v63  }
0x61: {  	s13 =	simm.s32 $0x5180  }
0x62: {  	[tilespmem:s13], [sflag:$0x2] =	stream.indirect_vreg.gather [hbm4b:s3+s24], $0x80, v5, vm0, $0xb8;
	[tilespmem:$0x1C600] =	vst v63  }
0x63: {  	s14 =	simm.s32 $0x5980  }
0x64: {  	[tilespmem:s14], [sflag:$0x2] =	stream.indirect_vreg.gather [hbm4b:s10+s24], $0x80, v5, vm0, $0xb8;
	[tilespmem:$0x1C600] =	vst v63  }
0x65: {  	s15 =	simm.s32 $0x6180;
	s17 =	sshrl.u32 s0, $0x3;
	s18 =	rddreg [dreg:$0x6]  }
0x66: {  	[tilespmem:s15], [sflag:$0x2] =	stream.indirect_vreg.gather [hbm4b:s11+s24], $0x80, v5, vm1, $0xb8;
	[tilespmem:$0x1C600] =	vst v63  }
0x67: {  	s1 =	sadd.s32 s18, s17  }
0x68: {  	[tilespmem:s4], [sflag:$0x3] =	stream.linear.gather [hbm4b:s1+s24], $0x28, $0x38;
	[tilespmem:$0x1C600] =	vst v63  }
0x69: {  	_ =	swait.ge [sflag:s16], $0x28  }
0x6a: {  	s0 =	sshll.u32 s0, $0x4;
	[sflag:s16] =	ssyncset.done $0x0;
	s19 =	rddreg [dreg:$0x4]  }
0x6b: {  	s20 =	simm.s32 $0x6580;
	[sflag:s16] =	ssyncadd.s32 $0xFFFFFFD8;
	s0 =	sadd.s32 s19, s0  }
0x6c: {  	[tilespmem:s20], [sflag:$0x3] =	stream.linear.gather [hbm4b:s0+s24], $0x1400, $0x38;
	[tilespmem:$0x1C600] =	vst v63  }
0x6d: {  	_ =	swait.ge [sflag:s16], $0x1400  }
0x6e: {  	[sflag:s16] =	ssyncset.done $0x0  }
0x6f: {  	s21 =	simm.s32 $0x1;
	[sflag:s16] =	ssyncadd.s32 $0xFFFFEC00  }
0x70: {  	_ =	swait.ge [sflag:s21], $0x3C00  }
0x71: {  	[sflag:s21] =	ssyncset.done $0x0  }
0x72: {  	s22 =	simm.s32 $0x0;
	s0 =	simm.s32 $0x6680;
	[sflag:s21] =	ssyncadd.s32 $0xFFFFC400  }
0x73: {  	s1 =	smul.u32 $0x5000, s22;
	v5 =	vld [tilespmem:s0+$0x90]  }
0x74: {  	v8 =	vld [tilespmem:s0+$0xFFFFFF00]  }
0x75: {  	s23 =	simm.s32 $0x180;
	s1 =	sshra.s32 s1, $0x2;
	v7 =	vld [tilespmem:s0+$0xFFFFFF80]  }
0x76: {  	s2 =	sand.u32 $0x380, s23;
	s6 =	sadd.s32 $0x1180, s1;
	v6 =	vld [tilespmem:s0+$0x0]  }
0x77: {  	s26 =	sor.u32 $0x180, s1;
	s7 =	sadd.s32 s2, s6;
	v10 =	vld [tilespmem:s0+$0x80]  }
0x78: {  	s28 =	sadd.s32 s2, s26;
	v11 =	vld [tilespmem:s7+$0x0]  }
0x79: {  	v12 =	vld [tilespmem:s28+$0x0]  }
0x7a: {  	v13 =	vld [tilespmem:s28+$0x10]  }
0x7b: {  	v14 =	vld [tilespmem:s28+$0x20]  }
0x7c: {  	v15 =	vld [tilespmem:s28+$0x30];
	v9 =	vbroadcast v5, $0xE  }
0x7d: {  	v16 =	vld [tilespmem:s28+$0x40];
	v20 =	vbroadcast v5, $0xA;
	v22 =	vbroadcast v5, $0xC  }
0x7e: {  	v17 =	vld [tilespmem:s28+$0x50];
	v23 =	vbroadcast v5, $0x6;
	v25 =	vbroadcast v5, $0x8  }
0x7f: {  	s15 =	sadd.s32 $0x580, s1;
	v18 =	vld [tilespmem:s28+$0x60];
	v26 =	vbroadcast v5, $0x2;
	v28 =	vbroadcast v5, $0x4  }
0x80: {  	s29 =	sadd.s32 s2, s15;
	v19 =	vld [tilespmem:s28+$0x70];
	v29 =	vbroadcast v10, $0x1;
	v31 =	vbroadcast v10, $0xE  }
0x81: {  	v21 =	vld [tilespmem:s29+$0x0];
	v32 =	vbroadcast v10, $0x4;
	v55 =	vbroadcast v10, $0x3  }
0x82: {  	v24 =	vld [tilespmem:s29+$0x10];
	v35 =	vbroadcast v10, $0x0;
	v36 =	vbroadcast v10, $0x2  }
0x83: {  	v27 =	vld [tilespmem:s29+$0x20];
	v58 =	vbroadcast v10, $0x7;
	v59 =	vbroadcast v10, $0x9  }
0x84: {  	v30 =	vld [tilespmem:s29+$0x30];
	v60 =	vbroadcast v10, $0x8;
	v62 =	vbroadcast v10, $0xA  }
0x85: {  	v33 =	vld [tilespmem:s29+$0x40];
	v63 =	vbroadcast v10, $0xD;
	v39 =	vbroadcast v10, $0xC  }
0x86: {  	v34 =	vld [tilespmem:s29+$0x50];
	v41 =	vbroadcast v5, $0x0;
	v43 =	vbroadcast v5, $0x1  }
0x87: {  	s14 =	sadd.s32 $0x980, s1;
	v37 =	vld [tilespmem:s29+$0x60];
	v47 =	vbroadcast v5, $0x3;
	v13 =	vmul.f32 v13, v29  }
0x88: {  	s30 =	sadd.s32 s2, s14;
	v56 =	vld [tilespmem:s29+$0x70];
	v48 =	vbroadcast v5, $0x5;
	v52 =	vbroadcast v5, $0xD  }
0x89: {  	s1 =	sadd.s32 $0xD80, s1;
	v57 =	vld [tilespmem:s30+$0x0];
	v15 =	vmul.f32 v15, v55;
	v11 =	vadd.f32 v13, v11;
	v13 =	vbroadcast v10, $0x5  }
0x8a: {  	s2 =	sadd.s32 s2, s1;
	v61 =	vld [tilespmem:s30+$0x50];
	v12 =	vmul.f32 v12, v35;
	v14 =	vmul.f32 v14, v36  }
0x8b: {  	v40 =	vld [tilespmem:s2+$0x10];
	v54 =	vbroadcast v6, $0x1;
	v11 =	vadd.f32 v15, v11;
	v13 =	vmul.f32 v17, v13  }
0x8c: {  	v42 =	vld [tilespmem:s2+$0x20];
	v16 =	vmul.f32 v16, v32;
	v12 =	vadd.f32 v14, v12;
	v17 =	vbroadcast v10, $0x6  }
0x8d: {  	s31 =	simm.s32 $0x80;
	v49 =	vld [tilespmem:s2+$0x60];
	v38 =	vbroadcast v6, $0x4;
	v11 =	vadd.f32 v13, v11;
	v13 =	vmul.f32 v19, v58  }
0x8e: {  	s9 =	sand.u32 $0x280, s31;
	v46 =	vld [tilespmem:s2+$0x40];
	v21 =	vmul.f32 v21, v60;
	v12 =	vadd.f32 v16, v12;
	v17 =	vmul.f32 v18, v17  }
0x8f: {  	s19 =	sadd.s32 s9, s26;
	v50 =	vld [tilespmem:s2+$0x70];
	v18 =	vbroadcast v10, $0xB;
	v11 =	vadd.f32 v13, v11;
	v13 =	vmul.f32 v24, v59  }
0x90: {  	v53 =	vld [tilespmem:s19+$0x10];
	v27 =	vmul.f32 v27, v62;
	v44 =	vmul.f32 v37, v31;
	v12 =	vadd.f32 v17, v12  }
0x91: {  	s12 =	simm.s32 $0x100;
	v45 =	vmul.f32 v57, v41;
	v14 =	vld [tilespmem:s30+$0x20];
	v11 =	vadd.f32 v13, v11;
	v13 =	vmul.f32 v30, v18  }
0x92: {  	s12 =	sand.u32 $0x300, s12;
	v20 =	vmul.f32 v42, v20;
	v9 =	vmul.f32 v49, v9;
	v15 =	vld [tilespmem:s30+$0x10];
	v12 =	vadd.f32 v21, v12  }
0x93: {  	s4 =	sadd.s32 s12, s26;
	v16 =	vld [tilespmem:s30+$0x40];
	v10 =	vbroadcast v10, $0xF;
	v11 =	vadd.f32 v13, v11;
	v13 =	vmul.f32 v34, v63  }
0x94: {  	v57 =	vbroadcast v7, $0x0;
	v60 =	vld [tilespmem:s4+$0x20];
	v30 =	vmul.f32 v33, v39;
	v12 =	vadd.f32 v27, v12  }
0x95: {  	v49 =	vbroadcast v7, $0x8;
	v19 =	vld [tilespmem:s30+$0x30];
	v10 =	vmul.f32 v56, v10;
	v11 =	vadd.f32 v13, v11  }
0x96: {  	v14 =	vmul.f32 v14, v26;
	v17 =	vld [tilespmem:s30+$0x60];
	v24 =	vmul.f32 v61, v48;
	v12 =	vadd.f32 v30, v12  }
0x97: {  	s13 =	sand.u32 $0x200, s24;
	v59 =	vbroadcast v7, $0x3;
	v61 =	vbroadcast v6, $0x2;
	v18 =	vld [tilespmem:s30+$0x70];
	v10 =	vadd.f32 v10, v11  }
0x98: {  	s18 =	sor.u32 s13, s26;
	v16 =	vmul.f32 v16, v28;
	v21 =	vld [tilespmem:s2+$0x0];
	v11 =	vmul.f32 v15, v43;
	v12 =	vadd.f32 v44, v12  }
0x99: {  	v55 =	vld [tilespmem:s18+$0x30];
	v37 =	vmul.f32 v60, v61;
	v61 =	vbroadcast v8, $0xC;
	v10 =	vadd.f32 v45, v10  }
0x9a: {  	v56 =	vld [tilespmem:s19+$0x30];
	v19 =	vmul.f32 v19, v47;
	v34 =	vbroadcast v7, $0x4;
	v11 =	vadd.f32 v11, v12  }
0x9b: {  	v13 =	vld [tilespmem:s2+$0x30];
	v43 =	vbroadcast v7, $0x6;
	v12 =	vbroadcast v5, $0x7;
	v10 =	vadd.f32 v14, v10  }
0x9c: {  	v15 =	vld [tilespmem:s2+$0x50];
	v14 =	vmul.f32 v17, v23;
	v17 =	vbroadcast v5, $0x9;
	v11 =	vadd.f32 v19, v11  }
0x9d: {  	v62 =	vld [tilespmem:s4+$0x30];
	v12 =	vmul.f32 v18, v12;
	v18 =	vmul.f32 v21, v25;
	v10 =	vadd.f32 v16, v10  }
0x9e: {  	v35 =	vld [tilespmem:s19+$0x40];
	v16 =	vbroadcast v5, $0xB;
	v17 =	vmul.f32 v40, v17;
	v11 =	vadd.f32 v24, v11  }
0x9f: {  	v21 =	vld [tilespmem:s18+$0x10];
	v5 =	vbroadcast v5, $0xF;
	v24 =	vmul.f32 v56, v59;
	v10 =	vadd.f32 v14, v10  }
0xa0: {  	s17 =	sadd.s32 s9, s6;
	v13 =	vmul.f32 v13, v16;
	v14 =	vmul.f32 v46, v22;
	v16 =	vld [tilespmem:s4+$0x10];
	v11 =	vadd.f32 v12, v11  }
0xa1: {  	s2 =	sor.u32 s13, s6;
	s6 =	sadd.s32 s12, s6;
	v23 =	vld [tilespmem:s17+$0x0];
	v12 =	vmul.f32 v15, v52;
	v5 =	vmul.f32 v50, v5;
	v10 =	vadd.f32 v18, v10  }
0xa2: {  	v19 =	vld [tilespmem:s6+$0x0];
	v18 =	vbroadcast v8, $0x1;
	v11 =	vadd.f32 v17, v11;
	v17 =	vbroadcast v7, $0x1  }
0xa3: {  	v36 =	vld [tilespmem:s19+$0x50];
	v46 =	vbroadcast v6, $0x6;
	v52 =	vbroadcast v6, $0x8;
	v10 =	vadd.f32 v20, v10  }
0xa4: {  	v15 =	vld [tilespmem:s18+$0x0];
	v18 =	vmul.f32 v21, v18;
	v11 =	vadd.f32 v13, v11;
	v13 =	vmul.f32 v53, v17  }
0xa5: {  	v51 =	vld [tilespmem:s2+$0x0];
	v21 =	vbroadcast v8, $0x2;
	v16 =	vmul.f32 v16, v54;
	v10 =	vadd.f32 v14, v10  }
0xa6: {  	v20 =	vld [tilespmem:s19+$0x0];
	v14 =	vbroadcast v8, $0x0;
	v11 =	vadd.f32 v12, v11;
	v12 =	vbroadcast v8, $0x3  }
0xa7: {  	v22 =	vld [tilespmem:s18+$0x20];
	v13 =	vadd.f32 v13, v23;
	v23 =	vbroadcast v8, $0x4;
	v16 =	vadd.f32 v16, v19  }
0xa8: {  	v17 =	vld [tilespmem:s19+$0x20];
	v19 =	vbroadcast v7, $0x5;
	v9 =	vadd.f32 v9, v10;
	v10 =	vbroadcast v7, $0x2  }
0xa9: {  	v58 =	vld [tilespmem:s4+$0x0];
	v5 =	vadd.f32 v5, v11;
	v11 =	vbroadcast v6, $0x0;
	v14 =	vmul.f32 v15, v14  }
0xaa: {  	v41 =	vld [tilespmem:s19+$0x60];
	v18 =	vadd.f32 v18, v51;
	v15 =	vbroadcast v6, $0x3;
	v12 =	vmul.f32 v55, v12  }
0xab: {  	v42 =	vld [tilespmem:s19+$0x70];
	v13 =	vadd.f32 v24, v13;
	v20 =	vmul.f32 v20, v57;
	v19 =	vmul.f32 v36, v19  }
0xac: {  	s20 =	sor.u32 s13, s15;
	v63 =	vld [tilespmem:s18+$0x40];
	v36 =	vbroadcast v7, $0xD;
	v5 =	vadd.f32 v5, v9;
	v9 =	vmul.f32 v22, v21  }
0xad: {  	v48 =	vld [tilespmem:s20+$0x10];
	v10 =	vmul.f32 v17, v10;
	v12 =	vadd.f32 v12, v18;
	v18 =	vbroadcast v8, $0x5  }
0xae: {  	s22 =	sadd.s32 s12, s15;
	v40 =	vld [tilespmem:s4+$0x50];
	v11 =	vmul.f32 v58, v11;
	v58 =	vbroadcast v6, $0xA  }
0xaf: {  	v57 =	vld [tilespmem:s22+$0x20];
	v13 =	vadd.f32 v19, v13;
	v19 =	vbroadcast v8, $0x8;
	v9 =	vadd.f32 v9, v14  }
0xb0: {  	v21 =	vld [tilespmem:s18+$0x50];
	v14 =	vmul.f32 v62, v15;
	v15 =	vbroadcast v6, $0x5;
	v10 =	vadd.f32 v10, v20  }
0xb1: {  	v17 =	vld [tilespmem:s18+$0x60];
	v20 =	vmul.f32 v63, v23;
	v23 =	vbroadcast v8, $0x6;
	v11 =	vadd.f32 v37, v11  }
0xb2: {  	v39 =	vld [tilespmem:s4+$0x40];
	v37 =	vbroadcast v6, $0xC;
	v14 =	vadd.f32 v14, v16;
	v16 =	vmul.f32 v35, v34  }
0xb3: {  	v60 =	vld [tilespmem:s20+$0x50];
	v9 =	vadd.f32 v20, v9;
	v20 =	vbroadcast v7, $0x7;
	v15 =	vmul.f32 v40, v15  }
0xb4: {  	v47 =	vld [tilespmem:s20+$0x0];
	v25 =	vmul.f32 v57, v58;
	v40 =	vbroadcast v8, $0xF  }
0xb5: {  	v45 =	vld [tilespmem:s4+$0x70];
	v18 =	vmul.f32 v21, v18;
	v21 =	vbroadcast v8, $0x7  }
0xb6: {  	v22 =	vld [tilespmem:s18+$0x70];
	v17 =	vmul.f32 v17, v23;
	v10 =	vadd.f32 v16, v10;
	v16 =	vbroadcast v6, $0x7  }
0xb7: {  	s21 =	sadd.s32 s9, s15;
	v44 =	vld [tilespmem:s4+$0x60];
	v14 =	vadd.f32 v15, v14;
	v15 =	vmul.f32 v41, v43;
	v12 =	vadd.f32 v18, v12  }
0xb8: {  	v23 =	vld [tilespmem:s21+$0x0];
	v18 =	vmul.f32 v39, v38;
	v9 =	vadd.f32 v17, v9;
	v17 =	vmul.f32 v42, v20  }
0xb9: {  	v53 =	vld [tilespmem:s20+$0x20];
	v20 =	vbroadcast v7, $0x9;
	v38 =	vbroadcast v8, $0xE;
	v10 =	vadd.f32 v15, v10  }
0xba: {  	v51 =	vld [tilespmem:s22+$0x10];
	v15 =	vmul.f32 v45, v16;
	v16 =	vbroadcast v6, $0x9;
	v11 =	vadd.f32 v18, v11  }
0xbb: {  	v56 =	vld [tilespmem:s21+$0x30];
	v18 =	vmul.f32 v22, v21;
	v21 =	vbroadcast v8, $0x9;
	v13 =	vadd.f32 v17, v13  }
0xbc: {  	v22 =	vld [tilespmem:s21+$0x10];
	v17 =	vmul.f32 v47, v19;
	v19 =	vbroadcast v8, $0xA;
	v14 =	vadd.f32 v15, v14  }
0xbd: {  	v50 =	vld [tilespmem:s22+$0x0];
	v15 =	vmul.f32 v23, v49;
	v23 =	vbroadcast v7, $0xA;
	v12 =	vadd.f32 v18, v12  }
0xbe: {  	v55 =	vld [tilespmem:s21+$0x20];
	v18 =	vmul.f32 v44, v46;
	v17 =	vadd.f32 v17, v9;
	v19 =	vmul.f32 v53, v19  }
0xbf: {  	v54 =	vld [tilespmem:s20+$0x30];
	v10 =	vadd.f32 v15, v10;
	v15 =	vmul.f32 v51, v16;
	v16 =	vbroadcast v6, $0xB  }
0xc0: {  	v59 =	vld [tilespmem:s20+$0x40];
	v11 =	vadd.f32 v18, v11;
	v18 =	vmul.f32 v48, v21;
	v21 =	vbroadcast v8, $0xB  }
0xc1: {  	v17 =	vadd.f32 v19, v17;
	v9 =	vmul.f32 v22, v20;
	v20 =	vbroadcast v7, $0xB;
	v22 =	vld [tilespmem:s22+$0x30]  }
0xc2: {  	v62 =	vld [tilespmem:s20+$0x60];
	v14 =	vadd.f32 v15, v14;
	v12 =	vadd.f32 v18, v12;
	v18 =	vmul.f32 v50, v52  }
0xc3: {  	v15 =	vmul.f32 v55, v23;
	v13 =	vadd.f32 v9, v13;
	v19 =	vmul.f32 v56, v20;
	v20 =	vld [tilespmem:s21+$0x40]  }
0xc4: {  	v23 =	vbroadcast v7, $0xC;
	v9 =	vld [tilespmem:s0+$0xFFFFFF10];
	v11 =	vadd.f32 v18, v11;
	v18 =	vmul.f32 v54, v21  }
0xc5: {  	v63 =	vld [tilespmem:s20+$0x70];
	v21 =	vbroadcast v8, $0xD;
	v13 =	vadd.f32 v19, v13;
	v19 =	vmul.f32 v59, v61  }
0xc6: {  	v10 =	vadd.f32 v15, v10;
	v8 =	vld [tilespmem:s0+$0xFFFFFF90];
	v15 =	vmul.f32 v22, v16;
	v22 =	vbroadcast v6, $0xD  }
0xc7: {  	v39 =	vld [tilespmem:s22+$0x50];
	v21 =	vmul.f32 v60, v21;
	v17 =	vadd.f32 v19, v17;
	v19 =	vbroadcast v6, $0xE  }
0xc8: {  	v42 =	vld [tilespmem:s21+$0x70];
	v14 =	vadd.f32 v15, v14;
	v15 =	vmul.f32 v20, v23;
	v20 =	vbroadcast v7, $0xE  }
0xc9: {  	v12 =	vadd.f32 v18, v12;
	v18 =	vld [tilespmem:s21+$0x50];
	v7 =	vbroadcast v7, $0xF;
	v43 =	vbroadcast v9, $0x0  }
0xca: {  	v16 =	vld [tilespmem:s22+$0x40];
	v44 =	vbroadcast v9, $0x1;
	v55 =	vbroadcast v9, $0x4  }
0xcb: {  	v41 =	vld [tilespmem:s21+$0x60];
	v50 =	vbroadcast v8, $0x2;
	v52 =	vbroadcast v8, $0x3  }
0xcc: {  	v12 =	vadd.f32 v21, v12;
	v21 =	vld [tilespmem:s22+$0x60];
	v57 =	vbroadcast v8, $0x4;
	v58 =	vbroadcast v8, $0x5  }
0xcd: {  	v23 =	vld [tilespmem:s22+$0x70];
	v10 =	vadd.f32 v15, v10;
	v15 =	vmul.f32 v39, v22;
	v22 =	vbroadcast v6, $0xF  }
0xce: {  	s23 =	sor.u32 s13, s14;
	v11 =	vadd.f32 v25, v11;
	v7 =	vmul.f32 v42, v7;
	v18 =	vmul.f32 v18, v36  }
0xcf: {  	s26 =	sadd.s32 s9, s14;
	v45 =	vld [tilespmem:s23+$0x0];
	v42 =	vbroadcast v9, $0x9;
	v16 =	vmul.f32 v16, v37;
	v14 =	vadd.f32 v15, v14  }
0xd0: {  	v47 =	vld [tilespmem:s26+$0x0];
	v15 =	vmul.f32 v41, v20;
	v20 =	vbroadcast v8, $0x0;
	v13 =	vadd.f32 v18, v13  }
0xd1: {  	s28 =	sadd.s32 s12, s14;
	v6 =	vld [tilespmem:s0+$0x10];
	v18 =	vmul.f32 v62, v38;
	v11 =	vadd.f32 v16, v11;
	v16 =	vmul.f32 v63, v40  }
0xd2: {  	v49 =	vld [tilespmem:s28+$0x10];
	v19 =	vmul.f32 v21, v19;
	v22 =	vmul.f32 v23, v22  }
0xd3: {  	v46 =	vld [tilespmem:s23+$0x10];
	v62 =	vbroadcast v9, $0x6;
	v63 =	vbroadcast v8, $0x6  }
0xd4: {  	v53 =	vld [tilespmem:s23+$0x30];
	v40 =	vbroadcast v9, $0x8;
	v10 =	vadd.f32 v15, v10;
	v15 =	vbroadcast v9, $0x3  }
0xd5: {  	v51 =	vld [tilespmem:s23+$0x20];
	v17 =	vadd.f32 v18, v17;
	v18 =	vbroadcast v8, $0x1;
	v12 =	vadd.f32 v16, v12  }
0xd6: {  	v56 =	vld [tilespmem:s28+$0x30];
	v16 =	vbroadcast v9, $0x2;
	v7 =	vadd.f32 v7, v13;
	v13 =	vbroadcast v6, $0x0  }
0xd7: {  	v21 =	vld [tilespmem:s26+$0x10];
	v48 =	vbroadcast v6, $0x1;
	v11 =	vadd.f32 v19, v11;
	v19 =	vmul.f32 v45, v43  }
0xd8: {  	v23 =	vld [tilespmem:s28+$0x0];
	v14 =	vadd.f32 v22, v14;
	v22 =	vmul.f32 v46, v44;
	v59 =	vbroadcast v6, $0x4  }
0xd9: {  	v54 =	vld [tilespmem:s26+$0x20];
	v39 =	vbroadcast v6, $0x7;
	v43 =	vbroadcast v6, $0x8  }
0xda: {  	v61 =	vld [tilespmem:s26+$0x50];
	v46 =	vbroadcast v9, $0xA;
	v15 =	vmul.f32 v53, v15  }
0xdb: {  	v60 =	vld [tilespmem:s26+$0x40];
	v53 =	vbroadcast v9, $0xD;
	v12 =	vadd.f32 v19, v12;
	v19 =	vmul.f32 v47, v20  }
0xdc: {  	v36 =	vld [tilespmem:s23+$0x70];
	v20 =	vbroadcast v6, $0x2;
	v18 =	vmul.f32 v21, v18  }
0xdd: {  	v17 =	vadd.f32 v22, v17;
	v22 =	vld [tilespmem:s26+$0x30];
	v16 =	vmul.f32 v51, v16;
	v13 =	vmul.f32 v23, v13  }
0xde: {  	v7 =	vadd.f32 v19, v7;
	v19 =	vld [tilespmem:s28+$0x20];
	v10 =	vadd.f32 v18, v10;
	v18 =	vmul.f32 v49, v48  }
0xdf: {  	v21 =	vbroadcast v6, $0x3;
	v23 =	vbroadcast v9, $0x5;
	v13 =	vadd.f32 v13, v14;
	v14 =	vld [tilespmem:s23+$0x40]  }
0xe0: {  	v12 =	vadd.f32 v16, v12;
	v16 =	vmul.f32 v54, v50;
	v11 =	vadd.f32 v18, v11;
	v18 =	vld [tilespmem:s23+$0x50]  }
0xe1: {  	v37 =	vld [tilespmem:s26+$0x60];
	v54 =	vbroadcast v8, $0xC;
	v48 =	vbroadcast v8, $0xA  }
0xe2: {  	v41 =	vld [tilespmem:s28+$0x70];
	v15 =	vadd.f32 v15, v17;
	v49 =	vbroadcast v8, $0xB;
	v17 =	vmul.f32 v22, v52  }
0xe3: {  	v7 =	vadd.f32 v16, v7;
	v22 =	vbroadcast v6, $0x5;
	v16 =	vmul.f32 v19, v20;
	v19 =	vld [tilespmem:s28+$0x40]  }
0xe4: {  	v10 =	vadd.f32 v17, v10;
	v17 =	vmul.f32 v56, v21;
	v21 =	vld [tilespmem:s28+$0x50];
	v14 =	vmul.f32 v14, v55  }
0xe5: {  	v52 =	vbroadcast v9, $0xC;
	v13 =	vadd.f32 v16, v13;
	v16 =	vld [tilespmem:s23+$0x60];
	v18 =	vmul.f32 v18, v23  }
0xe6: {  	s30 =	sadd.s32 s9, s1;
	v38 =	vld [tilespmem:s26+$0x70];
	v20 =	vbroadcast v9, $0x7;
	v12 =	vadd.f32 v14, v12;
	v14 =	vmul.f32 v60, v57  }
0xe7: {  	v44 =	vld [tilespmem:s30+$0x0];
	v11 =	vadd.f32 v17, v11;
	v15 =	vadd.f32 v18, v15;
	v18 =	vmul.f32 v61, v58  }
0xe8: {  	v45 =	vld [tilespmem:s30+$0x10];
	v20 =	vmul.f32 v36, v20;
	v7 =	vadd.f32 v14, v7;
	v14 =	vmul.f32 v19, v59  }
0xe9: {  	s29 =	sor.u32 s13, s1;
	v23 =	vbroadcast v8, $0x7;
	v19 =	vld [tilespmem:s28+$0x60];
	v10 =	vadd.f32 v18, v10;
	v18 =	vmul.f32 v21, v22  }
0xea: {  	v56 =	vbroadcast v6, $0xC;
	v16 =	vmul.f32 v16, v62;
	v13 =	vadd.f32 v14, v13;
	v14 =	vld [tilespmem:s29+$0x0]  }
0xeb: {  	s31 =	sadd.s32 s12, s1;
	v15 =	vadd.f32 v20, v15;
	v20 =	vmul.f32 v38, v23;
	v11 =	vadd.f32 v18, v11;
	v18 =	vld [tilespmem:s29+$0x10]  }
0xec: {  	v47 =	vld [tilespmem:s31+$0x10];
	v17 =	vbroadcast v6, $0x6;
	v12 =	vadd.f32 v16, v12;
	v16 =	vmul.f32 v37, v63  }
0xed: {  	v51 =	vld [tilespmem:s30+$0x30];
	v60 =	vbroadcast v9, $0xE;
	v10 =	vadd.f32 v20, v10;
	v20 =	vmul.f32 v41, v39  }
0xee: {  	v59 =	vbroadcast v6, $0xD;
	v7 =	vadd.f32 v16, v7;
	v16 =	vmul.f32 v19, v17;
	v17 =	vld [tilespmem:s31+$0x0]  }
0xef: {  	v21 =	vbroadcast v8, $0x8;
	v11 =	vadd.f32 v20, v11;
	v20 =	vld [tilespmem:s29+$0x30];
	v14 =	vmul.f32 v14, v40  }
0xf0: {  	v22 =	vbroadcast v8, $0x9;
	v13 =	vadd.f32 v16, v13;
	v16 =	vld [tilespmem:s29+$0x20];
	v18 =	vmul.f32 v18, v42  }
0xf1: {  	v50 =	vld [tilespmem:s30+$0x20];
	v23 =	vbroadcast v6, $0x9;
	v12 =	vadd.f32 v14, v12;
	v14 =	vmul.f32 v44, v21  }
0xf2: {  	v55 =	vld [tilespmem:s29+$0x50];
	v19 =	vbroadcast v9, $0xB;
	v15 =	vadd.f32 v18, v15;
	v18 =	vmul.f32 v45, v22  }
0xf3: {  	v9 =	vbroadcast v9, $0xF;
	v7 =	vadd.f32 v14, v7;
	v14 =	vmul.f32 v17, v43;
	v17 =	vld [tilespmem:s31+$0x20]  }
0xf4: {  	v21 =	vbroadcast v6, $0xA;
	v10 =	vadd.f32 v18, v10;
	v18 =	vmul.f32 v47, v23;
	v23 =	vld [tilespmem:s31+$0x30]  }
0xf5: {  	v19 =	vmul.f32 v20, v19;
	v16 =	vmul.f32 v16, v46;
	v13 =	vadd.f32 v14, v13;
	v14 =	vld [tilespmem:s29+$0x40]  }
0xf6: {  	v57 =	vld [tilespmem:s30+$0x40];
	v22 =	vbroadcast v6, $0xB;
	v18 =	vadd.f32 v18, v11;
	v11 =	vmul.f32 v50, v48  }
0xf7: {  	v20 =	vbroadcast v8, $0xD;
	v58 =	vadd.f32 v19, v15;
	v19 =	vld [tilespmem:s30+$0x50];
	v16 =	vadd.f32 v16, v12  }
0xf8: {  	v12 =	vmul.f32 v51, v49;
	v61 =	vadd.f32 v11, v7;
	v7 =	vmul.f32 v17, v21;
	v17 =	vld [tilespmem:s31+$0x40]  }
0xf9: {  	v21 =	vld [tilespmem:s31+$0x50];
	v11 =	vbroadcast v8, $0xE;
	v15 =	vmul.f32 v23, v22  }
0xfa: {  	v10 =	vadd.f32 v12, v10;
	v12 =	vbroadcast v8, $0xF;
	v14 =	vmul.f32 v14, v52;
	v22 =	vld [tilespmem:s29+$0x60]  }
0xfb: {  	v62 =	vadd.f32 v7, v13;
	v7 =	vmul.f32 v55, v53;
	v15 =	vadd.f32 v15, v18;
	v18 =	vld [tilespmem:s29+$0x70]  }
0xfc: {  	v20 =	vmul.f32 v19, v20;
	v19 =	vld [tilespmem:s30+$0x60];
	v8 =	vadd.f32 v14, v16;
	v14 =	vmul.f32 v57, v54  }
0xfd: {  	v13 =	vbroadcast v6, $0xE;
	v16 =	vadd.f32 v7, v58;
	v7 =	vld [tilespmem:s30+$0x70];
	v63 =	vmul.f32 v17, v56  }
0xfe: {  	s9 =	simm.s32 $0x7A80;
	v17 =	vadd.f32 v14, v61;
	v14 =	vadd.f32 v20, v10;
	v20 =	vld [tilespmem:s31+$0x60];
	v23 =	vmul.f32 v21, v59  }
0xff: {  	s15 =	simm.s32 $0x0;
	s14 =	simm.s32 $0x6880;
	s13 =	simm.s32 $0x0;
	[tilespmem:s9+$0x80] =	vst v5;
	v6 =	vbroadcast v6, $0xF;
	v21 =	vld [tilespmem:s31+$0x70];
	v22 =	vmul.f32 v22, v60;
	v5 =	vadd.f32 v63, v62  }
.LBB2_5:
0x100: {  	s13 =	sadd.s32 $0x4, s13;
	v10 =	vld [tilespmem:s14+$0x90];
	v18 =	vmul.f32 v18, v9;
	v15 =	vadd.f32 v23, v15  }
0x101: {  	v9 =	vld [tilespmem:s14+$0xFFFFFF00];
	s0 =	sshrl.u32 s13, $0x3;
	v22 =	vadd.f32 v22, v8;
	v11 =	vmul.f32 v19, v11  }
0x102: {  	p1 =	slt.u32 s13, $0x14;
	s0 =	smul.u32 $0x5000, s0;
	v8 =	vld [tilespmem:s14+$0xFFFFFF80];
	v16 =	vadd.f32 v18, v16;
	v12 =	vmul.f32 v7, v12  }
0x103: {  	s15 =	sadd.s32 $0x200, s15;
	v7 =	vld [tilespmem:s14+$0x0];
	v17 =	vadd.f32 v11, v17;
	v13 =	vmul.f32 v20, v13  }
0x104: {  	s2 =	sadd.s32 $0x180, s15;
	s1 =	sshra.s32 s0, $0x2;
	s0 =	sadd.s32 $0x80, s15;
	v18 =	vld [tilespmem:s14+$0x80];
	v16 =	vadd.f32 v16, v22;
	v19 =	vadd.f32 v12, v14;
	v14 =	vmul.f32 v21, v6  }
0x105: {  	s6 =	sadd.s32 $0x100, s15;
	s2 =	sand.u32 $0x380, s2;
	v6 =	vld [tilespmem:s14+$0xFFFFFF10];
	s4 =	sadd.s32 $0x1180, s1;
	v11 =	vbroadcast v10, $0xE;
	v20 =	vadd.f32 v13, v5  }
0x106: {  	s7 =	sor.u32 $0x180, s1;
	s12 =	sand.u32 $0x280, s0;
	v13 =	vbroadcast v10, $0xA;
	v12 =	vbroadcast v10, $0xC;
	v5 =	vld [tilespmem:s14+$0xFFFFFF90];
	s0 =	sadd.s32 s2, s4;
	[tilespmem:s9+$0xFFFFFF00] =	vst v16;
	v16 =	vadd.f32 v14, v15  }
0x107: {  	s26 =	sand.u32 $0x200, s15;
	s18 =	sand.u32 $0x300, s6;
	s28 =	sadd.s32 s2, s7;
	v15 =	vbroadcast v10, $0x6;
	v14 =	vbroadcast v10, $0x8;
	v17 =	vadd.f32 v19, v17;
	v21 =	vld [tilespmem:s0+$0x0]  }
0x108: {  	v22 =	vbroadcast v10, $0x2;
	v23 =	vbroadcast v10, $0x4;
	s23 =	sor.u32 s26, s7;
	s22 =	sadd.s32 s12, s7;
	s19 =	sadd.s32 s18, s7;
	v19 =	vld [tilespmem:s28+$0x0];
	v16 =	vadd.f32 v16, v20  }
0x109: {  	v25 =	vbroadcast v10, $0x0;
	s6 =	sor.u32 s26, s4;
	s7 =	sadd.s32 s12, s4;
	s4 =	sadd.s32 s18, s4;
	v20 =	vld [tilespmem:s28+$0x10];
	v24 =	vbroadcast v18, $0xE;
	[tilespmem:s9+$0xFFFFFF80] =	vst v17  }
0x10a: {  	v26 =	vbroadcast v18, $0xA;
	v27 =	vbroadcast v18, $0xC;
	v17 =	vld [tilespmem:s28+$0x20];
	[tilespmem:s9+$0x0] =	vst v16  }
0x10b: {  	v28 =	vbroadcast v18, $0x6;
	v29 =	vbroadcast v18, $0x8;
	v16 =	vld [tilespmem:s28+$0x30]  }
0x10c: {  	v30 =	vbroadcast v18, $0x1;
	v32 =	vbroadcast v18, $0x4;
	v31 =	vld [tilespmem:s28+$0x40]  }
0x10d: {  	v33 =	vbroadcast v18, $0x0;
	v34 =	vbroadcast v18, $0x2;
	v35 =	vld [tilespmem:s28+$0x50]  }
0x10e: {  	s29 =	sadd.s32 $0x580, s1;
	v20 =	vmul.f32 v20, v30;
	v30 =	vbroadcast v18, $0x3;
	v36 =	vld [tilespmem:s28+$0x60]  }
0x10f: {  	s17 =	sor.u32 s26, s29;
	s0 =	sadd.s32 s12, s29;
	v19 =	vmul.f32 v19, v33;
	v33 =	vbroadcast v18, $0x5;
	v37 =	vld [tilespmem:s28+$0x70];
	s28 =	sadd.s32 s2, s29  }
0x110: {  	s31 =	sadd.s32 s18, s29;
	v17 =	vmul.f32 v17, v34;
	v20 =	vadd.f32 v20, v21;
	v16 =	vmul.f32 v16, v30;
	v21 =	vld [tilespmem:s28+$0x0]  }
0x111: {  	v30 =	vmul.f32 v31, v32;
	v31 =	vbroadcast v18, $0x7;
	v32 =	vld [tilespmem:s28+$0x10]  }
0x112: {  	v17 =	vadd.f32 v17, v19;
	v16 =	vadd.f32 v16, v20;
	v19 =	vmul.f32 v35, v33;
	v20 =	vld [tilespmem:s28+$0x20]  }
0x113: {  	v33 =	vbroadcast v18, $0x9;
	v28 =	vmul.f32 v36, v28;
	v34 =	vld [tilespmem:s28+$0x30]  }
0x114: {  	v17 =	vadd.f32 v30, v17;
	v16 =	vadd.f32 v19, v16;
	v19 =	vmul.f32 v37, v31;
	v30 =	vld [tilespmem:s28+$0x40]  }
0x115: {  	v21 =	vmul.f32 v21, v29;
	v29 =	vbroadcast v18, $0xB;
	v31 =	vld [tilespmem:s28+$0x50]  }
0x116: {  	s20 =	sadd.s32 $0x980, s1;
	v17 =	vadd.f32 v28, v17;
	v16 =	vadd.f32 v19, v16;
	v19 =	vmul.f32 v32, v33;
	v28 =	vld [tilespmem:s28+$0x60]  }
0x117: {  	s30 =	sor.u32 s26, s20;
	s21 =	sadd.s32 s2, s20;
	s29 =	sadd.s32 s12, s20;
	v20 =	vmul.f32 v20, v26;
	v26 =	vbroadcast v18, $0xD;
	v32 =	vld [tilespmem:s28+$0x70]  }
0x118: {  	s28 =	sadd.s32 s18, s20;
	v17 =	vadd.f32 v21, v17;
	v16 =	vadd.f32 v19, v16;
	v19 =	vmul.f32 v34, v29;
	v21 =	vld [tilespmem:s21+$0x0]  }
0x119: {  	v18 =	vbroadcast v18, $0xF;
	v27 =	vmul.f32 v30, v27;
	v29 =	vld [tilespmem:s21+$0x10]  }
0x11a: {  	v17 =	vadd.f32 v20, v17;
	v16 =	vadd.f32 v19, v16;
	v19 =	vmul.f32 v31, v26;
	v20 =	vld [tilespmem:s21+$0x20]  }
0x11b: {  	v26 =	vbroadcast v10, $0x1;
	v24 =	vmul.f32 v28, v24;
	v28 =	vld [tilespmem:s21+$0x30]  }
0x11c: {  	v17 =	vadd.f32 v27, v17;
	v16 =	vadd.f32 v19, v16;
	v18 =	vmul.f32 v32, v18;
	v19 =	vld [tilespmem:s21+$0x40]  }
0x11d: {  	v21 =	vmul.f32 v21, v25;
	v25 =	vbroadcast v10, $0x3;
	v27 =	vld [tilespmem:s21+$0x50]  }
0x11e: {  	s20 =	sadd.s32 $0xD80, s1;
	v17 =	vadd.f32 v24, v17;
	v16 =	vadd.f32 v18, v16;
	v18 =	vmul.f32 v29, v26;
	v24 =	vld [tilespmem:s21+$0x60]  }
0x11f: {  	s26 =	sor.u32 s26, s20;
	s1 =	sadd.s32 s12, s20;
	s12 =	sadd.s32 s2, s20;
	v20 =	vmul.f32 v20, v22;
	v22 =	vbroadcast v10, $0x5;
	v26 =	vld [tilespmem:s21+$0x70]  }
0x120: {  	s2 =	sadd.s32 s18, s20;
	v16 =	vadd.f32 v21, v16;
	v17 =	vadd.f32 v18, v17;
	v18 =	vmul.f32 v28, v25;
	v21 =	vld [tilespmem:s12+$0x0]  }
0x121: {  	v19 =	vmul.f32 v19, v23;
	v23 =	vbroadcast v10, $0x7;
	v25 =	vld [tilespmem:s12+$0x10]  }
0x122: {  	v16 =	vadd.f32 v20, v16;
	v17 =	vadd.f32 v18, v17;
	v18 =	vmul.f32 v27, v22;
	v20 =	vld [tilespmem:s12+$0x20]  }
0x123: {  	v22 =	vbroadcast v10, $0x9;
	v15 =	vmul.f32 v24, v15;
	v24 =	vld [tilespmem:s12+$0x30]  }
0x124: {  	v16 =	vadd.f32 v19, v16;
	v17 =	vadd.f32 v18, v17;
	v18 =	vmul.f32 v26, v23;
	v19 =	vld [tilespmem:s12+$0x40]  }
0x125: {  	v14 =	vmul.f32 v21, v14;
	v21 =	vbroadcast v10, $0xB;
	v23 =	vld [tilespmem:s12+$0x50]  }
0x126: {  	v15 =	vadd.f32 v15, v16;
	v16 =	vadd.f32 v18, v17;
	v17 =	vmul.f32 v25, v22;
	v18 =	vld [tilespmem:s12+$0x60]  }
0x127: {  	v13 =	vmul.f32 v20, v13;
	v20 =	vbroadcast v10, $0xD;
	v22 =	vld [tilespmem:s12+$0x70]  }
0x128: {  	v25 =	vld [tilespmem:s23+$0x10];
	v14 =	vadd.f32 v14, v15;
	v15 =	vadd.f32 v17, v16;
	v16 =	vmul.f32 v24, v21  }
0x129: {  	v10 =	vbroadcast v10, $0xF;
	v17 =	vld [tilespmem:s22+$0x10];
	v12 =	vmul.f32 v19, v12  }
0x12a: {  	v19 =	vld [tilespmem:s19+$0x10];
	v13 =	vadd.f32 v13, v14;
	v14 =	vadd.f32 v16, v15;
	v15 =	vmul.f32 v23, v20  }
0x12b: {  	v20 =	vbroadcast v9, $0x1;
	v16 =	vld [tilespmem:s6+$0x0];
	v11 =	vmul.f32 v18, v11  }
0x12c: {  	v18 =	vld [tilespmem:s23+$0x0];
	v12 =	vadd.f32 v12, v13;
	v13 =	vadd.f32 v15, v14;
	v10 =	vmul.f32 v22, v10  }
0x12d: {  	v21 =	vbroadcast v7, $0x1;
	v15 =	vbroadcast v8, $0x1;
	v14 =	vld [tilespmem:s23+$0x20]  }
0x12e: {  	v20 =	vmul.f32 v25, v20;
	v22 =	vld [tilespmem:s23+$0x30];
	v11 =	vadd.f32 v11, v12;
	v10 =	vadd.f32 v10, v13  }
0x12f: {  	v13 =	vmul.f32 v17, v15;
	v12 =	vld [tilespmem:s7+$0x0];
	v15 =	vmul.f32 v19, v21  }
0x130: {  	v17 =	vbroadcast v9, $0x0;
	v19 =	vbroadcast v9, $0x2;
	v21 =	vld [tilespmem:s22+$0x0];
	v10 =	vadd.f32 v10, v11  }
0x131: {  	s9 =	sadd.s32 $0x200, s9;
	v11 =	vadd.f32 v20, v16;
	v16 =	vbroadcast v9, $0x3;
	v20 =	vbroadcast v8, $0x0;
	v23 =	vld [tilespmem:s22+$0x20]  }
0x132: {  	v26 =	vbroadcast v8, $0x3;
	v24 =	vbroadcast v8, $0x2;
	v25 =	vld [tilespmem:s22+$0x30];
	[tilespmem:s9+$0x80] =	vst v10  }
0x133: {  	v28 =	vbroadcast v7, $0x2;
	v27 =	vbroadcast v7, $0x0;
	v10 =	vld [tilespmem:s4+$0x0]  }
0x134: {  	v17 =	vmul.f32 v18, v17;
	v18 =	vbroadcast v7, $0x3;
	v12 =	vadd.f32 v13, v12;
	v13 =	vld [tilespmem:s19+$0x0]  }
0x135: {  	v14 =	vmul.f32 v14, v19;
	v16 =	vmul.f32 v22, v16;
	v19 =	vld [tilespmem:s19+$0x20]  }
0x136: {  	v20 =	vmul.f32 v21, v20;
	v21 =	vmul.f32 v23, v24;
	v22 =	vld [tilespmem:s19+$0x30]  }
0x137: {  	v11 =	vadd.f32 v16, v11;
	v23 =	vbroadcast v9, $0x4;
	v16 =	vld [tilespmem:s23+$0x40];
	v24 =	vmul.f32 v25, v26  }
0x138: {  	v29 =	vbroadcast v8, $0x4;
	v26 =	vbroadcast v9, $0x5;
	v25 =	vld [tilespmem:s23+$0x50];
	v10 =	vadd.f32 v15, v10  }
0x139: {  	v12 =	vadd.f32 v24, v12;
	v15 =	vld [tilespmem:s22+$0x40];
	v24 =	vbroadcast v8, $0x5;
	v13 =	vmul.f32 v13, v27  }
0x13a: {  	v14 =	vadd.f32 v14, v17;
	v27 =	vbroadcast v7, $0x4;
	v17 =	vld [tilespmem:s22+$0x50];
	v19 =	vmul.f32 v19, v28  }
0x13b: {  	v20 =	vadd.f32 v21, v20;
	v18 =	vmul.f32 v22, v18;
	v21 =	vld [tilespmem:s19+$0x40];
	v22 =	vbroadcast v7, $0x5  }
0x13c: {  	v16 =	vmul.f32 v16, v23;
	v23 =	vbroadcast v9, $0x6;
	v13 =	vadd.f32 v19, v13;
	v19 =	vld [tilespmem:s19+$0x50]  }
0x13d: {  	v28 =	vbroadcast v9, $0x7;
	v25 =	vmul.f32 v25, v26;
	v26 =	vld [tilespmem:s23+$0x60];
	v10 =	vadd.f32 v18, v10  }
0x13e: {  	v18 =	vbroadcast v8, $0x6;
	v14 =	vadd.f32 v16, v14;
	v16 =	vld [tilespmem:s23+$0x70];
	v15 =	vmul.f32 v15, v29  }
0x13f: {  	v11 =	vadd.f32 v25, v11;
	v17 =	vmul.f32 v17, v24;
	v24 =	vld [tilespmem:s22+$0x60];
	v25 =	vbroadcast v8, $0x7  }
0x140: {  	v15 =	vadd.f32 v15, v20;
	v20 =	vld [tilespmem:s22+$0x70];
	v21 =	vmul.f32 v21, v27;
	v27 =	vbroadcast v7, $0x6  }
0x141: {  	v12 =	vadd.f32 v17, v12;
	v17 =	vmul.f32 v19, v22;
	v19 =	vld [tilespmem:s19+$0x60];
	v22 =	vbroadcast v7, $0x7  }
0x142: {  	v23 =	vmul.f32 v26, v23;
	v26 =	vbroadcast v9, $0x8;
	v13 =	vadd.f32 v21, v13;
	v21 =	vld [tilespmem:s19+$0x70]  }
0x143: {  	v29 =	vbroadcast v9, $0x9;
	v16 =	vmul.f32 v16, v28;
	v28 =	vld [tilespmem:s17+$0x0];
	v10 =	vadd.f32 v17, v10  }
0x144: {  	v14 =	vadd.f32 v23, v14;
	v17 =	vld [tilespmem:s17+$0x10];
	v18 =	vmul.f32 v24, v18;
	v23 =	vbroadcast v8, $0x8  }
0x145: {  	v24 =	vbroadcast v8, $0x9;
	v11 =	vadd.f32 v16, v11;
	v16 =	vmul.f32 v20, v25;
	v20 =	vld [tilespmem:s0+$0x0]  }
0x146: {  	v25 =	vbroadcast v7, $0x8;
	v15 =	vadd.f32 v18, v15;
	v18 =	vld [tilespmem:s0+$0x10];
	v19 =	vmul.f32 v19, v27  }
0x147: {  	v12 =	vadd.f32 v16, v12;
	v16 =	vmul.f32 v21, v22;
	v21 =	vld [tilespmem:s31+$0x0];
	v22 =	vbroadcast v7, $0x9  }
0x148: {  	v27 =	vbroadcast v9, $0xA;
	v26 =	vmul.f32 v28, v26;
	v13 =	vadd.f32 v19, v13;
	v19 =	vld [tilespmem:s31+$0x10]  }
0x149: {  	v17 =	vmul.f32 v17, v29;
	v28 =	vld [tilespmem:s17+$0x20];
	v29 =	vbroadcast v9, $0xB;
	v10 =	vadd.f32 v16, v10  }
0x14a: {  	v14 =	vadd.f32 v26, v14;
	v16 =	vld [tilespmem:s17+$0x30];
	v20 =	vmul.f32 v20, v23;
	v23 =	vbroadcast v8, $0xA  }
0x14b: {  	v11 =	vadd.f32 v17, v11;
	v17 =	vmul.f32 v18, v24;
	v18 =	vld [tilespmem:s0+$0x20];
	v24 =	vbroadcast v8, $0xB  }
0x14c: {  	v15 =	vadd.f32 v20, v15;
	v20 =	vld [tilespmem:s0+$0x30];
	v21 =	vmul.f32 v21, v25;
	v25 =	vbroadcast v7, $0xA  }
0x14d: {  	v12 =	vadd.f32 v17, v12;
	v17 =	vmul.f32 v19, v22;
	v19 =	vld [tilespmem:s31+$0x20];
	v22 =	vbroadcast v7, $0xB  }
0x14e: {  	v26 =	vmul.f32 v28, v27;
	v27 =	vbroadcast v9, $0xC;
	v13 =	vadd.f32 v21, v13;
	v21 =	vld [tilespmem:s31+$0x30]  }
0x14f: {  	v16 =	vmul.f32 v16, v29;
	v28 =	vld [tilespmem:s17+$0x40];
	v29 =	vbroadcast v9, $0xD;
	v10 =	vadd.f32 v17, v10  }
0x150: {  	v14 =	vadd.f32 v26, v14;
	v17 =	vld [tilespmem:s17+$0x50];
	v18 =	vmul.f32 v18, v23;
	v23 =	vbroadcast v8, $0xC  }
0x151: {  	v11 =	vadd.f32 v16, v11;
	v16 =	vmul.f32 v20, v24;
	v20 =	vld [tilespmem:s0+$0x40];
	v24 =	vbroadcast v8, $0xD  }
0x152: {  	v15 =	vadd.f32 v18, v15;
	v18 =	vld [tilespmem:s0+$0x50];
	v19 =	vmul.f32 v19, v25;
	v25 =	vbroadcast v7, $0xC  }
0x153: {  	v12 =	vadd.f32 v16, v12;
	v16 =	vmul.f32 v21, v22;
	v21 =	vld [tilespmem:s31+$0x40];
	v22 =	vbroadcast v7, $0xD  }
0x154: {  	v26 =	vmul.f32 v28, v27;
	v27 =	vbroadcast v9, $0xE;
	v13 =	vadd.f32 v19, v13;
	v19 =	vld [tilespmem:s31+$0x50]  }
0x155: {  	v9 =	vbroadcast v9, $0xF;
	v17 =	vmul.f32 v17, v29;
	v28 =	vld [tilespmem:s17+$0x60];
	v10 =	vadd.f32 v16, v10  }
0x156: {  	v14 =	vadd.f32 v26, v14;
	v16 =	vld [tilespmem:s17+$0x70];
	v20 =	vmul.f32 v20, v23;
	v23 =	vbroadcast v8, $0xE  }
0x157: {  	v8 =	vbroadcast v8, $0xF;
	v11 =	vadd.f32 v17, v11;
	v17 =	vmul.f32 v18, v24;
	v18 =	vld [tilespmem:s0+$0x60]  }
0x158: {  	v24 =	vbroadcast v7, $0xE;
	v15 =	vadd.f32 v20, v15;
	v20 =	vld [tilespmem:s0+$0x70];
	v21 =	vmul.f32 v21, v25  }
0x159: {  	v12 =	vadd.f32 v17, v12;
	v17 =	vmul.f32 v19, v22;
	v19 =	vld [tilespmem:s31+$0x60];
	v22 =	vbroadcast v7, $0xF  }
0x15a: {  	v26 =	vbroadcast v6, $0x0;
	v25 =	vmul.f32 v28, v27;
	v13 =	vadd.f32 v21, v13;
	v21 =	vld [tilespmem:s31+$0x70]  }
0x15b: {  	v9 =	vmul.f32 v16, v9;
	v16 =	vbroadcast v6, $0x1;
	v7 =	vld [tilespmem:s14+$0x10];
	v10 =	vadd.f32 v17, v10  }
0x15c: {  	v14 =	vadd.f32 v25, v14;
	v17 =	vld [tilespmem:s30+$0x0];
	v18 =	vmul.f32 v18, v23;
	v23 =	vbroadcast v5, $0x0  }
0x15d: {  	v9 =	vadd.f32 v9, v11;
	v11 =	vld [tilespmem:s30+$0x10];
	v8 =	vmul.f32 v20, v8;
	v20 =	vbroadcast v5, $0x1  }
0x15e: {  	v25 =	vbroadcast v6, $0x2;
	v15 =	vadd.f32 v18, v15;
	v18 =	vld [tilespmem:s29+$0x0];
	v19 =	vmul.f32 v19, v24  }
0x15f: {  	v24 =	vbroadcast v6, $0x3;
	v8 =	vadd.f32 v8, v12;
	v12 =	vld [tilespmem:s29+$0x10];
	v21 =	vmul.f32 v21, v22  }
0x160: {  	v13 =	vadd.f32 v19, v13;
	v19 =	vld [tilespmem:s28+$0x0];
	v22 =	vbroadcast v7, $0x0;
	v27 =	vbroadcast v7, $0x1  }
0x161: {  	v17 =	vmul.f32 v17, v26;
	v26 =	vbroadcast v5, $0x2;
	v10 =	vadd.f32 v21, v10;
	v21 =	vld [tilespmem:s28+$0x10]  }
0x162: {  	v28 =	vbroadcast v5, $0x3;
	v11 =	vmul.f32 v11, v16;
	v16 =	vld [tilespmem:s30+$0x20]  }
0x163: {  	v9 =	vadd.f32 v17, v9;
	v17 =	vld [tilespmem:s30+$0x30];
	v18 =	vmul.f32 v18, v23;
	v23 =	vbroadcast v7, $0x2  }
0x164: {  	v11 =	vadd.f32 v11, v14;
	v12 =	vmul.f32 v12, v20;
	v14 =	vld [tilespmem:s29+$0x20];
	v20 =	vbroadcast v7, $0x3  }
0x165: {  	v29 =	vbroadcast v6, $0x4;
	v8 =	vadd.f32 v18, v8;
	v18 =	vld [tilespmem:s29+$0x30];
	v19 =	vmul.f32 v19, v22  }
0x166: {  	v22 =	vbroadcast v6, $0x5;
	v12 =	vadd.f32 v12, v15;
	v15 =	vmul.f32 v21, v27;
	v21 =	vld [tilespmem:s28+$0x20]  }
0x167: {  	v16 =	vmul.f32 v16, v25;
	v25 =	vbroadcast v5, $0x4;
	v10 =	vadd.f32 v19, v10;
	v19 =	vld [tilespmem:s28+$0x30]  }
0x168: {  	v27 =	vbroadcast v5, $0x5;
	v17 =	vmul.f32 v17, v24;
	v24 =	vld [tilespmem:s30+$0x40];
	v13 =	vadd.f32 v15, v13  }
0x169: {  	v9 =	vadd.f32 v16, v9;
	v15 =	vld [tilespmem:s30+$0x50];
	v14 =	vmul.f32 v14, v26;
	v16 =	vbroadcast v7, $0x4  }
0x16a: {  	v26 =	vbroadcast v7, $0x5;
	v11 =	vadd.f32 v17, v11;
	v17 =	vmul.f32 v18, v28;
	v18 =	vld [tilespmem:s29+$0x40]  }
0x16b: {  	v28 =	vbroadcast v6, $0x6;
	v8 =	vadd.f32 v14, v8;
	v14 =	vld [tilespmem:s29+$0x50];
	v21 =	vmul.f32 v21, v23  }
0x16c: {  	v23 =	vbroadcast v6, $0x7;
	v12 =	vadd.f32 v17, v12;
	v17 =	vmul.f32 v19, v20;
	v19 =	vld [tilespmem:s28+$0x40]  }
0x16d: {  	v20 =	vmul.f32 v24, v29;
	v24 =	vbroadcast v5, $0x6;
	v10 =	vadd.f32 v21, v10;
	v21 =	vld [tilespmem:s28+$0x50]  }
0x16e: {  	v29 =	vbroadcast v5, $0x7;
	v15 =	vmul.f32 v15, v22;
	v22 =	vld [tilespmem:s30+$0x60];
	v13 =	vadd.f32 v17, v13  }
0x16f: {  	v9 =	vadd.f32 v20, v9;
	v17 =	vld [tilespmem:s30+$0x70];
	v18 =	vmul.f32 v18, v25;
	v20 =	vbroadcast v7, $0x6  }
0x170: {  	v25 =	vbroadcast v7, $0x7;
	v11 =	vadd.f32 v15, v11;
	v14 =	vmul.f32 v14, v27;
	v15 =	vld [tilespmem:s29+$0x60]  }
0x171: {  	v27 =	vbroadcast v6, $0x8;
	v8 =	vadd.f32 v18, v8;
	v18 =	vld [tilespmem:s29+$0x70];
	v16 =	vmul.f32 v19, v16  }
0x172: {  	v19 =	vbroadcast v6, $0x9;
	v12 =	vadd.f32 v14, v12;
	v14 =	vmul.f32 v21, v26;
	v21 =	vld [tilespmem:s28+$0x60]  }
0x173: {  	v26 =	vbroadcast v5, $0x8;
	v22 =	vmul.f32 v22, v28;
	v10 =	vadd.f32 v16, v10;
	v16 =	vld [tilespmem:s28+$0x70]  }
0x174: {  	v28 =	vbroadcast v5, $0x9;
	v17 =	vmul.f32 v17, v23;
	v23 =	vld [tilespmem:s26+$0x0];
	v13 =	vadd.f32 v14, v13  }
0x175: {  	v9 =	vadd.f32 v22, v9;
	v14 =	vld [tilespmem:s26+$0x10];
	v15 =	vmul.f32 v15, v24;
	v22 =	vbroadcast v7, $0x8  }
0x176: {  	v24 =	vbroadcast v7, $0x9;
	v11 =	vadd.f32 v17, v11;
	v17 =	vmul.f32 v18, v29;
	v18 =	vld [tilespmem:s1+$0x0]  }
0x177: {  	v29 =	vbroadcast v6, $0xA;
	v8 =	vadd.f32 v15, v8;
	v15 =	vld [tilespmem:s1+$0x10];
	v20 =	vmul.f32 v21, v20  }
0x178: {  	v21 =	vbroadcast v6, $0xB;
	v12 =	vadd.f32 v17, v12;
	v16 =	vmul.f32 v16, v25;
	v17 =	vld [tilespmem:s2+$0x0]  }
0x179: {  	v25 =	vbroadcast v5, $0xA;
	v23 =	vmul.f32 v23, v27;
	v10 =	vadd.f32 v20, v10;
	v20 =	vld [tilespmem:s2+$0x10]  }
0x17a: {  	v27 =	vbroadcast v5, $0xB;
	v14 =	vmul.f32 v14, v19;
	v19 =	vld [tilespmem:s26+$0x20];
	v13 =	vadd.f32 v16, v13  }
0x17b: {  	v9 =	vadd.f32 v23, v9;
	v16 =	vld [tilespmem:s26+$0x30];
	v18 =	vmul.f32 v18, v26;
	v23 =	vbroadcast v7, $0xA  }
0x17c: {  	v26 =	vbroadcast v7, $0xB;
	v11 =	vadd.f32 v14, v11;
	v14 =	vmul.f32 v15, v28;
	v15 =	vld [tilespmem:s1+$0x20]  }
0x17d: {  	v28 =	vbroadcast v6, $0xC;
	v8 =	vadd.f32 v18, v8;
	v18 =	vld [tilespmem:s1+$0x30];
	v17 =	vmul.f32 v17, v22  }
0x17e: {  	v22 =	vbroadcast v6, $0xD;
	v12 =	vadd.f32 v14, v12;
	v14 =	vmul.f32 v20, v24;
	v20 =	vld [tilespmem:s2+$0x20]  }
0x17f: {  	v24 =	vbroadcast v5, $0xC;
	v19 =	vmul.f32 v19, v29;
	v10 =	vadd.f32 v17, v10;
	v17 =	vld [tilespmem:s2+$0x30]  }
0x180: {  	v29 =	vbroadcast v5, $0xD;
	v16 =	vmul.f32 v16, v21;
	v21 =	vld [tilespmem:s26+$0x40];
	v13 =	vadd.f32 v14, v13  }
0x181: {  	v14 =	vadd.f32 v19, v9;
	v19 =	vld [tilespmem:s26+$0x50];
	v9 =	vmul.f32 v15, v25;
	v25 =	vbroadcast v7, $0xC  }
0x182: {  	v30 =	vbroadcast v7, $0xD;
	v16 =	vadd.f32 v16, v11;
	v11 =	vmul.f32 v18, v27;
	v27 =	vld [tilespmem:s1+$0x40]  }
0x183: {  	v31 =	vbroadcast v6, $0xE;
	v32 =	vadd.f32 v9, v8;
	v33 =	vld [tilespmem:s1+$0x50];
	v8 =	vmul.f32 v20, v23  }
0x184: {  	v9 =	vbroadcast v6, $0xF;
	v20 =	vadd.f32 v11, v12;
	v6 =	vmul.f32 v17, v26;
	v23 =	vld [tilespmem:s2+$0x40]  }
0x185: {  	v11 =	vbroadcast v5, $0xE;
	v17 =	vmul.f32 v21, v28;
	v10 =	vadd.f32 v8, v10;
	v21 =	vld [tilespmem:s2+$0x50]  }
0x186: {  	v12 =	vbroadcast v5, $0xF;
	v19 =	vmul.f32 v19, v22;
	v22 =	vld [tilespmem:s26+$0x60];
	v15 =	vadd.f32 v6, v13  }
.Ltmp1:
0x187: {  	v13 =	vbroadcast v7, $0xE;
	v8 =	vadd.f32 v17, v14;
	v18 =	vld [tilespmem:s26+$0x70];
	v5 =	vmul.f32 v27, v24;
	(pc) =	sbr.rel @p1 .LBB2_5-.Ltmp1, $4  }
0x188: {  	v6 =	vbroadcast v7, $0xF;
	v16 =	vadd.f32 v19, v16;
	v14 =	vmul.f32 v33, v29;
	v19 =	vld [tilespmem:s1+$0x60]  }
0x189: {  	v17 =	vadd.f32 v5, v32;
	v7 =	vld [tilespmem:s1+$0x70];
	v5 =	vmul.f32 v23, v25  }
0x18a: {  	v14 =	vadd.f32 v14, v20;
	v23 =	vmul.f32 v21, v30;
	v20 =	vld [tilespmem:s2+$0x60]  }
0x18b: {  	s14 =	sadd.s32 $0x200, s14;
	v22 =	vmul.f32 v22, v31;
	v5 =	vadd.f32 v5, v10;
	v21 =	vld [tilespmem:s2+$0x70]  }
0x18c: {  	v9 =	vmul.f32 v18, v9;
	_ =	sdelay $0x1  }
0x18d: {  	v8 =	vadd.f32 v22, v8;
	v9 =	vadd.f32 v9, v16  }
0x18e: {  	v10 =	vadd.f32 v23, v15;
	v11 =	vmul.f32 v19, v11;
	v7 =	vmul.f32 v7, v12  }
0x18f: {  	v12 =	vmul.f32 v20, v13;
	v6 =	vmul.f32 v21, v6;
	v8 =	vadd.f32 v9, v8  }
0x190: {  	v11 =	vadd.f32 v11, v17;
	v7 =	vadd.f32 v7, v14  }
0x191: {  	v5 =	vadd.f32 v12, v5;
	v6 =	vadd.f32 v6, v10;
	[tilespmem:s9+$0xFFFFFF00] =	vst v8  }
0x192: {  	p1 =	seq.s32 s25, $0x7C;
	v7 =	vadd.f32 v7, v11;
	s0 =	rddreg [dreg:$0x9]  }
0x193: {  	v5 =	vadd.f32 v6, v5;
	s0 =	sadd.s32 @!p1 s8, s0  }
0x194: {  	[tilespmem:s9+$0xFFFFFF80] =	vst v7;
	s0 =	sshrl.u32 @!p1 s0, $0x3  }
0x195: {  	s1 =	simm.s32 @!p1 $0x0;
	[tilespmem:s9+$0x0] =	vst v5;
	s0 =	sadd.s32 @!p1 s5, s0  }
0x196: {  	[tilespmem:s1], [sflag:$0x3] =	stream.linear.gather @!p1 [hbm4b:s0+s1], $0x18, $0x38;
	[tilespmem:$0x1C600] =	vst v63  }
0x197: {  	s0 =	simm.s32 @!p1 $0x3  }
0x198: {  	_ =	swait.ge @!p1 [sflag:s0], $0x18  }
0x199: {  	[sflag:s0] =	ssyncset.done @!p1 $0x0  }
0x19a: {  	[sflag:s0] =	ssyncadd.s32 @!p1 $0xFFFFFFE8  }
0x19b: {  	v5 =	vld @!p1 [tilespmem:$0x0];
	_ =	sdelay $0x4  }
0x19c: {  	v6 =	vshrl.u32 @!p1 v5, $0x3  }
0x19d: {  	v6 =	vmul.u32 @!p1 $0x28, v6  }
0x19e: {  	v7 =	vlaneseq.u32 @!p1;
	v5 =	vand.u32 @!p1 $0x7, v5  }
0x19f: {  	v8 =	vshrl.u32 @!p1 v7, $0x3;
	v5 =	vor.u32 @!p1 v5, v6;
	v6 =	vand.u32 @!p1 $0x7, v7  }
0x1a0: {  	v8 =	vmul.u32 @!p1 $0x8, v8;
	v9 =	vperm.xlane @!p1 v5, v6;
	_ =	sdelay $0x1  }
0x1a1: {  	v9 =	vadd.s32 @!p1 v8, v9;
	_ =	sdelay $0x2  }
0x1a2: {  	v7 =	vor.u32 @!p1 $0x8, v7  }
0x1a3: {  	vm2 =	vmmov @!p1 $0xffff;
	s0 =	simm.s32 @!p1 $0x180;
	v5 =	vperm.xlane @!p1 v5, v7  }
0x1a4: {  	[tilespmem:s0], [sflag:$0x1] =	stream.indirect_vreg.gather @!p1 [hbm4b:s3+s1], $0x80, v9, vm2, $0xb8;
	[tilespmem:$0x1C600] =	vst v63  }
0x1a5: {  	v5 =	vadd.s32 @!p1 v8, v5;
	s0 =	simm.s32 @!p1 $0x980  }
0x1a6: {  	[tilespmem:s0], [sflag:$0x1] =	stream.indirect_vreg.gather @!p1 [hbm4b:s10+s1], $0x80, v9, vm2, $0xb8;
	[tilespmem:$0x1C600] =	vst v63  }
0x1a7: {  	vm3 =	vmmov @!p1 $0xff;
	s0 =	simm.s32 @!p1 $0x1180  }
0x1a8: {  	[tilespmem:s0], [sflag:$0x1] =	stream.indirect_vreg.gather @!p1 [hbm4b:s11+s1], $0x80, v9, vm3, $0xb8;
	[tilespmem:$0x1C600] =	vst v63  }
0x1a9: {  	s0 =	simm.s32 @!p1 $0x1580  }
0x1aa: {  	[tilespmem:s0], [sflag:$0x1] =	stream.indirect_vreg.gather @!p1 [hbm4b:s3+s1], $0x80, v5, vm2, $0xb8;
	[tilespmem:$0x1C600] =	vst v63  }
0x1ab: {  	s0 =	simm.s32 @!p1 $0x1D80  }
0x1ac: {  	[tilespmem:s0], [sflag:$0x1] =	stream.indirect_vreg.gather @!p1 [hbm4b:s10+s1], $0x80, v5, vm2, $0xb8;
	[tilespmem:$0x1C600] =	vst v63  }
0x1ad: {  	s0 =	simm.s32 @!p1 $0x2580  }
0x1ae: {  	[tilespmem:s0], [sflag:$0x1] =	stream.indirect_vreg.gather @!p1 [hbm4b:s11+s1], $0x80, v5, vm3, $0xb8;
	[tilespmem:$0x1C600] =	vst v63  }
0x1af: {  	v5 =	vld.msk @!p1 [tilespmem:$0x10], $0xff;
	_ =	sdelay $0x4  }
0x1b0: {  	v7 =	vshrl.u32 @!p1 v5, $0x3  }
0x1b1: {  	v7 =	vmul.u32 @!p1 $0x28, v7  }
0x1b2: {  	v5 =	vand.u32 @!p1 $0x7, v5  }
0x1b3: {  	v5 =	vor.u32 @!p1 v5, v7  }
0x1b4: {  	v5 =	vperm.xlane @!p1 v5, v6;
	_ =	sdelay $0x1  }
0x1b5: {  	v5 =	vadd.s32 @!p1 v8, v5;
	_ =	sdelay $0x3  }
0x1b6: {  	s0 =	simm.s32 @!p1 $0x2980  }
0x1b7: {  	[tilespmem:s0], [sflag:$0x1] =	stream.indirect_vreg.gather @!p1 [hbm4b:s3+s1], $0x80, v5, vm2, $0xb8;
	[tilespmem:$0x1C600] =	vst v63  }
0x1b8: {  	s0 =	simm.s32 @!p1 $0x3180  }
0x1b9: {  	[tilespmem:s0], [sflag:$0x1] =	stream.indirect_vreg.gather @!p1 [hbm4b:s10+s1], $0x80, v5, vm2, $0xb8;
	[tilespmem:$0x1C600] =	vst v63  }
0x1ba: {  	s26 =	simm.s32 $0x2;
	s0 =	simm.s32 @!p1 $0x3980  }
0x1bb: {  	[tilespmem:s0], [sflag:$0x1] =	stream.indirect_vreg.gather @!p1 [hbm4b:s11+s1], $0x80, v5, vm3, $0xb8;
	[tilespmem:$0x1C600] =	vst v63  }
0x1bc: {  	_ =	swait.ge [sflag:s26], $0x2800  }
0x1bd: {  	[sflag:s26] =	ssyncset.done $0x0  }
0x1be: {  	s28 =	simm.s32 $0x7310;
	s29 =	simm.s32 $0x0;
	[sflag:s26] =	ssyncadd.s32 $0xFFFFD800  }
0x1bf: {  	s2 =	smul.u32 $0x5000, s29;
	v5 =	vld [tilespmem:s28+$0x0]  }
0x1c0: {  	s8 =	simm.s32 $0x0;
	v8 =	vld [tilespmem:s28+$0xFFFFFE70]  }
0x1c1: {  	s2 =	sshra.s32 s2, $0x2;
	s1 =	sand.u32 $0x200, s8;
	v7 =	vld [tilespmem:s28+$0xFFFFFEF0]  }
0x1c2: {  	s6 =	sadd.s32 $0x4D80, s2;
	s7 =	sor.u32 $0x180, s1;
	v6 =	vld [tilespmem:s28+$0xFFFFFF70]  }
0x1c3: {  	s4 =	sadd.s32 $0x3D80, s2;
	s30 =	sadd.s32 s7, s6;
	v10 =	vld [tilespmem:s28+$0xFFFFFFF0]  }
0x1c4: {  	s31 =	sadd.s32 s7, s4;
	v11 =	vld [tilespmem:s30+$0x0]  }
0x1c5: {  	v12 =	vld [tilespmem:s31+$0x0]  }
0x1c6: {  	v13 =	vld [tilespmem:s31+$0x10]  }
0x1c7: {  	v14 =	vld [tilespmem:s31+$0x20]  }
0x1c8: {  	v15 =	vld [tilespmem:s31+$0x30];
	v9 =	vbroadcast v5, $0xE  }
0x1c9: {  	v16 =	vld [tilespmem:s31+$0x40];
	v20 =	vbroadcast v5, $0xA;
	v22 =	vbroadcast v5, $0xC  }
0x1ca: {  	v17 =	vld [tilespmem:s31+$0x50];
	v23 =	vbroadcast v5, $0x6;
	v25 =	vbroadcast v5, $0x8  }
0x1cb: {  	s15 =	sadd.s32 $0x4180, s2;
	v18 =	vld [tilespmem:s31+$0x60];
	v26 =	vbroadcast v5, $0x2;
	v28 =	vbroadcast v5, $0x4  }
0x1cc: {  	s12 =	sadd.s32 s7, s15;
	v19 =	vld [tilespmem:s31+$0x70];
	v29 =	vbroadcast v10, $0x1;
	v31 =	vbroadcast v10, $0xE  }
0x1cd: {  	v21 =	vld [tilespmem:s12+$0x0];
	v32 =	vbroadcast v10, $0x4;
	v55 =	vbroadcast v10, $0x3  }
0x1ce: {  	v24 =	vld [tilespmem:s12+$0x10];
	v35 =	vbroadcast v10, $0x0;
	v36 =	vbroadcast v10, $0x2  }
0x1cf: {  	v27 =	vld [tilespmem:s12+$0x20];
	v58 =	vbroadcast v10, $0x7;
	v59 =	vbroadcast v10, $0x9  }
0x1d0: {  	v30 =	vld [tilespmem:s12+$0x30];
	v60 =	vbroadcast v10, $0x8;
	v62 =	vbroadcast v10, $0xA  }
0x1d1: {  	v33 =	vld [tilespmem:s12+$0x40];
	v63 =	vbroadcast v10, $0xD;
	v39 =	vbroadcast v10, $0xC  }
0x1d2: {  	v34 =	vld [tilespmem:s12+$0x50];
	v41 =	vbroadcast v5, $0x0;
	v43 =	vbroadcast v5, $0x1  }
0x1d3: {  	s14 =	sadd.s32 $0x4580, s2;
	v37 =	vld [tilespmem:s12+$0x60];
	v47 =	vbroadcast v5, $0x3;
	v13 =	vmul.f32 v13, v29  }
0x1d4: {  	s13 =	sadd.s32 s7, s14;
	v56 =	vld [tilespmem:s12+$0x70];
	v48 =	vbroadcast v5, $0x5;
	v52 =	vbroadcast v5, $0xD  }
0x1d5: {  	s2 =	sadd.s32 $0x4980, s2;
	v57 =	vld [tilespmem:s13+$0x0];
	v15 =	vmul.f32 v15, v55;
	v11 =	vadd.f32 v13, v11;
	v13 =	vbroadcast v10, $0x5  }
0x1d6: {  	s7 =	sadd.s32 s7, s2;
	v61 =	vld [tilespmem:s13+$0x50];
	v12 =	vmul.f32 v12, v35;
	v14 =	vmul.f32 v14, v36  }
0x1d7: {  	v40 =	vld [tilespmem:s7+$0x10];
	v54 =	vbroadcast v6, $0x1;
	v11 =	vadd.f32 v15, v11;
	v13 =	vmul.f32 v17, v13  }
0x1d8: {  	v42 =	vld [tilespmem:s7+$0x20];
	v16 =	vmul.f32 v16, v32;
	v12 =	vadd.f32 v14, v12;
	v17 =	vbroadcast v10, $0x6  }
0x1d9: {  	v49 =	vld [tilespmem:s7+$0x60];
	v38 =	vbroadcast v6, $0x4;
	v11 =	vadd.f32 v13, v11;
	v13 =	vmul.f32 v19, v58  }
0x1da: {  	v21 =	vmul.f32 v21, v60;
	v14 =	vld [tilespmem:s13+$0x20];
	v12 =	vadd.f32 v16, v12;
	v17 =	vmul.f32 v18, v17  }
0x1db: {  	v15 =	vld [tilespmem:s13+$0x10];
	v18 =	vbroadcast v10, $0xB;
	v11 =	vadd.f32 v13, v11;
	v13 =	vmul.f32 v24, v59  }
0x1dc: {  	v27 =	vmul.f32 v27, v62;
	v44 =	vmul.f32 v37, v31;
	v16 =	vld [tilespmem:s13+$0x40];
	v12 =	vadd.f32 v17, v12  }
0x1dd: {  	v45 =	vmul.f32 v57, v41;
	v19 =	vld [tilespmem:s13+$0x30];
	v11 =	vadd.f32 v13, v11;
	v13 =	vmul.f32 v30, v18  }
0x1de: {  	v20 =	vmul.f32 v42, v20;
	v9 =	vmul.f32 v49, v9;
	v17 =	vld [tilespmem:s13+$0x60];
	v12 =	vadd.f32 v21, v12  }
0x1df: {  	s17 =	sor.u32 $0x100, s1;
	v10 =	vbroadcast v10, $0xF;
	v18 =	vld [tilespmem:s13+$0x70];
	s13 =	sor.u32 $0x80, s1;
	v11 =	vadd.f32 v13, v11;
	v13 =	vmul.f32 v34, v63  }
0x1e0: {  	s19 =	sor.u32 s1, s4;
	v46 =	vld [tilespmem:s7+$0x40];
	v57 =	vbroadcast v7, $0x0;
	v30 =	vmul.f32 v33, v39;
	s20 =	sadd.s32 s13, s4;
	s4 =	sadd.s32 s17, s4;
	v12 =	vadd.f32 v27, v12  }
0x1e1: {  	v49 =	vbroadcast v7, $0x8;
	v10 =	vmul.f32 v56, v10;
	v60 =	vld [tilespmem:s4+$0x20];
	v11 =	vadd.f32 v13, v11  }
0x1e2: {  	s12 =	sor.u32 s1, s6;
	v50 =	vld [tilespmem:s7+$0x70];
	v14 =	vmul.f32 v14, v26;
	v24 =	vmul.f32 v61, v48;
	v12 =	vadd.f32 v30, v12  }
0x1e3: {  	v51 =	vld [tilespmem:s12+$0x0];
	v59 =	vbroadcast v7, $0x3;
	v61 =	vbroadcast v6, $0x2;
	v10 =	vadd.f32 v10, v11  }
0x1e4: {  	v16 =	vmul.f32 v16, v28;
	v21 =	vld [tilespmem:s7+$0x0];
	v11 =	vmul.f32 v15, v43;
	v12 =	vadd.f32 v44, v12  }
0x1e5: {  	v55 =	vld [tilespmem:s19+$0x30];
	v19 =	vmul.f32 v19, v47;
	v34 =	vbroadcast v7, $0x4;
	v10 =	vadd.f32 v45, v10  }
0x1e6: {  	v56 =	vld [tilespmem:s20+$0x30];
	v43 =	vbroadcast v7, $0x6;
	v37 =	vmul.f32 v60, v61;
	v11 =	vadd.f32 v11, v12  }
0x1e7: {  	v13 =	vld [tilespmem:s7+$0x30];
	v61 =	vbroadcast v8, $0xC;
	v12 =	vbroadcast v5, $0x7;
	v10 =	vadd.f32 v14, v10  }
0x1e8: {  	s21 =	sor.u32 s1, s15;
	v15 =	vld [tilespmem:s7+$0x50];
	v14 =	vmul.f32 v17, v23;
	v17 =	vbroadcast v5, $0x9;
	v11 =	vadd.f32 v19, v11  }
0x1e9: {  	v48 =	vld [tilespmem:s21+$0x10];
	v12 =	vmul.f32 v18, v12;
	v18 =	vmul.f32 v21, v25;
	v10 =	vadd.f32 v16, v10  }
0x1ea: {  	v53 =	vld [tilespmem:s20+$0x10];
	v16 =	vbroadcast v5, $0xB;
	v17 =	vmul.f32 v40, v17;
	v11 =	vadd.f32 v24, v11  }
0x1eb: {  	v21 =	vld [tilespmem:s19+$0x10];
	v5 =	vbroadcast v5, $0xF;
	v24 =	vmul.f32 v56, v59;
	v10 =	vadd.f32 v14, v10  }
0x1ec: {  	s18 =	sadd.s32 s13, s6;
	v13 =	vmul.f32 v13, v16;
	v14 =	vmul.f32 v46, v22;
	v16 =	vld [tilespmem:s4+$0x10];
	v11 =	vadd.f32 v12, v11  }
0x1ed: {  	s6 =	sadd.s32 s17, s6;
	v23 =	vld [tilespmem:s18+$0x0];
	v12 =	vmul.f32 v15, v52;
	v5 =	vmul.f32 v50, v5;
	v10 =	vadd.f32 v18, v10  }
0x1ee: {  	v19 =	vld [tilespmem:s6+$0x0];
	v18 =	vbroadcast v8, $0x1;
	v11 =	vadd.f32 v17, v11;
	v17 =	vbroadcast v7, $0x1  }
0x1ef: {  	v47 =	vld [tilespmem:s21+$0x0];
	v46 =	vbroadcast v6, $0x6;
	v52 =	vbroadcast v6, $0x8;
	v10 =	vadd.f32 v20, v10  }
0x1f0: {  	v15 =	vld [tilespmem:s19+$0x0];
	v18 =	vmul.f32 v21, v18;
	v11 =	vadd.f32 v13, v11;
	v13 =	vmul.f32 v53, v17  }
0x1f1: {  	v36 =	vld [tilespmem:s20+$0x50];
	v21 =	vbroadcast v8, $0x2;
	v16 =	vmul.f32 v16, v54;
	v10 =	vadd.f32 v14, v10  }
0x1f2: {  	v20 =	vld [tilespmem:s20+$0x0];
	v14 =	vbroadcast v8, $0x0;
	v11 =	vadd.f32 v12, v11;
	v12 =	vbroadcast v8, $0x3  }
0x1f3: {  	v22 =	vld [tilespmem:s19+$0x20];
	v13 =	vadd.f32 v13, v23;
	v23 =	vbroadcast v8, $0x4;
	v16 =	vadd.f32 v16, v19  }
0x1f4: {  	v17 =	vld [tilespmem:s20+$0x20];
	v19 =	vbroadcast v7, $0x5;
	v9 =	vadd.f32 v9, v10;
	v10 =	vbroadcast v7, $0x2  }
0x1f5: {  	v58 =	vld [tilespmem:s4+$0x0];
	v5 =	vadd.f32 v5, v11;
	v11 =	vbroadcast v6, $0x0;
	v14 =	vmul.f32 v15, v14  }
0x1f6: {  	v62 =	vld [tilespmem:s4+$0x30];
	v18 =	vadd.f32 v18, v51;
	v15 =	vbroadcast v6, $0x3;
	v12 =	vmul.f32 v55, v12  }
0x1f7: {  	v63 =	vld [tilespmem:s19+$0x40];
	v13 =	vadd.f32 v24, v13;
	v20 =	vmul.f32 v20, v57;
	v19 =	vmul.f32 v36, v19  }
0x1f8: {  	v35 =	vld [tilespmem:s20+$0x40];
	v36 =	vbroadcast v7, $0xD;
	v5 =	vadd.f32 v5, v9;
	v9 =	vmul.f32 v22, v21  }
0x1f9: {  	v39 =	vld [tilespmem:s4+$0x40];
	v10 =	vmul.f32 v17, v10;
	v12 =	vadd.f32 v12, v18;
	v18 =	vbroadcast v8, $0x5  }
0x1fa: {  	s23 =	sadd.s32 s17, s15;
	v40 =	vld [tilespmem:s4+$0x50];
	v11 =	vmul.f32 v58, v11;
	v58 =	vbroadcast v6, $0xA  }
0x1fb: {  	v57 =	vld [tilespmem:s23+$0x20];
	v13 =	vadd.f32 v19, v13;
	v19 =	vbroadcast v8, $0x8;
	v9 =	vadd.f32 v9, v14  }
0x1fc: {  	v21 =	vld [tilespmem:s19+$0x50];
	v14 =	vmul.f32 v62, v15;
	v15 =	vbroadcast v6, $0x5;
	v10 =	vadd.f32 v10, v20  }
0x1fd: {  	v17 =	vld [tilespmem:s19+$0x60];
	v20 =	vmul.f32 v63, v23;
	v23 =	vbroadcast v8, $0x6;
	v11 =	vadd.f32 v37, v11  }
0x1fe: {  	v41 =	vld [tilespmem:s20+$0x60];
	v37 =	vbroadcast v6, $0xC;
	v14 =	vadd.f32 v14, v16;
	v16 =	vmul.f32 v35, v34  }
0x1ff: {  	v42 =	vld [tilespmem:s20+$0x70];
	v9 =	vadd.f32 v20, v9;
	v20 =	vbroadcast v7, $0x7;
	v15 =	vmul.f32 v40, v15  }
0x200: {  	v44 =	vld [tilespmem:s4+$0x60];
	v25 =	vmul.f32 v57, v58;
	v40 =	vbroadcast v8, $0xF  }
0x201: {  	v45 =	vld [tilespmem:s4+$0x70];
	v18 =	vmul.f32 v21, v18;
	v21 =	vbroadcast v8, $0x7  }
0x202: {  	v22 =	vld [tilespmem:s19+$0x70];
	v17 =	vmul.f32 v17, v23;
	v10 =	vadd.f32 v16, v10;
	v16 =	vbroadcast v6, $0x7  }
0x203: {  	s22 =	sadd.s32 s13, s15;
	v60 =	vld [tilespmem:s21+$0x50];
	v14 =	vadd.f32 v15, v14;
	v15 =	vmul.f32 v41, v43;
	v12 =	vadd.f32 v18, v12  }
0x204: {  	v23 =	vld [tilespmem:s22+$0x0];
	v18 =	vmul.f32 v39, v38;
	v9 =	vadd.f32 v17, v9;
	v17 =	vmul.f32 v42, v20  }
0x205: {  	v53 =	vld [tilespmem:s21+$0x20];
	v20 =	vbroadcast v7, $0x9;
	v38 =	vbroadcast v8, $0xE;
	v10 =	vadd.f32 v15, v10  }
0x206: {  	v51 =	vld [tilespmem:s23+$0x10];
	v15 =	vmul.f32 v45, v16;
	v16 =	vbroadcast v6, $0x9;
	v11 =	vadd.f32 v18, v11  }
0x207: {  	v56 =	vld [tilespmem:s22+$0x30];
	v18 =	vmul.f32 v22, v21;
	v21 =	vbroadcast v8, $0x9;
	v13 =	vadd.f32 v17, v13  }
0x208: {  	v22 =	vld [tilespmem:s22+$0x10];
	v17 =	vmul.f32 v47, v19;
	v19 =	vbroadcast v8, $0xA;
	v14 =	vadd.f32 v15, v14  }
0x209: {  	v50 =	vld [tilespmem:s23+$0x0];
	v15 =	vmul.f32 v23, v49;
	v23 =	vbroadcast v7, $0xA;
	v12 =	vadd.f32 v18, v12  }
0x20a: {  	v55 =	vld [tilespmem:s22+$0x20];
	v18 =	vmul.f32 v44, v46;
	v17 =	vadd.f32 v17, v9;
	v19 =	vmul.f32 v53, v19  }
0x20b: {  	v54 =	vld [tilespmem:s21+$0x30];
	v10 =	vadd.f32 v15, v10;
	v15 =	vmul.f32 v51, v16;
	v16 =	vbroadcast v6, $0xB  }
0x20c: {  	v59 =	vld [tilespmem:s21+$0x40];
	v11 =	vadd.f32 v18, v11;
	v18 =	vmul.f32 v48, v21;
	v21 =	vbroadcast v8, $0xB  }
0x20d: {  	v17 =	vadd.f32 v19, v17;
	v9 =	vmul.f32 v22, v20;
	v20 =	vbroadcast v7, $0xB;
	v22 =	vld [tilespmem:s23+$0x30]  }
0x20e: {  	v62 =	vld [tilespmem:s21+$0x60];
	v14 =	vadd.f32 v15, v14;
	v12 =	vadd.f32 v18, v12;
	v18 =	vmul.f32 v50, v52  }
0x20f: {  	v15 =	vmul.f32 v55, v23;
	v13 =	vadd.f32 v9, v13;
	v19 =	vmul.f32 v56, v20;
	v20 =	vld [tilespmem:s22+$0x40]  }
0x210: {  	v23 =	vbroadcast v7, $0xC;
	v9 =	vld [tilespmem:s28+$0xFFFFFE80];
	v11 =	vadd.f32 v18, v11;
	v18 =	vmul.f32 v54, v21  }
0x211: {  	v63 =	vld [tilespmem:s21+$0x70];
	v21 =	vbroadcast v8, $0xD;
	v13 =	vadd.f32 v19, v13;
	v19 =	vmul.f32 v59, v61  }
0x212: {  	v10 =	vadd.f32 v15, v10;
	v8 =	vld [tilespmem:s28+$0xFFFFFF00];
	v15 =	vmul.f32 v22, v16;
	v22 =	vbroadcast v6, $0xD  }
0x213: {  	v39 =	vld [tilespmem:s23+$0x50];
	v21 =	vmul.f32 v60, v21;
	v17 =	vadd.f32 v19, v17;
	v19 =	vbroadcast v6, $0xE  }
0x214: {  	v42 =	vld [tilespmem:s22+$0x70];
	v14 =	vadd.f32 v15, v14;
	v15 =	vmul.f32 v20, v23;
	v20 =	vbroadcast v7, $0xE  }
0x215: {  	v12 =	vadd.f32 v18, v12;
	v18 =	vld [tilespmem:s22+$0x50];
	v7 =	vbroadcast v7, $0xF;
	v43 =	vbroadcast v9, $0x0  }
0x216: {  	v16 =	vld [tilespmem:s23+$0x40];
	v44 =	vbroadcast v9, $0x1;
	v55 =	vbroadcast v9, $0x4  }
0x217: {  	v41 =	vld [tilespmem:s22+$0x60];
	v50 =	vbroadcast v8, $0x2;
	v52 =	vbroadcast v8, $0x3  }
0x218: {  	v12 =	vadd.f32 v21, v12;
	v21 =	vld [tilespmem:s23+$0x60];
	v57 =	vbroadcast v8, $0x4;
	v58 =	vbroadcast v8, $0x5  }
0x219: {  	v23 =	vld [tilespmem:s23+$0x70];
	v10 =	vadd.f32 v15, v10;
	v15 =	vmul.f32 v39, v22;
	v22 =	vbroadcast v6, $0xF  }
0x21a: {  	s26 =	sor.u32 s1, s14;
	v11 =	vadd.f32 v25, v11;
	v7 =	vmul.f32 v42, v7;
	v18 =	vmul.f32 v18, v36  }
0x21b: {  	s29 =	sadd.s32 s17, s14;
	v45 =	vld [tilespmem:s26+$0x0];
	v42 =	vbroadcast v9, $0x9;
	v16 =	vmul.f32 v16, v37;
	v14 =	vadd.f32 v15, v14  }
0x21c: {  	v49 =	vld [tilespmem:s29+$0x10];
	v15 =	vmul.f32 v41, v20;
	v20 =	vbroadcast v8, $0x0;
	v13 =	vadd.f32 v18, v13  }
0x21d: {  	v6 =	vld [tilespmem:s28+$0xFFFFFF80];
	v18 =	vmul.f32 v62, v38;
	v11 =	vadd.f32 v16, v11;
	v16 =	vmul.f32 v63, v40  }
0x21e: {  	v46 =	vld [tilespmem:s26+$0x10];
	v19 =	vmul.f32 v21, v19;
	v22 =	vmul.f32 v23, v22  }
0x21f: {  	v53 =	vld [tilespmem:s26+$0x30];
	v62 =	vbroadcast v9, $0x6;
	v63 =	vbroadcast v8, $0x6  }
0x220: {  	v51 =	vld [tilespmem:s26+$0x20];
	v40 =	vbroadcast v9, $0x8;
	v10 =	vadd.f32 v15, v10;
	v15 =	vbroadcast v9, $0x3  }
0x221: {  	v56 =	vld [tilespmem:s29+$0x30];
	s28 =	sadd.s32 s13, s14;
	v17 =	vadd.f32 v18, v17;
	v18 =	vbroadcast v8, $0x1;
	v12 =	vadd.f32 v16, v12  }
0x222: {  	v47 =	vld [tilespmem:s28+$0x0];
	v16 =	vbroadcast v9, $0x2;
	v7 =	vadd.f32 v7, v13;
	v13 =	vbroadcast v6, $0x0  }
0x223: {  	v21 =	vld [tilespmem:s28+$0x10];
	v48 =	vbroadcast v6, $0x1;
	v11 =	vadd.f32 v19, v11;
	v19 =	vmul.f32 v45, v43  }
0x224: {  	v23 =	vld [tilespmem:s29+$0x0];
	v14 =	vadd.f32 v22, v14;
	v22 =	vmul.f32 v46, v44;
	v59 =	vbroadcast v6, $0x4  }
0x225: {  	v54 =	vld [tilespmem:s28+$0x20];
	v39 =	vbroadcast v6, $0x7;
	v43 =	vbroadcast v6, $0x8  }
0x226: {  	v60 =	vld [tilespmem:s28+$0x40];
	v46 =	vbroadcast v9, $0xA;
	v15 =	vmul.f32 v53, v15  }
0x227: {  	v61 =	vld [tilespmem:s28+$0x50];
	v53 =	vbroadcast v9, $0xD;
	v12 =	vadd.f32 v19, v12;
	v19 =	vmul.f32 v47, v20  }
0x228: {  	v36 =	vld [tilespmem:s26+$0x70];
	v20 =	vbroadcast v6, $0x2;
	v18 =	vmul.f32 v21, v18  }
0x229: {  	v17 =	vadd.f32 v22, v17;
	v22 =	vld [tilespmem:s28+$0x30];
	v16 =	vmul.f32 v51, v16;
	v13 =	vmul.f32 v23, v13  }
0x22a: {  	v7 =	vadd.f32 v19, v7;
	v19 =	vld [tilespmem:s29+$0x20];
	v10 =	vadd.f32 v18, v10;
	v18 =	vmul.f32 v49, v48  }
0x22b: {  	v21 =	vbroadcast v6, $0x3;
	v23 =	vbroadcast v9, $0x5;
	v13 =	vadd.f32 v13, v14;
	v14 =	vld [tilespmem:s26+$0x40]  }
0x22c: {  	v12 =	vadd.f32 v16, v12;
	v16 =	vmul.f32 v54, v50;
	v11 =	vadd.f32 v18, v11;
	v18 =	vld [tilespmem:s26+$0x50]  }
0x22d: {  	v37 =	vld [tilespmem:s28+$0x60];
	v54 =	vbroadcast v8, $0xC;
	v48 =	vbroadcast v8, $0xA  }
0x22e: {  	v41 =	vld [tilespmem:s29+$0x70];
	v15 =	vadd.f32 v15, v17;
	v49 =	vbroadcast v8, $0xB;
	v17 =	vmul.f32 v22, v52  }
0x22f: {  	v7 =	vadd.f32 v16, v7;
	v22 =	vbroadcast v6, $0x5;
	v16 =	vmul.f32 v19, v20;
	v19 =	vld [tilespmem:s29+$0x40]  }
0x230: {  	v10 =	vadd.f32 v17, v10;
	v17 =	vmul.f32 v56, v21;
	v21 =	vld [tilespmem:s29+$0x50];
	v14 =	vmul.f32 v14, v55  }
0x231: {  	v52 =	vbroadcast v9, $0xC;
	v13 =	vadd.f32 v16, v13;
	v16 =	vld [tilespmem:s26+$0x60];
	v18 =	vmul.f32 v18, v23  }
0x232: {  	s30 =	sadd.s32 s13, s2;
	v38 =	vld [tilespmem:s28+$0x70];
	v20 =	vbroadcast v9, $0x7;
	v12 =	vadd.f32 v14, v12;
	v14 =	vmul.f32 v60, v57  }
0x233: {  	v44 =	vld [tilespmem:s30+$0x0];
	v11 =	vadd.f32 v17, v11;
	v15 =	vadd.f32 v18, v15;
	v18 =	vmul.f32 v61, v58  }
0x234: {  	v45 =	vld [tilespmem:s30+$0x10];
	v20 =	vmul.f32 v36, v20;
	v7 =	vadd.f32 v14, v7;
	v14 =	vmul.f32 v19, v59  }
0x235: {  	s1 =	sor.u32 s1, s2;
	v23 =	vbroadcast v8, $0x7;
	v19 =	vld [tilespmem:s29+$0x60];
	v10 =	vadd.f32 v18, v10;
	v18 =	vmul.f32 v21, v22  }
0x236: {  	v56 =	vbroadcast v6, $0xC;
	v16 =	vmul.f32 v16, v62;
	v13 =	vadd.f32 v14, v13;
	v14 =	vld [tilespmem:s1+$0x0]  }
0x237: {  	s31 =	sadd.s32 s17, s2;
	v15 =	vadd.f32 v20, v15;
	v20 =	vmul.f32 v38, v23;
	v11 =	vadd.f32 v18, v11;
	v18 =	vld [tilespmem:s1+$0x10]  }
0x238: {  	v47 =	vld [tilespmem:s31+$0x10];
	v17 =	vbroadcast v6, $0x6;
	v12 =	vadd.f32 v16, v12;
	v16 =	vmul.f32 v37, v63  }
0x239: {  	v51 =	vld [tilespmem:s30+$0x30];
	v60 =	vbroadcast v9, $0xE;
	v10 =	vadd.f32 v20, v10;
	v20 =	vmul.f32 v41, v39  }
0x23a: {  	v59 =	vbroadcast v6, $0xD;
	v7 =	vadd.f32 v16, v7;
	v16 =	vmul.f32 v19, v17;
	v17 =	vld [tilespmem:s31+$0x0]  }
0x23b: {  	v21 =	vbroadcast v8, $0x8;
	v11 =	vadd.f32 v20, v11;
	v20 =	vld [tilespmem:s1+$0x30];
	v14 =	vmul.f32 v14, v40  }
0x23c: {  	v22 =	vbroadcast v8, $0x9;
	v13 =	vadd.f32 v16, v13;
	v16 =	vld [tilespmem:s1+$0x20];
	v18 =	vmul.f32 v18, v42  }
0x23d: {  	v50 =	vld [tilespmem:s30+$0x20];
	v23 =	vbroadcast v6, $0x9;
	v12 =	vadd.f32 v14, v12;
	v14 =	vmul.f32 v44, v21  }
0x23e: {  	v55 =	vld [tilespmem:s1+$0x50];
	v19 =	vbroadcast v9, $0xB;
	v15 =	vadd.f32 v18, v15;
	v18 =	vmul.f32 v45, v22  }
0x23f: {  	v9 =	vbroadcast v9, $0xF;
	v7 =	vadd.f32 v14, v7;
	v14 =	vmul.f32 v17, v43;
	v17 =	vld [tilespmem:s31+$0x20]  }
0x240: {  	v21 =	vbroadcast v6, $0xA;
	v10 =	vadd.f32 v18, v10;
	v18 =	vmul.f32 v47, v23;
	v23 =	vld [tilespmem:s31+$0x30]  }
0x241: {  	v19 =	vmul.f32 v20, v19;
	v16 =	vmul.f32 v16, v46;
	v13 =	vadd.f32 v14, v13;
	v14 =	vld [tilespmem:s1+$0x40]  }
0x242: {  	v57 =	vld [tilespmem:s30+$0x40];
	v22 =	vbroadcast v6, $0xB;
	v18 =	vadd.f32 v18, v11;
	v11 =	vmul.f32 v50, v48  }
0x243: {  	v20 =	vbroadcast v8, $0xD;
	v58 =	vadd.f32 v19, v15;
	v19 =	vld [tilespmem:s30+$0x50];
	v16 =	vadd.f32 v16, v12  }
0x244: {  	v12 =	vmul.f32 v51, v49;
	v61 =	vadd.f32 v11, v7;
	v7 =	vmul.f32 v17, v21;
	v17 =	vld [tilespmem:s31+$0x40]  }
0x245: {  	v21 =	vld [tilespmem:s31+$0x50];
	v11 =	vbroadcast v8, $0xE;
	v15 =	vmul.f32 v23, v22  }
0x246: {  	v10 =	vadd.f32 v12, v10;
	v12 =	vbroadcast v8, $0xF;
	v14 =	vmul.f32 v14, v52;
	v22 =	vld [tilespmem:s1+$0x60]  }
0x247: {  	v62 =	vadd.f32 v7, v13;
	v7 =	vmul.f32 v55, v53;
	v15 =	vadd.f32 v15, v18;
	v18 =	vld [tilespmem:s1+$0x70]  }
0x248: {  	v20 =	vmul.f32 v19, v20;
	v19 =	vld [tilespmem:s30+$0x60];
	v8 =	vadd.f32 v14, v16;
	v14 =	vmul.f32 v57, v54  }
0x249: {  	v13 =	vbroadcast v6, $0xE;
	v16 =	vadd.f32 v7, v58;
	v7 =	vld [tilespmem:s30+$0x70];
	v63 =	vmul.f32 v17, v56  }
0x24a: {  	s9 =	simm.s32 $0x8700;
	v17 =	vadd.f32 v14, v61;
	v14 =	vadd.f32 v20, v10;
	v20 =	vld [tilespmem:s31+$0x60];
	v23 =	vmul.f32 v21, v59  }
0x24b: {  	[tilespmem:s9+$0x0] =	vst v5;
	s13 =	simm.s32 $0x0;
	s14 =	simm.s32 $0x7510;
	v6 =	vbroadcast v6, $0xF;
	v21 =	vld [tilespmem:s31+$0x70];
	v22 =	vmul.f32 v22, v60;
	v5 =	vadd.f32 v63, v62  }
.LBB2_7:
0x24c: {  	s13 =	sadd.s32 $0x4, s13;
	v10 =	vld [tilespmem:s14+$0x0];
	v18 =	vmul.f32 v18, v9;
	v15 =	vadd.f32 v23, v15  }
0x24d: {  	v9 =	vld [tilespmem:s14+$0xFFFFFE70];
	s0 =	sshrl.u32 s13, $0x3;
	v22 =	vadd.f32 v22, v8;
	v11 =	vmul.f32 v19, v11  }
0x24e: {  	p1 =	slt.u32 s13, $0xC;
	s0 =	smul.u32 $0x5000, s0;
	v8 =	vld [tilespmem:s14+$0xFFFFFEF0];
	v16 =	vadd.f32 v18, v16;
	v12 =	vmul.f32 v7, v12  }
0x24f: {  	s8 =	sadd.s32 $0x200, s8;
	v7 =	vld [tilespmem:s14+$0xFFFFFF70];
	v17 =	vadd.f32 v11, v17;
	v13 =	vmul.f32 v20, v13  }
0x250: {  	s1 =	sand.u32 $0x200, s8;
	s6 =	sshra.s32 s0, $0x2;
	v18 =	vld [tilespmem:s14+$0xFFFFFFF0];
	v16 =	vadd.f32 v16, v22;
	v19 =	vadd.f32 v12, v14;
	v14 =	vmul.f32 v21, v6  }
0x251: {  	s12 =	sor.u32 $0x80, s1;
	s2 =	sor.u32 $0x180, s1;
	v6 =	vld [tilespmem:s14+$0xFFFFFE80];
	s0 =	sadd.s32 $0x4D80, s6;
	v11 =	vbroadcast v10, $0xE;
	v20 =	vadd.f32 v13, v5  }
0x252: {  	s18 =	sor.u32 $0x100, s1;
	s4 =	sadd.s32 $0x3D80, s6;
	v13 =	vbroadcast v10, $0xA;
	v12 =	vbroadcast v10, $0xC;
	v5 =	vld [tilespmem:s14+$0xFFFFFF00];
	s7 =	sadd.s32 s2, s0;
	[tilespmem:s9+$0xFFFFFE80] =	vst v16;
	v16 =	vadd.f32 v14, v15  }
0x253: {  	s22 =	sor.u32 s1, s4;
	s31 =	sadd.s32 s12, s4;
	s15 =	sadd.s32 s2, s4;
	v15 =	vbroadcast v10, $0x6;
	v14 =	vbroadcast v10, $0x8;
	v17 =	vadd.f32 v19, v17;
	v21 =	vld [tilespmem:s7+$0x0]  }
0x254: {  	v22 =	vbroadcast v10, $0x2;
	v23 =	vbroadcast v10, $0x4;
	s23 =	sadd.s32 s12, s0;
	s19 =	sadd.s32 s18, s4;
	s7 =	sor.u32 s1, s0;
	v19 =	vld [tilespmem:s15+$0x0];
	v16 =	vadd.f32 v16, v20  }
0x255: {  	v25 =	vbroadcast v10, $0x0;
	s4 =	sadd.s32 s18, s0;
	v20 =	vld [tilespmem:s15+$0x10];
	v24 =	vbroadcast v18, $0xE;
	[tilespmem:s9+$0xFFFFFF00] =	vst v17  }
0x256: {  	v26 =	vbroadcast v18, $0xA;
	v27 =	vbroadcast v18, $0xC;
	v17 =	vld [tilespmem:s15+$0x20];
	[tilespmem:s9+$0xFFFFFF80] =	vst v16  }
0x257: {  	v28 =	vbroadcast v18, $0x6;
	v29 =	vbroadcast v18, $0x8;
	v16 =	vld [tilespmem:s15+$0x30]  }
0x258: {  	v30 =	vbroadcast v18, $0x1;
	v32 =	vbroadcast v18, $0x4;
	v31 =	vld [tilespmem:s15+$0x40]  }
0x259: {  	v33 =	vbroadcast v18, $0x0;
	v34 =	vbroadcast v18, $0x2;
	v35 =	vld [tilespmem:s15+$0x50]  }
0x25a: {  	s20 =	sadd.s32 $0x4180, s6;
	v20 =	vmul.f32 v20, v30;
	v30 =	vbroadcast v18, $0x3;
	v36 =	vld [tilespmem:s15+$0x60]  }
0x25b: {  	s17 =	sor.u32 s1, s20;
	s0 =	sadd.s32 s12, s20;
	v19 =	vmul.f32 v19, v33;
	v33 =	vbroadcast v18, $0x5;
	v37 =	vld [tilespmem:s15+$0x70];
	s15 =	sadd.s32 s2, s20  }
0x25c: {  	s30 =	sadd.s32 s18, s20;
	v17 =	vmul.f32 v17, v34;
	v20 =	vadd.f32 v20, v21;
	v16 =	vmul.f32 v16, v30;
	v21 =	vld [tilespmem:s15+$0x0]  }
0x25d: {  	v30 =	vmul.f32 v31, v32;
	v31 =	vbroadcast v18, $0x7;
	v32 =	vld [tilespmem:s15+$0x10]  }
0x25e: {  	v17 =	vadd.f32 v17, v19;
	v16 =	vadd.f32 v16, v20;
	v19 =	vmul.f32 v35, v33;
	v20 =	vld [tilespmem:s15+$0x20]  }
0x25f: {  	v33 =	vbroadcast v18, $0x9;
	v28 =	vmul.f32 v36, v28;
	v34 =	vld [tilespmem:s15+$0x30]  }
0x260: {  	v17 =	vadd.f32 v30, v17;
	v16 =	vadd.f32 v19, v16;
	v19 =	vmul.f32 v37, v31;
	v30 =	vld [tilespmem:s15+$0x40]  }
0x261: {  	v21 =	vmul.f32 v21, v29;
	v29 =	vbroadcast v18, $0xB;
	v31 =	vld [tilespmem:s15+$0x50]  }
0x262: {  	s20 =	sadd.s32 $0x4580, s6;
	v17 =	vadd.f32 v28, v17;
	v16 =	vadd.f32 v19, v16;
	v19 =	vmul.f32 v32, v33;
	v28 =	vld [tilespmem:s15+$0x60]  }
0x263: {  	s29 =	sor.u32 s1, s20;
	s28 =	sadd.s32 s12, s20;
	s21 =	sadd.s32 s2, s20;
	v20 =	vmul.f32 v20, v26;
	v26 =	vbroadcast v18, $0xD;
	v32 =	vld [tilespmem:s15+$0x70]  }
0x264: {  	s26 =	sadd.s32 s18, s20;
	v17 =	vadd.f32 v21, v17;
	v16 =	vadd.f32 v19, v16;
	v19 =	vmul.f32 v34, v29;
	v21 =	vld [tilespmem:s21+$0x0]  }
0x265: {  	v18 =	vbroadcast v18, $0xF;
	v27 =	vmul.f32 v30, v27;
	v29 =	vld [tilespmem:s21+$0x10]  }
0x266: {  	v17 =	vadd.f32 v20, v17;
	v16 =	vadd.f32 v19, v16;
	v19 =	vmul.f32 v31, v26;
	v20 =	vld [tilespmem:s21+$0x20]  }
0x267: {  	v26 =	vbroadcast v10, $0x1;
	v24 =	vmul.f32 v28, v24;
	v28 =	vld [tilespmem:s21+$0x30]  }
0x268: {  	v17 =	vadd.f32 v27, v17;
	v16 =	vadd.f32 v19, v16;
	v18 =	vmul.f32 v32, v18;
	v19 =	vld [tilespmem:s21+$0x40]  }
0x269: {  	v21 =	vmul.f32 v21, v25;
	v25 =	vbroadcast v10, $0x3;
	v27 =	vld [tilespmem:s21+$0x50]  }
0x26a: {  	s6 =	sadd.s32 $0x4980, s6;
	v17 =	vadd.f32 v24, v17;
	v16 =	vadd.f32 v18, v16;
	v18 =	vmul.f32 v29, v26;
	v24 =	vld [tilespmem:s21+$0x60]  }
0x26b: {  	s15 =	sor.u32 s1, s6;
	s1 =	sadd.s32 s12, s6;
	s12 =	sadd.s32 s2, s6;
	v20 =	vmul.f32 v20, v22;
	v22 =	vbroadcast v10, $0x5;
	v26 =	vld [tilespmem:s21+$0x70]  }
0x26c: {  	s2 =	sadd.s32 s18, s6;
	v16 =	vadd.f32 v21, v16;
	v17 =	vadd.f32 v18, v17;
	v18 =	vmul.f32 v28, v25;
	v21 =	vld [tilespmem:s12+$0x0]  }
0x26d: {  	v19 =	vmul.f32 v19, v23;
	v23 =	vbroadcast v10, $0x7;
	v25 =	vld [tilespmem:s12+$0x10]  }
0x26e: {  	v16 =	vadd.f32 v20, v16;
	v17 =	vadd.f32 v18, v17;
	v18 =	vmul.f32 v27, v22;
	v20 =	vld [tilespmem:s12+$0x20]  }
0x26f: {  	v22 =	vbroadcast v10, $0x9;
	v15 =	vmul.f32 v24, v15;
	v24 =	vld [tilespmem:s12+$0x30]  }
0x270: {  	v16 =	vadd.f32 v19, v16;
	v17 =	vadd.f32 v18, v17;
	v18 =	vmul.f32 v26, v23;
	v19 =	vld [tilespmem:s12+$0x40]  }
0x271: {  	v14 =	vmul.f32 v21, v14;
	v21 =	vbroadcast v10, $0xB;
	v23 =	vld [tilespmem:s12+$0x50]  }
0x272: {  	v15 =	vadd.f32 v15, v16;
	v16 =	vadd.f32 v18, v17;
	v17 =	vmul.f32 v25, v22;
	v18 =	vld [tilespmem:s12+$0x60]  }
0x273: {  	v13 =	vmul.f32 v20, v13;
	v20 =	vbroadcast v10, $0xD;
	v22 =	vld [tilespmem:s12+$0x70]  }
0x274: {  	v25 =	vld [tilespmem:s22+$0x10];
	v14 =	vadd.f32 v14, v15;
	v15 =	vadd.f32 v17, v16;
	v16 =	vmul.f32 v24, v21  }
0x275: {  	v10 =	vbroadcast v10, $0xF;
	v17 =	vld [tilespmem:s31+$0x10];
	v12 =	vmul.f32 v19, v12  }
0x276: {  	v19 =	vld [tilespmem:s19+$0x10];
	v13 =	vadd.f32 v13, v14;
	v14 =	vadd.f32 v16, v15;
	v15 =	vmul.f32 v23, v20  }
0x277: {  	v20 =	vbroadcast v9, $0x1;
	v16 =	vld [tilespmem:s7+$0x0];
	v11 =	vmul.f32 v18, v11  }
0x278: {  	v18 =	vld [tilespmem:s22+$0x0];
	v12 =	vadd.f32 v12, v13;
	v13 =	vadd.f32 v15, v14;
	v10 =	vmul.f32 v22, v10  }
0x279: {  	v21 =	vbroadcast v7, $0x1;
	v15 =	vbroadcast v8, $0x1;
	v14 =	vld [tilespmem:s22+$0x20]  }
0x27a: {  	v20 =	vmul.f32 v25, v20;
	v22 =	vld [tilespmem:s22+$0x30];
	v11 =	vadd.f32 v11, v12;
	v10 =	vadd.f32 v10, v13  }
0x27b: {  	v13 =	vmul.f32 v17, v15;
	v12 =	vld [tilespmem:s23+$0x0];
	v15 =	vmul.f32 v19, v21  }
0x27c: {  	v17 =	vbroadcast v9, $0x0;
	v19 =	vbroadcast v9, $0x2;
	v21 =	vld [tilespmem:s31+$0x0];
	v10 =	vadd.f32 v10, v11  }
0x27d: {  	s9 =	sadd.s32 $0x200, s9;
	v11 =	vadd.f32 v20, v16;
	v16 =	vbroadcast v9, $0x3;
	v20 =	vbroadcast v8, $0x0;
	v23 =	vld [tilespmem:s31+$0x20]  }
0x27e: {  	v26 =	vbroadcast v8, $0x3;
	v24 =	vbroadcast v8, $0x2;
	v25 =	vld [tilespmem:s31+$0x30];
	[tilespmem:s9+$0x0] =	vst v10  }
0x27f: {  	v28 =	vbroadcast v7, $0x2;
	v27 =	vbroadcast v7, $0x0;
	v10 =	vld [tilespmem:s4+$0x0]  }
0x280: {  	v17 =	vmul.f32 v18, v17;
	v18 =	vbroadcast v7, $0x3;
	v12 =	vadd.f32 v13, v12;
	v13 =	vld [tilespmem:s19+$0x0]  }
0x281: {  	v14 =	vmul.f32 v14, v19;
	v16 =	vmul.f32 v22, v16;
	v19 =	vld [tilespmem:s19+$0x20]  }
0x282: {  	v20 =	vmul.f32 v21, v20;
	v21 =	vmul.f32 v23, v24;
	v22 =	vld [tilespmem:s19+$0x30]  }
0x283: {  	v11 =	vadd.f32 v16, v11;
	v23 =	vbroadcast v9, $0x4;
	v16 =	vld [tilespmem:s22+$0x40];
	v24 =	vmul.f32 v25, v26  }
0x284: {  	v29 =	vbroadcast v8, $0x4;
	v26 =	vbroadcast v9, $0x5;
	v25 =	vld [tilespmem:s22+$0x50];
	v10 =	vadd.f32 v15, v10  }
0x285: {  	v12 =	vadd.f32 v24, v12;
	v15 =	vld [tilespmem:s31+$0x40];
	v24 =	vbroadcast v8, $0x5;
	v13 =	vmul.f32 v13, v27  }
0x286: {  	v14 =	vadd.f32 v14, v17;
	v27 =	vbroadcast v7, $0x4;
	v17 =	vld [tilespmem:s31+$0x50];
	v19 =	vmul.f32 v19, v28  }
0x287: {  	v20 =	vadd.f32 v21, v20;
	v18 =	vmul.f32 v22, v18;
	v21 =	vld [tilespmem:s19+$0x40];
	v22 =	vbroadcast v7, $0x5  }
0x288: {  	v16 =	vmul.f32 v16, v23;
	v23 =	vbroadcast v9, $0x6;
	v13 =	vadd.f32 v19, v13;
	v19 =	vld [tilespmem:s19+$0x50]  }
0x289: {  	v28 =	vbroadcast v9, $0x7;
	v25 =	vmul.f32 v25, v26;
	v26 =	vld [tilespmem:s22+$0x60];
	v10 =	vadd.f32 v18, v10  }
0x28a: {  	v18 =	vbroadcast v8, $0x6;
	v14 =	vadd.f32 v16, v14;
	v16 =	vld [tilespmem:s22+$0x70];
	v15 =	vmul.f32 v15, v29  }
0x28b: {  	v11 =	vadd.f32 v25, v11;
	v17 =	vmul.f32 v17, v24;
	v24 =	vld [tilespmem:s31+$0x60];
	v25 =	vbroadcast v8, $0x7  }
0x28c: {  	v15 =	vadd.f32 v15, v20;
	v20 =	vld [tilespmem:s31+$0x70];
	v21 =	vmul.f32 v21, v27;
	v27 =	vbroadcast v7, $0x6  }
0x28d: {  	v12 =	vadd.f32 v17, v12;
	v17 =	vmul.f32 v19, v22;
	v19 =	vld [tilespmem:s19+$0x60];
	v22 =	vbroadcast v7, $0x7  }
0x28e: {  	v23 =	vmul.f32 v26, v23;
	v26 =	vbroadcast v9, $0x8;
	v13 =	vadd.f32 v21, v13;
	v21 =	vld [tilespmem:s19+$0x70]  }
0x28f: {  	v29 =	vbroadcast v9, $0x9;
	v16 =	vmul.f32 v16, v28;
	v28 =	vld [tilespmem:s17+$0x0];
	v10 =	vadd.f32 v17, v10  }
0x290: {  	v14 =	vadd.f32 v23, v14;
	v17 =	vld [tilespmem:s17+$0x10];
	v18 =	vmul.f32 v24, v18;
	v23 =	vbroadcast v8, $0x8  }
0x291: {  	v24 =	vbroadcast v8, $0x9;
	v11 =	vadd.f32 v16, v11;
	v16 =	vmul.f32 v20, v25;
	v20 =	vld [tilespmem:s0+$0x0]  }
0x292: {  	v25 =	vbroadcast v7, $0x8;
	v15 =	vadd.f32 v18, v15;
	v18 =	vld [tilespmem:s0+$0x10];
	v19 =	vmul.f32 v19, v27  }
0x293: {  	v12 =	vadd.f32 v16, v12;
	v16 =	vmul.f32 v21, v22;
	v21 =	vld [tilespmem:s30+$0x0];
	v22 =	vbroadcast v7, $0x9  }
0x294: {  	v27 =	vbroadcast v9, $0xA;
	v26 =	vmul.f32 v28, v26;
	v13 =	vadd.f32 v19, v13;
	v19 =	vld [tilespmem:s30+$0x10]  }
0x295: {  	v17 =	vmul.f32 v17, v29;
	v28 =	vld [tilespmem:s17+$0x20];
	v29 =	vbroadcast v9, $0xB;
	v10 =	vadd.f32 v16, v10  }
0x296: {  	v14 =	vadd.f32 v26, v14;
	v16 =	vld [tilespmem:s17+$0x30];
	v20 =	vmul.f32 v20, v23;
	v23 =	vbroadcast v8, $0xA  }
0x297: {  	v11 =	vadd.f32 v17, v11;
	v17 =	vmul.f32 v18, v24;
	v18 =	vld [tilespmem:s0+$0x20];
	v24 =	vbroadcast v8, $0xB  }
0x298: {  	v15 =	vadd.f32 v20, v15;
	v20 =	vld [tilespmem:s0+$0x30];
	v21 =	vmul.f32 v21, v25;
	v25 =	vbroadcast v7, $0xA  }
0x299: {  	v12 =	vadd.f32 v17, v12;
	v17 =	vmul.f32 v19, v22;
	v19 =	vld [tilespmem:s30+$0x20];
	v22 =	vbroadcast v7, $0xB  }
0x29a: {  	v26 =	vmul.f32 v28, v27;
	v27 =	vbroadcast v9, $0xC;
	v13 =	vadd.f32 v21, v13;
	v21 =	vld [tilespmem:s30+$0x30]  }
0x29b: {  	v16 =	vmul.f32 v16, v29;
	v28 =	vld [tilespmem:s17+$0x40];
	v29 =	vbroadcast v9, $0xD;
	v10 =	vadd.f32 v17, v10  }
0x29c: {  	v14 =	vadd.f32 v26, v14;
	v17 =	vld [tilespmem:s17+$0x50];
	v18 =	vmul.f32 v18, v23;
	v23 =	vbroadcast v8, $0xC  }
0x29d: {  	v11 =	vadd.f32 v16, v11;
	v16 =	vmul.f32 v20, v24;
	v20 =	vld [tilespmem:s0+$0x40];
	v24 =	vbroadcast v8, $0xD  }
0x29e: {  	v15 =	vadd.f32 v18, v15;
	v18 =	vld [tilespmem:s0+$0x50];
	v19 =	vmul.f32 v19, v25;
	v25 =	vbroadcast v7, $0xC  }
0x29f: {  	v12 =	vadd.f32 v16, v12;
	v16 =	vmul.f32 v21, v22;
	v21 =	vld [tilespmem:s30+$0x40];
	v22 =	vbroadcast v7, $0xD  }
0x2a0: {  	v26 =	vmul.f32 v28, v27;
	v27 =	vbroadcast v9, $0xE;
	v13 =	vadd.f32 v19, v13;
	v19 =	vld [tilespmem:s30+$0x50]  }
0x2a1: {  	v9 =	vbroadcast v9, $0xF;
	v17 =	vmul.f32 v17, v29;
	v28 =	vld [tilespmem:s17+$0x60];
	v10 =	vadd.f32 v16, v10  }
0x2a2: {  	v14 =	vadd.f32 v26, v14;
	v16 =	vld [tilespmem:s17+$0x70];
	v20 =	vmul.f32 v20, v23;
	v23 =	vbroadcast v8, $0xE  }
0x2a3: {  	v8 =	vbroadcast v8, $0xF;
	v11 =	vadd.f32 v17, v11;
	v17 =	vmul.f32 v18, v24;
	v18 =	vld [tilespmem:s0+$0x60]  }
0x2a4: {  	v24 =	vbroadcast v7, $0xE;
	v15 =	vadd.f32 v20, v15;
	v20 =	vld [tilespmem:s0+$0x70];
	v21 =	vmul.f32 v21, v25  }
0x2a5: {  	v12 =	vadd.f32 v17, v12;
	v17 =	vmul.f32 v19, v22;
	v19 =	vld [tilespmem:s30+$0x60];
	v22 =	vbroadcast v7, $0xF  }
0x2a6: {  	v26 =	vbroadcast v6, $0x0;
	v25 =	vmul.f32 v28, v27;
	v13 =	vadd.f32 v21, v13;
	v21 =	vld [tilespmem:s30+$0x70]  }
0x2a7: {  	v9 =	vmul.f32 v16, v9;
	v16 =	vbroadcast v6, $0x1;
	v7 =	vld [tilespmem:s14+$0xFFFFFF80];
	v10 =	vadd.f32 v17, v10  }
0x2a8: {  	v14 =	vadd.f32 v25, v14;
	v17 =	vld [tilespmem:s29+$0x0];
	v18 =	vmul.f32 v18, v23;
	v23 =	vbroadcast v5, $0x0  }
0x2a9: {  	v9 =	vadd.f32 v9, v11;
	v11 =	vld [tilespmem:s29+$0x10];
	v8 =	vmul.f32 v20, v8;
	v20 =	vbroadcast v5, $0x1  }
0x2aa: {  	v25 =	vbroadcast v6, $0x2;
	v15 =	vadd.f32 v18, v15;
	v18 =	vld [tilespmem:s28+$0x0];
	v19 =	vmul.f32 v19, v24  }
0x2ab: {  	v24 =	vbroadcast v6, $0x3;
	v8 =	vadd.f32 v8, v12;
	v12 =	vld [tilespmem:s28+$0x10];
	v21 =	vmul.f32 v21, v22  }
0x2ac: {  	v13 =	vadd.f32 v19, v13;
	v19 =	vld [tilespmem:s26+$0x0];
	v22 =	vbroadcast v7, $0x0;
	v27 =	vbroadcast v7, $0x1  }
0x2ad: {  	v17 =	vmul.f32 v17, v26;
	v26 =	vbroadcast v5, $0x2;
	v10 =	vadd.f32 v21, v10;
	v21 =	vld [tilespmem:s26+$0x10]  }
0x2ae: {  	v28 =	vbroadcast v5, $0x3;
	v11 =	vmul.f32 v11, v16;
	v16 =	vld [tilespmem:s29+$0x20]  }
0x2af: {  	v9 =	vadd.f32 v17, v9;
	v17 =	vld [tilespmem:s29+$0x30];
	v18 =	vmul.f32 v18, v23;
	v23 =	vbroadcast v7, $0x2  }
0x2b0: {  	v11 =	vadd.f32 v11, v14;
	v12 =	vmul.f32 v12, v20;
	v14 =	vld [tilespmem:s28+$0x20];
	v20 =	vbroadcast v7, $0x3  }
0x2b1: {  	v29 =	vbroadcast v6, $0x4;
	v8 =	vadd.f32 v18, v8;
	v18 =	vld [tilespmem:s28+$0x30];
	v19 =	vmul.f32 v19, v22  }
0x2b2: {  	v22 =	vbroadcast v6, $0x5;
	v12 =	vadd.f32 v12, v15;
	v15 =	vmul.f32 v21, v27;
	v21 =	vld [tilespmem:s26+$0x20]  }
0x2b3: {  	v16 =	vmul.f32 v16, v25;
	v25 =	vbroadcast v5, $0x4;
	v10 =	vadd.f32 v19, v10;
	v19 =	vld [tilespmem:s26+$0x30]  }
0x2b4: {  	v27 =	vbroadcast v5, $0x5;
	v17 =	vmul.f32 v17, v24;
	v24 =	vld [tilespmem:s29+$0x40];
	v13 =	vadd.f32 v15, v13  }
0x2b5: {  	v9 =	vadd.f32 v16, v9;
	v15 =	vld [tilespmem:s29+$0x50];
	v14 =	vmul.f32 v14, v26;
	v16 =	vbroadcast v7, $0x4  }
0x2b6: {  	v26 =	vbroadcast v7, $0x5;
	v11 =	vadd.f32 v17, v11;
	v17 =	vmul.f32 v18, v28;
	v18 =	vld [tilespmem:s28+$0x40]  }
0x2b7: {  	v28 =	vbroadcast v6, $0x6;
	v8 =	vadd.f32 v14, v8;
	v14 =	vld [tilespmem:s28+$0x50];
	v21 =	vmul.f32 v21, v23  }
0x2b8: {  	v23 =	vbroadcast v6, $0x7;
	v12 =	vadd.f32 v17, v12;
	v17 =	vmul.f32 v19, v20;
	v19 =	vld [tilespmem:s26+$0x40]  }
0x2b9: {  	v20 =	vmul.f32 v24, v29;
	v24 =	vbroadcast v5, $0x6;
	v10 =	vadd.f32 v21, v10;
	v21 =	vld [tilespmem:s26+$0x50]  }
0x2ba: {  	v29 =	vbroadcast v5, $0x7;
	v15 =	vmul.f32 v15, v22;
	v22 =	vld [tilespmem:s29+$0x60];
	v13 =	vadd.f32 v17, v13  }
0x2bb: {  	v9 =	vadd.f32 v20, v9;
	v17 =	vld [tilespmem:s29+$0x70];
	v18 =	vmul.f32 v18, v25;
	v20 =	vbroadcast v7, $0x6  }
0x2bc: {  	v25 =	vbroadcast v7, $0x7;
	v11 =	vadd.f32 v15, v11;
	v14 =	vmul.f32 v14, v27;
	v15 =	vld [tilespmem:s28+$0x60]  }
0x2bd: {  	v27 =	vbroadcast v6, $0x8;
	v8 =	vadd.f32 v18, v8;
	v18 =	vld [tilespmem:s28+$0x70];
	v16 =	vmul.f32 v19, v16  }
0x2be: {  	v19 =	vbroadcast v6, $0x9;
	v12 =	vadd.f32 v14, v12;
	v14 =	vmul.f32 v21, v26;
	v21 =	vld [tilespmem:s26+$0x60]  }
0x2bf: {  	v26 =	vbroadcast v5, $0x8;
	v22 =	vmul.f32 v22, v28;
	v10 =	vadd.f32 v16, v10;
	v16 =	vld [tilespmem:s26+$0x70]  }
0x2c0: {  	v28 =	vbroadcast v5, $0x9;
	v17 =	vmul.f32 v17, v23;
	v23 =	vld [tilespmem:s15+$0x0];
	v13 =	vadd.f32 v14, v13  }
0x2c1: {  	v9 =	vadd.f32 v22, v9;
	v14 =	vld [tilespmem:s15+$0x10];
	v15 =	vmul.f32 v15, v24;
	v22 =	vbroadcast v7, $0x8  }
0x2c2: {  	v24 =	vbroadcast v7, $0x9;
	v11 =	vadd.f32 v17, v11;
	v17 =	vmul.f32 v18, v29;
	v18 =	vld [tilespmem:s1+$0x0]  }
0x2c3: {  	v29 =	vbroadcast v6, $0xA;
	v8 =	vadd.f32 v15, v8;
	v15 =	vld [tilespmem:s1+$0x10];
	v20 =	vmul.f32 v21, v20  }
0x2c4: {  	v21 =	vbroadcast v6, $0xB;
	v12 =	vadd.f32 v17, v12;
	v16 =	vmul.f32 v16, v25;
	v17 =	vld [tilespmem:s2+$0x0]  }
0x2c5: {  	v25 =	vbroadcast v5, $0xA;
	v23 =	vmul.f32 v23, v27;
	v10 =	vadd.f32 v20, v10;
	v20 =	vld [tilespmem:s2+$0x10]  }
0x2c6: {  	v27 =	vbroadcast v5, $0xB;
	v14 =	vmul.f32 v14, v19;
	v19 =	vld [tilespmem:s15+$0x20];
	v13 =	vadd.f32 v16, v13  }
0x2c7: {  	v9 =	vadd.f32 v23, v9;
	v16 =	vld [tilespmem:s15+$0x30];
	v18 =	vmul.f32 v18, v26;
	v23 =	vbroadcast v7, $0xA  }
0x2c8: {  	v26 =	vbroadcast v7, $0xB;
	v11 =	vadd.f32 v14, v11;
	v14 =	vmul.f32 v15, v28;
	v15 =	vld [tilespmem:s1+$0x20]  }
0x2c9: {  	v28 =	vbroadcast v6, $0xC;
	v8 =	vadd.f32 v18, v8;
	v18 =	vld [tilespmem:s1+$0x30];
	v17 =	vmul.f32 v17, v22  }
0x2ca: {  	v22 =	vbroadcast v6, $0xD;
	v12 =	vadd.f32 v14, v12;
	v14 =	vmul.f32 v20, v24;
	v20 =	vld [tilespmem:s2+$0x20]  }
0x2cb: {  	v24 =	vbroadcast v5, $0xC;
	v19 =	vmul.f32 v19, v29;
	v10 =	vadd.f32 v17, v10;
	v17 =	vld [tilespmem:s2+$0x30]  }
0x2cc: {  	v29 =	vbroadcast v5, $0xD;
	v16 =	vmul.f32 v16, v21;
	v21 =	vld [tilespmem:s15+$0x40];
	v13 =	vadd.f32 v14, v13  }
0x2cd: {  	v14 =	vadd.f32 v19, v9;
	v19 =	vld [tilespmem:s15+$0x50];
	v9 =	vmul.f32 v15, v25;
	v25 =	vbroadcast v7, $0xC  }
0x2ce: {  	v30 =	vbroadcast v7, $0xD;
	v16 =	vadd.f32 v16, v11;
	v11 =	vmul.f32 v18, v27;
	v27 =	vld [tilespmem:s1+$0x40]  }
0x2cf: {  	v31 =	vbroadcast v6, $0xE;
	v32 =	vadd.f32 v9, v8;
	v33 =	vld [tilespmem:s1+$0x50];
	v8 =	vmul.f32 v20, v23  }
0x2d0: {  	v9 =	vbroadcast v6, $0xF;
	v20 =	vadd.f32 v11, v12;
	v6 =	vmul.f32 v17, v26;
	v23 =	vld [tilespmem:s2+$0x40]  }
0x2d1: {  	v11 =	vbroadcast v5, $0xE;
	v17 =	vmul.f32 v21, v28;
	v10 =	vadd.f32 v8, v10;
	v21 =	vld [tilespmem:s2+$0x50]  }
0x2d2: {  	v12 =	vbroadcast v5, $0xF;
	v19 =	vmul.f32 v19, v22;
	v22 =	vld [tilespmem:s15+$0x60];
	v15 =	vadd.f32 v6, v13  }
.Ltmp2:
0x2d3: {  	v13 =	vbroadcast v7, $0xE;
	v8 =	vadd.f32 v17, v14;
	v18 =	vld [tilespmem:s15+$0x70];
	v5 =	vmul.f32 v27, v24;
	(pc) =	sbr.rel @p1 .LBB2_7-.Ltmp2, $4  }
0x2d4: {  	v6 =	vbroadcast v7, $0xF;
	v16 =	vadd.f32 v19, v16;
	v14 =	vmul.f32 v33, v29;
	v19 =	vld [tilespmem:s1+$0x60]  }
0x2d5: {  	v17 =	vadd.f32 v5, v32;
	v7 =	vld [tilespmem:s1+$0x70];
	v5 =	vmul.f32 v23, v25  }
0x2d6: {  	v14 =	vadd.f32 v14, v20;
	v23 =	vmul.f32 v21, v30;
	v20 =	vld [tilespmem:s2+$0x60]  }
0x2d7: {  	s14 =	sadd.s32 $0x200, s14;
	v22 =	vmul.f32 v22, v31;
	v5 =	vadd.f32 v5, v10;
	v21 =	vld [tilespmem:s2+$0x70]  }
0x2d8: {  	_ = 	snop  }
0x2d9: {  	v9 =	vmul.f32 v18, v9  }
0x2da: {  	v10 =	vadd.f32 v23, v15;
	v11 =	vmul.f32 v19, v11  }
0x2db: {  	v8 =	vadd.f32 v22, v8;
	v9 =	vadd.f32 v9, v16;
	v7 =	vmul.f32 v7, v12  }
0x2dc: {  	v11 =	vadd.f32 v11, v17;
	v63 =	vmul.f32 v20, v13;
	v6 =	vmul.f32 v21, v6  }
0x2dd: {  	v8 =	vadd.f32 v9, v8;
	v7 =	vadd.f32 v7, v14  }
0x2de: {  	v5 =	vadd.f32 v63, v5;
	v6 =	vadd.f32 v6, v10  }
0x2df: {  	v7 =	vadd.f32 v7, v11  }
0x2e0: {  	s25 =	sadd.s32 $0x1, s25;
	[tilespmem:s9+$0xFFFFFE80] =	vst v8;
	v5 =	vadd.f32 v6, v5  }
0x2e1: {  	s0 =	rddreg [dreg:$0x1];
	s4 =	simm.s32 $0x100;
	p1 =	sne.s32 s25, $0x7D;
	[tilespmem:s9+$0xFFFFFF00] =	vst v7  }
.Ltmp3:
0x2e2: {  	s1 =	simm.s32 $0x28;
	s2 =	simm.s32 $0x7980;
	[tilespmem:s9+$0xFFFFFF80] =	vst v5;
	(pc) =	sbr.rel @p1 .LBB2_4-.Ltmp3, $4  }
0x2e3: {  	[spmem:s0] =	stream.indirect.scatter.add.f32 [tilespmem:s2], [sflag:$0x3], $0x80, s4, s1, $0xb8;
	[tilespmem:$0x1C600] =	vst v63  }
0x2e4: {  	_ =	swait.ge [sflag:s16], $0x1400  }
0x2e5: {  	[sflag:s16] =	ssyncset.done $0x0  }
0x2e6: {  	[sflag:s16] =	ssyncadd.s32 $0xFFFFEC00  }
0x2e7: {  	[bflag:$0x0] =	sbarrier.arrive $0xFFFF  }
0x2e8: {  	s1 =	rddreg [dreg:$0xa]  }
0x2e9: {  	s0 =	simm.s32 @!p0 $0x1C03;
	s2 =	rddreg [dreg:$0xc]  }
0x2ea: {  	[hbm:s1], [sflag:s0] =	dma.local @!p0 [spmem:s2], $0x27100  }
0x2eb: {  	s0 =	simm.s32 @!p0 $0x3  }
0x2ec: {  	_ =	swait.ge @!p0 [sflag:s0], $0x27100  }
0x2ed: {  	s9 =	rddreg [dreg:$0x3]  }
0x2ee: {  	s31 =	rddreg [dreg:$0xb];
	s9 =	sadd.s32 $0x1, s9  }
0x2ef: {  	p1 =	sne.s32 s9, s31  }
.Ltmp4:
0x2f0: {  	_ = 	snop;
	(pc) =	sbr.rel @p1 .LBB2_1-.Ltmp4, $3  }
0x2f1: {  	_ =	sdelay $0x1  }
0x2f2: {  	[sflag:s0] =	ssyncset.done @!p0 $0x0  }
0x2f3: {  	[sflag:s0] =	ssyncadd.s32 @!p0 $0xFFFD8F00  }
0x2f4: {  	_ =	sfence.sel $0x180000  }
0x2f5: {  	[bflag:$0x0] =	sbarrier.arrive $0xFFFF  }
0x2f6: {  	_ =	strace $0x9000004A  }
0x2f7: {  	[bflag:$0x2] =	sbarrier.arrive $0xFFFF  }
0x2f8: {  	s0 =	rddreg [dreg:$0x2]  }
0x2f9: {  	s0 =	sadd.s32 @!p0 $0x100000, s0  }
0x2fa: {  	[sflag:s0] =	ssyncadd.tile.s32 @!p0 $0x1;
	_ =	shalt  }
.Lfunc_end2:
_tile_overlayer_lowered:
.L_overlay_start_2:
0x2fb: {  	(tag) =	ssettag $0x2  }
0x2fc: {  	s0 =	rddreg [dreg:$0x0];
	s2 =	stileid.u32  }
0x2fd: {  	s1 =	rddreg [dreg:$0x1];
	p0 =	sne.s32 s2, $0x0  }
0x2fe: {  	s3 =	rddreg [dreg:$0x2];
	[bflag:$0x3] =	sbarrier.arrive $0xFFFF;
	s2 =	simm.s32 @!p0 $0x1C03  }
0x2ff: {  	[timem:s3], [sflag:s2] =	dma.local @!p0 [hbm:s0], s1  }
0x300: {  	s0 =	simm.s32 @!p0 $0x3  }
0x301: {  	_ =	swait.ge @!p0 [sflag:s0], s1  }
0x302: {  	s1 =	ssub.s32 @!p0 $0x0, s1;
	[sflag:s0] =	ssyncset.done @!p0 $0x0  }
0x303: {  	[sflag:s0] =	ssyncadd.s32 @!p0 s1  }
0x304: {  	[bflag:$0x3] =	sbarrier.arrive $0xFFFF  }
0x305: {  	_ =	shalt  }

</sc_bundles>
